<compile_context>
chip_gen: v7x
topology: tpu7x:2x2x1
jax: 0.10.2.dev20260603
libtpu: 0.0.44.dev20260713+nightly
codegen_flags: <defaults>
</compile_context>

<pallas_src>
import functools

import jax
import jax.numpy as jnp
import numpy as np
from jax import lax
from jax.experimental import pallas as pl
from jax.experimental.pallas import tpu as pltpu
from jax.experimental.pallas import tpu_sc as plsc

N_NODES = 10000
N_EDGES = 320000
D_FEAT = 128
N_HEADS = 8
D_HEAD = 16

NC = 2
NS = 16
NW = NC * NS
BLK = 64
NG = BLK // 16
NBT = N_EDGES // BLK
RPT = 624
TAIL = N_NODES - NS * RPT

_PERM = np.empty((D_FEAT,), np.int32)
for _c in range(D_FEAT // 32):
    for _i in range(16):
        _PERM[32 * _c + 2 * _i] = 32 * _c + _i
        _PERM[32 * _c + 2 * _i + 1] = 32 * _c + 16 + _i


def _proj_body(x_ref, bq_ref, bkv_ref, q_ref, kv_ref):
    xb = x_ref[...]
    q_ref[...] = jnp.dot(xb, bq_ref[...], preferred_element_type=jnp.float32)
    kv_ref[...] = jnp.dot(
        xb, bkv_ref[...], preferred_element_type=jnp.float32
    ).astype(jnp.bfloat16)


def _project(x, bq, bkv):
    nb = 10
    rows = N_NODES // nb
    return pl.pallas_call(
        _proj_body,
        grid=(nb,),
        in_specs=[
            pl.BlockSpec((rows, D_FEAT), lambda i: (i, 0)),
            pl.BlockSpec((D_FEAT, D_FEAT), lambda i: (0, 0)),
            pl.BlockSpec((D_FEAT, 2 * D_FEAT), lambda i: (0, 0)),
        ],
        out_specs=[
            pl.BlockSpec((rows, D_FEAT), lambda i: (i, 0)),
            pl.BlockSpec((rows, 2 * D_FEAT), lambda i: (i, 0)),
        ],
        out_shape=[
            jax.ShapeDtypeStruct((N_NODES, D_FEAT), jnp.float32),
            jax.ShapeDtypeStruct((N_NODES, 2 * D_FEAT), jnp.bfloat16),
        ],
    )(x, bq, bkv)


def _scale_body(p_ref, m_ref, o_ref):
    o_ref[...] = p_ref[...] * m_ref[...] * 0.25


def _edge_scale(phi, msk):
    rows = N_EDGES // 256
    out = pl.pallas_call(
        _scale_body,
        grid=(1,),
        in_specs=[
            pl.BlockSpec((rows, 256), lambda i: (0, 0)),
            pl.BlockSpec((rows, 256), lambda i: (0, 0)),
        ],
        out_specs=pl.BlockSpec((rows, 256), lambda i: (0, 0)),
        out_shape=jax.ShapeDtypeStruct((rows, 256), jnp.float32),
    )(phi.reshape(rows, 256), msk.reshape(rows, 256))
    return out.reshape(N_EDGES)


def _combine_body(p_ref, o_ref):
    o_ref[...] = p_ref[0] + p_ref[1]


def _combine(partials):
    nb = 10
    rows = N_NODES // nb
    return pl.pallas_call(
        _combine_body,
        grid=(nb,),
        in_specs=[pl.BlockSpec((2, rows, D_FEAT), lambda i: (0, i, 0))],
        out_specs=pl.BlockSpec((rows, D_FEAT), lambda i: (i, 0)),
        out_shape=jax.ShapeDtypeStruct((N_NODES, D_FEAT), jnp.float32),
    )(partials)


_MESH = plsc.VectorSubcoreMesh(core_axis_name="c", subcore_axis_name="s")


@functools.partial(
    pl.kernel,
    out_type=jax.ShapeDtypeStruct((NC, N_NODES, D_FEAT), jnp.float32),
    mesh=_MESH,
    scratch_types=[
        pltpu.VMEM((3, BLK), jnp.int32),
        pltpu.VMEM((3, BLK), jnp.int32),
        pltpu.VMEM((BLK, D_FEAT), jnp.float32),
        pltpu.VMEM((BLK, D_FEAT), jnp.float32),
        pltpu.VMEM((BLK, D_FEAT), jnp.float32),
        pltpu.VMEM((BLK, D_FEAT), jnp.float32),
        pltpu.VMEM((BLK, D_FEAT), jnp.int32),
        pltpu.VMEM((BLK, D_FEAT), jnp.int32),
        pltpu.VMEM_SHARED((N_NODES, D_FEAT), jnp.float32),
        pltpu.SemaphoreType.DMA,
        pltpu.SemaphoreType.DMA,
        pltpu.SemaphoreType.DMA,
        pltpu.SemaphoreType.DMA,
        pltpu.SemaphoreType.DMA,
        pltpu.SemaphoreType.DMA,
        pltpu.SemaphoreType.DMA,
        pltpu.SemaphoreType.DMA,
    ],
    compiler_params=pltpu.CompilerParams(needs_layout_passes=False),
)
def _sc_edges(q_hbm, kv_hbm, w_hbm, meta_hbm,
              zero_hbm, out_hbm,
              meta0, meta1, w0, w1, q0, q1, kv0, kv1, part,
              semL0, semL1, semQ0, semQ1, semK0, semK1, semS0, semS1):
    cid = lax.axis_index("c")
    sid = lax.axis_index("s")
    wid = cid * NS + sid
    start = 156 * wid + 2 * jnp.minimum(wid, 4)
    nsb = 78 + jnp.where(wid < 4, 1, 0)

    pltpu.sync_copy(zero_hbm.at[pl.ds(sid * RPT, RPT)],
                    part.at[pl.ds(sid * RPT, RPT)])

    @pl.when(sid == 0)
    def _zero_tail():
        pltpu.sync_copy(zero_hbm.at[pl.ds(NS * RPT, TAIL)],
                        part.at[pl.ds(NS * RPT, TAIL)])

    plsc.subcore_barrier()

    iota = lax.iota(jnp.int32, 16)

    def compute(meta_v, w_v, q_v, kv_v):
        def group(g, carry2):
            sv = plsc.bitcast(meta_v[2, pl.ds(g * 16, 16)], jnp.float32)

            @plsc.parallel_loop(0, 16, 1, unroll=8)
            def _edge(j):
                e = g * 16 + j
                scv = jnp.take(sv, iota * 0 + j)
                for c in range(D_FEAT // 32):
                    kk = plsc.bitcast(kv_v[e, pl.ds(16 * c, 16)],
                                      jnp.bfloat16)
                    vv = plsc.bitcast(
                        kv_v[e, pl.ds(D_FEAT // 2 + 16 * c, 16)],
                        jnp.bfloat16)
                    ka, kb = plsc.unpack(
                        kk, format=plsc.PackFormat.INTERLEAVED)
                    va, vb = plsc.unpack(
                        vv, format=plsc.PackFormat.INTERLEAVED)
                    for hh, kx, vx in ((2 * c, ka, va),
                                       (2 * c + 1, kb, vb)):
                        qx = q_v[e, pl.ds(hh * D_HEAD, D_HEAD)]
                        wh = w_v[e, pl.ds(hh * D_HEAD, D_HEAD)]
                        p = qx * wh * kx
                        for sh in (8, 4, 2, 1):
                            p = p + jnp.take(p, (iota + sh) & 15)
                        w_v[e, pl.ds(hh * D_HEAD, D_HEAD)] = vx * (p * scv)

            return carry2

        lax.fori_loop(0, NG, group, 0)

    def superblock(sb, carry):
        b0 = start + 2 * sb
        b1 = b0 + 1
        l0m = pltpu.async_copy(meta_hbm.at[b0], meta0, semL0)
        l0w = pltpu.async_copy(w_hbm.at[pl.ds(b0 * BLK, BLK)], w0, semL0)
        l1m = pltpu.async_copy(meta_hbm.at[b1], meta1, semL1)
        l1w = pltpu.async_copy(w_hbm.at[pl.ds(b1 * BLK, BLK)], w1, semL1)
        l0m.wait()
        l0w.wait()
        g0q = pltpu.async_copy(q_hbm.at[meta0.at[0]], q0, semQ0)
        g0k = pltpu.async_copy(kv_hbm.at[meta0.at[1]], kv0, semK0)
        l1m.wait()
        l1w.wait()
        g1q = pltpu.async_copy(q_hbm.at[meta1.at[0]], q1, semQ1)
        g1k = pltpu.async_copy(kv_hbm.at[meta1.at[1]], kv1, semK1)
        g0q.wait()
        g0k.wait()
        compute(meta0, w0, q0, kv0)
        s0 = pltpu.async_copy(w0, part.at[meta0.at[0]], semS0, add=True)
        g1q.wait()
        g1k.wait()
        compute(meta1, w1, q1, kv1)
        s1 = pltpu.async_copy(w1, part.at[meta1.at[0]], semS1, add=True)
        s0.wait()
        s1.wait()
        return carry

    lax.fori_loop(0, nsb, superblock, 0)
    plsc.subcore_barrier()
    pltpu.sync_copy(part.at[pl.ds(sid * RPT, RPT)],
                    out_hbm.at[cid, pl.ds(sid * RPT, RPT)])

    @pl.when(sid == 0)
    def _write_tail():
        pltpu.sync_copy(part.at[pl.ds(NS * RPT, TAIL)],
                        out_hbm.at[cid, pl.ds(NS * RPT, TAIL)])


def kernel(x, w_ij, phi_r_cut, idx_i, idx_j, pair_mask, Wq, Wk, Wv):
    eye = jnp.eye(N_HEADS, dtype=jnp.float32)
    bq = jnp.einsum('hfg,hk->hfkg', Wq, eye).reshape(D_FEAT, D_FEAT)
    bk = jnp.einsum('hfg,hk->hfkg', Wk, eye).reshape(D_FEAT, D_FEAT)
    bv = jnp.einsum('hfg,hk->hfkg', Wv, eye).reshape(D_FEAT, D_FEAT)
    perm = jnp.asarray(_PERM)
    bkv = jnp.concatenate([bk[:, perm], bv[:, perm]], axis=1)

    q, kv = _project(x, bq, bkv)
    kv = lax.bitcast_convert_type(
        kv.reshape(N_NODES, D_FEAT, 2), jnp.int32)
    scale = _edge_scale(phi_r_cut, pair_mask)
    meta = jnp.stack(
        [idx_i.astype(jnp.int32).reshape(NBT, BLK),
         idx_j.astype(jnp.int32).reshape(NBT, BLK),
         lax.bitcast_convert_type(scale.reshape(NBT, BLK), jnp.int32)],
        axis=1)
    zeros = jnp.zeros((N_NODES, D_FEAT), jnp.float32)
    partials = _sc_edges(q, kv, w_ij, meta, zeros)
    return _combine(partials)

# --- scband reference (transcript-rebuilt; emitter-appended) ---
"""Pipeline reference for scband-conv-attention-40046275067966 (READ-ONLY COPY).

The authoritative reference and input builder live on the scoring server;
editing this copy changes nothing except your own understanding.
"""

import jax, jax.numpy as jnp
import numpy as np
from jax.ops import segment_sum

N_NODES = 10000
N_EDGES = 320000
D_FEAT = 128
N_HEADS = 8
D_HEAD = D_FEAT // N_HEADS


def setup_inputs(seed: int = 0) -> dict:
    key = jax.random.key(seed)
    k = jax.random.split(key, 8)
    x = jax.random.normal(k[0], (N_NODES, D_FEAT), dtype=jnp.float32)
    w_ij = jax.random.normal(k[1], (N_EDGES, D_FEAT), dtype=jnp.float32)
    phi_r_cut = jax.random.uniform(k[2], (N_EDGES,), dtype=jnp.float32)
    idx_i = jnp.sort(jax.random.randint(k[3], (N_EDGES,), 0, N_NODES, dtype=jnp.int64) if False else jax.random.randint(k[3], (N_EDGES,), 0, N_NODES)).astype(jnp.int32)
    idx_j = jax.random.randint(k[4], (N_EDGES,), 0, N_NODES).astype(jnp.int32)
    pair_mask = jnp.ones((N_EDGES,), dtype=jnp.float32)
    scale = 1.0 / np.sqrt(D_HEAD)
    Wq = jax.random.normal(k[5], (N_HEADS, D_HEAD, D_HEAD), dtype=jnp.float32) * scale
    Wk = jax.random.normal(k[6], (N_HEADS, D_HEAD, D_HEAD), dtype=jnp.float32) * scale
    Wv = jax.random.normal(k[7], (N_HEADS, D_HEAD, D_HEAD), dtype=jnp.float32) * scale
    return {"x": x, "w_ij": w_ij, "phi_r_cut": phi_r_cut, "idx_i": idx_i, "idx_j": idx_j, "pair_mask": pair_mask, "Wq": Wq, "Wk": Wk, "Wv": Wv}


def reference(x, w_ij, phi_r_cut, idx_i, idx_j, pair_mask, Wq, Wk, Wv):
    n = x.shape[0]
    # equal_head_split
    x_heads = x.reshape(n, N_HEADS, D_HEAD)              # (n, H, Fh)
    w_heads = w_ij.reshape(-1, N_HEADS, D_HEAD)          # (E, H, Fh)
    # per-head ConvAttentionCoefficients: q_i * w_ij * k_j summed over feature dim
    q = jnp.einsum('nhf,hfg->nhg', x_heads, Wq)          # Dense(no bias), vmapped over heads
    kk = jnp.einsum('nhf,hfg->nhg', x_heads, Wk)
    q_i = jnp.take(q, idx_i, axis=0)                     # (E, H, Fh)
    k_j = jnp.take(kk, idx_j, axis=0)                    # (E, H, Fh)
    alpha = (q_i * w_heads * k_j).sum(axis=-1) / jnp.sqrt(jnp.float32(D_HEAD))  # (E, H)
    # safe_scale with pair_mask * phi_r_cut
    alpha = alpha * (pair_mask[:, None] * phi_r_cut[:, None])
    # per-head AttentionAggregation: v_j weighted by alpha, segment-summed at idx_i
    v = jnp.einsum('nhf,hfg->nhg', x_heads, Wv)          # (n, H, Fh)
    v_j = jnp.take(v, idx_j, axis=0)                     # (E, H, Fh)
    msg = alpha[:, :, None] * v_j                        # (E, H, Fh)
    agg = segment_sum(msg, segment_ids=idx_i, num_segments=n)  # (n, H, Fh)
    return agg.reshape(n, D_FEAT)

if __name__ == "__main__":
    import jax
    _d = setup_inputs()
    print(jax.jit(kernel)(*tuple(_d.values())))

</pallas_src>

<mosaic_0001>
#map = affine_map<(d0, d1) -> (0, 0)>
#map1 = affine_map<(d0, d1) -> (0, 0, 0)>
module attributes {stable_mosaic.version = 14 : i64} {
  func.func @_sc_edges(%arg0: i32, %arg1: i32, %arg2: memref<10000x128xf32, #tpu.memory_space<hbm>>, %arg3: memref<10000x128xi32, #tpu.memory_space<hbm>>, %arg4: memref<320000x128xf32, #tpu.memory_space<hbm>>, %arg5: memref<5000x3x64xi32, #tpu.memory_space<hbm>>, %arg6: memref<10000x128xf32, #tpu.memory_space<hbm>>, %arg7: memref<2x10000x128xf32, #tpu.memory_space<hbm>>, %arg8: memref<3x64xi32, #tpu.memory_space<vmem>>, %arg9: memref<3x64xi32, #tpu.memory_space<vmem>>, %arg10: memref<64x128xf32, #tpu.memory_space<vmem>>, %arg11: memref<64x128xf32, #tpu.memory_space<vmem>>, %arg12: memref<64x128xf32, #tpu.memory_space<vmem>>, %arg13: memref<64x128xf32, #tpu.memory_space<vmem>>, %arg14: memref<64x128xi32, #tpu.memory_space<vmem>>, %arg15: memref<64x128xi32, #tpu.memory_space<vmem>>, %arg16: memref<10000x128xf32, #tpu.memory_space<vmem_shared>>, %arg17: memref<!tpu.dma_semaphore, #tpu.memory_space<semaphore_mem>>, %arg18: memref<!tpu.dma_semaphore, #tpu.memory_space<semaphore_mem>>, %arg19: memref<!tpu.dma_semaphore, #tpu.memory_space<semaphore_mem>>, %arg20: memref<!tpu.dma_semaphore, #tpu.memory_space<semaphore_mem>>, %arg21: memref<!tpu.dma_semaphore, #tpu.memory_space<semaphore_mem>>, %arg22: memref<!tpu.dma_semaphore, #tpu.memory_space<semaphore_mem>>, %arg23: memref<!tpu.dma_semaphore, #tpu.memory_space<semaphore_mem>>, %arg24: memref<!tpu.dma_semaphore, #tpu.memory_space<semaphore_mem>>) attributes {dimension_semantics = [#tpu.dimension_semantics<core_parallel>, #tpu.dimension_semantics<subcore_parallel>], iteration_bounds = array<i64: 2, 16>, scalar_prefetch = 0 : i64, scratch_operands = 17 : i64, tpu.core_type = #tpu.core_type<sc_vector_subcore>, window_params = [{transform_indices = #map}, {transform_indices = #map}, {transform_indices = #map}, {transform_indices = #map1}, {transform_indices = #map}, {transform_indices = #map1}]} {
    %mul3A = arith.constant 16 : i32
    %mul3A_0 = arith.muli %arg0, %mul3A : i32
    %add3A = arith.addi %mul3A_0, %arg1 : i32
    %mul3A_1 = arith.constant 156 : i32
    %mul3A_2 = arith.muli %mul3A_1, %add3A : i32
    %min3A = arith.constant 4 : i32
    %min3A_3 = arith.minsi %add3A, %min3A : i32
    %mul3A_4 = arith.constant 2 : i32
    %mul3A_5 = arith.muli %mul3A_4, %min3A_3 : i32
    %add3A_6 = arith.addi %mul3A_2, %mul3A_5 : i32
    %lt3A = arith.constant 4 : i32
    %lt3A_7 = arith.cmpi slt, %add3A, %lt3A : i32
    %jit3A = arith.constant 1 : i32
    %jit3A_8 = arith.constant 0 : i32
    %select_n3A = arith.select %lt3A_7, %jit3A, %jit3A_8 : i32
    %add3A_9 = arith.constant 78 : i32
    %add3A_10 = arith.addi %add3A_9, %select_n3A : i32
    %mul3A_11 = arith.constant 624 : i32
    %mul3A_12 = arith.muli %arg1, %mul3A_11 : i32
    %mul3A_13 = arith.constant 624 : i32
    %mul3A_14 = arith.muli %arg1, %mul3A_13 : i32
    "tpu.region"() ({
      %run_scoped3A = tpu.sem_alloc : memref<!tpu.dma_semaphore, #tpu.memory_space<semaphore_mem>>
      %dma_start3A = arith.constant 0 : i32
      %dma_start3A_36 = tpu.memref_slice %arg16[%mul3A_14, %dma_start3A] : memref<10000x128xf32, #tpu.memory_space<vmem_shared>> -> memref<624x128xf32, #tpu.memory_space<vmem_shared>>
      %dma_start3A_37 = arith.constant 0 : i32
      %dma_start3A_38 = tpu.memref_slice %arg6[%mul3A_12, %dma_start3A_37] : memref<10000x128xf32, #tpu.memory_space<hbm>> -> memref<624x128xf32, #tpu.memory_space<hbm>>
      tpu.enqueue_dma source(%dma_start3A_38 : memref<624x128xf32, #tpu.memory_space<hbm>>) target(%dma_start3A_36 : memref<624x128xf32, #tpu.memory_space<vmem_shared>>) target_semaphore(%run_scoped3A : memref<!tpu.dma_semaphore, #tpu.memory_space<semaphore_mem>>)
      %dma_wait3A = arith.constant 0 : i32
      %dma_wait3A_39 = tpu.memref_slice %arg16[%mul3A_14, %dma_wait3A] : memref<10000x128xf32, #tpu.memory_space<vmem_shared>> -> memref<624x128xf32, #tpu.memory_space<vmem_shared>>
      %dma_wait3A_40 = arith.constant 0 : i32
      %dma_wait3A_41 = tpu.memref_slice %arg6[%mul3A_12, %dma_wait3A_40] : memref<10000x128xf32, #tpu.memory_space<hbm>> -> memref<624x128xf32, #tpu.memory_space<hbm>>
      tpu.wait_dma2 semaphore(%run_scoped3A : memref<!tpu.dma_semaphore, #tpu.memory_space<semaphore_mem>>) src(%dma_wait3A_41 : memref<624x128xf32, #tpu.memory_space<hbm>>) dst(%dma_wait3A_39 : memref<624x128xf32, #tpu.memory_space<vmem_shared>>)
      tpu.yield
    }) : () -> ()
    %eq3A = arith.constant 0 : i32
    %eq3A_15 = arith.cmpi eq, %arg1, %eq3A : i32
    %convert_element_type3A = arith.extui %eq3A_15 : i1 to i32
    %cond3A = arith.constant 0 : i32
    %cond3A_16 = arith.cmpi ne, %convert_element_type3A, %cond3A : i32
    scf.if %cond3A_16 {
      "tpu.region"() ({
        %run_scoped3A = tpu.sem_alloc : memref<!tpu.dma_semaphore, #tpu.memory_space<semaphore_mem>>
        %dma_start3A = arith.constant 9984 : i32
        %dma_start3A_36 = arith.constant 0 : i32
        %dma_start3A_37 = tpu.memref_slice %arg16[%dma_start3A, %dma_start3A_36] : memref<10000x128xf32, #tpu.memory_space<vmem_shared>> -> memref<16x128xf32, #tpu.memory_space<vmem_shared>>
        %dma_start3A_38 = arith.constant 9984 : i32
        %dma_start3A_39 = arith.constant 0 : i32
        %dma_start3A_40 = tpu.memref_slice %arg6[%dma_start3A_38, %dma_start3A_39] : memref<10000x128xf32, #tpu.memory_space<hbm>> -> memref<16x128xf32, #tpu.memory_space<hbm>>
        tpu.enqueue_dma source(%dma_start3A_40 : memref<16x128xf32, #tpu.memory_space<hbm>>) target(%dma_start3A_37 : memref<16x128xf32, #tpu.memory_space<vmem_shared>>) target_semaphore(%run_scoped3A : memref<!tpu.dma_semaphore, #tpu.memory_space<semaphore_mem>>)
        %dma_wait3A = arith.constant 9984 : i32
        %dma_wait3A_41 = arith.constant 0 : i32
        %dma_wait3A_42 = tpu.memref_slice %arg16[%dma_wait3A, %dma_wait3A_41] : memref<10000x128xf32, #tpu.memory_space<vmem_shared>> -> memref<16x128xf32, #tpu.memory_space<vmem_shared>>
        %dma_wait3A_43 = arith.constant 9984 : i32
        %dma_wait3A_44 = arith.constant 0 : i32
        %dma_wait3A_45 = tpu.memref_slice %arg6[%dma_wait3A_43, %dma_wait3A_44] : memref<10000x128xf32, #tpu.memory_space<hbm>> -> memref<16x128xf32, #tpu.memory_space<hbm>>
        tpu.wait_dma2 semaphore(%run_scoped3A : memref<!tpu.dma_semaphore, #tpu.memory_space<semaphore_mem>>) src(%dma_wait3A_45 : memref<16x128xf32, #tpu.memory_space<hbm>>) dst(%dma_wait3A_42 : memref<16x128xf32, #tpu.memory_space<vmem_shared>>)
        tpu.yield
      }) : () -> ()
    } else {
    }
    %barrier3A = arith.constant 0 : index
    tpu.barrier barrier_id(%barrier3A)
    %iota3A = tpu.iota {dimensions = array<i32: 0>} : vector<16xi32>
    %while3A = arith.constant 0 : i32
    %while3A_17 = arith.constant 0 : i32
    %while3A_18 = arith.subi %add3A_10, %while3A_17 : i32
    %while3A_19 = arith.addi %while3A_17, %while3A_18 : i32
    %while3A_20 = arith.constant 1 : i32
    %while3A_21 = arith.divsi %while3A_18, %while3A_20 : i32
    %while3A_22 = arith.muli %while3A_21, %while3A_20 : i32
    %while3A_23 = arith.addi %while3A_17, %while3A_22 : i32
    %while3A_24 = arith.constant 1 : i32
    scf.for %while3A_36 = %while3A_17 to %while3A_23 step %while3A_24  : i32 {
      %mul3A_37 = arith.constant 2 : i32
      %mul3A_38 = arith.muli %mul3A_37, %while3A_36 : i32
      %add3A_39 = arith.addi %add3A_6, %mul3A_38 : i32
      %add3A_40 = arith.constant 1 : i32
      %add3A_41 = arith.addi %add3A_39, %add3A_40 : i32
      %dma_start3A = arith.constant 0 : i32
      %dma_start3A_42 = arith.constant 0 : i32
      %dma_start3A_43 = tpu.memref_slice %arg5[%add3A_39, %dma_start3A, %dma_start3A_42] : memref<5000x3x64xi32, #tpu.memory_space<hbm>> -> memref<1x3x64xi32, #tpu.memory_space<hbm>>
      %dma_start3A_44 = tpu.memref_squeeze %dma_start3A_43 : memref<1x3x64xi32, #tpu.memory_space<hbm>> -> memref<3x64xi32, #tpu.memory_space<hbm>>
      %dma_start3A_45 = arith.constant 0 : i32
      %dma_start3A_46 = arith.constant 0 : i32
      %dma_start3A_47 = tpu.memref_slice %arg5[%add3A_39, %dma_start3A_45, %dma_start3A_46] : memref<5000x3x64xi32, #tpu.memory_space<hbm>> -> memref<1x3x64xi32, #tpu.memory_space<hbm>>
      %dma_start3A_48 = tpu.memref_squeeze %dma_start3A_47 : memref<1x3x64xi32, #tpu.memory_space<hbm>> -> memref<3x64xi32, #tpu.memory_space<hbm>>
      tpu.enqueue_dma source(%dma_start3A_48 : memref<3x64xi32, #tpu.memory_space<hbm>>) target(%arg8 : memref<3x64xi32, #tpu.memory_space<vmem>>) target_semaphore(%arg17 : memref<!tpu.dma_semaphore, #tpu.memory_space<semaphore_mem>>)
      %mul3A_49 = arith.constant 64 : i32
      %mul3A_50 = arith.muli %add3A_39, %mul3A_49 : i32
      %dma_start3A_51 = arith.constant 0 : i32
      %dma_start3A_52 = tpu.memref_slice %arg4[%mul3A_50, %dma_start3A_51] : memref<320000x128xf32, #tpu.memory_space<hbm>> -> memref<64x128xf32, #tpu.memory_space<hbm>>
      %dma_start3A_53 = arith.constant 0 : i32
      %dma_start3A_54 = tpu.memref_slice %arg4[%mul3A_50, %dma_start3A_53] : memref<320000x128xf32, #tpu.memory_space<hbm>> -> memref<64x128xf32, #tpu.memory_space<hbm>>
      tpu.enqueue_dma source(%dma_start3A_54 : memref<64x128xf32, #tpu.memory_space<hbm>>) target(%arg10 : memref<64x128xf32, #tpu.memory_space<vmem>>) target_semaphore(%arg17 : memref<!tpu.dma_semaphore, #tpu.memory_space<semaphore_mem>>)
      %dma_start3A_55 = arith.constant 0 : i32
      %dma_start3A_56 = arith.constant 0 : i32
      %dma_start3A_57 = tpu.memref_slice %arg5[%add3A_41, %dma_start3A_55, %dma_start3A_56] : memref<5000x3x64xi32, #tpu.memory_space<hbm>> -> memref<1x3x64xi32, #tpu.memory_space<hbm>>
      %dma_start3A_58 = tpu.memref_squeeze %dma_start3A_57 : memref<1x3x64xi32, #tpu.memory_space<hbm>> -> memref<3x64xi32, #tpu.memory_space<hbm>>
      %dma_start3A_59 = arith.constant 0 : i32
      %dma_start3A_60 = arith.constant 0 : i32
      %dma_start3A_61 = tpu.memref_slice %arg5[%add3A_41, %dma_start3A_59, %dma_start3A_60] : memref<5000x3x64xi32, #tpu.memory_space<hbm>> -> memref<1x3x64xi32, #tpu.memory_space<hbm>>
      %dma_start3A_62 = tpu.memref_squeeze %dma_start3A_61 : memref<1x3x64xi32, #tpu.memory_space<hbm>> -> memref<3x64xi32, #tpu.memory_space<hbm>>
      tpu.enqueue_dma source(%dma_start3A_62 : memref<3x64xi32, #tpu.memory_space<hbm>>) target(%arg9 : memref<3x64xi32, #tpu.memory_space<vmem>>) target_semaphore(%arg18 : memref<!tpu.dma_semaphore, #tpu.memory_space<semaphore_mem>>)
      %mul3A_63 = arith.constant 64 : i32
      %mul3A_64 = arith.muli %add3A_41, %mul3A_63 : i32
      %dma_start3A_65 = arith.constant 0 : i32
      %dma_start3A_66 = tpu.memref_slice %arg4[%mul3A_64, %dma_start3A_65] : memref<320000x128xf32, #tpu.memory_space<hbm>> -> memref<64x128xf32, #tpu.memory_space<hbm>>
      %dma_start3A_67 = arith.constant 0 : i32
      %dma_start3A_68 = tpu.memref_slice %arg4[%mul3A_64, %dma_start3A_67] : memref<320000x128xf32, #tpu.memory_space<hbm>> -> memref<64x128xf32, #tpu.memory_space<hbm>>
      tpu.enqueue_dma source(%dma_start3A_68 : memref<64x128xf32, #tpu.memory_space<hbm>>) target(%arg11 : memref<64x128xf32, #tpu.memory_space<vmem>>) target_semaphore(%arg18 : memref<!tpu.dma_semaphore, #tpu.memory_space<semaphore_mem>>)
      %dma_wait3A = arith.constant 0 : i32
      %dma_wait3A_69 = arith.constant 0 : i32
      %dma_wait3A_70 = tpu.memref_slice %arg5[%add3A_39, %dma_wait3A, %dma_wait3A_69] : memref<5000x3x64xi32, #tpu.memory_space<hbm>> -> memref<1x3x64xi32, #tpu.memory_space<hbm>>
      %dma_wait3A_71 = tpu.memref_squeeze %dma_wait3A_70 : memref<1x3x64xi32, #tpu.memory_space<hbm>> -> memref<3x64xi32, #tpu.memory_space<hbm>>
      %dma_wait3A_72 = arith.constant 0 : i32
      %dma_wait3A_73 = arith.constant 0 : i32
      %dma_wait3A_74 = tpu.memref_slice %arg5[%add3A_39, %dma_wait3A_72, %dma_wait3A_73] : memref<5000x3x64xi32, #tpu.memory_space<hbm>> -> memref<1x3x64xi32, #tpu.memory_space<hbm>>
      %dma_wait3A_75 = tpu.memref_squeeze %dma_wait3A_74 : memref<1x3x64xi32, #tpu.memory_space<hbm>> -> memref<3x64xi32, #tpu.memory_space<hbm>>
      tpu.wait_dma2 semaphore(%arg17 : memref<!tpu.dma_semaphore, #tpu.memory_space<semaphore_mem>>) src(%dma_wait3A_75 : memref<3x64xi32, #tpu.memory_space<hbm>>) dst(%arg8 : memref<3x64xi32, #tpu.memory_space<vmem>>)
      %dma_wait3A_76 = arith.constant 0 : i32
      %dma_wait3A_77 = tpu.memref_slice %arg4[%mul3A_50, %dma_wait3A_76] : memref<320000x128xf32, #tpu.memory_space<hbm>> -> memref<64x128xf32, #tpu.memory_space<hbm>>
      %dma_wait3A_78 = arith.constant 0 : i32
      %dma_wait3A_79 = tpu.memref_slice %arg4[%mul3A_50, %dma_wait3A_78] : memref<320000x128xf32, #tpu.memory_space<hbm>> -> memref<64x128xf32, #tpu.memory_space<hbm>>
      tpu.wait_dma2 semaphore(%arg17 : memref<!tpu.dma_semaphore, #tpu.memory_space<semaphore_mem>>) src(%dma_wait3A_79 : memref<64x128xf32, #tpu.memory_space<hbm>>) dst(%arg10 : memref<64x128xf32, #tpu.memory_space<vmem>>)
      %dma_start3A_80 = arith.constant 0 : i32
      %dma_start3A_81 = arith.constant 0 : i32
      %dma_start3A_82 = tpu.memref_slice %arg8[%dma_start3A_80, %dma_start3A_81] : memref<3x64xi32, #tpu.memory_space<vmem>> -> memref<1x64xi32, #tpu.memory_space<vmem>>
      %dma_start3A_83 = tpu.memref_squeeze %dma_start3A_82 : memref<1x64xi32, #tpu.memory_space<vmem>> -> memref<64xi32, #tpu.memory_space<vmem>>
      %dma_start3A_84 = arith.constant 0 : i32
      %dma_start3A_85 = arith.constant 0 : i32
      %dma_start3A_86 = tpu.memref_slice %arg2[%dma_start3A_84, %dma_start3A_85] : memref<10000x128xf32, #tpu.memory_space<hbm>> -> memref<10000x128xf32, #tpu.memory_space<hbm>>
      tpu.enqueue_indirect_dma source(%dma_start3A_86 : memref<10000x128xf32, #tpu.memory_space<hbm>>) target(%arg12 : memref<64x128xf32, #tpu.memory_space<vmem>>) offsets(%dma_start3A_83 : memref<64xi32, #tpu.memory_space<vmem>>) semaphore(%arg19 : memref<!tpu.dma_semaphore, #tpu.memory_space<semaphore_mem>>)
      %dma_start3A_87 = arith.constant 1 : i32
      %dma_start3A_88 = arith.constant 0 : i32
      %dma_start3A_89 = tpu.memref_slice %arg8[%dma_start3A_87, %dma_start3A_88] : memref<3x64xi32, #tpu.memory_space<vmem>> -> memref<1x64xi32, #tpu.memory_space<vmem>>
      %dma_start3A_90 = tpu.memref_squeeze %dma_start3A_89 : memref<1x64xi32, #tpu.memory_space<vmem>> -> memref<64xi32, #tpu.memory_space<vmem>>
      %dma_start3A_91 = arith.constant 0 : i32
      %dma_start3A_92 = arith.constant 0 : i32
      %dma_start3A_93 = tpu.memref_slice %arg3[%dma_start3A_91, %dma_start3A_92] : memref<10000x128xi32, #tpu.memory_space<hbm>> -> memref<10000x128xi32, #tpu.memory_space<hbm>>
      tpu.enqueue_indirect_dma source(%dma_start3A_93 : memref<10000x128xi32, #tpu.memory_space<hbm>>) target(%arg14 : memref<64x128xi32, #tpu.memory_space<vmem>>) offsets(%dma_start3A_90 : memref<64xi32, #tpu.memory_space<vmem>>) semaphore(%arg21 : memref<!tpu.dma_semaphore, #tpu.memory_space<semaphore_mem>>)
      %dma_wait3A_94 = arith.constant 0 : i32
      %dma_wait3A_95 = arith.constant 0 : i32
      %dma_wait3A_96 = tpu.memref_slice %arg5[%add3A_41, %dma_wait3A_94, %dma_wait3A_95] : memref<5000x3x64xi32, #tpu.memory_space<hbm>> -> memref<1x3x64xi32, #tpu.memory_space<hbm>>
      %dma_wait3A_97 = tpu.memref_squeeze %dma_wait3A_96 : memref<1x3x64xi32, #tpu.memory_space<hbm>> -> memref<3x64xi32, #tpu.memory_space<hbm>>
      %dma_wait3A_98 = arith.constant 0 : i32
      %dma_wait3A_99 = arith.constant 0 : i32
      %dma_wait3A_100 = tpu.memref_slice %arg5[%add3A_41, %dma_wait3A_98, %dma_wait3A_99] : memref<5000x3x64xi32, #tpu.memory_space<hbm>> -> memref<1x3x64xi32, #tpu.memory_space<hbm>>
      %dma_wait3A_101 = tpu.memref_squeeze %dma_wait3A_100 : memref<1x3x64xi32, #tpu.memory_space<hbm>> -> memref<3x64xi32, #tpu.memory_space<hbm>>
      tpu.wait_dma2 semaphore(%arg18 : memref<!tpu.dma_semaphore, #tpu.memory_space<semaphore_mem>>) src(%dma_wait3A_101 : memref<3x64xi32, #tpu.memory_space<hbm>>) dst(%arg9 : memref<3x64xi32, #tpu.memory_space<vmem>>)
      %dma_wait3A_102 = arith.constant 0 : i32
      %dma_wait3A_103 = tpu.memref_slice %arg4[%mul3A_64, %dma_wait3A_102] : memref<320000x128xf32, #tpu.memory_space<hbm>> -> memref<64x128xf32, #tpu.memory_space<hbm>>
      %dma_wait3A_104 = arith.constant 0 : i32
      %dma_wait3A_105 = tpu.memref_slice %arg4[%mul3A_64, %dma_wait3A_104] : memref<320000x128xf32, #tpu.memory_space<hbm>> -> memref<64x128xf32, #tpu.memory_space<hbm>>
      tpu.wait_dma2 semaphore(%arg18 : memref<!tpu.dma_semaphore, #tpu.memory_space<semaphore_mem>>) src(%dma_wait3A_105 : memref<64x128xf32, #tpu.memory_space<hbm>>) dst(%arg11 : memref<64x128xf32, #tpu.memory_space<vmem>>)
      %dma_start3A_106 = arith.constant 0 : i32
      %dma_start3A_107 = arith.constant 0 : i32
      %dma_start3A_108 = tpu.memref_slice %arg9[%dma_start3A_106, %dma_start3A_107] : memref<3x64xi32, #tpu.memory_space<vmem>> -> memref<1x64xi32, #tpu.memory_space<vmem>>
      %dma_start3A_109 = tpu.memref_squeeze %dma_start3A_108 : memref<1x64xi32, #tpu.memory_space<vmem>> -> memref<64xi32, #tpu.memory_space<vmem>>
      %dma_start3A_110 = arith.constant 0 : i32
      %dma_start3A_111 = arith.constant 0 : i32
      %dma_start3A_112 = tpu.memref_slice %arg2[%dma_start3A_110, %dma_start3A_111] : memref<10000x128xf32, #tpu.memory_space<hbm>> -> memref<10000x128xf32, #tpu.memory_space<hbm>>
      tpu.enqueue_indirect_dma source(%dma_start3A_112 : memref<10000x128xf32, #tpu.memory_space<hbm>>) target(%arg13 : memref<64x128xf32, #tpu.memory_space<vmem>>) offsets(%dma_start3A_109 : memref<64xi32, #tpu.memory_space<vmem>>) semaphore(%arg20 : memref<!tpu.dma_semaphore, #tpu.memory_space<semaphore_mem>>)
      %dma_start3A_113 = arith.constant 1 : i32
      %dma_start3A_114 = arith.constant 0 : i32
      %dma_start3A_115 = tpu.memref_slice %arg9[%dma_start3A_113, %dma_start3A_114] : memref<3x64xi32, #tpu.memory_space<vmem>> -> memref<1x64xi32, #tpu.memory_space<vmem>>
      %dma_start3A_116 = tpu.memref_squeeze %dma_start3A_115 : memref<1x64xi32, #tpu.memory_space<vmem>> -> memref<64xi32, #tpu.memory_space<vmem>>
      %dma_start3A_117 = arith.constant 0 : i32
      %dma_start3A_118 = arith.constant 0 : i32
      %dma_start3A_119 = tpu.memref_slice %arg3[%dma_start3A_117, %dma_start3A_118] : memref<10000x128xi32, #tpu.memory_space<hbm>> -> memref<10000x128xi32, #tpu.memory_space<hbm>>
      tpu.enqueue_indirect_dma source(%dma_start3A_119 : memref<10000x128xi32, #tpu.memory_space<hbm>>) target(%arg15 : memref<64x128xi32, #tpu.memory_space<vmem>>) offsets(%dma_start3A_116 : memref<64xi32, #tpu.memory_space<vmem>>) semaphore(%arg22 : memref<!tpu.dma_semaphore, #tpu.memory_space<semaphore_mem>>)
      %dma_wait3A_120 = arith.constant 0 : i32
      %dma_wait3A_121 = arith.constant 0 : i32
      %dma_wait3A_122 = tpu.memref_slice %arg8[%dma_wait3A_120, %dma_wait3A_121] : memref<3x64xi32, #tpu.memory_space<vmem>> -> memref<1x64xi32, #tpu.memory_space<vmem>>
      %dma_wait3A_123 = tpu.memref_squeeze %dma_wait3A_122 : memref<1x64xi32, #tpu.memory_space<vmem>> -> memref<64xi32, #tpu.memory_space<vmem>>
      %dma_wait3A_124 = arith.constant 0 : i32
      %dma_wait3A_125 = arith.constant 0 : i32
      %dma_wait3A_126 = tpu.memref_slice %arg2[%dma_wait3A_124, %dma_wait3A_125] : memref<10000x128xf32, #tpu.memory_space<hbm>> -> memref<10000x128xf32, #tpu.memory_space<hbm>>
      tpu.wait_indirect_dma semaphore(%arg19 : memref<!tpu.dma_semaphore, #tpu.memory_space<semaphore_mem>>) src(%dma_wait3A_126 : memref<10000x128xf32, #tpu.memory_space<hbm>>) dst(%arg12 : memref<64x128xf32, #tpu.memory_space<vmem>>)
      %dma_wait3A_127 = arith.constant 1 : i32
      %dma_wait3A_128 = arith.constant 0 : i32
      %dma_wait3A_129 = tpu.memref_slice %arg8[%dma_wait3A_127, %dma_wait3A_128] : memref<3x64xi32, #tpu.memory_space<vmem>> -> memref<1x64xi32, #tpu.memory_space<vmem>>
      %dma_wait3A_130 = tpu.memref_squeeze %dma_wait3A_129 : memref<1x64xi32, #tpu.memory_space<vmem>> -> memref<64xi32, #tpu.memory_space<vmem>>
      %dma_wait3A_131 = arith.constant 0 : i32
      %dma_wait3A_132 = arith.constant 0 : i32
      %dma_wait3A_133 = tpu.memref_slice %arg3[%dma_wait3A_131, %dma_wait3A_132] : memref<10000x128xi32, #tpu.memory_space<hbm>> -> memref<10000x128xi32, #tpu.memory_space<hbm>>
      tpu.wait_indirect_dma semaphore(%arg21 : memref<!tpu.dma_semaphore, #tpu.memory_space<semaphore_mem>>) src(%dma_wait3A_133 : memref<10000x128xi32, #tpu.memory_space<hbm>>) dst(%arg14 : memref<64x128xi32, #tpu.memory_space<vmem>>)
      %scan3A = arith.constant 0 : i32
      %scan3A_134 = arith.constant 0 : i32
      %scan3A_135 = arith.constant 4 : i32
      %scan3A_136 = arith.addi %scan3A_134, %scan3A_135 : i32
      %scan3A_137 = arith.constant 1 : i32
      scf.for %scan3A_187 = %scan3A_134 to %scan3A_136 step %scan3A_137  : i32 {
        %mul3A_188 = arith.constant 16 : i32
        %mul3A_189 = arith.muli %scan3A_187, %mul3A_188 : i32
        %get3A = arith.constant 2 : i32
        %get3A_190 = arith.index_cast %get3A : i32 to index
        %get3A_191 = arith.index_cast %mul3A_189 : i32 to index
        %get3A_192 = tpu.vector_load %arg8[%get3A_190, %get3A_191] {strides = array<i32>} : memref<3x64xi32, #tpu.memory_space<vmem>>, vector<16xi32>,
        %bitcast3A = vector.bitcast %get3A_192 : vector<16xi32> to vector<16xf32>
        %parallel_loop3A = arith.constant 0 : i32
        %parallel_loop3A_193 = arith.constant 16 : i32
        %parallel_loop3A_194 = arith.constant 1 : i32
        scf.for %parallel_loop3A_195 = %parallel_loop3A to %parallel_loop3A_193 step %parallel_loop3A_194  : i32 {
          %parallel_loop3A_196 = arith.constant 16 : i32
          %parallel_loop3A_197 = arith.muli %scan3A_187, %parallel_loop3A_196 : i32
          %parallel_loop3A_198 = arith.addi %parallel_loop3A_197, %parallel_loop3A_195 : i32
          %parallel_loop3A_199 = arith.constant 0 : i32
          %parallel_loop3A_200 = vector.broadcast %parallel_loop3A_199 : i32 to vector<16xi32>
          %parallel_loop3A_201 = arith.muli %iota3A, %parallel_loop3A_200 : vector<16xi32>
          %parallel_loop3A_202 = vector.broadcast %parallel_loop3A_195 : i32 to vector<16xi32>
          %parallel_loop3A_203 = arith.addi %parallel_loop3A_201, %parallel_loop3A_202 : vector<16xi32>
          %parallel_loop3A_204 = arith.constant 0 : i32
          %parallel_loop3A_205 = vector.broadcast %parallel_loop3A_204 : i32 to vector<16xi32>
          %parallel_loop3A_206 = arith.cmpi slt, %parallel_loop3A_203, %parallel_loop3A_205 : vector<16xi32>
          %parallel_loop3A_207 = arith.constant 16 : i32
          %parallel_loop3A_208 = vector.broadcast %parallel_loop3A_207 : i32 to vector<16xi32>
          %parallel_loop3A_209 = arith.addi %parallel_loop3A_203, %parallel_loop3A_208 : vector<16xi32>
          %parallel_loop3A_210 = arith.select %parallel_loop3A_206, %parallel_loop3A_209, %parallel_loop3A_203 : vector<16xi1>, vector<16xi32>
          %parallel_loop3A_211 = vector.shape_cast %parallel_loop3A_210 : vector<16xi32> to vector<16x1xi32>
          %parallel_loop3A_212 = vector.shape_cast %parallel_loop3A_211 : vector<16x1xi32> to vector<16xi32>
          %parallel_loop3A_213 = tpu.dynamic_gather %bitcast3A[%parallel_loop3A_212] in [0] : vector<16xf32>, vector<16xi32> -> vector<16xf32>
          %parallel_loop3A_214 = arith.index_cast %parallel_loop3A_198 : i32 to index
          %parallel_loop3A_215 = arith.constant 0 : index
          %parallel_loop3A_216 = tpu.vector_load %arg14[%parallel_loop3A_214, %parallel_loop3A_215] {strides = array<i32>} : memref<64x128xi32, #tpu.memory_space<vmem>>, vector<16xi32>,
          %parallel_loop3A_217 = vector.bitcast %parallel_loop3A_216 : vector<16xi32> to vector<32xbf16>
          %parallel_loop3A_218 = arith.index_cast %parallel_loop3A_198 : i32 to index
          %parallel_loop3A_219 = arith.constant 64 : index
          %parallel_loop3A_220 = tpu.vector_load %arg14[%parallel_loop3A_218, %parallel_loop3A_219] {strides = array<i32>} : memref<64x128xi32, #tpu.memory_space<vmem>>, vector<16xi32>,
          %parallel_loop3A_221 = vector.bitcast %parallel_loop3A_220 : vector<16xi32> to vector<32xbf16>
          %parallel_loop3A_222 = tpu.unpack_subelements %parallel_loop3A_217, 0 {pack_format = #tpu.pack_format<interleaved>} : vector<32xbf16> -> vector<16xf32>
          %parallel_loop3A_223 = tpu.unpack_subelements %parallel_loop3A_217, 1 {pack_format = #tpu.pack_format<interleaved>} : vector<32xbf16> -> vector<16xf32>
          %parallel_loop3A_224 = tpu.unpack_subelements %parallel_loop3A_221, 0 {pack_format = #tpu.pack_format<interleaved>} : vector<32xbf16> -> vector<16xf32>
          %parallel_loop3A_225 = tpu.unpack_subelements %parallel_loop3A_221, 1 {pack_format = #tpu.pack_format<interleaved>} : vector<32xbf16> -> vector<16xf32>
          %parallel_loop3A_226 = arith.index_cast %parallel_loop3A_198 : i32 to index
          %parallel_loop3A_227 = arith.constant 0 : index
          %parallel_loop3A_228 = tpu.vector_load %arg12[%parallel_loop3A_226, %parallel_loop3A_227] {strides = array<i32>} : memref<64x128xf32, #tpu.memory_space<vmem>>, vector<16xf32>,
          %parallel_loop3A_229 = arith.index_cast %parallel_loop3A_198 : i32 to index
          %parallel_loop3A_230 = arith.constant 0 : index
          %parallel_loop3A_231 = tpu.vector_load %arg10[%parallel_loop3A_229, %parallel_loop3A_230] {strides = array<i32>} : memref<64x128xf32, #tpu.memory_space<vmem>>, vector<16xf32>,
          %parallel_loop3A_232 = arith.mulf %parallel_loop3A_228, %parallel_loop3A_231 : vector<16xf32>
          %parallel_loop3A_233 = arith.mulf %parallel_loop3A_232, %parallel_loop3A_222 : vector<16xf32>
          %parallel_loop3A_234 = arith.constant 8 : i32
          %parallel_loop3A_235 = vector.broadcast %parallel_loop3A_234 : i32 to vector<16xi32>
          %parallel_loop3A_236 = arith.addi %iota3A, %parallel_loop3A_235 : vector<16xi32>
          %parallel_loop3A_237 = arith.constant 15 : i32
          %parallel_loop3A_238 = vector.broadcast %parallel_loop3A_237 : i32 to vector<16xi32>
          %parallel_loop3A_239 = arith.andi %parallel_loop3A_236, %parallel_loop3A_238 : vector<16xi32>
          %parallel_loop3A_240 = arith.constant 0 : i32
          %parallel_loop3A_241 = vector.broadcast %parallel_loop3A_240 : i32 to vector<16xi32>
          %parallel_loop3A_242 = arith.cmpi slt, %parallel_loop3A_239, %parallel_loop3A_241 : vector<16xi32>
          %parallel_loop3A_243 = arith.constant 16 : i32
          %parallel_loop3A_244 = vector.broadcast %parallel_loop3A_243 : i32 to vector<16xi32>
          %parallel_loop3A_245 = arith.addi %parallel_loop3A_239, %parallel_loop3A_244 : vector<16xi32>
          %parallel_loop3A_246 = arith.select %parallel_loop3A_242, %parallel_loop3A_245, %parallel_loop3A_239 : vector<16xi1>, vector<16xi32>
          %parallel_loop3A_247 = vector.shape_cast %parallel_loop3A_246 : vector<16xi32> to vector<16x1xi32>
          %parallel_loop3A_248 = vector.shape_cast %parallel_loop3A_247 : vector<16x1xi32> to vector<16xi32>
          %parallel_loop3A_249 = tpu.dynamic_gather %parallel_loop3A_233[%parallel_loop3A_248] in [0] : vector<16xf32>, vector<16xi32> -> vector<16xf32>
          %parallel_loop3A_250 = arith.addf %parallel_loop3A_233, %parallel_loop3A_249 : vector<16xf32>
          %parallel_loop3A_251 = arith.constant 4 : i32
          %parallel_loop3A_252 = vector.broadcast %parallel_loop3A_251 : i32 to vector<16xi32>
          %parallel_loop3A_253 = arith.addi %iota3A, %parallel_loop3A_252 : vector<16xi32>
          %parallel_loop3A_254 = arith.constant 15 : i32
          %parallel_loop3A_255 = vector.broadcast %parallel_loop3A_254 : i32 to vector<16xi32>
          %parallel_loop3A_256 = arith.andi %parallel_loop3A_253, %parallel_loop3A_255 : vector<16xi32>
          %parallel_loop3A_257 = arith.constant 0 : i32
          %parallel_loop3A_258 = vector.broadcast %parallel_loop3A_257 : i32 to vector<16xi32>
          %parallel_loop3A_259 = arith.cmpi slt, %parallel_loop3A_256, %parallel_loop3A_258 : vector<16xi32>
          %parallel_loop3A_260 = arith.constant 16 : i32
          %parallel_loop3A_261 = vector.broadcast %parallel_loop3A_260 : i32 to vector<16xi32>
          %parallel_loop3A_262 = arith.addi %parallel_loop3A_256, %parallel_loop3A_261 : vector<16xi32>
          %parallel_loop3A_263 = arith.select %parallel_loop3A_259, %parallel_loop3A_262, %parallel_loop3A_256 : vector<16xi1>, vector<16xi32>
          %parallel_loop3A_264 = vector.shape_cast %parallel_loop3A_263 : vector<16xi32> to vector<16x1xi32>
          %parallel_loop3A_265 = vector.shape_cast %parallel_loop3A_264 : vector<16x1xi32> to vector<16xi32>
          %parallel_loop3A_266 = tpu.dynamic_gather %parallel_loop3A_250[%parallel_loop3A_265] in [0] : vector<16xf32>, vector<16xi32> -> vector<16xf32>
          %parallel_loop3A_267 = arith.addf %parallel_loop3A_250, %parallel_loop3A_266 : vector<16xf32>
          %parallel_loop3A_268 = arith.constant 2 : i32
          %parallel_loop3A_269 = vector.broadcast %parallel_loop3A_268 : i32 to vector<16xi32>
          %parallel_loop3A_270 = arith.addi %iota3A, %parallel_loop3A_269 : vector<16xi32>
          %parallel_loop3A_271 = arith.constant 15 : i32
          %parallel_loop3A_272 = vector.broadcast %parallel_loop3A_271 : i32 to vector<16xi32>
          %parallel_loop3A_273 = arith.andi %parallel_loop3A_270, %parallel_loop3A_272 : vector<16xi32>
          %parallel_loop3A_274 = arith.constant 0 : i32
          %parallel_loop3A_275 = vector.broadcast %parallel_loop3A_274 : i32 to vector<16xi32>
          %parallel_loop3A_276 = arith.cmpi slt, %parallel_loop3A_273, %parallel_loop3A_275 : vector<16xi32>
          %parallel_loop3A_277 = arith.constant 16 : i32
          %parallel_loop3A_278 = vector.broadcast %parallel_loop3A_277 : i32 to vector<16xi32>
          %parallel_loop3A_279 = arith.addi %parallel_loop3A_273, %parallel_loop3A_278 : vector<16xi32>
          %parallel_loop3A_280 = arith.select %parallel_loop3A_276, %parallel_loop3A_279, %parallel_loop3A_273 : vector<16xi1>, vector<16xi32>
          %parallel_loop3A_281 = vector.shape_cast %parallel_loop3A_280 : vector<16xi32> to vector<16x1xi32>
          %parallel_loop3A_282 = vector.shape_cast %parallel_loop3A_281 : vector<16x1xi32> to vector<16xi32>
          %parallel_loop3A_283 = tpu.dynamic_gather %parallel_loop3A_267[%parallel_loop3A_282] in [0] : vector<16xf32>, vector<16xi32> -> vector<16xf32>
          %parallel_loop3A_284 = arith.addf %parallel_loop3A_267, %parallel_loop3A_283 : vector<16xf32>
          %parallel_loop3A_285 = arith.constant 1 : i32
          %parallel_loop3A_286 = vector.broadcast %parallel_loop3A_285 : i32 to vector<16xi32>
          %parallel_loop3A_287 = arith.addi %iota3A, %parallel_loop3A_286 : vector<16xi32>
          %parallel_loop3A_288 = arith.constant 15 : i32
          %parallel_loop3A_289 = vector.broadcast %parallel_loop3A_288 : i32 to vector<16xi32>
          %parallel_loop3A_290 = arith.andi %parallel_loop3A_287, %parallel_loop3A_289 : vector<16xi32>
          %parallel_loop3A_291 = arith.constant 0 : i32
          %parallel_loop3A_292 = vector.broadcast %parallel_loop3A_291 : i32 to vector<16xi32>
          %parallel_loop3A_293 = arith.cmpi slt, %parallel_loop3A_290, %parallel_loop3A_292 : vector<16xi32>
          %parallel_loop3A_294 = arith.constant 16 : i32
          %parallel_loop3A_295 = vector.broadcast %parallel_loop3A_294 : i32 to vector<16xi32>
          %parallel_loop3A_296 = arith.addi %parallel_loop3A_290, %parallel_loop3A_295 : vector<16xi32>
          %parallel_loop3A_297 = arith.select %parallel_loop3A_293, %parallel_loop3A_296, %parallel_loop3A_290 : vector<16xi1>, vector<16xi32>
          %parallel_loop3A_298 = vector.shape_cast %parallel_loop3A_297 : vector<16xi32> to vector<16x1xi32>
          %parallel_loop3A_299 = vector.shape_cast %parallel_loop3A_298 : vector<16x1xi32> to vector<16xi32>
          %parallel_loop3A_300 = tpu.dynamic_gather %parallel_loop3A_284[%parallel_loop3A_299] in [0] : vector<16xf32>, vector<16xi32> -> vector<16xf32>
          %parallel_loop3A_301 = arith.addf %parallel_loop3A_284, %parallel_loop3A_300 : vector<16xf32>
          %parallel_loop3A_302 = arith.mulf %parallel_loop3A_301, %parallel_loop3A_213 : vector<16xf32>
          %parallel_loop3A_303 = arith.mulf %parallel_loop3A_224, %parallel_loop3A_302 : vector<16xf32>
          %parallel_loop3A_304 = arith.index_cast %parallel_loop3A_198 : i32 to index
          %parallel_loop3A_305 = arith.constant 0 : index
          %parallel_loop3A_306 = tpu.vector_load %arg10[%parallel_loop3A_304, %parallel_loop3A_305] {strides = array<i32>} : memref<64x128xf32, #tpu.memory_space<vmem>>, vector<16xf32>,
          tpu.vector_store %arg10[%parallel_loop3A_304, %parallel_loop3A_305], %parallel_loop3A_303 {strides = array<i32>} : memref<64x128xf32, #tpu.memory_space<vmem>>, vector<16xf32>,
          %parallel_loop3A_307 = arith.index_cast %parallel_loop3A_198 : i32 to index
          %parallel_loop3A_308 = arith.constant 16 : index
          %parallel_loop3A_309 = tpu.vector_load %arg12[%parallel_loop3A_307, %parallel_loop3A_308] {strides = array<i32>} : memref<64x128xf32, #tpu.memory_space<vmem>>, vector<16xf32>,
          %parallel_loop3A_310 = arith.index_cast %parallel_loop3A_198 : i32 to index
          %parallel_loop3A_311 = arith.constant 16 : index
          %parallel_loop3A_312 = tpu.vector_load %arg10[%parallel_loop3A_310, %parallel_loop3A_311] {strides = array<i32>} : memref<64x128xf32, #tpu.memory_space<vmem>>, vector<16xf32>,
          %parallel_loop3A_313 = arith.mulf %parallel_loop3A_309, %parallel_loop3A_312 : vector<16xf32>
          %parallel_loop3A_314 = arith.mulf %parallel_loop3A_313, %parallel_loop3A_223 : vector<16xf32>
          %parallel_loop3A_315 = arith.constant 8 : i32
          %parallel_loop3A_316 = vector.broadcast %parallel_loop3A_315 : i32 to vector<16xi32>
          %parallel_loop3A_317 = arith.addi %iota3A, %parallel_loop3A_316 : vector<16xi32>
          %parallel_loop3A_318 = arith.constant 15 : i32
          %parallel_loop3A_319 = vector.broadcast %parallel_loop3A_318 : i32 to vector<16xi32>
          %parallel_loop3A_320 = arith.andi %parallel_loop3A_317, %parallel_loop3A_319 : vector<16xi32>
          %parallel_loop3A_321 = arith.constant 0 : i32
          %parallel_loop3A_322 = vector.broadcast %parallel_loop3A_321 : i32 to vector<16xi32>
          %parallel_loop3A_323 = arith.cmpi slt, %parallel_loop3A_320, %parallel_loop3A_322 : vector<16xi32>
          %parallel_loop3A_324 = arith.constant 16 : i32
          %parallel_loop3A_325 = vector.broadcast %parallel_loop3A_324 : i32 to vector<16xi32>
          %parallel_loop3A_326 = arith.addi %parallel_loop3A_320, %parallel_loop3A_325 : vector<16xi32>
          %parallel_loop3A_327 = arith.select %parallel_loop3A_323, %parallel_loop3A_326, %parallel_loop3A_320 : vector<16xi1>, vector<16xi32>
          %parallel_loop3A_328 = vector.shape_cast %parallel_loop3A_327 : vector<16xi32> to vector<16x1xi32>
          %parallel_loop3A_329 = vector.shape_cast %parallel_loop3A_328 : vector<16x1xi32> to vector<16xi32>
          %parallel_loop3A_330 = tpu.dynamic_gather %parallel_loop3A_314[%parallel_loop3A_329] in [0] : vector<16xf32>, vector<16xi32> -> vector<16xf32>
          %parallel_loop3A_331 = arith.addf %parallel_loop3A_314, %parallel_loop3A_330 : vector<16xf32>
          %parallel_loop3A_332 = arith.constant 4 : i32
          %parallel_loop3A_333 = vector.broadcast %parallel_loop3A_332 : i32 to vector<16xi32>
          %parallel_loop3A_334 = arith.addi %iota3A, %parallel_loop3A_333 : vector<16xi32>
          %parallel_loop3A_335 = arith.constant 15 : i32
          %parallel_loop3A_336 = vector.broadcast %parallel_loop3A_335 : i32 to vector<16xi32>
          %parallel_loop3A_337 = arith.andi %parallel_loop3A_334, %parallel_loop3A_336 : vector<16xi32>
          %parallel_loop3A_338 = arith.constant 0 : i32
          %parallel_loop3A_339 = vector.broadcast %parallel_loop3A_338 : i32 to vector<16xi32>
          %parallel_loop3A_340 = arith.cmpi slt, %parallel_loop3A_337, %parallel_loop3A_339 : vector<16xi32>
          %parallel_loop3A_341 = arith.constant 16 : i32
          %parallel_loop3A_342 = vector.broadcast %parallel_loop3A_341 : i32 to vector<16xi32>
          %parallel_loop3A_343 = arith.addi %parallel_loop3A_337, %parallel_loop3A_342 : vector<16xi32>
          %parallel_loop3A_344 = arith.select %parallel_loop3A_340, %parallel_loop3A_343, %parallel_loop3A_337 : vector<16xi1>, vector<16xi32>
          %parallel_loop3A_345 = vector.shape_cast %parallel_loop3A_344 : vector<16xi32> to vector<16x1xi32>
          %parallel_loop3A_346 = vector.shape_cast %parallel_loop3A_345 : vector<16x1xi32> to vector<16xi32>
          %parallel_loop3A_347 = tpu.dynamic_gather %parallel_loop3A_331[%parallel_loop3A_346] in [0] : vector<16xf32>, vector<16xi32> -> vector<16xf32>
          %parallel_loop3A_348 = arith.addf %parallel_loop3A_331, %parallel_loop3A_347 : vector<16xf32>
          %parallel_loop3A_349 = arith.constant 2 : i32
          %parallel_loop3A_350 = vector.broadcast %parallel_loop3A_349 : i32 to vector<16xi32>
          %parallel_loop3A_351 = arith.addi %iota3A, %parallel_loop3A_350 : vector<16xi32>
          %parallel_loop3A_352 = arith.constant 15 : i32
          %parallel_loop3A_353 = vector.broadcast %parallel_loop3A_352 : i32 to vector<16xi32>
          %parallel_loop3A_354 = arith.andi %parallel_loop3A_351, %parallel_loop3A_353 : vector<16xi32>
          %parallel_loop3A_355 = arith.constant 0 : i32
          %parallel_loop3A_356 = vector.broadcast %parallel_loop3A_355 : i32 to vector<16xi32>
          %parallel_loop3A_357 = arith.cmpi slt, %parallel_loop3A_354, %parallel_loop3A_356 : vector<16xi32>
          %parallel_loop3A_358 = arith.constant 16 : i32
          %parallel_loop3A_359 = vector.broadcast %parallel_loop3A_358 : i32 to vector<16xi32>
          %parallel_loop3A_360 = arith.addi %parallel_loop3A_354, %parallel_loop3A_359 : vector<16xi32>
          %parallel_loop3A_361 = arith.select %parallel_loop3A_357, %parallel_loop3A_360, %parallel_loop3A_354 : vector<16xi1>, vector<16xi32>
          %parallel_loop3A_362 = vector.shape_cast %parallel_loop3A_361 : vector<16xi32> to vector<16x1xi32>
          %parallel_loop3A_363 = vector.shape_cast %parallel_loop3A_362 : vector<16x1xi32> to vector<16xi32>
          %parallel_loop3A_364 = tpu.dynamic_gather %parallel_loop3A_348[%parallel_loop3A_363] in [0] : vector<16xf32>, vector<16xi32> -> vector<16xf32>
          %parallel_loop3A_365 = arith.addf %parallel_loop3A_348, %parallel_loop3A_364 : vector<16xf32>
          %parallel_loop3A_366 = arith.constant 1 : i32
          %parallel_loop3A_367 = vector.broadcast %parallel_loop3A_366 : i32 to vector<16xi32>
          %parallel_loop3A_368 = arith.addi %iota3A, %parallel_loop3A_367 : vector<16xi32>
          %parallel_loop3A_369 = arith.constant 15 : i32
          %parallel_loop3A_370 = vector.broadcast %parallel_loop3A_369 : i32 to vector<16xi32>
          %parallel_loop3A_371 = arith.andi %parallel_loop3A_368, %parallel_loop3A_370 : vector<16xi32>
          %parallel_loop3A_372 = arith.constant 0 : i32
          %parallel_loop3A_373 = vector.broadcast %parallel_loop3A_372 : i32 to vector<16xi32>
          %parallel_loop3A_374 = arith.cmpi slt, %parallel_loop3A_371, %parallel_loop3A_373 : vector<16xi32>
          %parallel_loop3A_375 = arith.constant 16 : i32
          %parallel_loop3A_376 = vector.broadcast %parallel_loop3A_375 : i32 to vector<16xi32>
          %parallel_loop3A_377 = arith.addi %parallel_loop3A_371, %parallel_loop3A_376 : vector<16xi32>
          %parallel_loop3A_378 = arith.select %parallel_loop3A_374, %parallel_loop3A_377, %parallel_loop3A_371 : vector<16xi1>, vector<16xi32>
          %parallel_loop3A_379 = vector.shape_cast %parallel_loop3A_378 : vector<16xi32> to vector<16x1xi32>
          %parallel_loop3A_380 = vector.shape_cast %parallel_loop3A_379 : vector<16x1xi32> to vector<16xi32>
          %parallel_loop3A_381 = tpu.dynamic_gather %parallel_loop3A_365[%parallel_loop3A_380] in [0] : vector<16xf32>, vector<16xi32> -> vector<16xf32>
          %parallel_loop3A_382 = arith.addf %parallel_loop3A_365, %parallel_loop3A_381 : vector<16xf32>
          %parallel_loop3A_383 = arith.mulf %parallel_loop3A_382, %parallel_loop3A_213 : vector<16xf32>
          %parallel_loop3A_384 = arith.mulf %parallel_loop3A_225, %parallel_loop3A_383 : vector<16xf32>
          %parallel_loop3A_385 = arith.index_cast %parallel_loop3A_198 : i32 to index
          %parallel_loop3A_386 = arith.constant 16 : index
          %parallel_loop3A_387 = tpu.vector_load %arg10[%parallel_loop3A_385, %parallel_loop3A_386] {strides = array<i32>} : memref<64x128xf32, #tpu.memory_space<vmem>>, vector<16xf32>,
          tpu.vector_store %arg10[%parallel_loop3A_385, %parallel_loop3A_386], %parallel_loop3A_384 {strides = array<i32>} : memref<64x128xf32, #tpu.memory_space<vmem>>, vector<16xf32>,
          %parallel_loop3A_388 = arith.index_cast %parallel_loop3A_198 : i32 to index
          %parallel_loop3A_389 = arith.constant 16 : index
          %parallel_loop3A_390 = tpu.vector_load %arg14[%parallel_loop3A_388, %parallel_loop3A_389] {strides = array<i32>} : memref<64x128xi32, #tpu.memory_space<vmem>>, vector<16xi32>,
          %parallel_loop3A_391 = vector.bitcast %parallel_loop3A_390 : vector<16xi32> to vector<32xbf16>
          %parallel_loop3A_392 = arith.index_cast %parallel_loop3A_198 : i32 to index
          %parallel_loop3A_393 = arith.constant 80 : index
          %parallel_loop3A_394 = tpu.vector_load %arg14[%parallel_loop3A_392, %parallel_loop3A_393] {strides = array<i32>} : memref<64x128xi32, #tpu.memory_space<vmem>>, vector<16xi32>,
          %parallel_loop3A_395 = vector.bitcast %parallel_loop3A_394 : vector<16xi32> to vector<32xbf16>
          %parallel_loop3A_396 = tpu.unpack_subelements %parallel_loop3A_391, 0 {pack_format = #tpu.pack_format<interleaved>} : vector<32xbf16> -> vector<16xf32>
          %parallel_loop3A_397 = tpu.unpack_subelements %parallel_loop3A_391, 1 {pack_format = #tpu.pack_format<interleaved>} : vector<32xbf16> -> vector<16xf32>
          %parallel_loop3A_398 = tpu.unpack_subelements %parallel_loop3A_395, 0 {pack_format = #tpu.pack_format<interleaved>} : vector<32xbf16> -> vector<16xf32>
          %parallel_loop3A_399 = tpu.unpack_subelements %parallel_loop3A_395, 1 {pack_format = #tpu.pack_format<interleaved>} : vector<32xbf16> -> vector<16xf32>
          %parallel_loop3A_400 = arith.index_cast %parallel_loop3A_198 : i32 to index
          %parallel_loop3A_401 = arith.constant 32 : index
          %parallel_loop3A_402 = tpu.vector_load %arg12[%parallel_loop3A_400, %parallel_loop3A_401] {strides = array<i32>} : memref<64x128xf32, #tpu.memory_space<vmem>>, vector<16xf32>,
          %parallel_loop3A_403 = arith.index_cast %parallel_loop3A_198 : i32 to index
          %parallel_loop3A_404 = arith.constant 32 : index
          %parallel_loop3A_405 = tpu.vector_load %arg10[%parallel_loop3A_403, %parallel_loop3A_404] {strides = array<i32>} : memref<64x128xf32, #tpu.memory_space<vmem>>, vector<16xf32>,
          %parallel_loop3A_406 = arith.mulf %parallel_loop3A_402, %parallel_loop3A_405 : vector<16xf32>
          %parallel_loop3A_407 = arith.mulf %parallel_loop3A_406, %parallel_loop3A_396 : vector<16xf32>
          %parallel_loop3A_408 = arith.constant 8 : i32
          %parallel_loop3A_409 = vector.broadcast %parallel_loop3A_408 : i32 to vector<16xi32>
          %parallel_loop3A_410 = arith.addi %iota3A, %parallel_loop3A_409 : vector<16xi32>
          %parallel_loop3A_411 = arith.constant 15 : i32
          %parallel_loop3A_412 = vector.broadcast %parallel_loop3A_411 : i32 to vector<16xi32>
          %parallel_loop3A_413 = arith.andi %parallel_loop3A_410, %parallel_loop3A_412 : vector<16xi32>
          %parallel_loop3A_414 = arith.constant 0 : i32
          %parallel_loop3A_415 = vector.broadcast %parallel_loop3A_414 : i32 to vector<16xi32>
          %parallel_loop3A_416 = arith.cmpi slt, %parallel_loop3A_413, %parallel_loop3A_415 : vector<16xi32>
          %parallel_loop3A_417 = arith.constant 16 : i32
          %parallel_loop3A_418 = vector.broadcast %parallel_loop3A_417 : i32 to vector<16xi32>
          %parallel_loop3A_419 = arith.addi %parallel_loop3A_413, %parallel_loop3A_418 : vector<16xi32>
          %parallel_loop3A_420 = arith.select %parallel_loop3A_416, %parallel_loop3A_419, %parallel_loop3A_413 : vector<16xi1>, vector<16xi32>
          %parallel_loop3A_421 = vector.shape_cast %parallel_loop3A_420 : vector<16xi32> to vector<16x1xi32>
          %parallel_loop3A_422 = vector.shape_cast %parallel_loop3A_421 : vector<16x1xi32> to vector<16xi32>
          %parallel_loop3A_423 = tpu.dynamic_gather %parallel_loop3A_407[%parallel_loop3A_422] in [0] : vector<16xf32>, vector<16xi32> -> vector<16xf32>
          %parallel_loop3A_424 = arith.addf %parallel_loop3A_407, %parallel_loop3A_423 : vector<16xf32>
          %parallel_loop3A_425 = arith.constant 4 : i32
          %parallel_loop3A_426 = vector.broadcast %parallel_loop3A_425 : i32 to vector<16xi32>
          %parallel_loop3A_427 = arith.addi %iota3A, %parallel_loop3A_426 : vector<16xi32>
          %parallel_loop3A_428 = arith.constant 15 : i32
          %parallel_loop3A_429 = vector.broadcast %parallel_loop3A_428 : i32 to vector<16xi32>
          %parallel_loop3A_430 = arith.andi %parallel_loop3A_427, %parallel_loop3A_429 : vector<16xi32>
          %parallel_loop3A_431 = arith.constant 0 : i32
          %parallel_loop3A_432 = vector.broadcast %parallel_loop3A_431 : i32 to vector<16xi32>
          %parallel_loop3A_433 = arith.cmpi slt, %parallel_loop3A_430, %parallel_loop3A_432 : vector<16xi32>
          %parallel_loop3A_434 = arith.constant 16 : i32
          %parallel_loop3A_435 = vector.broadcast %parallel_loop3A_434 : i32 to vector<16xi32>
          %parallel_loop3A_436 = arith.addi %parallel_loop3A_430, %parallel_loop3A_435 : vector<16xi32>
          %parallel_loop3A_437 = arith.select %parallel_loop3A_433, %parallel_loop3A_436, %parallel_loop3A_430 : vector<16xi1>, vector<16xi32>
          %parallel_loop3A_438 = vector.shape_cast %parallel_loop3A_437 : vector<16xi32> to vector<16x1xi32>
          %parallel_loop3A_439 = vector.shape_cast %parallel_loop3A_438 : vector<16x1xi32> to vector<16xi32>
          %parallel_loop3A_440 = tpu.dynamic_gather %parallel_loop3A_424[%parallel_loop3A_439] in [0] : vector<16xf32>, vector<16xi32> -> vector<16xf32>
          %parallel_loop3A_441 = arith.addf %parallel_loop3A_424, %parallel_loop3A_440 : vector<16xf32>
          %parallel_loop3A_442 = arith.constant 2 : i32
          %parallel_loop3A_443 = vector.broadcast %parallel_loop3A_442 : i32 to vector<16xi32>
          %parallel_loop3A_444 = arith.addi %iota3A, %parallel_loop3A_443 : vector<16xi32>
          %parallel_loop3A_445 = arith.constant 15 : i32
          %parallel_loop3A_446 = vector.broadcast %parallel_loop3A_445 : i32 to vector<16xi32>
          %parallel_loop3A_447 = arith.andi %parallel_loop3A_444, %parallel_loop3A_446 : vector<16xi32>
          %parallel_loop3A_448 = arith.constant 0 : i32
          %parallel_loop3A_449 = vector.broadcast %parallel_loop3A_448 : i32 to vector<16xi32>
          %parallel_loop3A_450 = arith.cmpi slt, %parallel_loop3A_447, %parallel_loop3A_449 : vector<16xi32>
          %parallel_loop3A_451 = arith.constant 16 : i32
          %parallel_loop3A_452 = vector.broadcast %parallel_loop3A_451 : i32 to vector<16xi32>
          %parallel_loop3A_453 = arith.addi %parallel_loop3A_447, %parallel_loop3A_452 : vector<16xi32>
          %parallel_loop3A_454 = arith.select %parallel_loop3A_450, %parallel_loop3A_453, %parallel_loop3A_447 : vector<16xi1>, vector<16xi32>
          %parallel_loop3A_455 = vector.shape_cast %parallel_loop3A_454 : vector<16xi32> to vector<16x1xi32>
          %parallel_loop3A_456 = vector.shape_cast %parallel_loop3A_455 : vector<16x1xi32> to vector<16xi32>
          %parallel_loop3A_457 = tpu.dynamic_gather %parallel_loop3A_441[%parallel_loop3A_456] in [0] : vector<16xf32>, vector<16xi32> -> vector<16xf32>
          %parallel_loop3A_458 = arith.addf %parallel_loop3A_441, %parallel_loop3A_457 : vector<16xf32>
          %parallel_loop3A_459 = arith.constant 1 : i32
          %parallel_loop3A_460 = vector.broadcast %parallel_loop3A_459 : i32 to vector<16xi32>
          %parallel_loop3A_461 = arith.addi %iota3A, %parallel_loop3A_460 : vector<16xi32>
          %parallel_loop3A_462 = arith.constant 15 : i32
          %parallel_loop3A_463 = vector.broadcast %parallel_loop3A_462 : i32 to vector<16xi32>
          %parallel_loop3A_464 = arith.andi %parallel_loop3A_461, %parallel_loop3A_463 : vector<16xi32>
          %parallel_loop3A_465 = arith.constant 0 : i32
          %parallel_loop3A_466 = vector.broadcast %parallel_loop3A_465 : i32 to vector<16xi32>
          %parallel_loop3A_467 = arith.cmpi slt, %parallel_loop3A_464, %parallel_loop3A_466 : vector<16xi32>
          %parallel_loop3A_468 = arith.constant 16 : i32
          %parallel_loop3A_469 = vector.broadcast %parallel_loop3A_468 : i32 to vector<16xi32>
          %parallel_loop3A_470 = arith.addi %parallel_loop3A_464, %parallel_loop3A_469 : vector<16xi32>
          %parallel_loop3A_471 = arith.select %parallel_loop3A_467, %parallel_loop3A_470, %parallel_loop3A_464 : vector<16xi1>, vector<16xi32>
          %parallel_loop3A_472 = vector.shape_cast %parallel_loop3A_471 : vector<16xi32> to vector<16x1xi32>
          %parallel_loop3A_473 = vector.shape_cast %parallel_loop3A_472 : vector<16x1xi32> to vector<16xi32>
          %parallel_loop3A_474 = tpu.dynamic_gather %parallel_loop3A_458[%parallel_loop3A_473] in [0] : vector<16xf32>, vector<16xi32> -> vector<16xf32>
          %parallel_loop3A_475 = arith.addf %parallel_loop3A_458, %parallel_loop3A_474 : vector<16xf32>
          %parallel_loop3A_476 = arith.mulf %parallel_loop3A_475, %parallel_loop3A_213 : vector<16xf32>
          %parallel_loop3A_477 = arith.mulf %parallel_loop3A_398, %parallel_loop3A_476 : vector<16xf32>
          %parallel_loop3A_478 = arith.index_cast %parallel_loop3A_198 : i32 to index
          %parallel_loop3A_479 = arith.constant 32 : index
          %parallel_loop3A_480 = tpu.vector_load %arg10[%parallel_loop3A_478, %parallel_loop3A_479] {strides = array<i32>} : memref<64x128xf32, #tpu.memory_space<vmem>>, vector<16xf32>,
          tpu.vector_store %arg10[%parallel_loop3A_478, %parallel_loop3A_479], %parallel_loop3A_477 {strides = array<i32>} : memref<64x128xf32, #tpu.memory_space<vmem>>, vector<16xf32>,
          %parallel_loop3A_481 = arith.index_cast %parallel_loop3A_198 : i32 to index
          %parallel_loop3A_482 = arith.constant 48 : index
          %parallel_loop3A_483 = tpu.vector_load %arg12[%parallel_loop3A_481, %parallel_loop3A_482] {strides = array<i32>} : memref<64x128xf32, #tpu.memory_space<vmem>>, vector<16xf32>,
          %parallel_loop3A_484 = arith.index_cast %parallel_loop3A_198 : i32 to index
          %parallel_loop3A_485 = arith.constant 48 : index
          %parallel_loop3A_486 = tpu.vector_load %arg10[%parallel_loop3A_484, %parallel_loop3A_485] {strides = array<i32>} : memref<64x128xf32, #tpu.memory_space<vmem>>, vector<16xf32>,
          %parallel_loop3A_487 = arith.mulf %parallel_loop3A_483, %parallel_loop3A_486 : vector<16xf32>
          %parallel_loop3A_488 = arith.mulf %parallel_loop3A_487, %parallel_loop3A_397 : vector<16xf32>
          %parallel_loop3A_489 = arith.constant 8 : i32
          %parallel_loop3A_490 = vector.broadcast %parallel_loop3A_489 : i32 to vector<16xi32>
          %parallel_loop3A_491 = arith.addi %iota3A, %parallel_loop3A_490 : vector<16xi32>
          %parallel_loop3A_492 = arith.constant 15 : i32
          %parallel_loop3A_493 = vector.broadcast %parallel_loop3A_492 : i32 to vector<16xi32>
          %parallel_loop3A_494 = arith.andi %parallel_loop3A_491, %parallel_loop3A_493 : vector<16xi32>
          %parallel_loop3A_495 = arith.constant 0 : i32
          %parallel_loop3A_496 = vector.broadcast %parallel_loop3A_495 : i32 to vector<16xi32>
          %parallel_loop3A_497 = arith.cmpi slt, %parallel_loop3A_494, %parallel_loop3A_496 : vector<16xi32>
          %parallel_loop3A_498 = arith.constant 16 : i32
          %parallel_loop3A_499 = vector.broadcast %parallel_loop3A_498 : i32 to vector<16xi32>
          %parallel_loop3A_500 = arith.addi %parallel_loop3A_494, %parallel_loop3A_499 : vector<16xi32>
          %parallel_loop3A_501 = arith.select %parallel_loop3A_497, %parallel_loop3A_500, %parallel_loop3A_494 : vector<16xi1>, vector<16xi32>
          %parallel_loop3A_502 = vector.shape_cast %parallel_loop3A_501 : vector<16xi32> to vector<16x1xi32>
          %parallel_loop3A_503 = vector.shape_cast %parallel_loop3A_502 : vector<16x1xi32> to vector<16xi32>
          %parallel_loop3A_504 = tpu.dynamic_gather %parallel_loop3A_488[%parallel_loop3A_503] in [0] : vector<16xf32>, vector<16xi32> -> vector<16xf32>
          %parallel_loop3A_505 = arith.addf %parallel_loop3A_488, %parallel_loop3A_504 : vector<16xf32>
          %parallel_loop3A_506 = arith.constant 4 : i32
          %parallel_loop3A_507 = vector.broadcast %parallel_loop3A_506 : i32 to vector<16xi32>
          %parallel_loop3A_508 = arith.addi %iota3A, %parallel_loop3A_507 : vector<16xi32>
          %parallel_loop3A_509 = arith.constant 15 : i32
          %parallel_loop3A_510 = vector.broadcast %parallel_loop3A_509 : i32 to vector<16xi32>
          %parallel_loop3A_511 = arith.andi %parallel_loop3A_508, %parallel_loop3A_510 : vector<16xi32>
          %parallel_loop3A_512 = arith.constant 0 : i32
          %parallel_loop3A_513 = vector.broadcast %parallel_loop3A_512 : i32 to vector<16xi32>
          %parallel_loop3A_514 = arith.cmpi slt, %parallel_loop3A_511, %parallel_loop3A_513 : vector<16xi32>
          %parallel_loop3A_515 = arith.constant 16 : i32
          %parallel_loop3A_516 = vector.broadcast %parallel_loop3A_515 : i32 to vector<16xi32>
          %parallel_loop3A_517 = arith.addi %parallel_loop3A_511, %parallel_loop3A_516 : vector<16xi32>
          %parallel_loop3A_518 = arith.select %parallel_loop3A_514, %parallel_loop3A_517, %parallel_loop3A_511 : vector<16xi1>, vector<16xi32>
          %parallel_loop3A_519 = vector.shape_cast %parallel_loop3A_518 : vector<16xi32> to vector<16x1xi32>
          %parallel_loop3A_520 = vector.shape_cast %parallel_loop3A_519 : vector<16x1xi32> to vector<16xi32>
          %parallel_loop3A_521 = tpu.dynamic_gather %parallel_loop3A_505[%parallel_loop3A_520] in [0] : vector<16xf32>, vector<16xi32> -> vector<16xf32>
          %parallel_loop3A_522 = arith.addf %parallel_loop3A_505, %parallel_loop3A_521 : vector<16xf32>
          %parallel_loop3A_523 = arith.constant 2 : i32
          %parallel_loop3A_524 = vector.broadcast %parallel_loop3A_523 : i32 to vector<16xi32>
          %parallel_loop3A_525 = arith.addi %iota3A, %parallel_loop3A_524 : vector<16xi32>
          %parallel_loop3A_526 = arith.constant 15 : i32
          %parallel_loop3A_527 = vector.broadcast %parallel_loop3A_526 : i32 to vector<16xi32>
          %parallel_loop3A_528 = arith.andi %parallel_loop3A_525, %parallel_loop3A_527 : vector<16xi32>
          %parallel_loop3A_529 = arith.constant 0 : i32
          %parallel_loop3A_530 = vector.broadcast %parallel_loop3A_529 : i32 to vector<16xi32>
          %parallel_loop3A_531 = arith.cmpi slt, %parallel_loop3A_528, %parallel_loop3A_530 : vector<16xi32>
          %parallel_loop3A_532 = arith.constant 16 : i32
          %parallel_loop3A_533 = vector.broadcast %parallel_loop3A_532 : i32 to vector<16xi32>
          %parallel_loop3A_534 = arith.addi %parallel_loop3A_528, %parallel_loop3A_533 : vector<16xi32>
          %parallel_loop3A_535 = arith.select %parallel_loop3A_531, %parallel_loop3A_534, %parallel_loop3A_528 : vector<16xi1>, vector<16xi32>
          %parallel_loop3A_536 = vector.shape_cast %parallel_loop3A_535 : vector<16xi32> to vector<16x1xi32>
          %parallel_loop3A_537 = vector.shape_cast %parallel_loop3A_536 : vector<16x1xi32> to vector<16xi32>
          %parallel_loop3A_538 = tpu.dynamic_gather %parallel_loop3A_522[%parallel_loop3A_537] in [0] : vector<16xf32>, vector<16xi32> -> vector<16xf32>
          %parallel_loop3A_539 = arith.addf %parallel_loop3A_522, %parallel_loop3A_538 : vector<16xf32>
          %parallel_loop3A_540 = arith.constant 1 : i32
          %parallel_loop3A_541 = vector.broadcast %parallel_loop3A_540 : i32 to vector<16xi32>
          %parallel_loop3A_542 = arith.addi %iota3A, %parallel_loop3A_541 : vector<16xi32>
          %parallel_loop3A_543 = arith.constant 15 : i32
          %parallel_loop3A_544 = vector.broadcast %parallel_loop3A_543 : i32 to vector<16xi32>
          %parallel_loop3A_545 = arith.andi %parallel_loop3A_542, %parallel_loop3A_544 : vector<16xi32>
          %parallel_loop3A_546 = arith.constant 0 : i32
          %parallel_loop3A_547 = vector.broadcast %parallel_loop3A_546 : i32 to vector<16xi32>
          %parallel_loop3A_548 = arith.cmpi slt, %parallel_loop3A_545, %parallel_loop3A_547 : vector<16xi32>
          %parallel_loop3A_549 = arith.constant 16 : i32
          %parallel_loop3A_550 = vector.broadcast %parallel_loop3A_549 : i32 to vector<16xi32>
          %parallel_loop3A_551 = arith.addi %parallel_loop3A_545, %parallel_loop3A_550 : vector<16xi32>
          %parallel_loop3A_552 = arith.select %parallel_loop3A_548, %parallel_loop3A_551, %parallel_loop3A_545 : vector<16xi1>, vector<16xi32>
          %parallel_loop3A_553 = vector.shape_cast %parallel_loop3A_552 : vector<16xi32> to vector<16x1xi32>
          %parallel_loop3A_554 = vector.shape_cast %parallel_loop3A_553 : vector<16x1xi32> to vector<16xi32>
          %parallel_loop3A_555 = tpu.dynamic_gather %parallel_loop3A_539[%parallel_loop3A_554] in [0] : vector<16xf32>, vector<16xi32> -> vector<16xf32>
          %parallel_loop3A_556 = arith.addf %parallel_loop3A_539, %parallel_loop3A_555 : vector<16xf32>
          %parallel_loop3A_557 = arith.mulf %parallel_loop3A_556, %parallel_loop3A_213 : vector<16xf32>
          %parallel_loop3A_558 = arith.mulf %parallel_loop3A_399, %parallel_loop3A_557 : vector<16xf32>
          %parallel_loop3A_559 = arith.index_cast %parallel_loop3A_198 : i32 to index
          %parallel_loop3A_560 = arith.constant 48 : index
          %parallel_loop3A_561 = tpu.vector_load %arg10[%parallel_loop3A_559, %parallel_loop3A_560] {strides = array<i32>} : memref<64x128xf32, #tpu.memory_space<vmem>>, vector<16xf32>,
          tpu.vector_store %arg10[%parallel_loop3A_559, %parallel_loop3A_560], %parallel_loop3A_558 {strides = array<i32>} : memref<64x128xf32, #tpu.memory_space<vmem>>, vector<16xf32>,
          %parallel_loop3A_562 = arith.index_cast %parallel_loop3A_198 : i32 to index
          %parallel_loop3A_563 = arith.constant 32 : index
          %parallel_loop3A_564 = tpu.vector_load %arg14[%parallel_loop3A_562, %parallel_loop3A_563] {strides = array<i32>} : memref<64x128xi32, #tpu.memory_space<vmem>>, vector<16xi32>,
          %parallel_loop3A_565 = vector.bitcast %parallel_loop3A_564 : vector<16xi32> to vector<32xbf16>
          %parallel_loop3A_566 = arith.index_cast %parallel_loop3A_198 : i32 to index
          %parallel_loop3A_567 = arith.constant 96 : index
          %parallel_loop3A_568 = tpu.vector_load %arg14[%parallel_loop3A_566, %parallel_loop3A_567] {strides = array<i32>} : memref<64x128xi32, #tpu.memory_space<vmem>>, vector<16xi32>,
          %parallel_loop3A_569 = vector.bitcast %parallel_loop3A_568 : vector<16xi32> to vector<32xbf16>
          %parallel_loop3A_570 = tpu.unpack_subelements %parallel_loop3A_565, 0 {pack_format = #tpu.pack_format<interleaved>} : vector<32xbf16> -> vector<16xf32>
          %parallel_loop3A_571 = tpu.unpack_subelements %parallel_loop3A_565, 1 {pack_format = #tpu.pack_format<interleaved>} : vector<32xbf16> -> vector<16xf32>
          %parallel_loop3A_572 = tpu.unpack_subelements %parallel_loop3A_569, 0 {pack_format = #tpu.pack_format<interleaved>} : vector<32xbf16> -> vector<16xf32>
          %parallel_loop3A_573 = tpu.unpack_subelements %parallel_loop3A_569, 1 {pack_format = #tpu.pack_format<interleaved>} : vector<32xbf16> -> vector<16xf32>
          %parallel_loop3A_574 = arith.index_cast %parallel_loop3A_198 : i32 to index
          %parallel_loop3A_575 = arith.constant 64 : index
          %parallel_loop3A_576 = tpu.vector_load %arg12[%parallel_loop3A_574, %parallel_loop3A_575] {strides = array<i32>} : memref<64x128xf32, #tpu.memory_space<vmem>>, vector<16xf32>,
          %parallel_loop3A_577 = arith.index_cast %parallel_loop3A_198 : i32 to index
          %parallel_loop3A_578 = arith.constant 64 : index
          %parallel_loop3A_579 = tpu.vector_load %arg10[%parallel_loop3A_577, %parallel_loop3A_578] {strides = array<i32>} : memref<64x128xf32, #tpu.memory_space<vmem>>, vector<16xf32>,
          %parallel_loop3A_580 = arith.mulf %parallel_loop3A_576, %parallel_loop3A_579 : vector<16xf32>
          %parallel_loop3A_581 = arith.mulf %parallel_loop3A_580, %parallel_loop3A_570 : vector<16xf32>
          %parallel_loop3A_582 = arith.constant 8 : i32
          %parallel_loop3A_583 = vector.broadcast %parallel_loop3A_582 : i32 to vector<16xi32>
          %parallel_loop3A_584 = arith.addi %iota3A, %parallel_loop3A_583 : vector<16xi32>
          %parallel_loop3A_585 = arith.constant 15 : i32
          %parallel_loop3A_586 = vector.broadcast %parallel_loop3A_585 : i32 to vector<16xi32>
          %parallel_loop3A_587 = arith.andi %parallel_loop3A_584, %parallel_loop3A_586 : vector<16xi32>
          %parallel_loop3A_588 = arith.constant 0 : i32
          %parallel_loop3A_589 = vector.broadcast %parallel_loop3A_588 : i32 to vector<16xi32>
          %parallel_loop3A_590 = arith.cmpi slt, %parallel_loop3A_587, %parallel_loop3A_589 : vector<16xi32>
          %parallel_loop3A_591 = arith.constant 16 : i32
          %parallel_loop3A_592 = vector.broadcast %parallel_loop3A_591 : i32 to vector<16xi32>
          %parallel_loop3A_593 = arith.addi %parallel_loop3A_587, %parallel_loop3A_592 : vector<16xi32>
          %parallel_loop3A_594 = arith.select %parallel_loop3A_590, %parallel_loop3A_593, %parallel_loop3A_587 : vector<16xi1>, vector<16xi32>
          %parallel_loop3A_595 = vector.shape_cast %parallel_loop3A_594 : vector<16xi32> to vector<16x1xi32>
          %parallel_loop3A_596 = vector.shape_cast %parallel_loop3A_595 : vector<16x1xi32> to vector<16xi32>
          %parallel_loop3A_597 = tpu.dynamic_gather %parallel_loop3A_581[%parallel_loop3A_596] in [0] : vector<16xf32>, vector<16xi32> -> vector<16xf32>
          %parallel_loop3A_598 = arith.addf %parallel_loop3A_581, %parallel_loop3A_597 : vector<16xf32>
          %parallel_loop3A_599 = arith.constant 4 : i32
          %parallel_loop3A_600 = vector.broadcast %parallel_loop3A_599 : i32 to vector<16xi32>
          %parallel_loop3A_601 = arith.addi %iota3A, %parallel_loop3A_600 : vector<16xi32>
          %parallel_loop3A_602 = arith.constant 15 : i32
          %parallel_loop3A_603 = vector.broadcast %parallel_loop3A_602 : i32 to vector<16xi32>
          %parallel_loop3A_604 = arith.andi %parallel_loop3A_601, %parallel_loop3A_603 : vector<16xi32>
          %parallel_loop3A_605 = arith.constant 0 : i32
          %parallel_loop3A_606 = vector.broadcast %parallel_loop3A_605 : i32 to vector<16xi32>
          %parallel_loop3A_607 = arith.cmpi slt, %parallel_loop3A_604, %parallel_loop3A_606 : vector<16xi32>
          %parallel_loop3A_608 = arith.constant 16 : i32
          %parallel_loop3A_609 = vector.broadcast %parallel_loop3A_608 : i32 to vector<16xi32>
          %parallel_loop3A_610 = arith.addi %parallel_loop3A_604, %parallel_loop3A_609 : vector<16xi32>
          %parallel_loop3A_611 = arith.select %parallel_loop3A_607, %parallel_loop3A_610, %parallel_loop3A_604 : vector<16xi1>, vector<16xi32>
          %parallel_loop3A_612 = vector.shape_cast %parallel_loop3A_611 : vector<16xi32> to vector<16x1xi32>
          %parallel_loop3A_613 = vector.shape_cast %parallel_loop3A_612 : vector<16x1xi32> to vector<16xi32>
          %parallel_loop3A_614 = tpu.dynamic_gather %parallel_loop3A_598[%parallel_loop3A_613] in [0] : vector<16xf32>, vector<16xi32> -> vector<16xf32>
          %parallel_loop3A_615 = arith.addf %parallel_loop3A_598, %parallel_loop3A_614 : vector<16xf32>
          %parallel_loop3A_616 = arith.constant 2 : i32
          %parallel_loop3A_617 = vector.broadcast %parallel_loop3A_616 : i32 to vector<16xi32>
          %parallel_loop3A_618 = arith.addi %iota3A, %parallel_loop3A_617 : vector<16xi32>
          %parallel_loop3A_619 = arith.constant 15 : i32
          %parallel_loop3A_620 = vector.broadcast %parallel_loop3A_619 : i32 to vector<16xi32>
          %parallel_loop3A_621 = arith.andi %parallel_loop3A_618, %parallel_loop3A_620 : vector<16xi32>
          %parallel_loop3A_622 = arith.constant 0 : i32
          %parallel_loop3A_623 = vector.broadcast %parallel_loop3A_622 : i32 to vector<16xi32>
          %parallel_loop3A_624 = arith.cmpi slt, %parallel_loop3A_621, %parallel_loop3A_623 : vector<16xi32>
          %parallel_loop3A_625 = arith.constant 16 : i32
          %parallel_loop3A_626 = vector.broadcast %parallel_loop3A_625 : i32 to vector<16xi32>
          %parallel_loop3A_627 = arith.addi %parallel_loop3A_621, %parallel_loop3A_626 : vector<16xi32>
          %parallel_loop3A_628 = arith.select %parallel_loop3A_624, %parallel_loop3A_627, %parallel_loop3A_621 : vector<16xi1>, vector<16xi32>
          %parallel_loop3A_629 = vector.shape_cast %parallel_loop3A_628 : vector<16xi32> to vector<16x1xi32>
          %parallel_loop3A_630 = vector.shape_cast %parallel_loop3A_629 : vector<16x1xi32> to vector<16xi32>
          %parallel_loop3A_631 = tpu.dynamic_gather %parallel_loop3A_615[%parallel_loop3A_630] in [0] : vector<16xf32>, vector<16xi32> -> vector<16xf32>
          %parallel_loop3A_632 = arith.addf %parallel_loop3A_615, %parallel_loop3A_631 : vector<16xf32>
          %parallel_loop3A_633 = arith.constant 1 : i32
          %parallel_loop3A_634 = vector.broadcast %parallel_loop3A_633 : i32 to vector<16xi32>
          %parallel_loop3A_635 = arith.addi %iota3A, %parallel_loop3A_634 : vector<16xi32>
          %parallel_loop3A_636 = arith.constant 15 : i32
          %parallel_loop3A_637 = vector.broadcast %parallel_loop3A_636 : i32 to vector<16xi32>
          %parallel_loop3A_638 = arith.andi %parallel_loop3A_635, %parallel_loop3A_637 : vector<16xi32>
          %parallel_loop3A_639 = arith.constant 0 : i32
          %parallel_loop3A_640 = vector.broadcast %parallel_loop3A_639 : i32 to vector<16xi32>
          %parallel_loop3A_641 = arith.cmpi slt, %parallel_loop3A_638, %parallel_loop3A_640 : vector<16xi32>
          %parallel_loop3A_642 = arith.constant 16 : i32
          %parallel_loop3A_643 = vector.broadcast %parallel_loop3A_642 : i32 to vector<16xi32>
          %parallel_loop3A_644 = arith.addi %parallel_loop3A_638, %parallel_loop3A_643 : vector<16xi32>
          %parallel_loop3A_645 = arith.select %parallel_loop3A_641, %parallel_loop3A_644, %parallel_loop3A_638 : vector<16xi1>, vector<16xi32>
          %parallel_loop3A_646 = vector.shape_cast %parallel_loop3A_645 : vector<16xi32> to vector<16x1xi32>
          %parallel_loop3A_647 = vector.shape_cast %parallel_loop3A_646 : vector<16x1xi32> to vector<16xi32>
          %parallel_loop3A_648 = tpu.dynamic_gather %parallel_loop3A_632[%parallel_loop3A_647] in [0] : vector<16xf32>, vector<16xi32> -> vector<16xf32>
          %parallel_loop3A_649 = arith.addf %parallel_loop3A_632, %parallel_loop3A_648 : vector<16xf32>
          %parallel_loop3A_650 = arith.mulf %parallel_loop3A_649, %parallel_loop3A_213 : vector<16xf32>
          %parallel_loop3A_651 = arith.mulf %parallel_loop3A_572, %parallel_loop3A_650 : vector<16xf32>
          %parallel_loop3A_652 = arith.index_cast %parallel_loop3A_198 : i32 to index
          %parallel_loop3A_653 = arith.constant 64 : index
          %parallel_loop3A_654 = tpu.vector_load %arg10[%parallel_loop3A_652, %parallel_loop3A_653] {strides = array<i32>} : memref<64x128xf32, #tpu.memory_space<vmem>>, vector<16xf32>,
          tpu.vector_store %arg10[%parallel_loop3A_652, %parallel_loop3A_653], %parallel_loop3A_651 {strides = array<i32>} : memref<64x128xf32, #tpu.memory_space<vmem>>, vector<16xf32>,
          %parallel_loop3A_655 = arith.index_cast %parallel_loop3A_198 : i32 to index
          %parallel_loop3A_656 = arith.constant 80 : index
          %parallel_loop3A_657 = tpu.vector_load %arg12[%parallel_loop3A_655, %parallel_loop3A_656] {strides = array<i32>} : memref<64x128xf32, #tpu.memory_space<vmem>>, vector<16xf32>,
          %parallel_loop3A_658 = arith.index_cast %parallel_loop3A_198 : i32 to index
          %parallel_loop3A_659 = arith.constant 80 : index
          %parallel_loop3A_660 = tpu.vector_load %arg10[%parallel_loop3A_658, %parallel_loop3A_659] {strides = array<i32>} : memref<64x128xf32, #tpu.memory_space<vmem>>, vector<16xf32>,
          %parallel_loop3A_661 = arith.mulf %parallel_loop3A_657, %parallel_loop3A_660 : vector<16xf32>
          %parallel_loop3A_662 = arith.mulf %parallel_loop3A_661, %parallel_loop3A_571 : vector<16xf32>
          %parallel_loop3A_663 = arith.constant 8 : i32
          %parallel_loop3A_664 = vector.broadcast %parallel_loop3A_663 : i32 to vector<16xi32>
          %parallel_loop3A_665 = arith.addi %iota3A, %parallel_loop3A_664 : vector<16xi32>
          %parallel_loop3A_666 = arith.constant 15 : i32
          %parallel_loop3A_667 = vector.broadcast %parallel_loop3A_666 : i32 to vector<16xi32>
          %parallel_loop3A_668 = arith.andi %parallel_loop3A_665, %parallel_loop3A_667 : vector<16xi32>
          %parallel_loop3A_669 = arith.constant 0 : i32
          %parallel_loop3A_670 = vector.broadcast %parallel_loop3A_669 : i32 to vector<16xi32>
          %parallel_loop3A_671 = arith.cmpi slt, %parallel_loop3A_668, %parallel_loop3A_670 : vector<16xi32>
          %parallel_loop3A_672 = arith.constant 16 : i32
          %parallel_loop3A_673 = vector.broadcast %parallel_loop3A_672 : i32 to vector<16xi32>
          %parallel_loop3A_674 = arith.addi %parallel_loop3A_668, %parallel_loop3A_673 : vector<16xi32>
          %parallel_loop3A_675 = arith.select %parallel_loop3A_671, %parallel_loop3A_674, %parallel_loop3A_668 : vector<16xi1>, vector<16xi32>
          %parallel_loop3A_676 = vector.shape_cast %parallel_loop3A_675 : vector<16xi32> to vector<16x1xi32>
          %parallel_loop3A_677 = vector.shape_cast %parallel_loop3A_676 : vector<16x1xi32> to vector<16xi32>
          %parallel_loop3A_678 = tpu.dynamic_gather %parallel_loop3A_662[%parallel_loop3A_677] in [0] : vector<16xf32>, vector<16xi32> -> vector<16xf32>
          %parallel_loop3A_679 = arith.addf %parallel_loop3A_662, %parallel_loop3A_678 : vector<16xf32>
          %parallel_loop3A_680 = arith.constant 4 : i32
          %parallel_loop3A_681 = vector.broadcast %parallel_loop3A_680 : i32 to vector<16xi32>
          %parallel_loop3A_682 = arith.addi %iota3A, %parallel_loop3A_681 : vector<16xi32>
          %parallel_loop3A_683 = arith.constant 15 : i32
          %parallel_loop3A_684 = vector.broadcast %parallel_loop3A_683 : i32 to vector<16xi32>
          %parallel_loop3A_685 = arith.andi %parallel_loop3A_682, %parallel_loop3A_684 : vector<16xi32>
          %parallel_loop3A_686 = arith.constant 0 : i32
          %parallel_loop3A_687 = vector.broadcast %parallel_loop3A_686 : i32 to vector<16xi32>
          %parallel_loop3A_688 = arith.cmpi slt, %parallel_loop3A_685, %parallel_loop3A_687 : vector<16xi32>
          %parallel_loop3A_689 = arith.constant 16 : i32
          %parallel_loop3A_690 = vector.broadcast %parallel_loop3A_689 : i32 to vector<16xi32>
          %parallel_loop3A_691 = arith.addi %parallel_loop3A_685, %parallel_loop3A_690 : vector<16xi32>
          %parallel_loop3A_692 = arith.select %parallel_loop3A_688, %parallel_loop3A_691, %parallel_loop3A_685 : vector<16xi1>, vector<16xi32>
          %parallel_loop3A_693 = vector.shape_cast %parallel_loop3A_692 : vector<16xi32> to vector<16x1xi32>
          %parallel_loop3A_694 = vector.shape_cast %parallel_loop3A_693 : vector<16x1xi32> to vector<16xi32>
          %parallel_loop3A_695 = tpu.dynamic_gather %parallel_loop3A_679[%parallel_loop3A_694] in [0] : vector<16xf32>, vector<16xi32> -> vector<16xf32>
          %parallel_loop3A_696 = arith.addf %parallel_loop3A_679, %parallel_loop3A_695 : vector<16xf32>
          %parallel_loop3A_697 = arith.constant 2 : i32
          %parallel_loop3A_698 = vector.broadcast %parallel_loop3A_697 : i32 to vector<16xi32>
          %parallel_loop3A_699 = arith.addi %iota3A, %parallel_loop3A_698 : vector<16xi32>
          %parallel_loop3A_700 = arith.constant 15 : i32
          %parallel_loop3A_701 = vector.broadcast %parallel_loop3A_700 : i32 to vector<16xi32>
          %parallel_loop3A_702 = arith.andi %parallel_loop3A_699, %parallel_loop3A_701 : vector<16xi32>
          %parallel_loop3A_703 = arith.constant 0 : i32
          %parallel_loop3A_704 = vector.broadcast %parallel_loop3A_703 : i32 to vector<16xi32>
          %parallel_loop3A_705 = arith.cmpi slt, %parallel_loop3A_702, %parallel_loop3A_704 : vector<16xi32>
          %parallel_loop3A_706 = arith.constant 16 : i32
          %parallel_loop3A_707 = vector.broadcast %parallel_loop3A_706 : i32 to vector<16xi32>
          %parallel_loop3A_708 = arith.addi %parallel_loop3A_702, %parallel_loop3A_707 : vector<16xi32>
          %parallel_loop3A_709 = arith.select %parallel_loop3A_705, %parallel_loop3A_708, %parallel_loop3A_702 : vector<16xi1>, vector<16xi32>
          %parallel_loop3A_710 = vector.shape_cast %parallel_loop3A_709 : vector<16xi32> to vector<16x1xi32>
          %parallel_loop3A_711 = vector.shape_cast %parallel_loop3A_710 : vector<16x1xi32> to vector<16xi32>
          %parallel_loop3A_712 = tpu.dynamic_gather %parallel_loop3A_696[%parallel_loop3A_711] in [0] : vector<16xf32>, vector<16xi32> -> vector<16xf32>
          %parallel_loop3A_713 = arith.addf %parallel_loop3A_696, %parallel_loop3A_712 : vector<16xf32>
          %parallel_loop3A_714 = arith.constant 1 : i32
          %parallel_loop3A_715 = vector.broadcast %parallel_loop3A_714 : i32 to vector<16xi32>
          %parallel_loop3A_716 = arith.addi %iota3A, %parallel_loop3A_715 : vector<16xi32>
          %parallel_loop3A_717 = arith.constant 15 : i32
          %parallel_loop3A_718 = vector.broadcast %parallel_loop3A_717 : i32 to vector<16xi32>
          %parallel_loop3A_719 = arith.andi %parallel_loop3A_716, %parallel_loop3A_718 : vector<16xi32>
          %parallel_loop3A_720 = arith.constant 0 : i32
          %parallel_loop3A_721 = vector.broadcast %parallel_loop3A_720 : i32 to vector<16xi32>
          %parallel_loop3A_722 = arith.cmpi slt, %parallel_loop3A_719, %parallel_loop3A_721 : vector<16xi32>
          %parallel_loop3A_723 = arith.constant 16 : i32
          %parallel_loop3A_724 = vector.broadcast %parallel_loop3A_723 : i32 to vector<16xi32>
          %parallel_loop3A_725 = arith.addi %parallel_loop3A_719, %parallel_loop3A_724 : vector<16xi32>
          %parallel_loop3A_726 = arith.select %parallel_loop3A_722, %parallel_loop3A_725, %parallel_loop3A_719 : vector<16xi1>, vector<16xi32>
          %parallel_loop3A_727 = vector.shape_cast %parallel_loop3A_726 : vector<16xi32> to vector<16x1xi32>
          %parallel_loop3A_728 = vector.shape_cast %parallel_loop3A_727 : vector<16x1xi32> to vector<16xi32>
          %parallel_loop3A_729 = tpu.dynamic_gather %parallel_loop3A_713[%parallel_loop3A_728] in [0] : vector<16xf32>, vector<16xi32> -> vector<16xf32>
          %parallel_loop3A_730 = arith.addf %parallel_loop3A_713, %parallel_loop3A_729 : vector<16xf32>
          %parallel_loop3A_731 = arith.mulf %parallel_loop3A_730, %parallel_loop3A_213 : vector<16xf32>
          %parallel_loop3A_732 = arith.mulf %parallel_loop3A_573, %parallel_loop3A_731 : vector<16xf32>
          %parallel_loop3A_733 = arith.index_cast %parallel_loop3A_198 : i32 to index
          %parallel_loop3A_734 = arith.constant 80 : index
          %parallel_loop3A_735 = tpu.vector_load %arg10[%parallel_loop3A_733, %parallel_loop3A_734] {strides = array<i32>} : memref<64x128xf32, #tpu.memory_space<vmem>>, vector<16xf32>,
          tpu.vector_store %arg10[%parallel_loop3A_733, %parallel_loop3A_734], %parallel_loop3A_732 {strides = array<i32>} : memref<64x128xf32, #tpu.memory_space<vmem>>, vector<16xf32>,
          %parallel_loop3A_736 = arith.index_cast %parallel_loop3A_198 : i32 to index
          %parallel_loop3A_737 = arith.constant 48 : index
          %parallel_loop3A_738 = tpu.vector_load %arg14[%parallel_loop3A_736, %parallel_loop3A_737] {strides = array<i32>} : memref<64x128xi32, #tpu.memory_space<vmem>>, vector<16xi32>,
          %parallel_loop3A_739 = vector.bitcast %parallel_loop3A_738 : vector<16xi32> to vector<32xbf16>
          %parallel_loop3A_740 = arith.index_cast %parallel_loop3A_198 : i32 to index
          %parallel_loop3A_741 = arith.constant 112 : index
          %parallel_loop3A_742 = tpu.vector_load %arg14[%parallel_loop3A_740, %parallel_loop3A_741] {strides = array<i32>} : memref<64x128xi32, #tpu.memory_space<vmem>>, vector<16xi32>,
          %parallel_loop3A_743 = vector.bitcast %parallel_loop3A_742 : vector<16xi32> to vector<32xbf16>
          %parallel_loop3A_744 = tpu.unpack_subelements %parallel_loop3A_739, 0 {pack_format = #tpu.pack_format<interleaved>} : vector<32xbf16> -> vector<16xf32>
          %parallel_loop3A_745 = tpu.unpack_subelements %parallel_loop3A_739, 1 {pack_format = #tpu.pack_format<interleaved>} : vector<32xbf16> -> vector<16xf32>
          %parallel_loop3A_746 = tpu.unpack_subelements %parallel_loop3A_743, 0 {pack_format = #tpu.pack_format<interleaved>} : vector<32xbf16> -> vector<16xf32>
          %parallel_loop3A_747 = tpu.unpack_subelements %parallel_loop3A_743, 1 {pack_format = #tpu.pack_format<interleaved>} : vector<32xbf16> -> vector<16xf32>
          %parallel_loop3A_748 = arith.index_cast %parallel_loop3A_198 : i32 to index
          %parallel_loop3A_749 = arith.constant 96 : index
          %parallel_loop3A_750 = tpu.vector_load %arg12[%parallel_loop3A_748, %parallel_loop3A_749] {strides = array<i32>} : memref<64x128xf32, #tpu.memory_space<vmem>>, vector<16xf32>,
          %parallel_loop3A_751 = arith.index_cast %parallel_loop3A_198 : i32 to index
          %parallel_loop3A_752 = arith.constant 96 : index
          %parallel_loop3A_753 = tpu.vector_load %arg10[%parallel_loop3A_751, %parallel_loop3A_752] {strides = array<i32>} : memref<64x128xf32, #tpu.memory_space<vmem>>, vector<16xf32>,
          %parallel_loop3A_754 = arith.mulf %parallel_loop3A_750, %parallel_loop3A_753 : vector<16xf32>
          %parallel_loop3A_755 = arith.mulf %parallel_loop3A_754, %parallel_loop3A_744 : vector<16xf32>
          %parallel_loop3A_756 = arith.constant 8 : i32
          %parallel_loop3A_757 = vector.broadcast %parallel_loop3A_756 : i32 to vector<16xi32>
          %parallel_loop3A_758 = arith.addi %iota3A, %parallel_loop3A_757 : vector<16xi32>
          %parallel_loop3A_759 = arith.constant 15 : i32
          %parallel_loop3A_760 = vector.broadcast %parallel_loop3A_759 : i32 to vector<16xi32>
          %parallel_loop3A_761 = arith.andi %parallel_loop3A_758, %parallel_loop3A_760 : vector<16xi32>
          %parallel_loop3A_762 = arith.constant 0 : i32
          %parallel_loop3A_763 = vector.broadcast %parallel_loop3A_762 : i32 to vector<16xi32>
          %parallel_loop3A_764 = arith.cmpi slt, %parallel_loop3A_761, %parallel_loop3A_763 : vector<16xi32>
          %parallel_loop3A_765 = arith.constant 16 : i32
          %parallel_loop3A_766 = vector.broadcast %parallel_loop3A_765 : i32 to vector<16xi32>
          %parallel_loop3A_767 = arith.addi %parallel_loop3A_761, %parallel_loop3A_766 : vector<16xi32>
          %parallel_loop3A_768 = arith.select %parallel_loop3A_764, %parallel_loop3A_767, %parallel_loop3A_761 : vector<16xi1>, vector<16xi32>
          %parallel_loop3A_769 = vector.shape_cast %parallel_loop3A_768 : vector<16xi32> to vector<16x1xi32>
          %parallel_loop3A_770 = vector.shape_cast %parallel_loop3A_769 : vector<16x1xi32> to vector<16xi32>
          %parallel_loop3A_771 = tpu.dynamic_gather %parallel_loop3A_755[%parallel_loop3A_770] in [0] : vector<16xf32>, vector<16xi32> -> vector<16xf32>
          %parallel_loop3A_772 = arith.addf %parallel_loop3A_755, %parallel_loop3A_771 : vector<16xf32>
          %parallel_loop3A_773 = arith.constant 4 : i32
          %parallel_loop3A_774 = vector.broadcast %parallel_loop3A_773 : i32 to vector<16xi32>
          %parallel_loop3A_775 = arith.addi %iota3A, %parallel_loop3A_774 : vector<16xi32>
          %parallel_loop3A_776 = arith.constant 15 : i32
          %parallel_loop3A_777 = vector.broadcast %parallel_loop3A_776 : i32 to vector<16xi32>
          %parallel_loop3A_778 = arith.andi %parallel_loop3A_775, %parallel_loop3A_777 : vector<16xi32>
          %parallel_loop3A_779 = arith.constant 0 : i32
          %parallel_loop3A_780 = vector.broadcast %parallel_loop3A_779 : i32 to vector<16xi32>
          %parallel_loop3A_781 = arith.cmpi slt, %parallel_loop3A_778, %parallel_loop3A_780 : vector<16xi32>
          %parallel_loop3A_782 = arith.constant 16 : i32
          %parallel_loop3A_783 = vector.broadcast %parallel_loop3A_782 : i32 to vector<16xi32>
          %parallel_loop3A_784 = arith.addi %parallel_loop3A_778, %parallel_loop3A_783 : vector<16xi32>
          %parallel_loop3A_785 = arith.select %parallel_loop3A_781, %parallel_loop3A_784, %parallel_loop3A_778 : vector<16xi1>, vector<16xi32>
          %parallel_loop3A_786 = vector.shape_cast %parallel_loop3A_785 : vector<16xi32> to vector<16x1xi32>
          %parallel_loop3A_787 = vector.shape_cast %parallel_loop3A_786 : vector<16x1xi32> to vector<16xi32>
          %parallel_loop3A_788 = tpu.dynamic_gather %parallel_loop3A_772[%parallel_loop3A_787] in [0] : vector<16xf32>, vector<16xi32> -> vector<16xf32>
          %parallel_loop3A_789 = arith.addf %parallel_loop3A_772, %parallel_loop3A_788 : vector<16xf32>
          %parallel_loop3A_790 = arith.constant 2 : i32
          %parallel_loop3A_791 = vector.broadcast %parallel_loop3A_790 : i32 to vector<16xi32>
          %parallel_loop3A_792 = arith.addi %iota3A, %parallel_loop3A_791 : vector<16xi32>
          %parallel_loop3A_793 = arith.constant 15 : i32
          %parallel_loop3A_794 = vector.broadcast %parallel_loop3A_793 : i32 to vector<16xi32>
          %parallel_loop3A_795 = arith.andi %parallel_loop3A_792, %parallel_loop3A_794 : vector<16xi32>
          %parallel_loop3A_796 = arith.constant 0 : i32
          %parallel_loop3A_797 = vector.broadcast %parallel_loop3A_796 : i32 to vector<16xi32>
          %parallel_loop3A_798 = arith.cmpi slt, %parallel_loop3A_795, %parallel_loop3A_797 : vector<16xi32>
          %parallel_loop3A_799 = arith.constant 16 : i32
          %parallel_loop3A_800 = vector.broadcast %parallel_loop3A_799 : i32 to vector<16xi32>
          %parallel_loop3A_801 = arith.addi %parallel_loop3A_795, %parallel_loop3A_800 : vector<16xi32>
          %parallel_loop3A_802 = arith.select %parallel_loop3A_798, %parallel_loop3A_801, %parallel_loop3A_795 : vector<16xi1>, vector<16xi32>
          %parallel_loop3A_803 = vector.shape_cast %parallel_loop3A_802 : vector<16xi32> to vector<16x1xi32>
          %parallel_loop3A_804 = vector.shape_cast %parallel_loop3A_803 : vector<16x1xi32> to vector<16xi32>
          %parallel_loop3A_805 = tpu.dynamic_gather %parallel_loop3A_789[%parallel_loop3A_804] in [0] : vector<16xf32>, vector<16xi32> -> vector<16xf32>
          %parallel_loop3A_806 = arith.addf %parallel_loop3A_789, %parallel_loop3A_805 : vector<16xf32>
          %parallel_loop3A_807 = arith.constant 1 : i32
          %parallel_loop3A_808 = vector.broadcast %parallel_loop3A_807 : i32 to vector<16xi32>
          %parallel_loop3A_809 = arith.addi %iota3A, %parallel_loop3A_808 : vector<16xi32>
          %parallel_loop3A_810 = arith.constant 15 : i32
          %parallel_loop3A_811 = vector.broadcast %parallel_loop3A_810 : i32 to vector<16xi32>
          %parallel_loop3A_812 = arith.andi %parallel_loop3A_809, %parallel_loop3A_811 : vector<16xi32>
          %parallel_loop3A_813 = arith.constant 0 : i32
          %parallel_loop3A_814 = vector.broadcast %parallel_loop3A_813 : i32 to vector<16xi32>
          %parallel_loop3A_815 = arith.cmpi slt, %parallel_loop3A_812, %parallel_loop3A_814 : vector<16xi32>
          %parallel_loop3A_816 = arith.constant 16 : i32
          %parallel_loop3A_817 = vector.broadcast %parallel_loop3A_816 : i32 to vector<16xi32>
          %parallel_loop3A_818 = arith.addi %parallel_loop3A_812, %parallel_loop3A_817 : vector<16xi32>
          %parallel_loop3A_819 = arith.select %parallel_loop3A_815, %parallel_loop3A_818, %parallel_loop3A_812 : vector<16xi1>, vector<16xi32>
          %parallel_loop3A_820 = vector.shape_cast %parallel_loop3A_819 : vector<16xi32> to vector<16x1xi32>
          %parallel_loop3A_821 = vector.shape_cast %parallel_loop3A_820 : vector<16x1xi32> to vector<16xi32>
          %parallel_loop3A_822 = tpu.dynamic_gather %parallel_loop3A_806[%parallel_loop3A_821] in [0] : vector<16xf32>, vector<16xi32> -> vector<16xf32>
          %parallel_loop3A_823 = arith.addf %parallel_loop3A_806, %parallel_loop3A_822 : vector<16xf32>
          %parallel_loop3A_824 = arith.mulf %parallel_loop3A_823, %parallel_loop3A_213 : vector<16xf32>
          %parallel_loop3A_825 = arith.mulf %parallel_loop3A_746, %parallel_loop3A_824 : vector<16xf32>
          %parallel_loop3A_826 = arith.index_cast %parallel_loop3A_198 : i32 to index
          %parallel_loop3A_827 = arith.constant 96 : index
          %parallel_loop3A_828 = tpu.vector_load %arg10[%parallel_loop3A_826, %parallel_loop3A_827] {strides = array<i32>} : memref<64x128xf32, #tpu.memory_space<vmem>>, vector<16xf32>,
          tpu.vector_store %arg10[%parallel_loop3A_826, %parallel_loop3A_827], %parallel_loop3A_825 {strides = array<i32>} : memref<64x128xf32, #tpu.memory_space<vmem>>, vector<16xf32>,
          %parallel_loop3A_829 = arith.index_cast %parallel_loop3A_198 : i32 to index
          %parallel_loop3A_830 = arith.constant 112 : index
          %parallel_loop3A_831 = tpu.vector_load %arg12[%parallel_loop3A_829, %parallel_loop3A_830] {strides = array<i32>} : memref<64x128xf32, #tpu.memory_space<vmem>>, vector<16xf32>,
          %parallel_loop3A_832 = arith.index_cast %parallel_loop3A_198 : i32 to index
          %parallel_loop3A_833 = arith.constant 112 : index
          %parallel_loop3A_834 = tpu.vector_load %arg10[%parallel_loop3A_832, %parallel_loop3A_833] {strides = array<i32>} : memref<64x128xf32, #tpu.memory_space<vmem>>, vector<16xf32>,
          %parallel_loop3A_835 = arith.mulf %parallel_loop3A_831, %parallel_loop3A_834 : vector<16xf32>
          %parallel_loop3A_836 = arith.mulf %parallel_loop3A_835, %parallel_loop3A_745 : vector<16xf32>
          %parallel_loop3A_837 = arith.constant 8 : i32
          %parallel_loop3A_838 = vector.broadcast %parallel_loop3A_837 : i32 to vector<16xi32>
          %parallel_loop3A_839 = arith.addi %iota3A, %parallel_loop3A_838 : vector<16xi32>
          %parallel_loop3A_840 = arith.constant 15 : i32
          %parallel_loop3A_841 = vector.broadcast %parallel_loop3A_840 : i32 to vector<16xi32>
          %parallel_loop3A_842 = arith.andi %parallel_loop3A_839, %parallel_loop3A_841 : vector<16xi32>
          %parallel_loop3A_843 = arith.constant 0 : i32
          %parallel_loop3A_844 = vector.broadcast %parallel_loop3A_843 : i32 to vector<16xi32>
          %parallel_loop3A_845 = arith.cmpi slt, %parallel_loop3A_842, %parallel_loop3A_844 : vector<16xi32>
          %parallel_loop3A_846 = arith.constant 16 : i32
          %parallel_loop3A_847 = vector.broadcast %parallel_loop3A_846 : i32 to vector<16xi32>
          %parallel_loop3A_848 = arith.addi %parallel_loop3A_842, %parallel_loop3A_847 : vector<16xi32>
          %parallel_loop3A_849 = arith.select %parallel_loop3A_845, %parallel_loop3A_848, %parallel_loop3A_842 : vector<16xi1>, vector<16xi32>
          %parallel_loop3A_850 = vector.shape_cast %parallel_loop3A_849 : vector<16xi32> to vector<16x1xi32>
          %parallel_loop3A_851 = vector.shape_cast %parallel_loop3A_850 : vector<16x1xi32> to vector<16xi32>
          %parallel_loop3A_852 = tpu.dynamic_gather %parallel_loop3A_836[%parallel_loop3A_851] in [0] : vector<16xf32>, vector<16xi32> -> vector<16xf32>
          %parallel_loop3A_853 = arith.addf %parallel_loop3A_836, %parallel_loop3A_852 : vector<16xf32>
          %parallel_loop3A_854 = arith.constant 4 : i32
          %parallel_loop3A_855 = vector.broadcast %parallel_loop3A_854 : i32 to vector<16xi32>
          %parallel_loop3A_856 = arith.addi %iota3A, %parallel_loop3A_855 : vector<16xi32>
          %parallel_loop3A_857 = arith.constant 15 : i32
          %parallel_loop3A_858 = vector.broadcast %parallel_loop3A_857 : i32 to vector<16xi32>
          %parallel_loop3A_859 = arith.andi %parallel_loop3A_856, %parallel_loop3A_858 : vector<16xi32>
          %parallel_loop3A_860 = arith.constant 0 : i32
          %parallel_loop3A_861 = vector.broadcast %parallel_loop3A_860 : i32 to vector<16xi32>
          %parallel_loop3A_862 = arith.cmpi slt, %parallel_loop3A_859, %parallel_loop3A_861 : vector<16xi32>
          %parallel_loop3A_863 = arith.constant 16 : i32
          %parallel_loop3A_864 = vector.broadcast %parallel_loop3A_863 : i32 to vector<16xi32>
          %parallel_loop3A_865 = arith.addi %parallel_loop3A_859, %parallel_loop3A_864 : vector<16xi32>
          %parallel_loop3A_866 = arith.select %parallel_loop3A_862, %parallel_loop3A_865, %parallel_loop3A_859 : vector<16xi1>, vector<16xi32>
          %parallel_loop3A_867 = vector.shape_cast %parallel_loop3A_866 : vector<16xi32> to vector<16x1xi32>
          %parallel_loop3A_868 = vector.shape_cast %parallel_loop3A_867 : vector<16x1xi32> to vector<16xi32>
          %parallel_loop3A_869 = tpu.dynamic_gather %parallel_loop3A_853[%parallel_loop3A_868] in [0] : vector<16xf32>, vector<16xi32> -> vector<16xf32>
          %parallel_loop3A_870 = arith.addf %parallel_loop3A_853, %parallel_loop3A_869 : vector<16xf32>
          %parallel_loop3A_871 = arith.constant 2 : i32
          %parallel_loop3A_872 = vector.broadcast %parallel_loop3A_871 : i32 to vector<16xi32>
          %parallel_loop3A_873 = arith.addi %iota3A, %parallel_loop3A_872 : vector<16xi32>
          %parallel_loop3A_874 = arith.constant 15 : i32
          %parallel_loop3A_875 = vector.broadcast %parallel_loop3A_874 : i32 to vector<16xi32>
          %parallel_loop3A_876 = arith.andi %parallel_loop3A_873, %parallel_loop3A_875 : vector<16xi32>
          %parallel_loop3A_877 = arith.constant 0 : i32
          %parallel_loop3A_878 = vector.broadcast %parallel_loop3A_877 : i32 to vector<16xi32>
          %parallel_loop3A_879 = arith.cmpi slt, %parallel_loop3A_876, %parallel_loop3A_878 : vector<16xi32>
          %parallel_loop3A_880 = arith.constant 16 : i32
          %parallel_loop3A_881 = vector.broadcast %parallel_loop3A_880 : i32 to vector<16xi32>
          %parallel_loop3A_882 = arith.addi %parallel_loop3A_876, %parallel_loop3A_881 : vector<16xi32>
          %parallel_loop3A_883 = arith.select %parallel_loop3A_879, %parallel_loop3A_882, %parallel_loop3A_876 : vector<16xi1>, vector<16xi32>
          %parallel_loop3A_884 = vector.shape_cast %parallel_loop3A_883 : vector<16xi32> to vector<16x1xi32>
          %parallel_loop3A_885 = vector.shape_cast %parallel_loop3A_884 : vector<16x1xi32> to vector<16xi32>
          %parallel_loop3A_886 = tpu.dynamic_gather %parallel_loop3A_870[%parallel_loop3A_885] in [0] : vector<16xf32>, vector<16xi32> -> vector<16xf32>
          %parallel_loop3A_887 = arith.addf %parallel_loop3A_870, %parallel_loop3A_886 : vector<16xf32>
          %parallel_loop3A_888 = arith.constant 1 : i32
          %parallel_loop3A_889 = vector.broadcast %parallel_loop3A_888 : i32 to vector<16xi32>
          %parallel_loop3A_890 = arith.addi %iota3A, %parallel_loop3A_889 : vector<16xi32>
          %parallel_loop3A_891 = arith.constant 15 : i32
          %parallel_loop3A_892 = vector.broadcast %parallel_loop3A_891 : i32 to vector<16xi32>
          %parallel_loop3A_893 = arith.andi %parallel_loop3A_890, %parallel_loop3A_892 : vector<16xi32>
          %parallel_loop3A_894 = arith.constant 0 : i32
          %parallel_loop3A_895 = vector.broadcast %parallel_loop3A_894 : i32 to vector<16xi32>
          %parallel_loop3A_896 = arith.cmpi slt, %parallel_loop3A_893, %parallel_loop3A_895 : vector<16xi32>
          %parallel_loop3A_897 = arith.constant 16 : i32
          %parallel_loop3A_898 = vector.broadcast %parallel_loop3A_897 : i32 to vector<16xi32>
          %parallel_loop3A_899 = arith.addi %parallel_loop3A_893, %parallel_loop3A_898 : vector<16xi32>
          %parallel_loop3A_900 = arith.select %parallel_loop3A_896, %parallel_loop3A_899, %parallel_loop3A_893 : vector<16xi1>, vector<16xi32>
          %parallel_loop3A_901 = vector.shape_cast %parallel_loop3A_900 : vector<16xi32> to vector<16x1xi32>
          %parallel_loop3A_902 = vector.shape_cast %parallel_loop3A_901 : vector<16x1xi32> to vector<16xi32>
          %parallel_loop3A_903 = tpu.dynamic_gather %parallel_loop3A_887[%parallel_loop3A_902] in [0] : vector<16xf32>, vector<16xi32> -> vector<16xf32>
          %parallel_loop3A_904 = arith.addf %parallel_loop3A_887, %parallel_loop3A_903 : vector<16xf32>
          %parallel_loop3A_905 = arith.mulf %parallel_loop3A_904, %parallel_loop3A_213 : vector<16xf32>
          %parallel_loop3A_906 = arith.mulf %parallel_loop3A_747, %parallel_loop3A_905 : vector<16xf32>
          %parallel_loop3A_907 = arith.index_cast %parallel_loop3A_198 : i32 to index
          %parallel_loop3A_908 = arith.constant 112 : index
          %parallel_loop3A_909 = tpu.vector_load %arg10[%parallel_loop3A_907, %parallel_loop3A_908] {strides = array<i32>} : memref<64x128xf32, #tpu.memory_space<vmem>>, vector<16xf32>,
          tpu.vector_store %arg10[%parallel_loop3A_907, %parallel_loop3A_908], %parallel_loop3A_906 {strides = array<i32>} : memref<64x128xf32, #tpu.memory_space<vmem>>, vector<16xf32>,
        } {sc.loop_unroll_factor = 8 : i64, sc.parallel_access}
      }
      %scan3A_138 = arith.constant 4 : i32
      %dma_start3A_139 = arith.constant 0 : i32
      %dma_start3A_140 = arith.constant 0 : i32
      %dma_start3A_141 = tpu.memref_slice %arg8[%dma_start3A_139, %dma_start3A_140] : memref<3x64xi32, #tpu.memory_space<vmem>> -> memref<1x64xi32, #tpu.memory_space<vmem>>
      %dma_start3A_142 = tpu.memref_squeeze %dma_start3A_141 : memref<1x64xi32, #tpu.memory_space<vmem>> -> memref<64xi32, #tpu.memory_space<vmem>>
      %dma_start3A_143 = arith.constant 0 : i32
      %dma_start3A_144 = arith.constant 0 : i32
      %dma_start3A_145 = tpu.memref_slice %arg16[%dma_start3A_143, %dma_start3A_144] : memref<10000x128xf32, #tpu.memory_space<vmem_shared>> -> memref<10000x128xf32, #tpu.memory_space<vmem_shared>>
      tpu.enqueue_indirect_dma source(%arg10 : memref<64x128xf32, #tpu.memory_space<vmem>>) target(%dma_start3A_145 : memref<10000x128xf32, #tpu.memory_space<vmem_shared>>) offsets(%dma_start3A_142 : memref<64xi32, #tpu.memory_space<vmem>>) semaphore(%arg23 : memref<!tpu.dma_semaphore, #tpu.memory_space<semaphore_mem>>) {add = true}
      %dma_wait3A_146 = arith.constant 0 : i32
      %dma_wait3A_147 = arith.constant 0 : i32
      %dma_wait3A_148 = tpu.memref_slice %arg9[%dma_wait3A_146, %dma_wait3A_147] : memref<3x64xi32, #tpu.memory_space<vmem>> -> memref<1x64xi32, #tpu.memory_space<vmem>>
      %dma_wait3A_149 = tpu.memref_squeeze %dma_wait3A_148 : memref<1x64xi32, #tpu.memory_space<vmem>> -> memref<64xi32, #tpu.memory_space<vmem>>
      %dma_wait3A_150 = arith.constant 0 : i32
      %dma_wait3A_151 = arith.constant 0 : i32
      %dma_wait3A_152 = tpu.memref_slice %arg2[%dma_wait3A_150, %dma_wait3A_151] : memref<10000x128xf32, #tpu.memory_space<hbm>> -> memref<10000x128xf32, #tpu.memory_space<hbm>>
      tpu.wait_indirect_dma semaphore(%arg20 : memref<!tpu.dma_semaphore, #tpu.memory_space<semaphore_mem>>) src(%dma_wait3A_152 : memref<10000x128xf32, #tpu.memory_space<hbm>>) dst(%arg13 : memref<64x128xf32, #tpu.memory_space<vmem>>)
      %dma_wait3A_153 = arith.constant 1 : i32
      %dma_wait3A_154 = arith.constant 0 : i32
      %dma_wait3A_155 = tpu.memref_slice %arg9[%dma_wait3A_153, %dma_wait3A_154] : memref<3x64xi32, #tpu.memory_space<vmem>> -> memref<1x64xi32, #tpu.memory_space<vmem>>
      %dma_wait3A_156 = tpu.memref_squeeze %dma_wait3A_155 : memref<1x64xi32, #tpu.memory_space<vmem>> -> memref<64xi32, #tpu.memory_space<vmem>>
      %dma_wait3A_157 = arith.constant 0 : i32
      %dma_wait3A_158 = arith.constant 0 : i32
      %dma_wait3A_159 = tpu.memref_slice %arg3[%dma_wait3A_157, %dma_wait3A_158] : memref<10000x128xi32, #tpu.memory_space<hbm>> -> memref<10000x128xi32, #tpu.memory_space<hbm>>
      tpu.wait_indirect_dma semaphore(%arg22 : memref<!tpu.dma_semaphore, #tpu.memory_space<semaphore_mem>>) src(%dma_wait3A_159 : memref<10000x128xi32, #tpu.memory_space<hbm>>) dst(%arg15 : memref<64x128xi32, #tpu.memory_space<vmem>>)
      %scan3A_160 = arith.constant 0 : i32
      %scan3A_161 = arith.constant 0 : i32
      %scan3A_162 = arith.constant 4 : i32
      %scan3A_163 = arith.addi %scan3A_161, %scan3A_162 : i32
      %scan3A_164 = arith.constant 1 : i32
      scf.for %scan3A_187 = %scan3A_161 to %scan3A_163 step %scan3A_164  : i32 {
        %mul3A_188 = arith.constant 16 : i32
        %mul3A_189 = arith.muli %scan3A_187, %mul3A_188 : i32
        %get3A = arith.constant 2 : i32
        %get3A_190 = arith.index_cast %get3A : i32 to index
        %get3A_191 = arith.index_cast %mul3A_189 : i32 to index
        %get3A_192 = tpu.vector_load %arg9[%get3A_190, %get3A_191] {strides = array<i32>} : memref<3x64xi32, #tpu.memory_space<vmem>>, vector<16xi32>,
        %bitcast3A = vector.bitcast %get3A_192 : vector<16xi32> to vector<16xf32>
        %parallel_loop3A = arith.constant 0 : i32
        %parallel_loop3A_193 = arith.constant 16 : i32
        %parallel_loop3A_194 = arith.constant 1 : i32
        scf.for %parallel_loop3A_195 = %parallel_loop3A to %parallel_loop3A_193 step %parallel_loop3A_194  : i32 {
          %parallel_loop3A_196 = arith.constant 16 : i32
          %parallel_loop3A_197 = arith.muli %scan3A_187, %parallel_loop3A_196 : i32
          %parallel_loop3A_198 = arith.addi %parallel_loop3A_197, %parallel_loop3A_195 : i32
          %parallel_loop3A_199 = arith.constant 0 : i32
          %parallel_loop3A_200 = vector.broadcast %parallel_loop3A_199 : i32 to vector<16xi32>
          %parallel_loop3A_201 = arith.muli %iota3A, %parallel_loop3A_200 : vector<16xi32>
          %parallel_loop3A_202 = vector.broadcast %parallel_loop3A_195 : i32 to vector<16xi32>
          %parallel_loop3A_203 = arith.addi %parallel_loop3A_201, %parallel_loop3A_202 : vector<16xi32>
          %parallel_loop3A_204 = arith.constant 0 : i32
          %parallel_loop3A_205 = vector.broadcast %parallel_loop3A_204 : i32 to vector<16xi32>
          %parallel_loop3A_206 = arith.cmpi slt, %parallel_loop3A_203, %parallel_loop3A_205 : vector<16xi32>
          %parallel_loop3A_207 = arith.constant 16 : i32
          %parallel_loop3A_208 = vector.broadcast %parallel_loop3A_207 : i32 to vector<16xi32>
          %parallel_loop3A_209 = arith.addi %parallel_loop3A_203, %parallel_loop3A_208 : vector<16xi32>
          %parallel_loop3A_210 = arith.select %parallel_loop3A_206, %parallel_loop3A_209, %parallel_loop3A_203 : vector<16xi1>, vector<16xi32>
          %parallel_loop3A_211 = vector.shape_cast %parallel_loop3A_210 : vector<16xi32> to vector<16x1xi32>
          %parallel_loop3A_212 = vector.shape_cast %parallel_loop3A_211 : vector<16x1xi32> to vector<16xi32>
          %parallel_loop3A_213 = tpu.dynamic_gather %bitcast3A[%parallel_loop3A_212] in [0] : vector<16xf32>, vector<16xi32> -> vector<16xf32>
          %parallel_loop3A_214 = arith.index_cast %parallel_loop3A_198 : i32 to index
          %parallel_loop3A_215 = arith.constant 0 : index
          %parallel_loop3A_216 = tpu.vector_load %arg15[%parallel_loop3A_214, %parallel_loop3A_215] {strides = array<i32>} : memref<64x128xi32, #tpu.memory_space<vmem>>, vector<16xi32>,
          %parallel_loop3A_217 = vector.bitcast %parallel_loop3A_216 : vector<16xi32> to vector<32xbf16>
          %parallel_loop3A_218 = arith.index_cast %parallel_loop3A_198 : i32 to index
          %parallel_loop3A_219 = arith.constant 64 : index
          %parallel_loop3A_220 = tpu.vector_load %arg15[%parallel_loop3A_218, %parallel_loop3A_219] {strides = array<i32>} : memref<64x128xi32, #tpu.memory_space<vmem>>, vector<16xi32>,
          %parallel_loop3A_221 = vector.bitcast %parallel_loop3A_220 : vector<16xi32> to vector<32xbf16>
          %parallel_loop3A_222 = tpu.unpack_subelements %parallel_loop3A_217, 0 {pack_format = #tpu.pack_format<interleaved>} : vector<32xbf16> -> vector<16xf32>
          %parallel_loop3A_223 = tpu.unpack_subelements %parallel_loop3A_217, 1 {pack_format = #tpu.pack_format<interleaved>} : vector<32xbf16> -> vector<16xf32>
          %parallel_loop3A_224 = tpu.unpack_subelements %parallel_loop3A_221, 0 {pack_format = #tpu.pack_format<interleaved>} : vector<32xbf16> -> vector<16xf32>
          %parallel_loop3A_225 = tpu.unpack_subelements %parallel_loop3A_221, 1 {pack_format = #tpu.pack_format<interleaved>} : vector<32xbf16> -> vector<16xf32>
          %parallel_loop3A_226 = arith.index_cast %parallel_loop3A_198 : i32 to index
          %parallel_loop3A_227 = arith.constant 0 : index
          %parallel_loop3A_228 = tpu.vector_load %arg13[%parallel_loop3A_226, %parallel_loop3A_227] {strides = array<i32>} : memref<64x128xf32, #tpu.memory_space<vmem>>, vector<16xf32>,
          %parallel_loop3A_229 = arith.index_cast %parallel_loop3A_198 : i32 to index
          %parallel_loop3A_230 = arith.constant 0 : index
          %parallel_loop3A_231 = tpu.vector_load %arg11[%parallel_loop3A_229, %parallel_loop3A_230] {strides = array<i32>} : memref<64x128xf32, #tpu.memory_space<vmem>>, vector<16xf32>,
          %parallel_loop3A_232 = arith.mulf %parallel_loop3A_228, %parallel_loop3A_231 : vector<16xf32>
          %parallel_loop3A_233 = arith.mulf %parallel_loop3A_232, %parallel_loop3A_222 : vector<16xf32>
          %parallel_loop3A_234 = arith.constant 8 : i32
          %parallel_loop3A_235 = vector.broadcast %parallel_loop3A_234 : i32 to vector<16xi32>
          %parallel_loop3A_236 = arith.addi %iota3A, %parallel_loop3A_235 : vector<16xi32>
          %parallel_loop3A_237 = arith.constant 15 : i32
          %parallel_loop3A_238 = vector.broadcast %parallel_loop3A_237 : i32 to vector<16xi32>
          %parallel_loop3A_239 = arith.andi %parallel_loop3A_236, %parallel_loop3A_238 : vector<16xi32>
          %parallel_loop3A_240 = arith.constant 0 : i32
          %parallel_loop3A_241 = vector.broadcast %parallel_loop3A_240 : i32 to vector<16xi32>
          %parallel_loop3A_242 = arith.cmpi slt, %parallel_loop3A_239, %parallel_loop3A_241 : vector<16xi32>
          %parallel_loop3A_243 = arith.constant 16 : i32
          %parallel_loop3A_244 = vector.broadcast %parallel_loop3A_243 : i32 to vector<16xi32>
          %parallel_loop3A_245 = arith.addi %parallel_loop3A_239, %parallel_loop3A_244 : vector<16xi32>
          %parallel_loop3A_246 = arith.select %parallel_loop3A_242, %parallel_loop3A_245, %parallel_loop3A_239 : vector<16xi1>, vector<16xi32>
          %parallel_loop3A_247 = vector.shape_cast %parallel_loop3A_246 : vector<16xi32> to vector<16x1xi32>
          %parallel_loop3A_248 = vector.shape_cast %parallel_loop3A_247 : vector<16x1xi32> to vector<16xi32>
          %parallel_loop3A_249 = tpu.dynamic_gather %parallel_loop3A_233[%parallel_loop3A_248] in [0] : vector<16xf32>, vector<16xi32> -> vector<16xf32>
          %parallel_loop3A_250 = arith.addf %parallel_loop3A_233, %parallel_loop3A_249 : vector<16xf32>
          %parallel_loop3A_251 = arith.constant 4 : i32
          %parallel_loop3A_252 = vector.broadcast %parallel_loop3A_251 : i32 to vector<16xi32>
          %parallel_loop3A_253 = arith.addi %iota3A, %parallel_loop3A_252 : vector<16xi32>
          %parallel_loop3A_254 = arith.constant 15 : i32
          %parallel_loop3A_255 = vector.broadcast %parallel_loop3A_254 : i32 to vector<16xi32>
          %parallel_loop3A_256 = arith.andi %parallel_loop3A_253, %parallel_loop3A_255 : vector<16xi32>
          %parallel_loop3A_257 = arith.constant 0 : i32
          %parallel_loop3A_258 = vector.broadcast %parallel_loop3A_257 : i32 to vector<16xi32>
          %parallel_loop3A_259 = arith.cmpi slt, %parallel_loop3A_256, %parallel_loop3A_258 : vector<16xi32>
          %parallel_loop3A_260 = arith.constant 16 : i32
          %parallel_loop3A_261 = vector.broadcast %parallel_loop3A_260 : i32 to vector<16xi32>
          %parallel_loop3A_262 = arith.addi %parallel_loop3A_256, %parallel_loop3A_261 : vector<16xi32>
          %parallel_loop3A_263 = arith.select %parallel_loop3A_259, %parallel_loop3A_262, %parallel_loop3A_256 : vector<16xi1>, vector<16xi32>
          %parallel_loop3A_264 = vector.shape_cast %parallel_loop3A_263 : vector<16xi32> to vector<16x1xi32>
          %parallel_loop3A_265 = vector.shape_cast %parallel_loop3A_264 : vector<16x1xi32> to vector<16xi32>
          %parallel_loop3A_266 = tpu.dynamic_gather %parallel_loop3A_250[%parallel_loop3A_265] in [0] : vector<16xf32>, vector<16xi32> -> vector<16xf32>
          %parallel_loop3A_267 = arith.addf %parallel_loop3A_250, %parallel_loop3A_266 : vector<16xf32>
          %parallel_loop3A_268 = arith.constant 2 : i32
          %parallel_loop3A_269 = vector.broadcast %parallel_loop3A_268 : i32 to vector<16xi32>
          %parallel_loop3A_270 = arith.addi %iota3A, %parallel_loop3A_269 : vector<16xi32>
          %parallel_loop3A_271 = arith.constant 15 : i32
          %parallel_loop3A_272 = vector.broadcast %parallel_loop3A_271 : i32 to vector<16xi32>
          %parallel_loop3A_273 = arith.andi %parallel_loop3A_270, %parallel_loop3A_272 : vector<16xi32>
          %parallel_loop3A_274 = arith.constant 0 : i32
          %parallel_loop3A_275 = vector.broadcast %parallel_loop3A_274 : i32 to vector<16xi32>
          %parallel_loop3A_276 = arith.cmpi slt, %parallel_loop3A_273, %parallel_loop3A_275 : vector<16xi32>
          %parallel_loop3A_277 = arith.constant 16 : i32
          %parallel_loop3A_278 = vector.broadcast %parallel_loop3A_277 : i32 to vector<16xi32>
          %parallel_loop3A_279 = arith.addi %parallel_loop3A_273, %parallel_loop3A_278 : vector<16xi32>
          %parallel_loop3A_280 = arith.select %parallel_loop3A_276, %parallel_loop3A_279, %parallel_loop3A_273 : vector<16xi1>, vector<16xi32>
          %parallel_loop3A_281 = vector.shape_cast %parallel_loop3A_280 : vector<16xi32> to vector<16x1xi32>
          %parallel_loop3A_282 = vector.shape_cast %parallel_loop3A_281 : vector<16x1xi32> to vector<16xi32>
          %parallel_loop3A_283 = tpu.dynamic_gather %parallel_loop3A_267[%parallel_loop3A_282] in [0] : vector<16xf32>, vector<16xi32> -> vector<16xf32>
          %parallel_loop3A_284 = arith.addf %parallel_loop3A_267, %parallel_loop3A_283 : vector<16xf32>
          %parallel_loop3A_285 = arith.constant 1 : i32
          %parallel_loop3A_286 = vector.broadcast %parallel_loop3A_285 : i32 to vector<16xi32>
          %parallel_loop3A_287 = arith.addi %iota3A, %parallel_loop3A_286 : vector<16xi32>
          %parallel_loop3A_288 = arith.constant 15 : i32
          %parallel_loop3A_289 = vector.broadcast %parallel_loop3A_288 : i32 to vector<16xi32>
          %parallel_loop3A_290 = arith.andi %parallel_loop3A_287, %parallel_loop3A_289 : vector<16xi32>
          %parallel_loop3A_291 = arith.constant 0 : i32
          %parallel_loop3A_292 = vector.broadcast %parallel_loop3A_291 : i32 to vector<16xi32>
          %parallel_loop3A_293 = arith.cmpi slt, %parallel_loop3A_290, %parallel_loop3A_292 : vector<16xi32>
          %parallel_loop3A_294 = arith.constant 16 : i32
          %parallel_loop3A_295 = vector.broadcast %parallel_loop3A_294 : i32 to vector<16xi32>
          %parallel_loop3A_296 = arith.addi %parallel_loop3A_290, %parallel_loop3A_295 : vector<16xi32>
          %parallel_loop3A_297 = arith.select %parallel_loop3A_293, %parallel_loop3A_296, %parallel_loop3A_290 : vector<16xi1>, vector<16xi32>
          %parallel_loop3A_298 = vector.shape_cast %parallel_loop3A_297 : vector<16xi32> to vector<16x1xi32>
          %parallel_loop3A_299 = vector.shape_cast %parallel_loop3A_298 : vector<16x1xi32> to vector<16xi32>
          %parallel_loop3A_300 = tpu.dynamic_gather %parallel_loop3A_284[%parallel_loop3A_299] in [0] : vector<16xf32>, vector<16xi32> -> vector<16xf32>
          %parallel_loop3A_301 = arith.addf %parallel_loop3A_284, %parallel_loop3A_300 : vector<16xf32>
          %parallel_loop3A_302 = arith.mulf %parallel_loop3A_301, %parallel_loop3A_213 : vector<16xf32>
          %parallel_loop3A_303 = arith.mulf %parallel_loop3A_224, %parallel_loop3A_302 : vector<16xf32>
          %parallel_loop3A_304 = arith.index_cast %parallel_loop3A_198 : i32 to index
          %parallel_loop3A_305 = arith.constant 0 : index
          %parallel_loop3A_306 = tpu.vector_load %arg11[%parallel_loop3A_304, %parallel_loop3A_305] {strides = array<i32>} : memref<64x128xf32, #tpu.memory_space<vmem>>, vector<16xf32>,
          tpu.vector_store %arg11[%parallel_loop3A_304, %parallel_loop3A_305], %parallel_loop3A_303 {strides = array<i32>} : memref<64x128xf32, #tpu.memory_space<vmem>>, vector<16xf32>,
          %parallel_loop3A_307 = arith.index_cast %parallel_loop3A_198 : i32 to index
          %parallel_loop3A_308 = arith.constant 16 : index
          %parallel_loop3A_309 = tpu.vector_load %arg13[%parallel_loop3A_307, %parallel_loop3A_308] {strides = array<i32>} : memref<64x128xf32, #tpu.memory_space<vmem>>, vector<16xf32>,
          %parallel_loop3A_310 = arith.index_cast %parallel_loop3A_198 : i32 to index
          %parallel_loop3A_311 = arith.constant 16 : index
          %parallel_loop3A_312 = tpu.vector_load %arg11[%parallel_loop3A_310, %parallel_loop3A_311] {strides = array<i32>} : memref<64x128xf32, #tpu.memory_space<vmem>>, vector<16xf32>,
          %parallel_loop3A_313 = arith.mulf %parallel_loop3A_309, %parallel_loop3A_312 : vector<16xf32>
          %parallel_loop3A_314 = arith.mulf %parallel_loop3A_313, %parallel_loop3A_223 : vector<16xf32>
          %parallel_loop3A_315 = arith.constant 8 : i32
          %parallel_loop3A_316 = vector.broadcast %parallel_loop3A_315 : i32 to vector<16xi32>
          %parallel_loop3A_317 = arith.addi %iota3A, %parallel_loop3A_316 : vector<16xi32>
          %parallel_loop3A_318 = arith.constant 15 : i32
          %parallel_loop3A_319 = vector.broadcast %parallel_loop3A_318 : i32 to vector<16xi32>
          %parallel_loop3A_320 = arith.andi %parallel_loop3A_317, %parallel_loop3A_319 : vector<16xi32>
          %parallel_loop3A_321 = arith.constant 0 : i32
          %parallel_loop3A_322 = vector.broadcast %parallel_loop3A_321 : i32 to vector<16xi32>
          %parallel_loop3A_323 = arith.cmpi slt, %parallel_loop3A_320, %parallel_loop3A_322 : vector<16xi32>
          %parallel_loop3A_324 = arith.constant 16 : i32
          %parallel_loop3A_325 = vector.broadcast %parallel_loop3A_324 : i32 to vector<16xi32>
          %parallel_loop3A_326 = arith.addi %parallel_loop3A_320, %parallel_loop3A_325 : vector<16xi32>
          %parallel_loop3A_327 = arith.select %parallel_loop3A_323, %parallel_loop3A_326, %parallel_loop3A_320 : vector<16xi1>, vector<16xi32>
          %parallel_loop3A_328 = vector.shape_cast %parallel_loop3A_327 : vector<16xi32> to vector<16x1xi32>
          %parallel_loop3A_329 = vector.shape_cast %parallel_loop3A_328 : vector<16x1xi32> to vector<16xi32>
          %parallel_loop3A_330 = tpu.dynamic_gather %parallel_loop3A_314[%parallel_loop3A_329] in [0] : vector<16xf32>, vector<16xi32> -> vector<16xf32>
          %parallel_loop3A_331 = arith.addf %parallel_loop3A_314, %parallel_loop3A_330 : vector<16xf32>
          %parallel_loop3A_332 = arith.constant 4 : i32
          %parallel_loop3A_333 = vector.broadcast %parallel_loop3A_332 : i32 to vector<16xi32>
          %parallel_loop3A_334 = arith.addi %iota3A, %parallel_loop3A_333 : vector<16xi32>
          %parallel_loop3A_335 = arith.constant 15 : i32
          %parallel_loop3A_336 = vector.broadcast %parallel_loop3A_335 : i32 to vector<16xi32>
          %parallel_loop3A_337 = arith.andi %parallel_loop3A_334, %parallel_loop3A_336 : vector<16xi32>
          %parallel_loop3A_338 = arith.constant 0 : i32
          %parallel_loop3A_339 = vector.broadcast %parallel_loop3A_338 : i32 to vector<16xi32>
          %parallel_loop3A_340 = arith.cmpi slt, %parallel_loop3A_337, %parallel_loop3A_339 : vector<16xi32>
          %parallel_loop3A_341 = arith.constant 16 : i32
          %parallel_loop3A_342 = vector.broadcast %parallel_loop3A_341 : i32 to vector<16xi32>
          %parallel_loop3A_343 = arith.addi %parallel_loop3A_337, %parallel_loop3A_342 : vector<16xi32>
          %parallel_loop3A_344 = arith.select %parallel_loop3A_340, %parallel_loop3A_343, %parallel_loop3A_337 : vector<16xi1>, vector<16xi32>
          %parallel_loop3A_345 = vector.shape_cast %parallel_loop3A_344 : vector<16xi32> to vector<16x1xi32>
          %parallel_loop3A_346 = vector.shape_cast %parallel_loop3A_345 : vector<16x1xi32> to vector<16xi32>
          %parallel_loop3A_347 = tpu.dynamic_gather %parallel_loop3A_331[%parallel_loop3A_346] in [0] : vector<16xf32>, vector<16xi32> -> vector<16xf32>
          %parallel_loop3A_348 = arith.addf %parallel_loop3A_331, %parallel_loop3A_347 : vector<16xf32>
          %parallel_loop3A_349 = arith.constant 2 : i32
          %parallel_loop3A_350 = vector.broadcast %parallel_loop3A_349 : i32 to vector<16xi32>
          %parallel_loop3A_351 = arith.addi %iota3A, %parallel_loop3A_350 : vector<16xi32>
          %parallel_loop3A_352 = arith.constant 15 : i32
          %parallel_loop3A_353 = vector.broadcast %parallel_loop3A_352 : i32 to vector<16xi32>
          %parallel_loop3A_354 = arith.andi %parallel_loop3A_351, %parallel_loop3A_353 : vector<16xi32>
          %parallel_loop3A_355 = arith.constant 0 : i32
          %parallel_loop3A_356 = vector.broadcast %parallel_loop3A_355 : i32 to vector<16xi32>
          %parallel_loop3A_357 = arith.cmpi slt, %parallel_loop3A_354, %parallel_loop3A_356 : vector<16xi32>
          %parallel_loop3A_358 = arith.constant 16 : i32
          %parallel_loop3A_359 = vector.broadcast %parallel_loop3A_358 : i32 to vector<16xi32>
          %parallel_loop3A_360 = arith.addi %parallel_loop3A_354, %parallel_loop3A_359 : vector<16xi32>
          %parallel_loop3A_361 = arith.select %parallel_loop3A_357, %parallel_loop3A_360, %parallel_loop3A_354 : vector<16xi1>, vector<16xi32>
          %parallel_loop3A_362 = vector.shape_cast %parallel_loop3A_361 : vector<16xi32> to vector<16x1xi32>
          %parallel_loop3A_363 = vector.shape_cast %parallel_loop3A_362 : vector<16x1xi32> to vector<16xi32>
          %parallel_loop3A_364 = tpu.dynamic_gather %parallel_loop3A_348[%parallel_loop3A_363] in [0] : vector<16xf32>, vector<16xi32> -> vector<16xf32>
          %parallel_loop3A_365 = arith.addf %parallel_loop3A_348, %parallel_loop3A_364 : vector<16xf32>
          %parallel_loop3A_366 = arith.constant 1 : i32
          %parallel_loop3A_367 = vector.broadcast %parallel_loop3A_366 : i32 to vector<16xi32>
          %parallel_loop3A_368 = arith.addi %iota3A, %parallel_loop3A_367 : vector<16xi32>
          %parallel_loop3A_369 = arith.constant 15 : i32
          %parallel_loop3A_370 = vector.broadcast %parallel_loop3A_369 : i32 to vector<16xi32>
          %parallel_loop3A_371 = arith.andi %parallel_loop3A_368, %parallel_loop3A_370 : vector<16xi32>
          %parallel_loop3A_372 = arith.constant 0 : i32
          %parallel_loop3A_373 = vector.broadcast %parallel_loop3A_372 : i32 to vector<16xi32>
          %parallel_loop3A_374 = arith.cmpi slt, %parallel_loop3A_371, %parallel_loop3A_373 : vector<16xi32>
          %parallel_loop3A_375 = arith.constant 16 : i32
          %parallel_loop3A_376 = vector.broadcast %parallel_loop3A_375 : i32 to vector<16xi32>
          %parallel_loop3A_377 = arith.addi %parallel_loop3A_371, %parallel_loop3A_376 : vector<16xi32>
          %parallel_loop3A_378 = arith.select %parallel_loop3A_374, %parallel_loop3A_377, %parallel_loop3A_371 : vector<16xi1>, vector<16xi32>
          %parallel_loop3A_379 = vector.shape_cast %parallel_loop3A_378 : vector<16xi32> to vector<16x1xi32>
          %parallel_loop3A_380 = vector.shape_cast %parallel_loop3A_379 : vector<16x1xi32> to vector<16xi32>
          %parallel_loop3A_381 = tpu.dynamic_gather %parallel_loop3A_365[%parallel_loop3A_380] in [0] : vector<16xf32>, vector<16xi32> -> vector<16xf32>
          %parallel_loop3A_382 = arith.addf %parallel_loop3A_365, %parallel_loop3A_381 : vector<16xf32>
          %parallel_loop3A_383 = arith.mulf %parallel_loop3A_382, %parallel_loop3A_213 : vector<16xf32>
          %parallel_loop3A_384 = arith.mulf %parallel_loop3A_225, %parallel_loop3A_383 : vector<16xf32>
          %parallel_loop3A_385 = arith.index_cast %parallel_loop3A_198 : i32 to index
          %parallel_loop3A_386 = arith.constant 16 : index
          %parallel_loop3A_387 = tpu.vector_load %arg11[%parallel_loop3A_385, %parallel_loop3A_386] {strides = array<i32>} : memref<64x128xf32, #tpu.memory_space<vmem>>, vector<16xf32>,
          tpu.vector_store %arg11[%parallel_loop3A_385, %parallel_loop3A_386], %parallel_loop3A_384 {strides = array<i32>} : memref<64x128xf32, #tpu.memory_space<vmem>>, vector<16xf32>,
          %parallel_loop3A_388 = arith.index_cast %parallel_loop3A_198 : i32 to index
          %parallel_loop3A_389 = arith.constant 16 : index
          %parallel_loop3A_390 = tpu.vector_load %arg15[%parallel_loop3A_388, %parallel_loop3A_389] {strides = array<i32>} : memref<64x128xi32, #tpu.memory_space<vmem>>, vector<16xi32>,
          %parallel_loop3A_391 = vector.bitcast %parallel_loop3A_390 : vector<16xi32> to vector<32xbf16>
          %parallel_loop3A_392 = arith.index_cast %parallel_loop3A_198 : i32 to index
          %parallel_loop3A_393 = arith.constant 80 : index
          %parallel_loop3A_394 = tpu.vector_load %arg15[%parallel_loop3A_392, %parallel_loop3A_393] {strides = array<i32>} : memref<64x128xi32, #tpu.memory_space<vmem>>, vector<16xi32>,
          %parallel_loop3A_395 = vector.bitcast %parallel_loop3A_394 : vector<16xi32> to vector<32xbf16>
          %parallel_loop3A_396 = tpu.unpack_subelements %parallel_loop3A_391, 0 {pack_format = #tpu.pack_format<interleaved>} : vector<32xbf16> -> vector<16xf32>
          %parallel_loop3A_397 = tpu.unpack_subelements %parallel_loop3A_391, 1 {pack_format = #tpu.pack_format<interleaved>} : vector<32xbf16> -> vector<16xf32>
          %parallel_loop3A_398 = tpu.unpack_subelements %parallel_loop3A_395, 0 {pack_format = #tpu.pack_format<interleaved>} : vector<32xbf16> -> vector<16xf32>
          %parallel_loop3A_399 = tpu.unpack_subelements %parallel_loop3A_395, 1 {pack_format = #tpu.pack_format<interleaved>} : vector<32xbf16> -> vector<16xf32>
          %parallel_loop3A_400 = arith.index_cast %parallel_loop3A_198 : i32 to index
          %parallel_loop3A_401 = arith.constant 32 : index
          %parallel_loop3A_402 = tpu.vector_load %arg13[%parallel_loop3A_400, %parallel_loop3A_401] {strides = array<i32>} : memref<64x128xf32, #tpu.memory_space<vmem>>, vector<16xf32>,
          %parallel_loop3A_403 = arith.index_cast %parallel_loop3A_198 : i32 to index
          %parallel_loop3A_404 = arith.constant 32 : index
          %parallel_loop3A_405 = tpu.vector_load %arg11[%parallel_loop3A_403, %parallel_loop3A_404] {strides = array<i32>} : memref<64x128xf32, #tpu.memory_space<vmem>>, vector<16xf32>,
          %parallel_loop3A_406 = arith.mulf %parallel_loop3A_402, %parallel_loop3A_405 : vector<16xf32>
          %parallel_loop3A_407 = arith.mulf %parallel_loop3A_406, %parallel_loop3A_396 : vector<16xf32>
          %parallel_loop3A_408 = arith.constant 8 : i32
          %parallel_loop3A_409 = vector.broadcast %parallel_loop3A_408 : i32 to vector<16xi32>
          %parallel_loop3A_410 = arith.addi %iota3A, %parallel_loop3A_409 : vector<16xi32>
          %parallel_loop3A_411 = arith.constant 15 : i32
          %parallel_loop3A_412 = vector.broadcast %parallel_loop3A_411 : i32 to vector<16xi32>
          %parallel_loop3A_413 = arith.andi %parallel_loop3A_410, %parallel_loop3A_412 : vector<16xi32>
          %parallel_loop3A_414 = arith.constant 0 : i32
          %parallel_loop3A_415 = vector.broadcast %parallel_loop3A_414 : i32 to vector<16xi32>
          %parallel_loop3A_416 = arith.cmpi slt, %parallel_loop3A_413, %parallel_loop3A_415 : vector<16xi32>
          %parallel_loop3A_417 = arith.constant 16 : i32
          %parallel_loop3A_418 = vector.broadcast %parallel_loop3A_417 : i32 to vector<16xi32>
          %parallel_loop3A_419 = arith.addi %parallel_loop3A_413, %parallel_loop3A_418 : vector<16xi32>
          %parallel_loop3A_420 = arith.select %parallel_loop3A_416, %parallel_loop3A_419, %parallel_loop3A_413 : vector<16xi1>, vector<16xi32>
          %parallel_loop3A_421 = vector.shape_cast %parallel_loop3A_420 : vector<16xi32> to vector<16x1xi32>
          %parallel_loop3A_422 = vector.shape_cast %parallel_loop3A_421 : vector<16x1xi32> to vector<16xi32>
          %parallel_loop3A_423 = tpu.dynamic_gather %parallel_loop3A_407[%parallel_loop3A_422] in [0] : vector<16xf32>, vector<16xi32> -> vector<16xf32>
          %parallel_loop3A_424 = arith.addf %parallel_loop3A_407, %parallel_loop3A_423 : vector<16xf32>
          %parallel_loop3A_425 = arith.constant 4 : i32
          %parallel_loop3A_426 = vector.broadcast %parallel_loop3A_425 : i32 to vector<16xi32>
          %parallel_loop3A_427 = arith.addi %iota3A, %parallel_loop3A_426 : vector<16xi32>
          %parallel_loop3A_428 = arith.constant 15 : i32
          %parallel_loop3A_429 = vector.broadcast %parallel_loop3A_428 : i32 to vector<16xi32>
          %parallel_loop3A_430 = arith.andi %parallel_loop3A_427, %parallel_loop3A_429 : vector<16xi32>
          %parallel_loop3A_431 = arith.constant 0 : i32
          %parallel_loop3A_432 = vector.broadcast %parallel_loop3A_431 : i32 to vector<16xi32>
          %parallel_loop3A_433 = arith.cmpi slt, %parallel_loop3A_430, %parallel_loop3A_432 : vector<16xi32>
          %parallel_loop3A_434 = arith.constant 16 : i32
          %parallel_loop3A_435 = vector.broadcast %parallel_loop3A_434 : i32 to vector<16xi32>
          %parallel_loop3A_436 = arith.addi %parallel_loop3A_430, %parallel_loop3A_435 : vector<16xi32>
          %parallel_loop3A_437 = arith.select %parallel_loop3A_433, %parallel_loop3A_436, %parallel_loop3A_430 : vector<16xi1>, vector<16xi32>
          %parallel_loop3A_438 = vector.shape_cast %parallel_loop3A_437 : vector<16xi32> to vector<16x1xi32>
          %parallel_loop3A_439 = vector.shape_cast %parallel_loop3A_438 : vector<16x1xi32> to vector<16xi32>
          %parallel_loop3A_440 = tpu.dynamic_gather %parallel_loop3A_424[%parallel_loop3A_439] in [0] : vector<16xf32>, vector<16xi32> -> vector<16xf32>
          %parallel_loop3A_441 = arith.addf %parallel_loop3A_424, %parallel_loop3A_440 : vector<16xf32>
          %parallel_loop3A_442 = arith.constant 2 : i32
          %parallel_loop3A_443 = vector.broadcast %parallel_loop3A_442 : i32 to vector<16xi32>
          %parallel_loop3A_444 = arith.addi %iota3A, %parallel_loop3A_443 : vector<16xi32>
          %parallel_loop3A_445 = arith.constant 15 : i32
          %parallel_loop3A_446 = vector.broadcast %parallel_loop3A_445 : i32 to vector<16xi32>
          %parallel_loop3A_447 = arith.andi %parallel_loop3A_444, %parallel_loop3A_446 : vector<16xi32>
          %parallel_loop3A_448 = arith.constant 0 : i32
          %parallel_loop3A_449 = vector.broadcast %parallel_loop3A_448 : i32 to vector<16xi32>
          %parallel_loop3A_450 = arith.cmpi slt, %parallel_loop3A_447, %parallel_loop3A_449 : vector<16xi32>
          %parallel_loop3A_451 = arith.constant 16 : i32
          %parallel_loop3A_452 = vector.broadcast %parallel_loop3A_451 : i32 to vector<16xi32>
          %parallel_loop3A_453 = arith.addi %parallel_loop3A_447, %parallel_loop3A_452 : vector<16xi32>
          %parallel_loop3A_454 = arith.select %parallel_loop3A_450, %parallel_loop3A_453, %parallel_loop3A_447 : vector<16xi1>, vector<16xi32>
          %parallel_loop3A_455 = vector.shape_cast %parallel_loop3A_454 : vector<16xi32> to vector<16x1xi32>
          %parallel_loop3A_456 = vector.shape_cast %parallel_loop3A_455 : vector<16x1xi32> to vector<16xi32>
          %parallel_loop3A_457 = tpu.dynamic_gather %parallel_loop3A_441[%parallel_loop3A_456] in [0] : vector<16xf32>, vector<16xi32> -> vector<16xf32>
          %parallel_loop3A_458 = arith.addf %parallel_loop3A_441, %parallel_loop3A_457 : vector<16xf32>
          %parallel_loop3A_459 = arith.constant 1 : i32
          %parallel_loop3A_460 = vector.broadcast %parallel_loop3A_459 : i32 to vector<16xi32>
          %parallel_loop3A_461 = arith.addi %iota3A, %parallel_loop3A_460 : vector<16xi32>
          %parallel_loop3A_462 = arith.constant 15 : i32
          %parallel_loop3A_463 = vector.broadcast %parallel_loop3A_462 : i32 to vector<16xi32>
          %parallel_loop3A_464 = arith.andi %parallel_loop3A_461, %parallel_loop3A_463 : vector<16xi32>
          %parallel_loop3A_465 = arith.constant 0 : i32
          %parallel_loop3A_466 = vector.broadcast %parallel_loop3A_465 : i32 to vector<16xi32>
          %parallel_loop3A_467 = arith.cmpi slt, %parallel_loop3A_464, %parallel_loop3A_466 : vector<16xi32>
          %parallel_loop3A_468 = arith.constant 16 : i32
          %parallel_loop3A_469 = vector.broadcast %parallel_loop3A_468 : i32 to vector<16xi32>
          %parallel_loop3A_470 = arith.addi %parallel_loop3A_464, %parallel_loop3A_469 : vector<16xi32>
          %parallel_loop3A_471 = arith.select %parallel_loop3A_467, %parallel_loop3A_470, %parallel_loop3A_464 : vector<16xi1>, vector<16xi32>
          %parallel_loop3A_472 = vector.shape_cast %parallel_loop3A_471 : vector<16xi32> to vector<16x1xi32>
          %parallel_loop3A_473 = vector.shape_cast %parallel_loop3A_472 : vector<16x1xi32> to vector<16xi32>
          %parallel_loop3A_474 = tpu.dynamic_gather %parallel_loop3A_458[%parallel_loop3A_473] in [0] : vector<16xf32>, vector<16xi32> -> vector<16xf32>
          %parallel_loop3A_475 = arith.addf %parallel_loop3A_458, %parallel_loop3A_474 : vector<16xf32>
          %parallel_loop3A_476 = arith.mulf %parallel_loop3A_475, %parallel_loop3A_213 : vector<16xf32>
          %parallel_loop3A_477 = arith.mulf %parallel_loop3A_398, %parallel_loop3A_476 : vector<16xf32>
          %parallel_loop3A_478 = arith.index_cast %parallel_loop3A_198 : i32 to index
          %parallel_loop3A_479 = arith.constant 32 : index
          %parallel_loop3A_480 = tpu.vector_load %arg11[%parallel_loop3A_478, %parallel_loop3A_479] {strides = array<i32>} : memref<64x128xf32, #tpu.memory_space<vmem>>, vector<16xf32>,
          tpu.vector_store %arg11[%parallel_loop3A_478, %parallel_loop3A_479], %parallel_loop3A_477 {strides = array<i32>} : memref<64x128xf32, #tpu.memory_space<vmem>>, vector<16xf32>,
          %parallel_loop3A_481 = arith.index_cast %parallel_loop3A_198 : i32 to index
          %parallel_loop3A_482 = arith.constant 48 : index
          %parallel_loop3A_483 = tpu.vector_load %arg13[%parallel_loop3A_481, %parallel_loop3A_482] {strides = array<i32>} : memref<64x128xf32, #tpu.memory_space<vmem>>, vector<16xf32>,
          %parallel_loop3A_484 = arith.index_cast %parallel_loop3A_198 : i32 to index
          %parallel_loop3A_485 = arith.constant 48 : index
          %parallel_loop3A_486 = tpu.vector_load %arg11[%parallel_loop3A_484, %parallel_loop3A_485] {strides = array<i32>} : memref<64x128xf32, #tpu.memory_space<vmem>>, vector<16xf32>,
          %parallel_loop3A_487 = arith.mulf %parallel_loop3A_483, %parallel_loop3A_486 : vector<16xf32>
          %parallel_loop3A_488 = arith.mulf %parallel_loop3A_487, %parallel_loop3A_397 : vector<16xf32>
          %parallel_loop3A_489 = arith.constant 8 : i32
          %parallel_loop3A_490 = vector.broadcast %parallel_loop3A_489 : i32 to vector<16xi32>
          %parallel_loop3A_491 = arith.addi %iota3A, %parallel_loop3A_490 : vector<16xi32>
          %parallel_loop3A_492 = arith.constant 15 : i32
          %parallel_loop3A_493 = vector.broadcast %parallel_loop3A_492 : i32 to vector<16xi32>
          %parallel_loop3A_494 = arith.andi %parallel_loop3A_491, %parallel_loop3A_493 : vector<16xi32>
          %parallel_loop3A_495 = arith.constant 0 : i32
          %parallel_loop3A_496 = vector.broadcast %parallel_loop3A_495 : i32 to vector<16xi32>
          %parallel_loop3A_497 = arith.cmpi slt, %parallel_loop3A_494, %parallel_loop3A_496 : vector<16xi32>
          %parallel_loop3A_498 = arith.constant 16 : i32
          %parallel_loop3A_499 = vector.broadcast %parallel_loop3A_498 : i32 to vector<16xi32>
          %parallel_loop3A_500 = arith.addi %parallel_loop3A_494, %parallel_loop3A_499 : vector<16xi32>
          %parallel_loop3A_501 = arith.select %parallel_loop3A_497, %parallel_loop3A_500, %parallel_loop3A_494 : vector<16xi1>, vector<16xi32>
          %parallel_loop3A_502 = vector.shape_cast %parallel_loop3A_501 : vector<16xi32> to vector<16x1xi32>
          %parallel_loop3A_503 = vector.shape_cast %parallel_loop3A_502 : vector<16x1xi32> to vector<16xi32>
          %parallel_loop3A_504 = tpu.dynamic_gather %parallel_loop3A_488[%parallel_loop3A_503] in [0] : vector<16xf32>, vector<16xi32> -> vector<16xf32>
          %parallel_loop3A_505 = arith.addf %parallel_loop3A_488, %parallel_loop3A_504 : vector<16xf32>
          %parallel_loop3A_506 = arith.constant 4 : i32
          %parallel_loop3A_507 = vector.broadcast %parallel_loop3A_506 : i32 to vector<16xi32>
          %parallel_loop3A_508 = arith.addi %iota3A, %parallel_loop3A_507 : vector<16xi32>
          %parallel_loop3A_509 = arith.constant 15 : i32
          %parallel_loop3A_510 = vector.broadcast %parallel_loop3A_509 : i32 to vector<16xi32>
          %parallel_loop3A_511 = arith.andi %parallel_loop3A_508, %parallel_loop3A_510 : vector<16xi32>
          %parallel_loop3A_512 = arith.constant 0 : i32
          %parallel_loop3A_513 = vector.broadcast %parallel_loop3A_512 : i32 to vector<16xi32>
          %parallel_loop3A_514 = arith.cmpi slt, %parallel_loop3A_511, %parallel_loop3A_513 : vector<16xi32>
          %parallel_loop3A_515 = arith.constant 16 : i32
          %parallel_loop3A_516 = vector.broadcast %parallel_loop3A_515 : i32 to vector<16xi32>
          %parallel_loop3A_517 = arith.addi %parallel_loop3A_511, %parallel_loop3A_516 : vector<16xi32>
          %parallel_loop3A_518 = arith.select %parallel_loop3A_514, %parallel_loop3A_517, %parallel_loop3A_511 : vector<16xi1>, vector<16xi32>
          %parallel_loop3A_519 = vector.shape_cast %parallel_loop3A_518 : vector<16xi32> to vector<16x1xi32>
          %parallel_loop3A_520 = vector.shape_cast %parallel_loop3A_519 : vector<16x1xi32> to vector<16xi32>
          %parallel_loop3A_521 = tpu.dynamic_gather %parallel_loop3A_505[%parallel_loop3A_520] in [0] : vector<16xf32>, vector<16xi32> -> vector<16xf32>
          %parallel_loop3A_522 = arith.addf %parallel_loop3A_505, %parallel_loop3A_521 : vector<16xf32>
          %parallel_loop3A_523 = arith.constant 2 : i32
          %parallel_loop3A_524 = vector.broadcast %parallel_loop3A_523 : i32 to vector<16xi32>
          %parallel_loop3A_525 = arith.addi %iota3A, %parallel_loop3A_524 : vector<16xi32>
          %parallel_loop3A_526 = arith.constant 15 : i32
          %parallel_loop3A_527 = vector.broadcast %parallel_loop3A_526 : i32 to vector<16xi32>
          %parallel_loop3A_528 = arith.andi %parallel_loop3A_525, %parallel_loop3A_527 : vector<16xi32>
          %parallel_loop3A_529 = arith.constant 0 : i32
          %parallel_loop3A_530 = vector.broadcast %parallel_loop3A_529 : i32 to vector<16xi32>
          %parallel_loop3A_531 = arith.cmpi slt, %parallel_loop3A_528, %parallel_loop3A_530 : vector<16xi32>
          %parallel_loop3A_532 = arith.constant 16 : i32
          %parallel_loop3A_533 = vector.broadcast %parallel_loop3A_532 : i32 to vector<16xi32>
          %parallel_loop3A_534 = arith.addi %parallel_loop3A_528, %parallel_loop3A_533 : vector<16xi32>
          %parallel_loop3A_535 = arith.select %parallel_loop3A_531, %parallel_loop3A_534, %parallel_loop3A_528 : vector<16xi1>, vector<16xi32>
          %parallel_loop3A_536 = vector.shape_cast %parallel_loop3A_535 : vector<16xi32> to vector<16x1xi32>
          %parallel_loop3A_537 = vector.shape_cast %parallel_loop3A_536 : vector<16x1xi32> to vector<16xi32>
          %parallel_loop3A_538 = tpu.dynamic_gather %parallel_loop3A_522[%parallel_loop3A_537] in [0] : vector<16xf32>, vector<16xi32> -> vector<16xf32>
          %parallel_loop3A_539 = arith.addf %parallel_loop3A_522, %parallel_loop3A_538 : vector<16xf32>
          %parallel_loop3A_540 = arith.constant 1 : i32
          %parallel_loop3A_541 = vector.broadcast %parallel_loop3A_540 : i32 to vector<16xi32>
          %parallel_loop3A_542 = arith.addi %iota3A, %parallel_loop3A_541 : vector<16xi32>
          %parallel_loop3A_543 = arith.constant 15 : i32
          %parallel_loop3A_544 = vector.broadcast %parallel_loop3A_543 : i32 to vector<16xi32>
          %parallel_loop3A_545 = arith.andi %parallel_loop3A_542, %parallel_loop3A_544 : vector<16xi32>
          %parallel_loop3A_546 = arith.constant 0 : i32
          %parallel_loop3A_547 = vector.broadcast %parallel_loop3A_546 : i32 to vector<16xi32>
          %parallel_loop3A_548 = arith.cmpi slt, %parallel_loop3A_545, %parallel_loop3A_547 : vector<16xi32>
          %parallel_loop3A_549 = arith.constant 16 : i32
          %parallel_loop3A_550 = vector.broadcast %parallel_loop3A_549 : i32 to vector<16xi32>
          %parallel_loop3A_551 = arith.addi %parallel_loop3A_545, %parallel_loop3A_550 : vector<16xi32>
          %parallel_loop3A_552 = arith.select %parallel_loop3A_548, %parallel_loop3A_551, %parallel_loop3A_545 : vector<16xi1>, vector<16xi32>
          %parallel_loop3A_553 = vector.shape_cast %parallel_loop3A_552 : vector<16xi32> to vector<16x1xi32>
          %parallel_loop3A_554 = vector.shape_cast %parallel_loop3A_553 : vector<16x1xi32> to vector<16xi32>
          %parallel_loop3A_555 = tpu.dynamic_gather %parallel_loop3A_539[%parallel_loop3A_554] in [0] : vector<16xf32>, vector<16xi32> -> vector<16xf32>
          %parallel_loop3A_556 = arith.addf %parallel_loop3A_539, %parallel_loop3A_555 : vector<16xf32>
          %parallel_loop3A_557 = arith.mulf %parallel_loop3A_556, %parallel_loop3A_213 : vector<16xf32>
          %parallel_loop3A_558 = arith.mulf %parallel_loop3A_399, %parallel_loop3A_557 : vector<16xf32>
          %parallel_loop3A_559 = arith.index_cast %parallel_loop3A_198 : i32 to index
          %parallel_loop3A_560 = arith.constant 48 : index
          %parallel_loop3A_561 = tpu.vector_load %arg11[%parallel_loop3A_559, %parallel_loop3A_560] {strides = array<i32>} : memref<64x128xf32, #tpu.memory_space<vmem>>, vector<16xf32>,
          tpu.vector_store %arg11[%parallel_loop3A_559, %parallel_loop3A_560], %parallel_loop3A_558 {strides = array<i32>} : memref<64x128xf32, #tpu.memory_space<vmem>>, vector<16xf32>,
          %parallel_loop3A_562 = arith.index_cast %parallel_loop3A_198 : i32 to index
          %parallel_loop3A_563 = arith.constant 32 : index
          %parallel_loop3A_564 = tpu.vector_load %arg15[%parallel_loop3A_562, %parallel_loop3A_563] {strides = array<i32>} : memref<64x128xi32, #tpu.memory_space<vmem>>, vector<16xi32>,
          %parallel_loop3A_565 = vector.bitcast %parallel_loop3A_564 : vector<16xi32> to vector<32xbf16>
          %parallel_loop3A_566 = arith.index_cast %parallel_loop3A_198 : i32 to index
          %parallel_loop3A_567 = arith.constant 96 : index
          %parallel_loop3A_568 = tpu.vector_load %arg15[%parallel_loop3A_566, %parallel_loop3A_567] {strides = array<i32>} : memref<64x128xi32, #tpu.memory_space<vmem>>, vector<16xi32>,
          %parallel_loop3A_569 = vector.bitcast %parallel_loop3A_568 : vector<16xi32> to vector<32xbf16>
          %parallel_loop3A_570 = tpu.unpack_subelements %parallel_loop3A_565, 0 {pack_format = #tpu.pack_format<interleaved>} : vector<32xbf16> -> vector<16xf32>
          %parallel_loop3A_571 = tpu.unpack_subelements %parallel_loop3A_565, 1 {pack_format = #tpu.pack_format<interleaved>} : vector<32xbf16> -> vector<16xf32>
          %parallel_loop3A_572 = tpu.unpack_subelements %parallel_loop3A_569, 0 {pack_format = #tpu.pack_format<interleaved>} : vector<32xbf16> -> vector<16xf32>
          %parallel_loop3A_573 = tpu.unpack_subelements %parallel_loop3A_569, 1 {pack_format = #tpu.pack_format<interleaved>} : vector<32xbf16> -> vector<16xf32>
          %parallel_loop3A_574 = arith.index_cast %parallel_loop3A_198 : i32 to index
          %parallel_loop3A_575 = arith.constant 64 : index
          %parallel_loop3A_576 = tpu.vector_load %arg13[%parallel_loop3A_574, %parallel_loop3A_575] {strides = array<i32>} : memref<64x128xf32, #tpu.memory_space<vmem>>, vector<16xf32>,
          %parallel_loop3A_577 = arith.index_cast %parallel_loop3A_198 : i32 to index
          %parallel_loop3A_578 = arith.constant 64 : index
          %parallel_loop3A_579 = tpu.vector_load %arg11[%parallel_loop3A_577, %parallel_loop3A_578] {strides = array<i32>} : memref<64x128xf32, #tpu.memory_space<vmem>>, vector<16xf32>,
          %parallel_loop3A_580 = arith.mulf %parallel_loop3A_576, %parallel_loop3A_579 : vector<16xf32>
          %parallel_loop3A_581 = arith.mulf %parallel_loop3A_580, %parallel_loop3A_570 : vector<16xf32>
          %parallel_loop3A_582 = arith.constant 8 : i32
          %parallel_loop3A_583 = vector.broadcast %parallel_loop3A_582 : i32 to vector<16xi32>
          %parallel_loop3A_584 = arith.addi %iota3A, %parallel_loop3A_583 : vector<16xi32>
          %parallel_loop3A_585 = arith.constant 15 : i32
          %parallel_loop3A_586 = vector.broadcast %parallel_loop3A_585 : i32 to vector<16xi32>
          %parallel_loop3A_587 = arith.andi %parallel_loop3A_584, %parallel_loop3A_586 : vector<16xi32>
          %parallel_loop3A_588 = arith.constant 0 : i32
          %parallel_loop3A_589 = vector.broadcast %parallel_loop3A_588 : i32 to vector<16xi32>
          %parallel_loop3A_590 = arith.cmpi slt, %parallel_loop3A_587, %parallel_loop3A_589 : vector<16xi32>
          %parallel_loop3A_591 = arith.constant 16 : i32
          %parallel_loop3A_592 = vector.broadcast %parallel_loop3A_591 : i32 to vector<16xi32>
          %parallel_loop3A_593 = arith.addi %parallel_loop3A_587, %parallel_loop3A_592 : vector<16xi32>
          %parallel_loop3A_594 = arith.select %parallel_loop3A_590, %parallel_loop3A_593, %parallel_loop3A_587 : vector<16xi1>, vector<16xi32>
          %parallel_loop3A_595 = vector.shape_cast %parallel_loop3A_594 : vector<16xi32> to vector<16x1xi32>
          %parallel_loop3A_596 = vector.shape_cast %parallel_loop3A_595 : vector<16x1xi32> to vector<16xi32>
          %parallel_loop3A_597 = tpu.dynamic_gather %parallel_loop3A_581[%parallel_loop3A_596] in [0] : vector<16xf32>, vector<16xi32> -> vector<16xf32>
          %parallel_loop3A_598 = arith.addf %parallel_loop3A_581, %parallel_loop3A_597 : vector<16xf32>
          %parallel_loop3A_599 = arith.constant 4 : i32
          %parallel_loop3A_600 = vector.broadcast %parallel_loop3A_599 : i32 to vector<16xi32>
          %parallel_loop3A_601 = arith.addi %iota3A, %parallel_loop3A_600 : vector<16xi32>
          %parallel_loop3A_602 = arith.constant 15 : i32
          %parallel_loop3A_603 = vector.broadcast %parallel_loop3A_602 : i32 to vector<16xi32>
          %parallel_loop3A_604 = arith.andi %parallel_loop3A_601, %parallel_loop3A_603 : vector<16xi32>
          %parallel_loop3A_605 = arith.constant 0 : i32
          %parallel_loop3A_606 = vector.broadcast %parallel_loop3A_605 : i32 to vector<16xi32>
          %parallel_loop3A_607 = arith.cmpi slt, %parallel_loop3A_604, %parallel_loop3A_606 : vector<16xi32>
          %parallel_loop3A_608 = arith.constant 16 : i32
          %parallel_loop3A_609 = vector.broadcast %parallel_loop3A_608 : i32 to vector<16xi32>
          %parallel_loop3A_610 = arith.addi %parallel_loop3A_604, %parallel_loop3A_609 : vector<16xi32>
          %parallel_loop3A_611 = arith.select %parallel_loop3A_607, %parallel_loop3A_610, %parallel_loop3A_604 : vector<16xi1>, vector<16xi32>
          %parallel_loop3A_612 = vector.shape_cast %parallel_loop3A_611 : vector<16xi32> to vector<16x1xi32>
          %parallel_loop3A_613 = vector.shape_cast %parallel_loop3A_612 : vector<16x1xi32> to vector<16xi32>
          %parallel_loop3A_614 = tpu.dynamic_gather %parallel_loop3A_598[%parallel_loop3A_613] in [0] : vector<16xf32>, vector<16xi32> -> vector<16xf32>
          %parallel_loop3A_615 = arith.addf %parallel_loop3A_598, %parallel_loop3A_614 : vector<16xf32>
          %parallel_loop3A_616 = arith.constant 2 : i32
          %parallel_loop3A_617 = vector.broadcast %parallel_loop3A_616 : i32 to vector<16xi32>
          %parallel_loop3A_618 = arith.addi %iota3A, %parallel_loop3A_617 : vector<16xi32>
          %parallel_loop3A_619 = arith.constant 15 : i32
          %parallel_loop3A_620 = vector.broadcast %parallel_loop3A_619 : i32 to vector<16xi32>
          %parallel_loop3A_621 = arith.andi %parallel_loop3A_618, %parallel_loop3A_620 : vector<16xi32>
          %parallel_loop3A_622 = arith.constant 0 : i32
          %parallel_loop3A_623 = vector.broadcast %parallel_loop3A_622 : i32 to vector<16xi32>
          %parallel_loop3A_624 = arith.cmpi slt, %parallel_loop3A_621, %parallel_loop3A_623 : vector<16xi32>
          %parallel_loop3A_625 = arith.constant 16 : i32
          %parallel_loop3A_626 = vector.broadcast %parallel_loop3A_625 : i32 to vector<16xi32>
          %parallel_loop3A_627 = arith.addi %parallel_loop3A_621, %parallel_loop3A_626 : vector<16xi32>
          %parallel_loop3A_628 = arith.select %parallel_loop3A_624, %parallel_loop3A_627, %parallel_loop3A_621 : vector<16xi1>, vector<16xi32>
          %parallel_loop3A_629 = vector.shape_cast %parallel_loop3A_628 : vector<16xi32> to vector<16x1xi32>
          %parallel_loop3A_630 = vector.shape_cast %parallel_loop3A_629 : vector<16x1xi32> to vector<16xi32>
          %parallel_loop3A_631 = tpu.dynamic_gather %parallel_loop3A_615[%parallel_loop3A_630] in [0] : vector<16xf32>, vector<16xi32> -> vector<16xf32>
          %parallel_loop3A_632 = arith.addf %parallel_loop3A_615, %parallel_loop3A_631 : vector<16xf32>
          %parallel_loop3A_633 = arith.constant 1 : i32
          %parallel_loop3A_634 = vector.broadcast %parallel_loop3A_633 : i32 to vector<16xi32>
          %parallel_loop3A_635 = arith.addi %iota3A, %parallel_loop3A_634 : vector<16xi32>
          %parallel_loop3A_636 = arith.constant 15 : i32
          %parallel_loop3A_637 = vector.broadcast %parallel_loop3A_636 : i32 to vector<16xi32>
          %parallel_loop3A_638 = arith.andi %parallel_loop3A_635, %parallel_loop3A_637 : vector<16xi32>
          %parallel_loop3A_639 = arith.constant 0 : i32
          %parallel_loop3A_640 = vector.broadcast %parallel_loop3A_639 : i32 to vector<16xi32>
          %parallel_loop3A_641 = arith.cmpi slt, %parallel_loop3A_638, %parallel_loop3A_640 : vector<16xi32>
          %parallel_loop3A_642 = arith.constant 16 : i32
          %parallel_loop3A_643 = vector.broadcast %parallel_loop3A_642 : i32 to vector<16xi32>
          %parallel_loop3A_644 = arith.addi %parallel_loop3A_638, %parallel_loop3A_643 : vector<16xi32>
          %parallel_loop3A_645 = arith.select %parallel_loop3A_641, %parallel_loop3A_644, %parallel_loop3A_638 : vector<16xi1>, vector<16xi32>
          %parallel_loop3A_646 = vector.shape_cast %parallel_loop3A_645 : vector<16xi32> to vector<16x1xi32>
          %parallel_loop3A_647 = vector.shape_cast %parallel_loop3A_646 : vector<16x1xi32> to vector<16xi32>
          %parallel_loop3A_648 = tpu.dynamic_gather %parallel_loop3A_632[%parallel_loop3A_647] in [0] : vector<16xf32>, vector<16xi32> -> vector<16xf32>
          %parallel_loop3A_649 = arith.addf %parallel_loop3A_632, %parallel_loop3A_648 : vector<16xf32>
          %parallel_loop3A_650 = arith.mulf %parallel_loop3A_649, %parallel_loop3A_213 : vector<16xf32>
          %parallel_loop3A_651 = arith.mulf %parallel_loop3A_572, %parallel_loop3A_650 : vector<16xf32>
          %parallel_loop3A_652 = arith.index_cast %parallel_loop3A_198 : i32 to index
          %parallel_loop3A_653 = arith.constant 64 : index
          %parallel_loop3A_654 = tpu.vector_load %arg11[%parallel_loop3A_652, %parallel_loop3A_653] {strides = array<i32>} : memref<64x128xf32, #tpu.memory_space<vmem>>, vector<16xf32>,
          tpu.vector_store %arg11[%parallel_loop3A_652, %parallel_loop3A_653], %parallel_loop3A_651 {strides = array<i32>} : memref<64x128xf32, #tpu.memory_space<vmem>>, vector<16xf32>,
          %parallel_loop3A_655 = arith.index_cast %parallel_loop3A_198 : i32 to index
          %parallel_loop3A_656 = arith.constant 80 : index
          %parallel_loop3A_657 = tpu.vector_load %arg13[%parallel_loop3A_655, %parallel_loop3A_656] {strides = array<i32>} : memref<64x128xf32, #tpu.memory_space<vmem>>, vector<16xf32>,
          %parallel_loop3A_658 = arith.index_cast %parallel_loop3A_198 : i32 to index
          %parallel_loop3A_659 = arith.constant 80 : index
          %parallel_loop3A_660 = tpu.vector_load %arg11[%parallel_loop3A_658, %parallel_loop3A_659] {strides = array<i32>} : memref<64x128xf32, #tpu.memory_space<vmem>>, vector<16xf32>,
          %parallel_loop3A_661 = arith.mulf %parallel_loop3A_657, %parallel_loop3A_660 : vector<16xf32>
          %parallel_loop3A_662 = arith.mulf %parallel_loop3A_661, %parallel_loop3A_571 : vector<16xf32>
          %parallel_loop3A_663 = arith.constant 8 : i32
          %parallel_loop3A_664 = vector.broadcast %parallel_loop3A_663 : i32 to vector<16xi32>
          %parallel_loop3A_665 = arith.addi %iota3A, %parallel_loop3A_664 : vector<16xi32>
          %parallel_loop3A_666 = arith.constant 15 : i32
          %parallel_loop3A_667 = vector.broadcast %parallel_loop3A_666 : i32 to vector<16xi32>
          %parallel_loop3A_668 = arith.andi %parallel_loop3A_665, %parallel_loop3A_667 : vector<16xi32>
          %parallel_loop3A_669 = arith.constant 0 : i32
          %parallel_loop3A_670 = vector.broadcast %parallel_loop3A_669 : i32 to vector<16xi32>
          %parallel_loop3A_671 = arith.cmpi slt, %parallel_loop3A_668, %parallel_loop3A_670 : vector<16xi32>
          %parallel_loop3A_672 = arith.constant 16 : i32
          %parallel_loop3A_673 = vector.broadcast %parallel_loop3A_672 : i32 to vector<16xi32>
          %parallel_loop3A_674 = arith.addi %parallel_loop3A_668, %parallel_loop3A_673 : vector<16xi32>
          %parallel_loop3A_675 = arith.select %parallel_loop3A_671, %parallel_loop3A_674, %parallel_loop3A_668 : vector<16xi1>, vector<16xi32>
          %parallel_loop3A_676 = vector.shape_cast %parallel_loop3A_675 : vector<16xi32> to vector<16x1xi32>
          %parallel_loop3A_677 = vector.shape_cast %parallel_loop3A_676 : vector<16x1xi32> to vector<16xi32>
          %parallel_loop3A_678 = tpu.dynamic_gather %parallel_loop3A_662[%parallel_loop3A_677] in [0] : vector<16xf32>, vector<16xi32> -> vector<16xf32>
          %parallel_loop3A_679 = arith.addf %parallel_loop3A_662, %parallel_loop3A_678 : vector<16xf32>
          %parallel_loop3A_680 = arith.constant 4 : i32
          %parallel_loop3A_681 = vector.broadcast %parallel_loop3A_680 : i32 to vector<16xi32>
          %parallel_loop3A_682 = arith.addi %iota3A, %parallel_loop3A_681 : vector<16xi32>
          %parallel_loop3A_683 = arith.constant 15 : i32
          %parallel_loop3A_684 = vector.broadcast %parallel_loop3A_683 : i32 to vector<16xi32>
          %parallel_loop3A_685 = arith.andi %parallel_loop3A_682, %parallel_loop3A_684 : vector<16xi32>
          %parallel_loop3A_686 = arith.constant 0 : i32
          %parallel_loop3A_687 = vector.broadcast %parallel_loop3A_686 : i32 to vector<16xi32>
          %parallel_loop3A_688 = arith.cmpi slt, %parallel_loop3A_685, %parallel_loop3A_687 : vector<16xi32>
          %parallel_loop3A_689 = arith.constant 16 : i32
          %parallel_loop3A_690 = vector.broadcast %parallel_loop3A_689 : i32 to vector<16xi32>
          %parallel_loop3A_691 = arith.addi %parallel_loop3A_685, %parallel_loop3A_690 : vector<16xi32>
          %parallel_loop3A_692 = arith.select %parallel_loop3A_688, %parallel_loop3A_691, %parallel_loop3A_685 : vector<16xi1>, vector<16xi32>
          %parallel_loop3A_693 = vector.shape_cast %parallel_loop3A_692 : vector<16xi32> to vector<16x1xi32>
          %parallel_loop3A_694 = vector.shape_cast %parallel_loop3A_693 : vector<16x1xi32> to vector<16xi32>
          %parallel_loop3A_695 = tpu.dynamic_gather %parallel_loop3A_679[%parallel_loop3A_694] in [0] : vector<16xf32>, vector<16xi32> -> vector<16xf32>
          %parallel_loop3A_696 = arith.addf %parallel_loop3A_679, %parallel_loop3A_695 : vector<16xf32>
          %parallel_loop3A_697 = arith.constant 2 : i32
          %parallel_loop3A_698 = vector.broadcast %parallel_loop3A_697 : i32 to vector<16xi32>
          %parallel_loop3A_699 = arith.addi %iota3A, %parallel_loop3A_698 : vector<16xi32>
          %parallel_loop3A_700 = arith.constant 15 : i32
          %parallel_loop3A_701 = vector.broadcast %parallel_loop3A_700 : i32 to vector<16xi32>
          %parallel_loop3A_702 = arith.andi %parallel_loop3A_699, %parallel_loop3A_701 : vector<16xi32>
          %parallel_loop3A_703 = arith.constant 0 : i32
          %parallel_loop3A_704 = vector.broadcast %parallel_loop3A_703 : i32 to vector<16xi32>
          %parallel_loop3A_705 = arith.cmpi slt, %parallel_loop3A_702, %parallel_loop3A_704 : vector<16xi32>
          %parallel_loop3A_706 = arith.constant 16 : i32
          %parallel_loop3A_707 = vector.broadcast %parallel_loop3A_706 : i32 to vector<16xi32>
          %parallel_loop3A_708 = arith.addi %parallel_loop3A_702, %parallel_loop3A_707 : vector<16xi32>
          %parallel_loop3A_709 = arith.select %parallel_loop3A_705, %parallel_loop3A_708, %parallel_loop3A_702 : vector<16xi1>, vector<16xi32>
          %parallel_loop3A_710 = vector.shape_cast %parallel_loop3A_709 : vector<16xi32> to vector<16x1xi32>
          %parallel_loop3A_711 = vector.shape_cast %parallel_loop3A_710 : vector<16x1xi32> to vector<16xi32>
          %parallel_loop3A_712 = tpu.dynamic_gather %parallel_loop3A_696[%parallel_loop3A_711] in [0] : vector<16xf32>, vector<16xi32> -> vector<16xf32>
          %parallel_loop3A_713 = arith.addf %parallel_loop3A_696, %parallel_loop3A_712 : vector<16xf32>
          %parallel_loop3A_714 = arith.constant 1 : i32
          %parallel_loop3A_715 = vector.broadcast %parallel_loop3A_714 : i32 to vector<16xi32>
          %parallel_loop3A_716 = arith.addi %iota3A, %parallel_loop3A_715 : vector<16xi32>
          %parallel_loop3A_717 = arith.constant 15 : i32
          %parallel_loop3A_718 = vector.broadcast %parallel_loop3A_717 : i32 to vector<16xi32>
          %parallel_loop3A_719 = arith.andi %parallel_loop3A_716, %parallel_loop3A_718 : vector<16xi32>
          %parallel_loop3A_720 = arith.constant 0 : i32
          %parallel_loop3A_721 = vector.broadcast %parallel_loop3A_720 : i32 to vector<16xi32>
          %parallel_loop3A_722 = arith.cmpi slt, %parallel_loop3A_719, %parallel_loop3A_721 : vector<16xi32>
          %parallel_loop3A_723 = arith.constant 16 : i32
          %parallel_loop3A_724 = vector.broadcast %parallel_loop3A_723 : i32 to vector<16xi32>
          %parallel_loop3A_725 = arith.addi %parallel_loop3A_719, %parallel_loop3A_724 : vector<16xi32>
          %parallel_loop3A_726 = arith.select %parallel_loop3A_722, %parallel_loop3A_725, %parallel_loop3A_719 : vector<16xi1>, vector<16xi32>
          %parallel_loop3A_727 = vector.shape_cast %parallel_loop3A_726 : vector<16xi32> to vector<16x1xi32>
          %parallel_loop3A_728 = vector.shape_cast %parallel_loop3A_727 : vector<16x1xi32> to vector<16xi32>
          %parallel_loop3A_729 = tpu.dynamic_gather %parallel_loop3A_713[%parallel_loop3A_728] in [0] : vector<16xf32>, vector<16xi32> -> vector<16xf32>
          %parallel_loop3A_730 = arith.addf %parallel_loop3A_713, %parallel_loop3A_729 : vector<16xf32>
          %parallel_loop3A_731 = arith.mulf %parallel_loop3A_730, %parallel_loop3A_213 : vector<16xf32>
          %parallel_loop3A_732 = arith.mulf %parallel_loop3A_573, %parallel_loop3A_731 : vector<16xf32>
          %parallel_loop3A_733 = arith.index_cast %parallel_loop3A_198 : i32 to index
          %parallel_loop3A_734 = arith.constant 80 : index
          %parallel_loop3A_735 = tpu.vector_load %arg11[%parallel_loop3A_733, %parallel_loop3A_734] {strides = array<i32>} : memref<64x128xf32, #tpu.memory_space<vmem>>, vector<16xf32>,
          tpu.vector_store %arg11[%parallel_loop3A_733, %parallel_loop3A_734], %parallel_loop3A_732 {strides = array<i32>} : memref<64x128xf32, #tpu.memory_space<vmem>>, vector<16xf32>,
          %parallel_loop3A_736 = arith.index_cast %parallel_loop3A_198 : i32 to index
          %parallel_loop3A_737 = arith.constant 48 : index
          %parallel_loop3A_738 = tpu.vector_load %arg15[%parallel_loop3A_736, %parallel_loop3A_737] {strides = array<i32>} : memref<64x128xi32, #tpu.memory_space<vmem>>, vector<16xi32>,
          %parallel_loop3A_739 = vector.bitcast %parallel_loop3A_738 : vector<16xi32> to vector<32xbf16>
          %parallel_loop3A_740 = arith.index_cast %parallel_loop3A_198 : i32 to index
          %parallel_loop3A_741 = arith.constant 112 : index
          %parallel_loop3A_742 = tpu.vector_load %arg15[%parallel_loop3A_740, %parallel_loop3A_741] {strides = array<i32>} : memref<64x128xi32, #tpu.memory_space<vmem>>, vector<16xi32>,
          %parallel_loop3A_743 = vector.bitcast %parallel_loop3A_742 : vector<16xi32> to vector<32xbf16>
          %parallel_loop3A_744 = tpu.unpack_subelements %parallel_loop3A_739, 0 {pack_format = #tpu.pack_format<interleaved>} : vector<32xbf16> -> vector<16xf32>
          %parallel_loop3A_745 = tpu.unpack_subelements %parallel_loop3A_739, 1 {pack_format = #tpu.pack_format<interleaved>} : vector<32xbf16> -> vector<16xf32>
          %parallel_loop3A_746 = tpu.unpack_subelements %parallel_loop3A_743, 0 {pack_format = #tpu.pack_format<interleaved>} : vector<32xbf16> -> vector<16xf32>
          %parallel_loop3A_747 = tpu.unpack_subelements %parallel_loop3A_743, 1 {pack_format = #tpu.pack_format<interleaved>} : vector<32xbf16> -> vector<16xf32>
          %parallel_loop3A_748 = arith.index_cast %parallel_loop3A_198 : i32 to index
          %parallel_loop3A_749 = arith.constant 96 : index
          %parallel_loop3A_750 = tpu.vector_load %arg13[%parallel_loop3A_748, %parallel_loop3A_749] {strides = array<i32>} : memref<64x128xf32, #tpu.memory_space<vmem>>, vector<16xf32>,
          %parallel_loop3A_751 = arith.index_cast %parallel_loop3A_198 : i32 to index
          %parallel_loop3A_752 = arith.constant 96 : index
          %parallel_loop3A_753 = tpu.vector_load %arg11[%parallel_loop3A_751, %parallel_loop3A_752] {strides = array<i32>} : memref<64x128xf32, #tpu.memory_space<vmem>>, vector<16xf32>,
          %parallel_loop3A_754 = arith.mulf %parallel_loop3A_750, %parallel_loop3A_753 : vector<16xf32>
          %parallel_loop3A_755 = arith.mulf %parallel_loop3A_754, %parallel_loop3A_744 : vector<16xf32>
          %parallel_loop3A_756 = arith.constant 8 : i32
          %parallel_loop3A_757 = vector.broadcast %parallel_loop3A_756 : i32 to vector<16xi32>
          %parallel_loop3A_758 = arith.addi %iota3A, %parallel_loop3A_757 : vector<16xi32>
          %parallel_loop3A_759 = arith.constant 15 : i32
          %parallel_loop3A_760 = vector.broadcast %parallel_loop3A_759 : i32 to vector<16xi32>
          %parallel_loop3A_761 = arith.andi %parallel_loop3A_758, %parallel_loop3A_760 : vector<16xi32>
          %parallel_loop3A_762 = arith.constant 0 : i32
          %parallel_loop3A_763 = vector.broadcast %parallel_loop3A_762 : i32 to vector<16xi32>
          %parallel_loop3A_764 = arith.cmpi slt, %parallel_loop3A_761, %parallel_loop3A_763 : vector<16xi32>
          %parallel_loop3A_765 = arith.constant 16 : i32
          %parallel_loop3A_766 = vector.broadcast %parallel_loop3A_765 : i32 to vector<16xi32>
          %parallel_loop3A_767 = arith.addi %parallel_loop3A_761, %parallel_loop3A_766 : vector<16xi32>
          %parallel_loop3A_768 = arith.select %parallel_loop3A_764, %parallel_loop3A_767, %parallel_loop3A_761 : vector<16xi1>, vector<16xi32>
          %parallel_loop3A_769 = vector.shape_cast %parallel_loop3A_768 : vector<16xi32> to vector<16x1xi32>
          %parallel_loop3A_770 = vector.shape_cast %parallel_loop3A_769 : vector<16x1xi32> to vector<16xi32>
          %parallel_loop3A_771 = tpu.dynamic_gather %parallel_loop3A_755[%parallel_loop3A_770] in [0] : vector<16xf32>, vector<16xi32> -> vector<16xf32>
          %parallel_loop3A_772 = arith.addf %parallel_loop3A_755, %parallel_loop3A_771 : vector<16xf32>
          %parallel_loop3A_773 = arith.constant 4 : i32
          %parallel_loop3A_774 = vector.broadcast %parallel_loop3A_773 : i32 to vector<16xi32>
          %parallel_loop3A_775 = arith.addi %iota3A, %parallel_loop3A_774 : vector<16xi32>
          %parallel_loop3A_776 = arith.constant 15 : i32
          %parallel_loop3A_777 = vector.broadcast %parallel_loop3A_776 : i32 to vector<16xi32>
          %parallel_loop3A_778 = arith.andi %parallel_loop3A_775, %parallel_loop3A_777 : vector<16xi32>
          %parallel_loop3A_779 = arith.constant 0 : i32
          %parallel_loop3A_780 = vector.broadcast %parallel_loop3A_779 : i32 to vector<16xi32>
          %parallel_loop3A_781 = arith.cmpi slt, %parallel_loop3A_778, %parallel_loop3A_780 : vector<16xi32>
          %parallel_loop3A_782 = arith.constant 16 : i32
          %parallel_loop3A_783 = vector.broadcast %parallel_loop3A_782 : i32 to vector<16xi32>
          %parallel_loop3A_784 = arith.addi %parallel_loop3A_778, %parallel_loop3A_783 : vector<16xi32>
          %parallel_loop3A_785 = arith.select %parallel_loop3A_781, %parallel_loop3A_784, %parallel_loop3A_778 : vector<16xi1>, vector<16xi32>
          %parallel_loop3A_786 = vector.shape_cast %parallel_loop3A_785 : vector<16xi32> to vector<16x1xi32>
          %parallel_loop3A_787 = vector.shape_cast %parallel_loop3A_786 : vector<16x1xi32> to vector<16xi32>
          %parallel_loop3A_788 = tpu.dynamic_gather %parallel_loop3A_772[%parallel_loop3A_787] in [0] : vector<16xf32>, vector<16xi32> -> vector<16xf32>
          %parallel_loop3A_789 = arith.addf %parallel_loop3A_772, %parallel_loop3A_788 : vector<16xf32>
          %parallel_loop3A_790 = arith.constant 2 : i32
          %parallel_loop3A_791 = vector.broadcast %parallel_loop3A_790 : i32 to vector<16xi32>
          %parallel_loop3A_792 = arith.addi %iota3A, %parallel_loop3A_791 : vector<16xi32>
          %parallel_loop3A_793 = arith.constant 15 : i32
          %parallel_loop3A_794 = vector.broadcast %parallel_loop3A_793 : i32 to vector<16xi32>
          %parallel_loop3A_795 = arith.andi %parallel_loop3A_792, %parallel_loop3A_794 : vector<16xi32>
          %parallel_loop3A_796 = arith.constant 0 : i32
          %parallel_loop3A_797 = vector.broadcast %parallel_loop3A_796 : i32 to vector<16xi32>
          %parallel_loop3A_798 = arith.cmpi slt, %parallel_loop3A_795, %parallel_loop3A_797 : vector<16xi32>
          %parallel_loop3A_799 = arith.constant 16 : i32
          %parallel_loop3A_800 = vector.broadcast %parallel_loop3A_799 : i32 to vector<16xi32>
          %parallel_loop3A_801 = arith.addi %parallel_loop3A_795, %parallel_loop3A_800 : vector<16xi32>
          %parallel_loop3A_802 = arith.select %parallel_loop3A_798, %parallel_loop3A_801, %parallel_loop3A_795 : vector<16xi1>, vector<16xi32>
          %parallel_loop3A_803 = vector.shape_cast %parallel_loop3A_802 : vector<16xi32> to vector<16x1xi32>
          %parallel_loop3A_804 = vector.shape_cast %parallel_loop3A_803 : vector<16x1xi32> to vector<16xi32>
          %parallel_loop3A_805 = tpu.dynamic_gather %parallel_loop3A_789[%parallel_loop3A_804] in [0] : vector<16xf32>, vector<16xi32> -> vector<16xf32>
          %parallel_loop3A_806 = arith.addf %parallel_loop3A_789, %parallel_loop3A_805 : vector<16xf32>
          %parallel_loop3A_807 = arith.constant 1 : i32
          %parallel_loop3A_808 = vector.broadcast %parallel_loop3A_807 : i32 to vector<16xi32>
          %parallel_loop3A_809 = arith.addi %iota3A, %parallel_loop3A_808 : vector<16xi32>
          %parallel_loop3A_810 = arith.constant 15 : i32
          %parallel_loop3A_811 = vector.broadcast %parallel_loop3A_810 : i32 to vector<16xi32>
          %parallel_loop3A_812 = arith.andi %parallel_loop3A_809, %parallel_loop3A_811 : vector<16xi32>
          %parallel_loop3A_813 = arith.constant 0 : i32
          %parallel_loop3A_814 = vector.broadcast %parallel_loop3A_813 : i32 to vector<16xi32>
          %parallel_loop3A_815 = arith.cmpi slt, %parallel_loop3A_812, %parallel_loop3A_814 : vector<16xi32>
          %parallel_loop3A_816 = arith.constant 16 : i32
          %parallel_loop3A_817 = vector.broadcast %parallel_loop3A_816 : i32 to vector<16xi32>
          %parallel_loop3A_818 = arith.addi %parallel_loop3A_812, %parallel_loop3A_817 : vector<16xi32>
          %parallel_loop3A_819 = arith.select %parallel_loop3A_815, %parallel_loop3A_818, %parallel_loop3A_812 : vector<16xi1>, vector<16xi32>
          %parallel_loop3A_820 = vector.shape_cast %parallel_loop3A_819 : vector<16xi32> to vector<16x1xi32>
          %parallel_loop3A_821 = vector.shape_cast %parallel_loop3A_820 : vector<16x1xi32> to vector<16xi32>
          %parallel_loop3A_822 = tpu.dynamic_gather %parallel_loop3A_806[%parallel_loop3A_821] in [0] : vector<16xf32>, vector<16xi32> -> vector<16xf32>
          %parallel_loop3A_823 = arith.addf %parallel_loop3A_806, %parallel_loop3A_822 : vector<16xf32>
          %parallel_loop3A_824 = arith.mulf %parallel_loop3A_823, %parallel_loop3A_213 : vector<16xf32>
          %parallel_loop3A_825 = arith.mulf %parallel_loop3A_746, %parallel_loop3A_824 : vector<16xf32>
          %parallel_loop3A_826 = arith.index_cast %parallel_loop3A_198 : i32 to index
          %parallel_loop3A_827 = arith.constant 96 : index
          %parallel_loop3A_828 = tpu.vector_load %arg11[%parallel_loop3A_826, %parallel_loop3A_827] {strides = array<i32>} : memref<64x128xf32, #tpu.memory_space<vmem>>, vector<16xf32>,
          tpu.vector_store %arg11[%parallel_loop3A_826, %parallel_loop3A_827], %parallel_loop3A_825 {strides = array<i32>} : memref<64x128xf32, #tpu.memory_space<vmem>>, vector<16xf32>,
          %parallel_loop3A_829 = arith.index_cast %parallel_loop3A_198 : i32 to index
          %parallel_loop3A_830 = arith.constant 112 : index
          %parallel_loop3A_831 = tpu.vector_load %arg13[%parallel_loop3A_829, %parallel_loop3A_830] {strides = array<i32>} : memref<64x128xf32, #tpu.memory_space<vmem>>, vector<16xf32>,
          %parallel_loop3A_832 = arith.index_cast %parallel_loop3A_198 : i32 to index
          %parallel_loop3A_833 = arith.constant 112 : index
          %parallel_loop3A_834 = tpu.vector_load %arg11[%parallel_loop3A_832, %parallel_loop3A_833] {strides = array<i32>} : memref<64x128xf32, #tpu.memory_space<vmem>>, vector<16xf32>,
          %parallel_loop3A_835 = arith.mulf %parallel_loop3A_831, %parallel_loop3A_834 : vector<16xf32>
          %parallel_loop3A_836 = arith.mulf %parallel_loop3A_835, %parallel_loop3A_745 : vector<16xf32>
          %parallel_loop3A_837 = arith.constant 8 : i32
          %parallel_loop3A_838 = vector.broadcast %parallel_loop3A_837 : i32 to vector<16xi32>
          %parallel_loop3A_839 = arith.addi %iota3A, %parallel_loop3A_838 : vector<16xi32>
          %parallel_loop3A_840 = arith.constant 15 : i32
          %parallel_loop3A_841 = vector.broadcast %parallel_loop3A_840 : i32 to vector<16xi32>
          %parallel_loop3A_842 = arith.andi %parallel_loop3A_839, %parallel_loop3A_841 : vector<16xi32>
          %parallel_loop3A_843 = arith.constant 0 : i32
          %parallel_loop3A_844 = vector.broadcast %parallel_loop3A_843 : i32 to vector<16xi32>
          %parallel_loop3A_845 = arith.cmpi slt, %parallel_loop3A_842, %parallel_loop3A_844 : vector<16xi32>
          %parallel_loop3A_846 = arith.constant 16 : i32
          %parallel_loop3A_847 = vector.broadcast %parallel_loop3A_846 : i32 to vector<16xi32>
          %parallel_loop3A_848 = arith.addi %parallel_loop3A_842, %parallel_loop3A_847 : vector<16xi32>
          %parallel_loop3A_849 = arith.select %parallel_loop3A_845, %parallel_loop3A_848, %parallel_loop3A_842 : vector<16xi1>, vector<16xi32>
          %parallel_loop3A_850 = vector.shape_cast %parallel_loop3A_849 : vector<16xi32> to vector<16x1xi32>
          %parallel_loop3A_851 = vector.shape_cast %parallel_loop3A_850 : vector<16x1xi32> to vector<16xi32>
          %parallel_loop3A_852 = tpu.dynamic_gather %parallel_loop3A_836[%parallel_loop3A_851] in [0] : vector<16xf32>, vector<16xi32> -> vector<16xf32>
          %parallel_loop3A_853 = arith.addf %parallel_loop3A_836, %parallel_loop3A_852 : vector<16xf32>
          %parallel_loop3A_854 = arith.constant 4 : i32
          %parallel_loop3A_855 = vector.broadcast %parallel_loop3A_854 : i32 to vector<16xi32>
          %parallel_loop3A_856 = arith.addi %iota3A, %parallel_loop3A_855 : vector<16xi32>
          %parallel_loop3A_857 = arith.constant 15 : i32
          %parallel_loop3A_858 = vector.broadcast %parallel_loop3A_857 : i32 to vector<16xi32>
          %parallel_loop3A_859 = arith.andi %parallel_loop3A_856, %parallel_loop3A_858 : vector<16xi32>
          %parallel_loop3A_860 = arith.constant 0 : i32
          %parallel_loop3A_861 = vector.broadcast %parallel_loop3A_860 : i32 to vector<16xi32>
          %parallel_loop3A_862 = arith.cmpi slt, %parallel_loop3A_859, %parallel_loop3A_861 : vector<16xi32>
          %parallel_loop3A_863 = arith.constant 16 : i32
          %parallel_loop3A_864 = vector.broadcast %parallel_loop3A_863 : i32 to vector<16xi32>
          %parallel_loop3A_865 = arith.addi %parallel_loop3A_859, %parallel_loop3A_864 : vector<16xi32>
          %parallel_loop3A_866 = arith.select %parallel_loop3A_862, %parallel_loop3A_865, %parallel_loop3A_859 : vector<16xi1>, vector<16xi32>
          %parallel_loop3A_867 = vector.shape_cast %parallel_loop3A_866 : vector<16xi32> to vector<16x1xi32>
          %parallel_loop3A_868 = vector.shape_cast %parallel_loop3A_867 : vector<16x1xi32> to vector<16xi32>
          %parallel_loop3A_869 = tpu.dynamic_gather %parallel_loop3A_853[%parallel_loop3A_868] in [0] : vector<16xf32>, vector<16xi32> -> vector<16xf32>
          %parallel_loop3A_870 = arith.addf %parallel_loop3A_853, %parallel_loop3A_869 : vector<16xf32>
          %parallel_loop3A_871 = arith.constant 2 : i32
          %parallel_loop3A_872 = vector.broadcast %parallel_loop3A_871 : i32 to vector<16xi32>
          %parallel_loop3A_873 = arith.addi %iota3A, %parallel_loop3A_872 : vector<16xi32>
          %parallel_loop3A_874 = arith.constant 15 : i32
          %parallel_loop3A_875 = vector.broadcast %parallel_loop3A_874 : i32 to vector<16xi32>
          %parallel_loop3A_876 = arith.andi %parallel_loop3A_873, %parallel_loop3A_875 : vector<16xi32>
          %parallel_loop3A_877 = arith.constant 0 : i32
          %parallel_loop3A_878 = vector.broadcast %parallel_loop3A_877 : i32 to vector<16xi32>
          %parallel_loop3A_879 = arith.cmpi slt, %parallel_loop3A_876, %parallel_loop3A_878 : vector<16xi32>
          %parallel_loop3A_880 = arith.constant 16 : i32
          %parallel_loop3A_881 = vector.broadcast %parallel_loop3A_880 : i32 to vector<16xi32>
          %parallel_loop3A_882 = arith.addi %parallel_loop3A_876, %parallel_loop3A_881 : vector<16xi32>
          %parallel_loop3A_883 = arith.select %parallel_loop3A_879, %parallel_loop3A_882, %parallel_loop3A_876 : vector<16xi1>, vector<16xi32>
          %parallel_loop3A_884 = vector.shape_cast %parallel_loop3A_883 : vector<16xi32> to vector<16x1xi32>
          %parallel_loop3A_885 = vector.shape_cast %parallel_loop3A_884 : vector<16x1xi32> to vector<16xi32>
          %parallel_loop3A_886 = tpu.dynamic_gather %parallel_loop3A_870[%parallel_loop3A_885] in [0] : vector<16xf32>, vector<16xi32> -> vector<16xf32>
          %parallel_loop3A_887 = arith.addf %parallel_loop3A_870, %parallel_loop3A_886 : vector<16xf32>
          %parallel_loop3A_888 = arith.constant 1 : i32
          %parallel_loop3A_889 = vector.broadcast %parallel_loop3A_888 : i32 to vector<16xi32>
          %parallel_loop3A_890 = arith.addi %iota3A, %parallel_loop3A_889 : vector<16xi32>
          %parallel_loop3A_891 = arith.constant 15 : i32
          %parallel_loop3A_892 = vector.broadcast %parallel_loop3A_891 : i32 to vector<16xi32>
          %parallel_loop3A_893 = arith.andi %parallel_loop3A_890, %parallel_loop3A_892 : vector<16xi32>
          %parallel_loop3A_894 = arith.constant 0 : i32
          %parallel_loop3A_895 = vector.broadcast %parallel_loop3A_894 : i32 to vector<16xi32>
          %parallel_loop3A_896 = arith.cmpi slt, %parallel_loop3A_893, %parallel_loop3A_895 : vector<16xi32>
          %parallel_loop3A_897 = arith.constant 16 : i32
          %parallel_loop3A_898 = vector.broadcast %parallel_loop3A_897 : i32 to vector<16xi32>
          %parallel_loop3A_899 = arith.addi %parallel_loop3A_893, %parallel_loop3A_898 : vector<16xi32>
          %parallel_loop3A_900 = arith.select %parallel_loop3A_896, %parallel_loop3A_899, %parallel_loop3A_893 : vector<16xi1>, vector<16xi32>
          %parallel_loop3A_901 = vector.shape_cast %parallel_loop3A_900 : vector<16xi32> to vector<16x1xi32>
          %parallel_loop3A_902 = vector.shape_cast %parallel_loop3A_901 : vector<16x1xi32> to vector<16xi32>
          %parallel_loop3A_903 = tpu.dynamic_gather %parallel_loop3A_887[%parallel_loop3A_902] in [0] : vector<16xf32>, vector<16xi32> -> vector<16xf32>
          %parallel_loop3A_904 = arith.addf %parallel_loop3A_887, %parallel_loop3A_903 : vector<16xf32>
          %parallel_loop3A_905 = arith.mulf %parallel_loop3A_904, %parallel_loop3A_213 : vector<16xf32>
          %parallel_loop3A_906 = arith.mulf %parallel_loop3A_747, %parallel_loop3A_905 : vector<16xf32>
          %parallel_loop3A_907 = arith.index_cast %parallel_loop3A_198 : i32 to index
          %parallel_loop3A_908 = arith.constant 112 : index
          %parallel_loop3A_909 = tpu.vector_load %arg11[%parallel_loop3A_907, %parallel_loop3A_908] {strides = array<i32>} : memref<64x128xf32, #tpu.memory_space<vmem>>, vector<16xf32>,
          tpu.vector_store %arg11[%parallel_loop3A_907, %parallel_loop3A_908], %parallel_loop3A_906 {strides = array<i32>} : memref<64x128xf32, #tpu.memory_space<vmem>>, vector<16xf32>,
        } {sc.loop_unroll_factor = 8 : i64, sc.parallel_access}
      }
      %scan3A_165 = arith.constant 4 : i32
      %dma_start3A_166 = arith.constant 0 : i32
      %dma_start3A_167 = arith.constant 0 : i32
      %dma_start3A_168 = tpu.memref_slice %arg9[%dma_start3A_166, %dma_start3A_167] : memref<3x64xi32, #tpu.memory_space<vmem>> -> memref<1x64xi32, #tpu.memory_space<vmem>>
      %dma_start3A_169 = tpu.memref_squeeze %dma_start3A_168 : memref<1x64xi32, #tpu.memory_space<vmem>> -> memref<64xi32, #tpu.memory_space<vmem>>
      %dma_start3A_170 = arith.constant 0 : i32
      %dma_start3A_171 = arith.constant 0 : i32
      %dma_start3A_172 = tpu.memref_slice %arg16[%dma_start3A_170, %dma_start3A_171] : memref<10000x128xf32, #tpu.memory_space<vmem_shared>> -> memref<10000x128xf32, #tpu.memory_space<vmem_shared>>
      tpu.enqueue_indirect_dma source(%arg11 : memref<64x128xf32, #tpu.memory_space<vmem>>) target(%dma_start3A_172 : memref<10000x128xf32, #tpu.memory_space<vmem_shared>>) offsets(%dma_start3A_169 : memref<64xi32, #tpu.memory_space<vmem>>) semaphore(%arg24 : memref<!tpu.dma_semaphore, #tpu.memory_space<semaphore_mem>>) {add = true}
      %dma_wait3A_173 = arith.constant 0 : i32
      %dma_wait3A_174 = arith.constant 0 : i32
      %dma_wait3A_175 = tpu.memref_slice %arg8[%dma_wait3A_173, %dma_wait3A_174] : memref<3x64xi32, #tpu.memory_space<vmem>> -> memref<1x64xi32, #tpu.memory_space<vmem>>
      %dma_wait3A_176 = tpu.memref_squeeze %dma_wait3A_175 : memref<1x64xi32, #tpu.memory_space<vmem>> -> memref<64xi32, #tpu.memory_space<vmem>>
      %dma_wait3A_177 = arith.constant 0 : i32
      %dma_wait3A_178 = arith.constant 0 : i32
      %dma_wait3A_179 = tpu.memref_slice %arg16[%dma_wait3A_177, %dma_wait3A_178] : memref<10000x128xf32, #tpu.memory_space<vmem_shared>> -> memref<10000x128xf32, #tpu.memory_space<vmem_shared>>
      tpu.wait_indirect_dma semaphore(%arg23 : memref<!tpu.dma_semaphore, #tpu.memory_space<semaphore_mem>>) src(%arg10 : memref<64x128xf32, #tpu.memory_space<vmem>>) dst(%dma_wait3A_179 : memref<10000x128xf32, #tpu.memory_space<vmem_shared>>)
      %dma_wait3A_180 = arith.constant 0 : i32
      %dma_wait3A_181 = arith.constant 0 : i32
      %dma_wait3A_182 = tpu.memref_slice %arg9[%dma_wait3A_180, %dma_wait3A_181] : memref<3x64xi32, #tpu.memory_space<vmem>> -> memref<1x64xi32, #tpu.memory_space<vmem>>
      %dma_wait3A_183 = tpu.memref_squeeze %dma_wait3A_182 : memref<1x64xi32, #tpu.memory_space<vmem>> -> memref<64xi32, #tpu.memory_space<vmem>>
      %dma_wait3A_184 = arith.constant 0 : i32
      %dma_wait3A_185 = arith.constant 0 : i32
      %dma_wait3A_186 = tpu.memref_slice %arg16[%dma_wait3A_184, %dma_wait3A_185] : memref<10000x128xf32, #tpu.memory_space<vmem_shared>> -> memref<10000x128xf32, #tpu.memory_space<vmem_shared>>
      tpu.wait_indirect_dma semaphore(%arg24 : memref<!tpu.dma_semaphore, #tpu.memory_space<semaphore_mem>>) src(%arg11 : memref<64x128xf32, #tpu.memory_space<vmem>>) dst(%dma_wait3A_186 : memref<10000x128xf32, #tpu.memory_space<vmem_shared>>)
    }
    %while3A_25 = arith.constant 1 : i32
    scf.for %while3A_36 = %while3A_23 to %while3A_19 step %while3A_25  : i32 {
      %mul3A_37 = arith.constant 2 : i32
      %mul3A_38 = arith.muli %mul3A_37, %while3A_36 : i32
      %add3A_39 = arith.addi %add3A_6, %mul3A_38 : i32
      %add3A_40 = arith.constant 1 : i32
      %add3A_41 = arith.addi %add3A_39, %add3A_40 : i32
      %dma_start3A = arith.constant 0 : i32
      %dma_start3A_42 = arith.constant 0 : i32
      %dma_start3A_43 = tpu.memref_slice %arg5[%add3A_39, %dma_start3A, %dma_start3A_42] : memref<5000x3x64xi32, #tpu.memory_space<hbm>> -> memref<1x3x64xi32, #tpu.memory_space<hbm>>
      %dma_start3A_44 = tpu.memref_squeeze %dma_start3A_43 : memref<1x3x64xi32, #tpu.memory_space<hbm>> -> memref<3x64xi32, #tpu.memory_space<hbm>>
      %dma_start3A_45 = arith.constant 0 : i32
      %dma_start3A_46 = arith.constant 0 : i32
      %dma_start3A_47 = tpu.memref_slice %arg5[%add3A_39, %dma_start3A_45, %dma_start3A_46] : memref<5000x3x64xi32, #tpu.memory_space<hbm>> -> memref<1x3x64xi32, #tpu.memory_space<hbm>>
      %dma_start3A_48 = tpu.memref_squeeze %dma_start3A_47 : memref<1x3x64xi32, #tpu.memory_space<hbm>> -> memref<3x64xi32, #tpu.memory_space<hbm>>
      tpu.enqueue_dma source(%dma_start3A_48 : memref<3x64xi32, #tpu.memory_space<hbm>>) target(%arg8 : memref<3x64xi32, #tpu.memory_space<vmem>>) target_semaphore(%arg17 : memref<!tpu.dma_semaphore, #tpu.memory_space<semaphore_mem>>)
      %mul3A_49 = arith.constant 64 : i32
      %mul3A_50 = arith.muli %add3A_39, %mul3A_49 : i32
      %dma_start3A_51 = arith.constant 0 : i32
      %dma_start3A_52 = tpu.memref_slice %arg4[%mul3A_50, %dma_start3A_51] : memref<320000x128xf32, #tpu.memory_space<hbm>> -> memref<64x128xf32, #tpu.memory_space<hbm>>
      %dma_start3A_53 = arith.constant 0 : i32
      %dma_start3A_54 = tpu.memref_slice %arg4[%mul3A_50, %dma_start3A_53] : memref<320000x128xf32, #tpu.memory_space<hbm>> -> memref<64x128xf32, #tpu.memory_space<hbm>>
      tpu.enqueue_dma source(%dma_start3A_54 : memref<64x128xf32, #tpu.memory_space<hbm>>) target(%arg10 : memref<64x128xf32, #tpu.memory_space<vmem>>) target_semaphore(%arg17 : memref<!tpu.dma_semaphore, #tpu.memory_space<semaphore_mem>>)
      %dma_start3A_55 = arith.constant 0 : i32
      %dma_start3A_56 = arith.constant 0 : i32
      %dma_start3A_57 = tpu.memref_slice %arg5[%add3A_41, %dma_start3A_55, %dma_start3A_56] : memref<5000x3x64xi32, #tpu.memory_space<hbm>> -> memref<1x3x64xi32, #tpu.memory_space<hbm>>
      %dma_start3A_58 = tpu.memref_squeeze %dma_start3A_57 : memref<1x3x64xi32, #tpu.memory_space<hbm>> -> memref<3x64xi32, #tpu.memory_space<hbm>>
      %dma_start3A_59 = arith.constant 0 : i32
      %dma_start3A_60 = arith.constant 0 : i32
      %dma_start3A_61 = tpu.memref_slice %arg5[%add3A_41, %dma_start3A_59, %dma_start3A_60] : memref<5000x3x64xi32, #tpu.memory_space<hbm>> -> memref<1x3x64xi32, #tpu.memory_space<hbm>>
      %dma_start3A_62 = tpu.memref_squeeze %dma_start3A_61 : memref<1x3x64xi32, #tpu.memory_space<hbm>> -> memref<3x64xi32, #tpu.memory_space<hbm>>
      tpu.enqueue_dma source(%dma_start3A_62 : memref<3x64xi32, #tpu.memory_space<hbm>>) target(%arg9 : memref<3x64xi32, #tpu.memory_space<vmem>>) target_semaphore(%arg18 : memref<!tpu.dma_semaphore, #tpu.memory_space<semaphore_mem>>)
      %mul3A_63 = arith.constant 64 : i32
      %mul3A_64 = arith.muli %add3A_41, %mul3A_63 : i32
      %dma_start3A_65 = arith.constant 0 : i32
      %dma_start3A_66 = tpu.memref_slice %arg4[%mul3A_64, %dma_start3A_65] : memref<320000x128xf32, #tpu.memory_space<hbm>> -> memref<64x128xf32, #tpu.memory_space<hbm>>
      %dma_start3A_67 = arith.constant 0 : i32
      %dma_start3A_68 = tpu.memref_slice %arg4[%mul3A_64, %dma_start3A_67] : memref<320000x128xf32, #tpu.memory_space<hbm>> -> memref<64x128xf32, #tpu.memory_space<hbm>>
      tpu.enqueue_dma source(%dma_start3A_68 : memref<64x128xf32, #tpu.memory_space<hbm>>) target(%arg11 : memref<64x128xf32, #tpu.memory_space<vmem>>) target_semaphore(%arg18 : memref<!tpu.dma_semaphore, #tpu.memory_space<semaphore_mem>>)
      %dma_wait3A = arith.constant 0 : i32
      %dma_wait3A_69 = arith.constant 0 : i32
      %dma_wait3A_70 = tpu.memref_slice %arg5[%add3A_39, %dma_wait3A, %dma_wait3A_69] : memref<5000x3x64xi32, #tpu.memory_space<hbm>> -> memref<1x3x64xi32, #tpu.memory_space<hbm>>
      %dma_wait3A_71 = tpu.memref_squeeze %dma_wait3A_70 : memref<1x3x64xi32, #tpu.memory_space<hbm>> -> memref<3x64xi32, #tpu.memory_space<hbm>>
      %dma_wait3A_72 = arith.constant 0 : i32
      %dma_wait3A_73 = arith.constant 0 : i32
      %dma_wait3A_74 = tpu.memref_slice %arg5[%add3A_39, %dma_wait3A_72, %dma_wait3A_73] : memref<5000x3x64xi32, #tpu.memory_space<hbm>> -> memref<1x3x64xi32, #tpu.memory_space<hbm>>
      %dma_wait3A_75 = tpu.memref_squeeze %dma_wait3A_74 : memref<1x3x64xi32, #tpu.memory_space<hbm>> -> memref<3x64xi32, #tpu.memory_space<hbm>>
      tpu.wait_dma2 semaphore(%arg17 : memref<!tpu.dma_semaphore, #tpu.memory_space<semaphore_mem>>) src(%dma_wait3A_75 : memref<3x64xi32, #tpu.memory_space<hbm>>) dst(%arg8 : memref<3x64xi32, #tpu.memory_space<vmem>>)
      %dma_wait3A_76 = arith.constant 0 : i32
      %dma_wait3A_77 = tpu.memref_slice %arg4[%mul3A_50, %dma_wait3A_76] : memref<320000x128xf32, #tpu.memory_space<hbm>> -> memref<64x128xf32, #tpu.memory_space<hbm>>
      %dma_wait3A_78 = arith.constant 0 : i32
      %dma_wait3A_79 = tpu.memref_slice %arg4[%mul3A_50, %dma_wait3A_78] : memref<320000x128xf32, #tpu.memory_space<hbm>> -> memref<64x128xf32, #tpu.memory_space<hbm>>
      tpu.wait_dma2 semaphore(%arg17 : memref<!tpu.dma_semaphore, #tpu.memory_space<semaphore_mem>>) src(%dma_wait3A_79 : memref<64x128xf32, #tpu.memory_space<hbm>>) dst(%arg10 : memref<64x128xf32, #tpu.memory_space<vmem>>)
      %dma_start3A_80 = arith.constant 0 : i32
      %dma_start3A_81 = arith.constant 0 : i32
      %dma_start3A_82 = tpu.memref_slice %arg8[%dma_start3A_80, %dma_start3A_81] : memref<3x64xi32, #tpu.memory_space<vmem>> -> memref<1x64xi32, #tpu.memory_space<vmem>>
      %dma_start3A_83 = tpu.memref_squeeze %dma_start3A_82 : memref<1x64xi32, #tpu.memory_space<vmem>> -> memref<64xi32, #tpu.memory_space<vmem>>
      %dma_start3A_84 = arith.constant 0 : i32
      %dma_start3A_85 = arith.constant 0 : i32
      %dma_start3A_86 = tpu.memref_slice %arg2[%dma_start3A_84, %dma_start3A_85] : memref<10000x128xf32, #tpu.memory_space<hbm>> -> memref<10000x128xf32, #tpu.memory_space<hbm>>
      tpu.enqueue_indirect_dma source(%dma_start3A_86 : memref<10000x128xf32, #tpu.memory_space<hbm>>) target(%arg12 : memref<64x128xf32, #tpu.memory_space<vmem>>) offsets(%dma_start3A_83 : memref<64xi32, #tpu.memory_space<vmem>>) semaphore(%arg19 : memref<!tpu.dma_semaphore, #tpu.memory_space<semaphore_mem>>)
      %dma_start3A_87 = arith.constant 1 : i32
      %dma_start3A_88 = arith.constant 0 : i32
      %dma_start3A_89 = tpu.memref_slice %arg8[%dma_start3A_87, %dma_start3A_88] : memref<3x64xi32, #tpu.memory_space<vmem>> -> memref<1x64xi32, #tpu.memory_space<vmem>>
      %dma_start3A_90 = tpu.memref_squeeze %dma_start3A_89 : memref<1x64xi32, #tpu.memory_space<vmem>> -> memref<64xi32, #tpu.memory_space<vmem>>
      %dma_start3A_91 = arith.constant 0 : i32
      %dma_start3A_92 = arith.constant 0 : i32
      %dma_start3A_93 = tpu.memref_slice %arg3[%dma_start3A_91, %dma_start3A_92] : memref<10000x128xi32, #tpu.memory_space<hbm>> -> memref<10000x128xi32, #tpu.memory_space<hbm>>
      tpu.enqueue_indirect_dma source(%dma_start3A_93 : memref<10000x128xi32, #tpu.memory_space<hbm>>) target(%arg14 : memref<64x128xi32, #tpu.memory_space<vmem>>) offsets(%dma_start3A_90 : memref<64xi32, #tpu.memory_space<vmem>>) semaphore(%arg21 : memref<!tpu.dma_semaphore, #tpu.memory_space<semaphore_mem>>)
      %dma_wait3A_94 = arith.constant 0 : i32
      %dma_wait3A_95 = arith.constant 0 : i32
      %dma_wait3A_96 = tpu.memref_slice %arg5[%add3A_41, %dma_wait3A_94, %dma_wait3A_95] : memref<5000x3x64xi32, #tpu.memory_space<hbm>> -> memref<1x3x64xi32, #tpu.memory_space<hbm>>
      %dma_wait3A_97 = tpu.memref_squeeze %dma_wait3A_96 : memref<1x3x64xi32, #tpu.memory_space<hbm>> -> memref<3x64xi32, #tpu.memory_space<hbm>>
      %dma_wait3A_98 = arith.constant 0 : i32
      %dma_wait3A_99 = arith.constant 0 : i32
      %dma_wait3A_100 = tpu.memref_slice %arg5[%add3A_41, %dma_wait3A_98, %dma_wait3A_99] : memref<5000x3x64xi32, #tpu.memory_space<hbm>> -> memref<1x3x64xi32, #tpu.memory_space<hbm>>
      %dma_wait3A_101 = tpu.memref_squeeze %dma_wait3A_100 : memref<1x3x64xi32, #tpu.memory_space<hbm>> -> memref<3x64xi32, #tpu.memory_space<hbm>>
      tpu.wait_dma2 semaphore(%arg18 : memref<!tpu.dma_semaphore, #tpu.memory_space<semaphore_mem>>) src(%dma_wait3A_101 : memref<3x64xi32, #tpu.memory_space<hbm>>) dst(%arg9 : memref<3x64xi32, #tpu.memory_space<vmem>>)
      %dma_wait3A_102 = arith.constant 0 : i32
      %dma_wait3A_103 = tpu.memref_slice %arg4[%mul3A_64, %dma_wait3A_102] : memref<320000x128xf32, #tpu.memory_space<hbm>> -> memref<64x128xf32, #tpu.memory_space<hbm>>
      %dma_wait3A_104 = arith.constant 0 : i32
      %dma_wait3A_105 = tpu.memref_slice %arg4[%mul3A_64, %dma_wait3A_104] : memref<320000x128xf32, #tpu.memory_space<hbm>> -> memref<64x128xf32, #tpu.memory_space<hbm>>
      tpu.wait_dma2 semaphore(%arg18 : memref<!tpu.dma_semaphore, #tpu.memory_space<semaphore_mem>>) src(%dma_wait3A_105 : memref<64x128xf32, #tpu.memory_space<hbm>>) dst(%arg11 : memref<64x128xf32, #tpu.memory_space<vmem>>)
      %dma_start3A_106 = arith.constant 0 : i32
      %dma_start3A_107 = arith.constant 0 : i32
      %dma_start3A_108 = tpu.memref_slice %arg9[%dma_start3A_106, %dma_start3A_107] : memref<3x64xi32, #tpu.memory_space<vmem>> -> memref<1x64xi32, #tpu.memory_space<vmem>>
      %dma_start3A_109 = tpu.memref_squeeze %dma_start3A_108 : memref<1x64xi32, #tpu.memory_space<vmem>> -> memref<64xi32, #tpu.memory_space<vmem>>
      %dma_start3A_110 = arith.constant 0 : i32
      %dma_start3A_111 = arith.constant 0 : i32
      %dma_start3A_112 = tpu.memref_slice %arg2[%dma_start3A_110, %dma_start3A_111] : memref<10000x128xf32, #tpu.memory_space<hbm>> -> memref<10000x128xf32, #tpu.memory_space<hbm>>
      tpu.enqueue_indirect_dma source(%dma_start3A_112 : memref<10000x128xf32, #tpu.memory_space<hbm>>) target(%arg13 : memref<64x128xf32, #tpu.memory_space<vmem>>) offsets(%dma_start3A_109 : memref<64xi32, #tpu.memory_space<vmem>>) semaphore(%arg20 : memref<!tpu.dma_semaphore, #tpu.memory_space<semaphore_mem>>)
      %dma_start3A_113 = arith.constant 1 : i32
      %dma_start3A_114 = arith.constant 0 : i32
      %dma_start3A_115 = tpu.memref_slice %arg9[%dma_start3A_113, %dma_start3A_114] : memref<3x64xi32, #tpu.memory_space<vmem>> -> memref<1x64xi32, #tpu.memory_space<vmem>>
      %dma_start3A_116 = tpu.memref_squeeze %dma_start3A_115 : memref<1x64xi32, #tpu.memory_space<vmem>> -> memref<64xi32, #tpu.memory_space<vmem>>
      %dma_start3A_117 = arith.constant 0 : i32
      %dma_start3A_118 = arith.constant 0 : i32
      %dma_start3A_119 = tpu.memref_slice %arg3[%dma_start3A_117, %dma_start3A_118] : memref<10000x128xi32, #tpu.memory_space<hbm>> -> memref<10000x128xi32, #tpu.memory_space<hbm>>
      tpu.enqueue_indirect_dma source(%dma_start3A_119 : memref<10000x128xi32, #tpu.memory_space<hbm>>) target(%arg15 : memref<64x128xi32, #tpu.memory_space<vmem>>) offsets(%dma_start3A_116 : memref<64xi32, #tpu.memory_space<vmem>>) semaphore(%arg22 : memref<!tpu.dma_semaphore, #tpu.memory_space<semaphore_mem>>)
      %dma_wait3A_120 = arith.constant 0 : i32
      %dma_wait3A_121 = arith.constant 0 : i32
      %dma_wait3A_122 = tpu.memref_slice %arg8[%dma_wait3A_120, %dma_wait3A_121] : memref<3x64xi32, #tpu.memory_space<vmem>> -> memref<1x64xi32, #tpu.memory_space<vmem>>
      %dma_wait3A_123 = tpu.memref_squeeze %dma_wait3A_122 : memref<1x64xi32, #tpu.memory_space<vmem>> -> memref<64xi32, #tpu.memory_space<vmem>>
      %dma_wait3A_124 = arith.constant 0 : i32
      %dma_wait3A_125 = arith.constant 0 : i32
      %dma_wait3A_126 = tpu.memref_slice %arg2[%dma_wait3A_124, %dma_wait3A_125] : memref<10000x128xf32, #tpu.memory_space<hbm>> -> memref<10000x128xf32, #tpu.memory_space<hbm>>
      tpu.wait_indirect_dma semaphore(%arg19 : memref<!tpu.dma_semaphore, #tpu.memory_space<semaphore_mem>>) src(%dma_wait3A_126 : memref<10000x128xf32, #tpu.memory_space<hbm>>) dst(%arg12 : memref<64x128xf32, #tpu.memory_space<vmem>>)
      %dma_wait3A_127 = arith.constant 1 : i32
      %dma_wait3A_128 = arith.constant 0 : i32
      %dma_wait3A_129 = tpu.memref_slice %arg8[%dma_wait3A_127, %dma_wait3A_128] : memref<3x64xi32, #tpu.memory_space<vmem>> -> memref<1x64xi32, #tpu.memory_space<vmem>>
      %dma_wait3A_130 = tpu.memref_squeeze %dma_wait3A_129 : memref<1x64xi32, #tpu.memory_space<vmem>> -> memref<64xi32, #tpu.memory_space<vmem>>
      %dma_wait3A_131 = arith.constant 0 : i32
      %dma_wait3A_132 = arith.constant 0 : i32
      %dma_wait3A_133 = tpu.memref_slice %arg3[%dma_wait3A_131, %dma_wait3A_132] : memref<10000x128xi32, #tpu.memory_space<hbm>> -> memref<10000x128xi32, #tpu.memory_space<hbm>>
      tpu.wait_indirect_dma semaphore(%arg21 : memref<!tpu.dma_semaphore, #tpu.memory_space<semaphore_mem>>) src(%dma_wait3A_133 : memref<10000x128xi32, #tpu.memory_space<hbm>>) dst(%arg14 : memref<64x128xi32, #tpu.memory_space<vmem>>)
      %scan3A = arith.constant 0 : i32
      %scan3A_134 = arith.constant 0 : i32
      %scan3A_135 = arith.constant 4 : i32
      %scan3A_136 = arith.addi %scan3A_134, %scan3A_135 : i32
      %scan3A_137 = arith.constant 1 : i32
      scf.for %scan3A_187 = %scan3A_134 to %scan3A_136 step %scan3A_137  : i32 {
        %mul3A_188 = arith.constant 16 : i32
        %mul3A_189 = arith.muli %scan3A_187, %mul3A_188 : i32
        %get3A = arith.constant 2 : i32
        %get3A_190 = arith.index_cast %get3A : i32 to index
        %get3A_191 = arith.index_cast %mul3A_189 : i32 to index
        %get3A_192 = tpu.vector_load %arg8[%get3A_190, %get3A_191] {strides = array<i32>} : memref<3x64xi32, #tpu.memory_space<vmem>>, vector<16xi32>,
        %bitcast3A = vector.bitcast %get3A_192 : vector<16xi32> to vector<16xf32>
        %parallel_loop3A = arith.constant 0 : i32
        %parallel_loop3A_193 = arith.constant 16 : i32
        %parallel_loop3A_194 = arith.constant 1 : i32
        scf.for %parallel_loop3A_195 = %parallel_loop3A to %parallel_loop3A_193 step %parallel_loop3A_194  : i32 {
          %parallel_loop3A_196 = arith.constant 16 : i32
          %parallel_loop3A_197 = arith.muli %scan3A_187, %parallel_loop3A_196 : i32
          %parallel_loop3A_198 = arith.addi %parallel_loop3A_197, %parallel_loop3A_195 : i32
          %parallel_loop3A_199 = arith.constant 0 : i32
          %parallel_loop3A_200 = vector.broadcast %parallel_loop3A_199 : i32 to vector<16xi32>
          %parallel_loop3A_201 = arith.muli %iota3A, %parallel_loop3A_200 : vector<16xi32>
          %parallel_loop3A_202 = vector.broadcast %parallel_loop3A_195 : i32 to vector<16xi32>
          %parallel_loop3A_203 = arith.addi %parallel_loop3A_201, %parallel_loop3A_202 : vector<16xi32>
          %parallel_loop3A_204 = arith.constant 0 : i32
          %parallel_loop3A_205 = vector.broadcast %parallel_loop3A_204 : i32 to vector<16xi32>
          %parallel_loop3A_206 = arith.cmpi slt, %parallel_loop3A_203, %parallel_loop3A_205 : vector<16xi32>
          %parallel_loop3A_207 = arith.constant 16 : i32
          %parallel_loop3A_208 = vector.broadcast %parallel_loop3A_207 : i32 to vector<16xi32>
          %parallel_loop3A_209 = arith.addi %parallel_loop3A_203, %parallel_loop3A_208 : vector<16xi32>
          %parallel_loop3A_210 = arith.select %parallel_loop3A_206, %parallel_loop3A_209, %parallel_loop3A_203 : vector<16xi1>, vector<16xi32>
          %parallel_loop3A_211 = vector.shape_cast %parallel_loop3A_210 : vector<16xi32> to vector<16x1xi32>
          %parallel_loop3A_212 = vector.shape_cast %parallel_loop3A_211 : vector<16x1xi32> to vector<16xi32>
          %parallel_loop3A_213 = tpu.dynamic_gather %bitcast3A[%parallel_loop3A_212] in [0] : vector<16xf32>, vector<16xi32> -> vector<16xf32>
          %parallel_loop3A_214 = arith.index_cast %parallel_loop3A_198 : i32 to index
          %parallel_loop3A_215 = arith.constant 0 : index
          %parallel_loop3A_216 = tpu.vector_load %arg14[%parallel_loop3A_214, %parallel_loop3A_215] {strides = array<i32>} : memref<64x128xi32, #tpu.memory_space<vmem>>, vector<16xi32>,
          %parallel_loop3A_217 = vector.bitcast %parallel_loop3A_216 : vector<16xi32> to vector<32xbf16>
          %parallel_loop3A_218 = arith.index_cast %parallel_loop3A_198 : i32 to index
          %parallel_loop3A_219 = arith.constant 64 : index
          %parallel_loop3A_220 = tpu.vector_load %arg14[%parallel_loop3A_218, %parallel_loop3A_219] {strides = array<i32>} : memref<64x128xi32, #tpu.memory_space<vmem>>, vector<16xi32>,
          %parallel_loop3A_221 = vector.bitcast %parallel_loop3A_220 : vector<16xi32> to vector<32xbf16>
          %parallel_loop3A_222 = tpu.unpack_subelements %parallel_loop3A_217, 0 {pack_format = #tpu.pack_format<interleaved>} : vector<32xbf16> -> vector<16xf32>
          %parallel_loop3A_223 = tpu.unpack_subelements %parallel_loop3A_217, 1 {pack_format = #tpu.pack_format<interleaved>} : vector<32xbf16> -> vector<16xf32>
          %parallel_loop3A_224 = tpu.unpack_subelements %parallel_loop3A_221, 0 {pack_format = #tpu.pack_format<interleaved>} : vector<32xbf16> -> vector<16xf32>
          %parallel_loop3A_225 = tpu.unpack_subelements %parallel_loop3A_221, 1 {pack_format = #tpu.pack_format<interleaved>} : vector<32xbf16> -> vector<16xf32>
          %parallel_loop3A_226 = arith.index_cast %parallel_loop3A_198 : i32 to index
          %parallel_loop3A_227 = arith.constant 0 : index
          %parallel_loop3A_228 = tpu.vector_load %arg12[%parallel_loop3A_226, %parallel_loop3A_227] {strides = array<i32>} : memref<64x128xf32, #tpu.memory_space<vmem>>, vector<16xf32>,
          %parallel_loop3A_229 = arith.index_cast %parallel_loop3A_198 : i32 to index
          %parallel_loop3A_230 = arith.constant 0 : index
          %parallel_loop3A_231 = tpu.vector_load %arg10[%parallel_loop3A_229, %parallel_loop3A_230] {strides = array<i32>} : memref<64x128xf32, #tpu.memory_space<vmem>>, vector<16xf32>,
          %parallel_loop3A_232 = arith.mulf %parallel_loop3A_228, %parallel_loop3A_231 : vector<16xf32>
          %parallel_loop3A_233 = arith.mulf %parallel_loop3A_232, %parallel_loop3A_222 : vector<16xf32>
          %parallel_loop3A_234 = arith.constant 8 : i32
          %parallel_loop3A_235 = vector.broadcast %parallel_loop3A_234 : i32 to vector<16xi32>
          %parallel_loop3A_236 = arith.addi %iota3A, %parallel_loop3A_235 : vector<16xi32>
          %parallel_loop3A_237 = arith.constant 15 : i32
          %parallel_loop3A_238 = vector.broadcast %parallel_loop3A_237 : i32 to vector<16xi32>
          %parallel_loop3A_239 = arith.andi %parallel_loop3A_236, %parallel_loop3A_238 : vector<16xi32>
          %parallel_loop3A_240 = arith.constant 0 : i32
          %parallel_loop3A_241 = vector.broadcast %parallel_loop3A_240 : i32 to vector<16xi32>
          %parallel_loop3A_242 = arith.cmpi slt, %parallel_loop3A_239, %parallel_loop3A_241 : vector<16xi32>
          %parallel_loop3A_243 = arith.constant 16 : i32
          %parallel_loop3A_244 = vector.broadcast %parallel_loop3A_243 : i32 to vector<16xi32>
          %parallel_loop3A_245 = arith.addi %parallel_loop3A_239, %parallel_loop3A_244 : vector<16xi32>
          %parallel_loop3A_246 = arith.select %parallel_loop3A_242, %parallel_loop3A_245, %parallel_loop3A_239 : vector<16xi1>, vector<16xi32>
          %parallel_loop3A_247 = vector.shape_cast %parallel_loop3A_246 : vector<16xi32> to vector<16x1xi32>
          %parallel_loop3A_248 = vector.shape_cast %parallel_loop3A_247 : vector<16x1xi32> to vector<16xi32>
          %parallel_loop3A_249 = tpu.dynamic_gather %parallel_loop3A_233[%parallel_loop3A_248] in [0] : vector<16xf32>, vector<16xi32> -> vector<16xf32>
          %parallel_loop3A_250 = arith.addf %parallel_loop3A_233, %parallel_loop3A_249 : vector<16xf32>
          %parallel_loop3A_251 = arith.constant 4 : i32
          %parallel_loop3A_252 = vector.broadcast %parallel_loop3A_251 : i32 to vector<16xi32>
          %parallel_loop3A_253 = arith.addi %iota3A, %parallel_loop3A_252 : vector<16xi32>
          %parallel_loop3A_254 = arith.constant 15 : i32
          %parallel_loop3A_255 = vector.broadcast %parallel_loop3A_254 : i32 to vector<16xi32>
          %parallel_loop3A_256 = arith.andi %parallel_loop3A_253, %parallel_loop3A_255 : vector<16xi32>
          %parallel_loop3A_257 = arith.constant 0 : i32
          %parallel_loop3A_258 = vector.broadcast %parallel_loop3A_257 : i32 to vector<16xi32>
          %parallel_loop3A_259 = arith.cmpi slt, %parallel_loop3A_256, %parallel_loop3A_258 : vector<16xi32>
          %parallel_loop3A_260 = arith.constant 16 : i32
          %parallel_loop3A_261 = vector.broadcast %parallel_loop3A_260 : i32 to vector<16xi32>
          %parallel_loop3A_262 = arith.addi %parallel_loop3A_256, %parallel_loop3A_261 : vector<16xi32>
          %parallel_loop3A_263 = arith.select %parallel_loop3A_259, %parallel_loop3A_262, %parallel_loop3A_256 : vector<16xi1>, vector<16xi32>
          %parallel_loop3A_264 = vector.shape_cast %parallel_loop3A_263 : vector<16xi32> to vector<16x1xi32>
          %parallel_loop3A_265 = vector.shape_cast %parallel_loop3A_264 : vector<16x1xi32> to vector<16xi32>
          %parallel_loop3A_266 = tpu.dynamic_gather %parallel_loop3A_250[%parallel_loop3A_265] in [0] : vector<16xf32>, vector<16xi32> -> vector<16xf32>
          %parallel_loop3A_267 = arith.addf %parallel_loop3A_250, %parallel_loop3A_266 : vector<16xf32>
          %parallel_loop3A_268 = arith.constant 2 : i32
          %parallel_loop3A_269 = vector.broadcast %parallel_loop3A_268 : i32 to vector<16xi32>
          %parallel_loop3A_270 = arith.addi %iota3A, %parallel_loop3A_269 : vector<16xi32>
          %parallel_loop3A_271 = arith.constant 15 : i32
          %parallel_loop3A_272 = vector.broadcast %parallel_loop3A_271 : i32 to vector<16xi32>
          %parallel_loop3A_273 = arith.andi %parallel_loop3A_270, %parallel_loop3A_272 : vector<16xi32>
          %parallel_loop3A_274 = arith.constant 0 : i32
          %parallel_loop3A_275 = vector.broadcast %parallel_loop3A_274 : i32 to vector<16xi32>
          %parallel_loop3A_276 = arith.cmpi slt, %parallel_loop3A_273, %parallel_loop3A_275 : vector<16xi32>
          %parallel_loop3A_277 = arith.constant 16 : i32
          %parallel_loop3A_278 = vector.broadcast %parallel_loop3A_277 : i32 to vector<16xi32>
          %parallel_loop3A_279 = arith.addi %parallel_loop3A_273, %parallel_loop3A_278 : vector<16xi32>
          %parallel_loop3A_280 = arith.select %parallel_loop3A_276, %parallel_loop3A_279, %parallel_loop3A_273 : vector<16xi1>, vector<16xi32>
          %parallel_loop3A_281 = vector.shape_cast %parallel_loop3A_280 : vector<16xi32> to vector<16x1xi32>
          %parallel_loop3A_282 = vector.shape_cast %parallel_loop3A_281 : vector<16x1xi32> to vector<16xi32>
          %parallel_loop3A_283 = tpu.dynamic_gather %parallel_loop3A_267[%parallel_loop3A_282] in [0] : vector<16xf32>, vector<16xi32> -> vector<16xf32>
          %parallel_loop3A_284 = arith.addf %parallel_loop3A_267, %parallel_loop3A_283 : vector<16xf32>
          %parallel_loop3A_285 = arith.constant 1 : i32
          %parallel_loop3A_286 = vector.broadcast %parallel_loop3A_285 : i32 to vector<16xi32>
          %parallel_loop3A_287 = arith.addi %iota3A, %parallel_loop3A_286 : vector<16xi32>
          %parallel_loop3A_288 = arith.constant 15 : i32
          %parallel_loop3A_289 = vector.broadcast %parallel_loop3A_288 : i32 to vector<16xi32>
          %parallel_loop3A_290 = arith.andi %parallel_loop3A_287, %parallel_loop3A_289 : vector<16xi32>
          %parallel_loop3A_291 = arith.constant 0 : i32
          %parallel_loop3A_292 = vector.broadcast %parallel_loop3A_291 : i32 to vector<16xi32>
          %parallel_loop3A_293 = arith.cmpi slt, %parallel_loop3A_290, %parallel_loop3A_292 : vector<16xi32>
          %parallel_loop3A_294 = arith.constant 16 : i32
          %parallel_loop3A_295 = vector.broadcast %parallel_loop3A_294 : i32 to vector<16xi32>
          %parallel_loop3A_296 = arith.addi %parallel_loop3A_290, %parallel_loop3A_295 : vector<16xi32>
          %parallel_loop3A_297 = arith.select %parallel_loop3A_293, %parallel_loop3A_296, %parallel_loop3A_290 : vector<16xi1>, vector<16xi32>
          %parallel_loop3A_298 = vector.shape_cast %parallel_loop3A_297 : vector<16xi32> to vector<16x1xi32>
          %parallel_loop3A_299 = vector.shape_cast %parallel_loop3A_298 : vector<16x1xi32> to vector<16xi32>
          %parallel_loop3A_300 = tpu.dynamic_gather %parallel_loop3A_284[%parallel_loop3A_299] in [0] : vector<16xf32>, vector<16xi32> -> vector<16xf32>
          %parallel_loop3A_301 = arith.addf %parallel_loop3A_284, %parallel_loop3A_300 : vector<16xf32>
          %parallel_loop3A_302 = arith.mulf %parallel_loop3A_301, %parallel_loop3A_213 : vector<16xf32>
          %parallel_loop3A_303 = arith.mulf %parallel_loop3A_224, %parallel_loop3A_302 : vector<16xf32>
          %parallel_loop3A_304 = arith.index_cast %parallel_loop3A_198 : i32 to index
          %parallel_loop3A_305 = arith.constant 0 : index
          %parallel_loop3A_306 = tpu.vector_load %arg10[%parallel_loop3A_304, %parallel_loop3A_305] {strides = array<i32>} : memref<64x128xf32, #tpu.memory_space<vmem>>, vector<16xf32>,
          tpu.vector_store %arg10[%parallel_loop3A_304, %parallel_loop3A_305], %parallel_loop3A_303 {strides = array<i32>} : memref<64x128xf32, #tpu.memory_space<vmem>>, vector<16xf32>,
          %parallel_loop3A_307 = arith.index_cast %parallel_loop3A_198 : i32 to index
          %parallel_loop3A_308 = arith.constant 16 : index
          %parallel_loop3A_309 = tpu.vector_load %arg12[%parallel_loop3A_307, %parallel_loop3A_308] {strides = array<i32>} : memref<64x128xf32, #tpu.memory_space<vmem>>, vector<16xf32>,
          %parallel_loop3A_310 = arith.index_cast %parallel_loop3A_198 : i32 to index
          %parallel_loop3A_311 = arith.constant 16 : index
          %parallel_loop3A_312 = tpu.vector_load %arg10[%parallel_loop3A_310, %parallel_loop3A_311] {strides = array<i32>} : memref<64x128xf32, #tpu.memory_space<vmem>>, vector<16xf32>,
          %parallel_loop3A_313 = arith.mulf %parallel_loop3A_309, %parallel_loop3A_312 : vector<16xf32>
          %parallel_loop3A_314 = arith.mulf %parallel_loop3A_313, %parallel_loop3A_223 : vector<16xf32>
          %parallel_loop3A_315 = arith.constant 8 : i32
          %parallel_loop3A_316 = vector.broadcast %parallel_loop3A_315 : i32 to vector<16xi32>
          %parallel_loop3A_317 = arith.addi %iota3A, %parallel_loop3A_316 : vector<16xi32>
          %parallel_loop3A_318 = arith.constant 15 : i32
          %parallel_loop3A_319 = vector.broadcast %parallel_loop3A_318 : i32 to vector<16xi32>
          %parallel_loop3A_320 = arith.andi %parallel_loop3A_317, %parallel_loop3A_319 : vector<16xi32>
          %parallel_loop3A_321 = arith.constant 0 : i32
          %parallel_loop3A_322 = vector.broadcast %parallel_loop3A_321 : i32 to vector<16xi32>
          %parallel_loop3A_323 = arith.cmpi slt, %parallel_loop3A_320, %parallel_loop3A_322 : vector<16xi32>
          %parallel_loop3A_324 = arith.constant 16 : i32
          %parallel_loop3A_325 = vector.broadcast %parallel_loop3A_324 : i32 to vector<16xi32>
          %parallel_loop3A_326 = arith.addi %parallel_loop3A_320, %parallel_loop3A_325 : vector<16xi32>
          %parallel_loop3A_327 = arith.select %parallel_loop3A_323, %parallel_loop3A_326, %parallel_loop3A_320 : vector<16xi1>, vector<16xi32>
          %parallel_loop3A_328 = vector.shape_cast %parallel_loop3A_327 : vector<16xi32> to vector<16x1xi32>
          %parallel_loop3A_329 = vector.shape_cast %parallel_loop3A_328 : vector<16x1xi32> to vector<16xi32>
          %parallel_loop3A_330 = tpu.dynamic_gather %parallel_loop3A_314[%parallel_loop3A_329] in [0] : vector<16xf32>, vector<16xi32> -> vector<16xf32>
          %parallel_loop3A_331 = arith.addf %parallel_loop3A_314, %parallel_loop3A_330 : vector<16xf32>
          %parallel_loop3A_332 = arith.constant 4 : i32
          %parallel_loop3A_333 = vector.broadcast %parallel_loop3A_332 : i32 to vector<16xi32>
          %parallel_loop3A_334 = arith.addi %iota3A, %parallel_loop3A_333 : vector<16xi32>
          %parallel_loop3A_335 = arith.constant 15 : i32
          %parallel_loop3A_336 = vector.broadcast %parallel_loop3A_335 : i32 to vector<16xi32>
          %parallel_loop3A_337 = arith.andi %parallel_loop3A_334, %parallel_loop3A_336 : vector<16xi32>
          %parallel_loop3A_338 = arith.constant 0 : i32
          %parallel_loop3A_339 = vector.broadcast %parallel_loop3A_338 : i32 to vector<16xi32>
          %parallel_loop3A_340 = arith.cmpi slt, %parallel_loop3A_337, %parallel_loop3A_339 : vector<16xi32>
          %parallel_loop3A_341 = arith.constant 16 : i32
          %parallel_loop3A_342 = vector.broadcast %parallel_loop3A_341 : i32 to vector<16xi32>
          %parallel_loop3A_343 = arith.addi %parallel_loop3A_337, %parallel_loop3A_342 : vector<16xi32>
          %parallel_loop3A_344 = arith.select %parallel_loop3A_340, %parallel_loop3A_343, %parallel_loop3A_337 : vector<16xi1>, vector<16xi32>
          %parallel_loop3A_345 = vector.shape_cast %parallel_loop3A_344 : vector<16xi32> to vector<16x1xi32>
          %parallel_loop3A_346 = vector.shape_cast %parallel_loop3A_345 : vector<16x1xi32> to vector<16xi32>
          %parallel_loop3A_347 = tpu.dynamic_gather %parallel_loop3A_331[%parallel_loop3A_346] in [0] : vector<16xf32>, vector<16xi32> -> vector<16xf32>
          %parallel_loop3A_348 = arith.addf %parallel_loop3A_331, %parallel_loop3A_347 : vector<16xf32>
          %parallel_loop3A_349 = arith.constant 2 : i32
          %parallel_loop3A_350 = vector.broadcast %parallel_loop3A_349 : i32 to vector<16xi32>
          %parallel_loop3A_351 = arith.addi %iota3A, %parallel_loop3A_350 : vector<16xi32>
          %parallel_loop3A_352 = arith.constant 15 : i32
          %parallel_loop3A_353 = vector.broadcast %parallel_loop3A_352 : i32 to vector<16xi32>
          %parallel_loop3A_354 = arith.andi %parallel_loop3A_351, %parallel_loop3A_353 : vector<16xi32>
          %parallel_loop3A_355 = arith.constant 0 : i32
          %parallel_loop3A_356 = vector.broadcast %parallel_loop3A_355 : i32 to vector<16xi32>
          %parallel_loop3A_357 = arith.cmpi slt, %parallel_loop3A_354, %parallel_loop3A_356 : vector<16xi32>
          %parallel_loop3A_358 = arith.constant 16 : i32
          %parallel_loop3A_359 = vector.broadcast %parallel_loop3A_358 : i32 to vector<16xi32>
          %parallel_loop3A_360 = arith.addi %parallel_loop3A_354, %parallel_loop3A_359 : vector<16xi32>
          %parallel_loop3A_361 = arith.select %parallel_loop3A_357, %parallel_loop3A_360, %parallel_loop3A_354 : vector<16xi1>, vector<16xi32>
          %parallel_loop3A_362 = vector.shape_cast %parallel_loop3A_361 : vector<16xi32> to vector<16x1xi32>
          %parallel_loop3A_363 = vector.shape_cast %parallel_loop3A_362 : vector<16x1xi32> to vector<16xi32>
          %parallel_loop3A_364 = tpu.dynamic_gather %parallel_loop3A_348[%parallel_loop3A_363] in [0] : vector<16xf32>, vector<16xi32> -> vector<16xf32>
          %parallel_loop3A_365 = arith.addf %parallel_loop3A_348, %parallel_loop3A_364 : vector<16xf32>
          %parallel_loop3A_366 = arith.constant 1 : i32
          %parallel_loop3A_367 = vector.broadcast %parallel_loop3A_366 : i32 to vector<16xi32>
          %parallel_loop3A_368 = arith.addi %iota3A, %parallel_loop3A_367 : vector<16xi32>
          %parallel_loop3A_369 = arith.constant 15 : i32
          %parallel_loop3A_370 = vector.broadcast %parallel_loop3A_369 : i32 to vector<16xi32>
          %parallel_loop3A_371 = arith.andi %parallel_loop3A_368, %parallel_loop3A_370 : vector<16xi32>
          %parallel_loop3A_372 = arith.constant 0 : i32
          %parallel_loop3A_373 = vector.broadcast %parallel_loop3A_372 : i32 to vector<16xi32>
          %parallel_loop3A_374 = arith.cmpi slt, %parallel_loop3A_371, %parallel_loop3A_373 : vector<16xi32>
          %parallel_loop3A_375 = arith.constant 16 : i32
          %parallel_loop3A_376 = vector.broadcast %parallel_loop3A_375 : i32 to vector<16xi32>
          %parallel_loop3A_377 = arith.addi %parallel_loop3A_371, %parallel_loop3A_376 : vector<16xi32>
          %parallel_loop3A_378 = arith.select %parallel_loop3A_374, %parallel_loop3A_377, %parallel_loop3A_371 : vector<16xi1>, vector<16xi32>
          %parallel_loop3A_379 = vector.shape_cast %parallel_loop3A_378 : vector<16xi32> to vector<16x1xi32>
          %parallel_loop3A_380 = vector.shape_cast %parallel_loop3A_379 : vector<16x1xi32> to vector<16xi32>
          %parallel_loop3A_381 = tpu.dynamic_gather %parallel_loop3A_365[%parallel_loop3A_380] in [0] : vector<16xf32>, vector<16xi32> -> vector<16xf32>
          %parallel_loop3A_382 = arith.addf %parallel_loop3A_365, %parallel_loop3A_381 : vector<16xf32>
          %parallel_loop3A_383 = arith.mulf %parallel_loop3A_382, %parallel_loop3A_213 : vector<16xf32>
          %parallel_loop3A_384 = arith.mulf %parallel_loop3A_225, %parallel_loop3A_383 : vector<16xf32>
          %parallel_loop3A_385 = arith.index_cast %parallel_loop3A_198 : i32 to index
          %parallel_loop3A_386 = arith.constant 16 : index
          %parallel_loop3A_387 = tpu.vector_load %arg10[%parallel_loop3A_385, %parallel_loop3A_386] {strides = array<i32>} : memref<64x128xf32, #tpu.memory_space<vmem>>, vector<16xf32>,
          tpu.vector_store %arg10[%parallel_loop3A_385, %parallel_loop3A_386], %parallel_loop3A_384 {strides = array<i32>} : memref<64x128xf32, #tpu.memory_space<vmem>>, vector<16xf32>,
          %parallel_loop3A_388 = arith.index_cast %parallel_loop3A_198 : i32 to index
          %parallel_loop3A_389 = arith.constant 16 : index
          %parallel_loop3A_390 = tpu.vector_load %arg14[%parallel_loop3A_388, %parallel_loop3A_389] {strides = array<i32>} : memref<64x128xi32, #tpu.memory_space<vmem>>, vector<16xi32>,
          %parallel_loop3A_391 = vector.bitcast %parallel_loop3A_390 : vector<16xi32> to vector<32xbf16>
          %parallel_loop3A_392 = arith.index_cast %parallel_loop3A_198 : i32 to index
          %parallel_loop3A_393 = arith.constant 80 : index
          %parallel_loop3A_394 = tpu.vector_load %arg14[%parallel_loop3A_392, %parallel_loop3A_393] {strides = array<i32>} : memref<64x128xi32, #tpu.memory_space<vmem>>, vector<16xi32>,
          %parallel_loop3A_395 = vector.bitcast %parallel_loop3A_394 : vector<16xi32> to vector<32xbf16>
          %parallel_loop3A_396 = tpu.unpack_subelements %parallel_loop3A_391, 0 {pack_format = #tpu.pack_format<interleaved>} : vector<32xbf16> -> vector<16xf32>
          %parallel_loop3A_397 = tpu.unpack_subelements %parallel_loop3A_391, 1 {pack_format = #tpu.pack_format<interleaved>} : vector<32xbf16> -> vector<16xf32>
          %parallel_loop3A_398 = tpu.unpack_subelements %parallel_loop3A_395, 0 {pack_format = #tpu.pack_format<interleaved>} : vector<32xbf16> -> vector<16xf32>
          %parallel_loop3A_399 = tpu.unpack_subelements %parallel_loop3A_395, 1 {pack_format = #tpu.pack_format<interleaved>} : vector<32xbf16> -> vector<16xf32>
          %parallel_loop3A_400 = arith.index_cast %parallel_loop3A_198 : i32 to index
          %parallel_loop3A_401 = arith.constant 32 : index
          %parallel_loop3A_402 = tpu.vector_load %arg12[%parallel_loop3A_400, %parallel_loop3A_401] {strides = array<i32>} : memref<64x128xf32, #tpu.memory_space<vmem>>, vector<16xf32>,
          %parallel_loop3A_403 = arith.index_cast %parallel_loop3A_198 : i32 to index
          %parallel_loop3A_404 = arith.constant 32 : index
          %parallel_loop3A_405 = tpu.vector_load %arg10[%parallel_loop3A_403, %parallel_loop3A_404] {strides = array<i32>} : memref<64x128xf32, #tpu.memory_space<vmem>>, vector<16xf32>,
          %parallel_loop3A_406 = arith.mulf %parallel_loop3A_402, %parallel_loop3A_405 : vector<16xf32>
          %parallel_loop3A_407 = arith.mulf %parallel_loop3A_406, %parallel_loop3A_396 : vector<16xf32>
          %parallel_loop3A_408 = arith.constant 8 : i32
          %parallel_loop3A_409 = vector.broadcast %parallel_loop3A_408 : i32 to vector<16xi32>
          %parallel_loop3A_410 = arith.addi %iota3A, %parallel_loop3A_409 : vector<16xi32>
          %parallel_loop3A_411 = arith.constant 15 : i32
          %parallel_loop3A_412 = vector.broadcast %parallel_loop3A_411 : i32 to vector<16xi32>
          %parallel_loop3A_413 = arith.andi %parallel_loop3A_410, %parallel_loop3A_412 : vector<16xi32>
          %parallel_loop3A_414 = arith.constant 0 : i32
          %parallel_loop3A_415 = vector.broadcast %parallel_loop3A_414 : i32 to vector<16xi32>
          %parallel_loop3A_416 = arith.cmpi slt, %parallel_loop3A_413, %parallel_loop3A_415 : vector<16xi32>
          %parallel_loop3A_417 = arith.constant 16 : i32
          %parallel_loop3A_418 = vector.broadcast %parallel_loop3A_417 : i32 to vector<16xi32>
          %parallel_loop3A_419 = arith.addi %parallel_loop3A_413, %parallel_loop3A_418 : vector<16xi32>
          %parallel_loop3A_420 = arith.select %parallel_loop3A_416, %parallel_loop3A_419, %parallel_loop3A_413 : vector<16xi1>, vector<16xi32>
          %parallel_loop3A_421 = vector.shape_cast %parallel_loop3A_420 : vector<16xi32> to vector<16x1xi32>
          %parallel_loop3A_422 = vector.shape_cast %parallel_loop3A_421 : vector<16x1xi32> to vector<16xi32>
          %parallel_loop3A_423 = tpu.dynamic_gather %parallel_loop3A_407[%parallel_loop3A_422] in [0] : vector<16xf32>, vector<16xi32> -> vector<16xf32>
          %parallel_loop3A_424 = arith.addf %parallel_loop3A_407, %parallel_loop3A_423 : vector<16xf32>
          %parallel_loop3A_425 = arith.constant 4 : i32
          %parallel_loop3A_426 = vector.broadcast %parallel_loop3A_425 : i32 to vector<16xi32>
          %parallel_loop3A_427 = arith.addi %iota3A, %parallel_loop3A_426 : vector<16xi32>
          %parallel_loop3A_428 = arith.constant 15 : i32
          %parallel_loop3A_429 = vector.broadcast %parallel_loop3A_428 : i32 to vector<16xi32>
          %parallel_loop3A_430 = arith.andi %parallel_loop3A_427, %parallel_loop3A_429 : vector<16xi32>
          %parallel_loop3A_431 = arith.constant 0 : i32
          %parallel_loop3A_432 = vector.broadcast %parallel_loop3A_431 : i32 to vector<16xi32>
          %parallel_loop3A_433 = arith.cmpi slt, %parallel_loop3A_430, %parallel_loop3A_432 : vector<16xi32>
          %parallel_loop3A_434 = arith.constant 16 : i32
          %parallel_loop3A_435 = vector.broadcast %parallel_loop3A_434 : i32 to vector<16xi32>
          %parallel_loop3A_436 = arith.addi %parallel_loop3A_430, %parallel_loop3A_435 : vector<16xi32>
          %parallel_loop3A_437 = arith.select %parallel_loop3A_433, %parallel_loop3A_436, %parallel_loop3A_430 : vector<16xi1>, vector<16xi32>
          %parallel_loop3A_438 = vector.shape_cast %parallel_loop3A_437 : vector<16xi32> to vector<16x1xi32>
          %parallel_loop3A_439 = vector.shape_cast %parallel_loop3A_438 : vector<16x1xi32> to vector<16xi32>
          %parallel_loop3A_440 = tpu.dynamic_gather %parallel_loop3A_424[%parallel_loop3A_439] in [0] : vector<16xf32>, vector<16xi32> -> vector<16xf32>
          %parallel_loop3A_441 = arith.addf %parallel_loop3A_424, %parallel_loop3A_440 : vector<16xf32>
          %parallel_loop3A_442 = arith.constant 2 : i32
          %parallel_loop3A_443 = vector.broadcast %parallel_loop3A_442 : i32 to vector<16xi32>
          %parallel_loop3A_444 = arith.addi %iota3A, %parallel_loop3A_443 : vector<16xi32>
          %parallel_loop3A_445 = arith.constant 15 : i32
          %parallel_loop3A_446 = vector.broadcast %parallel_loop3A_445 : i32 to vector<16xi32>
          %parallel_loop3A_447 = arith.andi %parallel_loop3A_444, %parallel_loop3A_446 : vector<16xi32>
          %parallel_loop3A_448 = arith.constant 0 : i32
          %parallel_loop3A_449 = vector.broadcast %parallel_loop3A_448 : i32 to vector<16xi32>
          %parallel_loop3A_450 = arith.cmpi slt, %parallel_loop3A_447, %parallel_loop3A_449 : vector<16xi32>
          %parallel_loop3A_451 = arith.constant 16 : i32
          %parallel_loop3A_452 = vector.broadcast %parallel_loop3A_451 : i32 to vector<16xi32>
          %parallel_loop3A_453 = arith.addi %parallel_loop3A_447, %parallel_loop3A_452 : vector<16xi32>
          %parallel_loop3A_454 = arith.select %parallel_loop3A_450, %parallel_loop3A_453, %parallel_loop3A_447 : vector<16xi1>, vector<16xi32>
          %parallel_loop3A_455 = vector.shape_cast %parallel_loop3A_454 : vector<16xi32> to vector<16x1xi32>
          %parallel_loop3A_456 = vector.shape_cast %parallel_loop3A_455 : vector<16x1xi32> to vector<16xi32>
          %parallel_loop3A_457 = tpu.dynamic_gather %parallel_loop3A_441[%parallel_loop3A_456] in [0] : vector<16xf32>, vector<16xi32> -> vector<16xf32>
          %parallel_loop3A_458 = arith.addf %parallel_loop3A_441, %parallel_loop3A_457 : vector<16xf32>
          %parallel_loop3A_459 = arith.constant 1 : i32
          %parallel_loop3A_460 = vector.broadcast %parallel_loop3A_459 : i32 to vector<16xi32>
          %parallel_loop3A_461 = arith.addi %iota3A, %parallel_loop3A_460 : vector<16xi32>
          %parallel_loop3A_462 = arith.constant 15 : i32
          %parallel_loop3A_463 = vector.broadcast %parallel_loop3A_462 : i32 to vector<16xi32>
          %parallel_loop3A_464 = arith.andi %parallel_loop3A_461, %parallel_loop3A_463 : vector<16xi32>
          %parallel_loop3A_465 = arith.constant 0 : i32
          %parallel_loop3A_466 = vector.broadcast %parallel_loop3A_465 : i32 to vector<16xi32>
          %parallel_loop3A_467 = arith.cmpi slt, %parallel_loop3A_464, %parallel_loop3A_466 : vector<16xi32>
          %parallel_loop3A_468 = arith.constant 16 : i32
          %parallel_loop3A_469 = vector.broadcast %parallel_loop3A_468 : i32 to vector<16xi32>
          %parallel_loop3A_470 = arith.addi %parallel_loop3A_464, %parallel_loop3A_469 : vector<16xi32>
          %parallel_loop3A_471 = arith.select %parallel_loop3A_467, %parallel_loop3A_470, %parallel_loop3A_464 : vector<16xi1>, vector<16xi32>
          %parallel_loop3A_472 = vector.shape_cast %parallel_loop3A_471 : vector<16xi32> to vector<16x1xi32>
          %parallel_loop3A_473 = vector.shape_cast %parallel_loop3A_472 : vector<16x1xi32> to vector<16xi32>
          %parallel_loop3A_474 = tpu.dynamic_gather %parallel_loop3A_458[%parallel_loop3A_473] in [0] : vector<16xf32>, vector<16xi32> -> vector<16xf32>
          %parallel_loop3A_475 = arith.addf %parallel_loop3A_458, %parallel_loop3A_474 : vector<16xf32>
          %parallel_loop3A_476 = arith.mulf %parallel_loop3A_475, %parallel_loop3A_213 : vector<16xf32>
          %parallel_loop3A_477 = arith.mulf %parallel_loop3A_398, %parallel_loop3A_476 : vector<16xf32>
          %parallel_loop3A_478 = arith.index_cast %parallel_loop3A_198 : i32 to index
          %parallel_loop3A_479 = arith.constant 32 : index
          %parallel_loop3A_480 = tpu.vector_load %arg10[%parallel_loop3A_478, %parallel_loop3A_479] {strides = array<i32>} : memref<64x128xf32, #tpu.memory_space<vmem>>, vector<16xf32>,
          tpu.vector_store %arg10[%parallel_loop3A_478, %parallel_loop3A_479], %parallel_loop3A_477 {strides = array<i32>} : memref<64x128xf32, #tpu.memory_space<vmem>>, vector<16xf32>,
          %parallel_loop3A_481 = arith.index_cast %parallel_loop3A_198 : i32 to index
          %parallel_loop3A_482 = arith.constant 48 : index
          %parallel_loop3A_483 = tpu.vector_load %arg12[%parallel_loop3A_481, %parallel_loop3A_482] {strides = array<i32>} : memref<64x128xf32, #tpu.memory_space<vmem>>, vector<16xf32>,
          %parallel_loop3A_484 = arith.index_cast %parallel_loop3A_198 : i32 to index
          %parallel_loop3A_485 = arith.constant 48 : index
          %parallel_loop3A_486 = tpu.vector_load %arg10[%parallel_loop3A_484, %parallel_loop3A_485] {strides = array<i32>} : memref<64x128xf32, #tpu.memory_space<vmem>>, vector<16xf32>,
          %parallel_loop3A_487 = arith.mulf %parallel_loop3A_483, %parallel_loop3A_486 : vector<16xf32>
          %parallel_loop3A_488 = arith.mulf %parallel_loop3A_487, %parallel_loop3A_397 : vector<16xf32>
          %parallel_loop3A_489 = arith.constant 8 : i32
          %parallel_loop3A_490 = vector.broadcast %parallel_loop3A_489 : i32 to vector<16xi32>
          %parallel_loop3A_491 = arith.addi %iota3A, %parallel_loop3A_490 : vector<16xi32>
          %parallel_loop3A_492 = arith.constant 15 : i32
          %parallel_loop3A_493 = vector.broadcast %parallel_loop3A_492 : i32 to vector<16xi32>
          %parallel_loop3A_494 = arith.andi %parallel_loop3A_491, %parallel_loop3A_493 : vector<16xi32>
          %parallel_loop3A_495 = arith.constant 0 : i32
          %parallel_loop3A_496 = vector.broadcast %parallel_loop3A_495 : i32 to vector<16xi32>
          %parallel_loop3A_497 = arith.cmpi slt, %parallel_loop3A_494, %parallel_loop3A_496 : vector<16xi32>
          %parallel_loop3A_498 = arith.constant 16 : i32
          %parallel_loop3A_499 = vector.broadcast %parallel_loop3A_498 : i32 to vector<16xi32>
          %parallel_loop3A_500 = arith.addi %parallel_loop3A_494, %parallel_loop3A_499 : vector<16xi32>
          %parallel_loop3A_501 = arith.select %parallel_loop3A_497, %parallel_loop3A_500, %parallel_loop3A_494 : vector<16xi1>, vector<16xi32>
          %parallel_loop3A_502 = vector.shape_cast %parallel_loop3A_501 : vector<16xi32> to vector<16x1xi32>
          %parallel_loop3A_503 = vector.shape_cast %parallel_loop3A_502 : vector<16x1xi32> to vector<16xi32>
          %parallel_loop3A_504 = tpu.dynamic_gather %parallel_loop3A_488[%parallel_loop3A_503] in [0] : vector<16xf32>, vector<16xi32> -> vector<16xf32>
          %parallel_loop3A_505 = arith.addf %parallel_loop3A_488, %parallel_loop3A_504 : vector<16xf32>
          %parallel_loop3A_506 = arith.constant 4 : i32
          %parallel_loop3A_507 = vector.broadcast %parallel_loop3A_506 : i32 to vector<16xi32>
          %parallel_loop3A_508 = arith.addi %iota3A, %parallel_loop3A_507 : vector<16xi32>
          %parallel_loop3A_509 = arith.constant 15 : i32
          %parallel_loop3A_510 = vector.broadcast %parallel_loop3A_509 : i32 to vector<16xi32>
          %parallel_loop3A_511 = arith.andi %parallel_loop3A_508, %parallel_loop3A_510 : vector<16xi32>
          %parallel_loop3A_512 = arith.constant 0 : i32
          %parallel_loop3A_513 = vector.broadcast %parallel_loop3A_512 : i32 to vector<16xi32>
          %parallel_loop3A_514 = arith.cmpi slt, %parallel_loop3A_511, %parallel_loop3A_513 : vector<16xi32>
          %parallel_loop3A_515 = arith.constant 16 : i32
          %parallel_loop3A_516 = vector.broadcast %parallel_loop3A_515 : i32 to vector<16xi32>
          %parallel_loop3A_517 = arith.addi %parallel_loop3A_511, %parallel_loop3A_516 : vector<16xi32>
          %parallel_loop3A_518 = arith.select %parallel_loop3A_514, %parallel_loop3A_517, %parallel_loop3A_511 : vector<16xi1>, vector<16xi32>
          %parallel_loop3A_519 = vector.shape_cast %parallel_loop3A_518 : vector<16xi32> to vector<16x1xi32>
          %parallel_loop3A_520 = vector.shape_cast %parallel_loop3A_519 : vector<16x1xi32> to vector<16xi32>
          %parallel_loop3A_521 = tpu.dynamic_gather %parallel_loop3A_505[%parallel_loop3A_520] in [0] : vector<16xf32>, vector<16xi32> -> vector<16xf32>
          %parallel_loop3A_522 = arith.addf %parallel_loop3A_505, %parallel_loop3A_521 : vector<16xf32>
          %parallel_loop3A_523 = arith.constant 2 : i32
          %parallel_loop3A_524 = vector.broadcast %parallel_loop3A_523 : i32 to vector<16xi32>
          %parallel_loop3A_525 = arith.addi %iota3A, %parallel_loop3A_524 : vector<16xi32>
          %parallel_loop3A_526 = arith.constant 15 : i32
          %parallel_loop3A_527 = vector.broadcast %parallel_loop3A_526 : i32 to vector<16xi32>
          %parallel_loop3A_528 = arith.andi %parallel_loop3A_525, %parallel_loop3A_527 : vector<16xi32>
          %parallel_loop3A_529 = arith.constant 0 : i32
          %parallel_loop3A_530 = vector.broadcast %parallel_loop3A_529 : i32 to vector<16xi32>
          %parallel_loop3A_531 = arith.cmpi slt, %parallel_loop3A_528, %parallel_loop3A_530 : vector<16xi32>
          %parallel_loop3A_532 = arith.constant 16 : i32
          %parallel_loop3A_533 = vector.broadcast %parallel_loop3A_532 : i32 to vector<16xi32>
          %parallel_loop3A_534 = arith.addi %parallel_loop3A_528, %parallel_loop3A_533 : vector<16xi32>
          %parallel_loop3A_535 = arith.select %parallel_loop3A_531, %parallel_loop3A_534, %parallel_loop3A_528 : vector<16xi1>, vector<16xi32>
          %parallel_loop3A_536 = vector.shape_cast %parallel_loop3A_535 : vector<16xi32> to vector<16x1xi32>
          %parallel_loop3A_537 = vector.shape_cast %parallel_loop3A_536 : vector<16x1xi32> to vector<16xi32>
          %parallel_loop3A_538 = tpu.dynamic_gather %parallel_loop3A_522[%parallel_loop3A_537] in [0] : vector<16xf32>, vector<16xi32> -> vector<16xf32>
          %parallel_loop3A_539 = arith.addf %parallel_loop3A_522, %parallel_loop3A_538 : vector<16xf32>
          %parallel_loop3A_540 = arith.constant 1 : i32
          %parallel_loop3A_541 = vector.broadcast %parallel_loop3A_540 : i32 to vector<16xi32>
          %parallel_loop3A_542 = arith.addi %iota3A, %parallel_loop3A_541 : vector<16xi32>
          %parallel_loop3A_543 = arith.constant 15 : i32
          %parallel_loop3A_544 = vector.broadcast %parallel_loop3A_543 : i32 to vector<16xi32>
          %parallel_loop3A_545 = arith.andi %parallel_loop3A_542, %parallel_loop3A_544 : vector<16xi32>
          %parallel_loop3A_546 = arith.constant 0 : i32
          %parallel_loop3A_547 = vector.broadcast %parallel_loop3A_546 : i32 to vector<16xi32>
          %parallel_loop3A_548 = arith.cmpi slt, %parallel_loop3A_545, %parallel_loop3A_547 : vector<16xi32>
          %parallel_loop3A_549 = arith.constant 16 : i32
          %parallel_loop3A_550 = vector.broadcast %parallel_loop3A_549 : i32 to vector<16xi32>
          %parallel_loop3A_551 = arith.addi %parallel_loop3A_545, %parallel_loop3A_550 : vector<16xi32>
          %parallel_loop3A_552 = arith.select %parallel_loop3A_548, %parallel_loop3A_551, %parallel_loop3A_545 : vector<16xi1>, vector<16xi32>
          %parallel_loop3A_553 = vector.shape_cast %parallel_loop3A_552 : vector<16xi32> to vector<16x1xi32>
          %parallel_loop3A_554 = vector.shape_cast %parallel_loop3A_553 : vector<16x1xi32> to vector<16xi32>
          %parallel_loop3A_555 = tpu.dynamic_gather %parallel_loop3A_539[%parallel_loop3A_554] in [0] : vector<16xf32>, vector<16xi32> -> vector<16xf32>
          %parallel_loop3A_556 = arith.addf %parallel_loop3A_539, %parallel_loop3A_555 : vector<16xf32>
          %parallel_loop3A_557 = arith.mulf %parallel_loop3A_556, %parallel_loop3A_213 : vector<16xf32>
          %parallel_loop3A_558 = arith.mulf %parallel_loop3A_399, %parallel_loop3A_557 : vector<16xf32>
          %parallel_loop3A_559 = arith.index_cast %parallel_loop3A_198 : i32 to index
          %parallel_loop3A_560 = arith.constant 48 : index
          %parallel_loop3A_561 = tpu.vector_load %arg10[%parallel_loop3A_559, %parallel_loop3A_560] {strides = array<i32>} : memref<64x128xf32, #tpu.memory_space<vmem>>, vector<16xf32>,
          tpu.vector_store %arg10[%parallel_loop3A_559, %parallel_loop3A_560], %parallel_loop3A_558 {strides = array<i32>} : memref<64x128xf32, #tpu.memory_space<vmem>>, vector<16xf32>,
          %parallel_loop3A_562 = arith.index_cast %parallel_loop3A_198 : i32 to index
          %parallel_loop3A_563 = arith.constant 32 : index
          %parallel_loop3A_564 = tpu.vector_load %arg14[%parallel_loop3A_562, %parallel_loop3A_563] {strides = array<i32>} : memref<64x128xi32, #tpu.memory_space<vmem>>, vector<16xi32>,
          %parallel_loop3A_565 = vector.bitcast %parallel_loop3A_564 : vector<16xi32> to vector<32xbf16>
          %parallel_loop3A_566 = arith.index_cast %parallel_loop3A_198 : i32 to index
          %parallel_loop3A_567 = arith.constant 96 : index
          %parallel_loop3A_568 = tpu.vector_load %arg14[%parallel_loop3A_566, %parallel_loop3A_567] {strides = array<i32>} : memref<64x128xi32, #tpu.memory_space<vmem>>, vector<16xi32>,
          %parallel_loop3A_569 = vector.bitcast %parallel_loop3A_568 : vector<16xi32> to vector<32xbf16>
          %parallel_loop3A_570 = tpu.unpack_subelements %parallel_loop3A_565, 0 {pack_format = #tpu.pack_format<interleaved>} : vector<32xbf16> -> vector<16xf32>
          %parallel_loop3A_571 = tpu.unpack_subelements %parallel_loop3A_565, 1 {pack_format = #tpu.pack_format<interleaved>} : vector<32xbf16> -> vector<16xf32>
          %parallel_loop3A_572 = tpu.unpack_subelements %parallel_loop3A_569, 0 {pack_format = #tpu.pack_format<interleaved>} : vector<32xbf16> -> vector<16xf32>
          %parallel_loop3A_573 = tpu.unpack_subelements %parallel_loop3A_569, 1 {pack_format = #tpu.pack_format<interleaved>} : vector<32xbf16> -> vector<16xf32>
          %parallel_loop3A_574 = arith.index_cast %parallel_loop3A_198 : i32 to index
          %parallel_loop3A_575 = arith.constant 64 : index
          %parallel_loop3A_576 = tpu.vector_load %arg12[%parallel_loop3A_574, %parallel_loop3A_575] {strides = array<i32>} : memref<64x128xf32, #tpu.memory_space<vmem>>, vector<16xf32>,
          %parallel_loop3A_577 = arith.index_cast %parallel_loop3A_198 : i32 to index
          %parallel_loop3A_578 = arith.constant 64 : index
          %parallel_loop3A_579 = tpu.vector_load %arg10[%parallel_loop3A_577, %parallel_loop3A_578] {strides = array<i32>} : memref<64x128xf32, #tpu.memory_space<vmem>>, vector<16xf32>,
          %parallel_loop3A_580 = arith.mulf %parallel_loop3A_576, %parallel_loop3A_579 : vector<16xf32>
          %parallel_loop3A_581 = arith.mulf %parallel_loop3A_580, %parallel_loop3A_570 : vector<16xf32>
          %parallel_loop3A_582 = arith.constant 8 : i32
          %parallel_loop3A_583 = vector.broadcast %parallel_loop3A_582 : i32 to vector<16xi32>
          %parallel_loop3A_584 = arith.addi %iota3A, %parallel_loop3A_583 : vector<16xi32>
          %parallel_loop3A_585 = arith.constant 15 : i32
          %parallel_loop3A_586 = vector.broadcast %parallel_loop3A_585 : i32 to vector<16xi32>
          %parallel_loop3A_587 = arith.andi %parallel_loop3A_584, %parallel_loop3A_586 : vector<16xi32>
          %parallel_loop3A_588 = arith.constant 0 : i32
          %parallel_loop3A_589 = vector.broadcast %parallel_loop3A_588 : i32 to vector<16xi32>
          %parallel_loop3A_590 = arith.cmpi slt, %parallel_loop3A_587, %parallel_loop3A_589 : vector<16xi32>
          %parallel_loop3A_591 = arith.constant 16 : i32
          %parallel_loop3A_592 = vector.broadcast %parallel_loop3A_591 : i32 to vector<16xi32>
          %parallel_loop3A_593 = arith.addi %parallel_loop3A_587, %parallel_loop3A_592 : vector<16xi32>
          %parallel_loop3A_594 = arith.select %parallel_loop3A_590, %parallel_loop3A_593, %parallel_loop3A_587 : vector<16xi1>, vector<16xi32>
          %parallel_loop3A_595 = vector.shape_cast %parallel_loop3A_594 : vector<16xi32> to vector<16x1xi32>
          %parallel_loop3A_596 = vector.shape_cast %parallel_loop3A_595 : vector<16x1xi32> to vector<16xi32>
          %parallel_loop3A_597 = tpu.dynamic_gather %parallel_loop3A_581[%parallel_loop3A_596] in [0] : vector<16xf32>, vector<16xi32> -> vector<16xf32>
          %parallel_loop3A_598 = arith.addf %parallel_loop3A_581, %parallel_loop3A_597 : vector<16xf32>
          %parallel_loop3A_599 = arith.constant 4 : i32
          %parallel_loop3A_600 = vector.broadcast %parallel_loop3A_599 : i32 to vector<16xi32>
          %parallel_loop3A_601 = arith.addi %iota3A, %parallel_loop3A_600 : vector<16xi32>
          %parallel_loop3A_602 = arith.constant 15 : i32
          %parallel_loop3A_603 = vector.broadcast %parallel_loop3A_602 : i32 to vector<16xi32>
          %parallel_loop3A_604 = arith.andi %parallel_loop3A_601, %parallel_loop3A_603 : vector<16xi32>
          %parallel_loop3A_605 = arith.constant 0 : i32
          %parallel_loop3A_606 = vector.broadcast %parallel_loop3A_605 : i32 to vector<16xi32>
          %parallel_loop3A_607 = arith.cmpi slt, %parallel_loop3A_604, %parallel_loop3A_606 : vector<16xi32>
          %parallel_loop3A_608 = arith.constant 16 : i32
          %parallel_loop3A_609 = vector.broadcast %parallel_loop3A_608 : i32 to vector<16xi32>
          %parallel_loop3A_610 = arith.addi %parallel_loop3A_604, %parallel_loop3A_609 : vector<16xi32>
          %parallel_loop3A_611 = arith.select %parallel_loop3A_607, %parallel_loop3A_610, %parallel_loop3A_604 : vector<16xi1>, vector<16xi32>
          %parallel_loop3A_612 = vector.shape_cast %parallel_loop3A_611 : vector<16xi32> to vector<16x1xi32>
          %parallel_loop3A_613 = vector.shape_cast %parallel_loop3A_612 : vector<16x1xi32> to vector<16xi32>
          %parallel_loop3A_614 = tpu.dynamic_gather %parallel_loop3A_598[%parallel_loop3A_613] in [0] : vector<16xf32>, vector<16xi32> -> vector<16xf32>
          %parallel_loop3A_615 = arith.addf %parallel_loop3A_598, %parallel_loop3A_614 : vector<16xf32>
          %parallel_loop3A_616 = arith.constant 2 : i32
          %parallel_loop3A_617 = vector.broadcast %parallel_loop3A_616 : i32 to vector<16xi32>
          %parallel_loop3A_618 = arith.addi %iota3A, %parallel_loop3A_617 : vector<16xi32>
          %parallel_loop3A_619 = arith.constant 15 : i32
          %parallel_loop3A_620 = vector.broadcast %parallel_loop3A_619 : i32 to vector<16xi32>
          %parallel_loop3A_621 = arith.andi %parallel_loop3A_618, %parallel_loop3A_620 : vector<16xi32>
          %parallel_loop3A_622 = arith.constant 0 : i32
          %parallel_loop3A_623 = vector.broadcast %parallel_loop3A_622 : i32 to vector<16xi32>
          %parallel_loop3A_624 = arith.cmpi slt, %parallel_loop3A_621, %parallel_loop3A_623 : vector<16xi32>
          %parallel_loop3A_625 = arith.constant 16 : i32
          %parallel_loop3A_626 = vector.broadcast %parallel_loop3A_625 : i32 to vector<16xi32>
          %parallel_loop3A_627 = arith.addi %parallel_loop3A_621, %parallel_loop3A_626 : vector<16xi32>
          %parallel_loop3A_628 = arith.select %parallel_loop3A_624, %parallel_loop3A_627, %parallel_loop3A_621 : vector<16xi1>, vector<16xi32>
          %parallel_loop3A_629 = vector.shape_cast %parallel_loop3A_628 : vector<16xi32> to vector<16x1xi32>
          %parallel_loop3A_630 = vector.shape_cast %parallel_loop3A_629 : vector<16x1xi32> to vector<16xi32>
          %parallel_loop3A_631 = tpu.dynamic_gather %parallel_loop3A_615[%parallel_loop3A_630] in [0] : vector<16xf32>, vector<16xi32> -> vector<16xf32>
          %parallel_loop3A_632 = arith.addf %parallel_loop3A_615, %parallel_loop3A_631 : vector<16xf32>
          %parallel_loop3A_633 = arith.constant 1 : i32
          %parallel_loop3A_634 = vector.broadcast %parallel_loop3A_633 : i32 to vector<16xi32>
          %parallel_loop3A_635 = arith.addi %iota3A, %parallel_loop3A_634 : vector<16xi32>
          %parallel_loop3A_636 = arith.constant 15 : i32
          %parallel_loop3A_637 = vector.broadcast %parallel_loop3A_636 : i32 to vector<16xi32>
          %parallel_loop3A_638 = arith.andi %parallel_loop3A_635, %parallel_loop3A_637 : vector<16xi32>
          %parallel_loop3A_639 = arith.constant 0 : i32
          %parallel_loop3A_640 = vector.broadcast %parallel_loop3A_639 : i32 to vector<16xi32>
          %parallel_loop3A_641 = arith.cmpi slt, %parallel_loop3A_638, %parallel_loop3A_640 : vector<16xi32>
          %parallel_loop3A_642 = arith.constant 16 : i32
          %parallel_loop3A_643 = vector.broadcast %parallel_loop3A_642 : i32 to vector<16xi32>
          %parallel_loop3A_644 = arith.addi %parallel_loop3A_638, %parallel_loop3A_643 : vector<16xi32>
          %parallel_loop3A_645 = arith.select %parallel_loop3A_641, %parallel_loop3A_644, %parallel_loop3A_638 : vector<16xi1>, vector<16xi32>
          %parallel_loop3A_646 = vector.shape_cast %parallel_loop3A_645 : vector<16xi32> to vector<16x1xi32>
          %parallel_loop3A_647 = vector.shape_cast %parallel_loop3A_646 : vector<16x1xi32> to vector<16xi32>
          %parallel_loop3A_648 = tpu.dynamic_gather %parallel_loop3A_632[%parallel_loop3A_647] in [0] : vector<16xf32>, vector<16xi32> -> vector<16xf32>
          %parallel_loop3A_649 = arith.addf %parallel_loop3A_632, %parallel_loop3A_648 : vector<16xf32>
          %parallel_loop3A_650 = arith.mulf %parallel_loop3A_649, %parallel_loop3A_213 : vector<16xf32>
          %parallel_loop3A_651 = arith.mulf %parallel_loop3A_572, %parallel_loop3A_650 : vector<16xf32>
          %parallel_loop3A_652 = arith.index_cast %parallel_loop3A_198 : i32 to index
          %parallel_loop3A_653 = arith.constant 64 : index
          %parallel_loop3A_654 = tpu.vector_load %arg10[%parallel_loop3A_652, %parallel_loop3A_653] {strides = array<i32>} : memref<64x128xf32, #tpu.memory_space<vmem>>, vector<16xf32>,
          tpu.vector_store %arg10[%parallel_loop3A_652, %parallel_loop3A_653], %parallel_loop3A_651 {strides = array<i32>} : memref<64x128xf32, #tpu.memory_space<vmem>>, vector<16xf32>,
          %parallel_loop3A_655 = arith.index_cast %parallel_loop3A_198 : i32 to index
          %parallel_loop3A_656 = arith.constant 80 : index
          %parallel_loop3A_657 = tpu.vector_load %arg12[%parallel_loop3A_655, %parallel_loop3A_656] {strides = array<i32>} : memref<64x128xf32, #tpu.memory_space<vmem>>, vector<16xf32>,
          %parallel_loop3A_658 = arith.index_cast %parallel_loop3A_198 : i32 to index
          %parallel_loop3A_659 = arith.constant 80 : index
          %parallel_loop3A_660 = tpu.vector_load %arg10[%parallel_loop3A_658, %parallel_loop3A_659] {strides = array<i32>} : memref<64x128xf32, #tpu.memory_space<vmem>>, vector<16xf32>,
          %parallel_loop3A_661 = arith.mulf %parallel_loop3A_657, %parallel_loop3A_660 : vector<16xf32>
          %parallel_loop3A_662 = arith.mulf %parallel_loop3A_661, %parallel_loop3A_571 : vector<16xf32>
          %parallel_loop3A_663 = arith.constant 8 : i32
          %parallel_loop3A_664 = vector.broadcast %parallel_loop3A_663 : i32 to vector<16xi32>
          %parallel_loop3A_665 = arith.addi %iota3A, %parallel_loop3A_664 : vector<16xi32>
          %parallel_loop3A_666 = arith.constant 15 : i32
          %parallel_loop3A_667 = vector.broadcast %parallel_loop3A_666 : i32 to vector<16xi32>
          %parallel_loop3A_668 = arith.andi %parallel_loop3A_665, %parallel_loop3A_667 : vector<16xi32>
          %parallel_loop3A_669 = arith.constant 0 : i32
          %parallel_loop3A_670 = vector.broadcast %parallel_loop3A_669 : i32 to vector<16xi32>
          %parallel_loop3A_671 = arith.cmpi slt, %parallel_loop3A_668, %parallel_loop3A_670 : vector<16xi32>
          %parallel_loop3A_672 = arith.constant 16 : i32
          %parallel_loop3A_673 = vector.broadcast %parallel_loop3A_672 : i32 to vector<16xi32>
          %parallel_loop3A_674 = arith.addi %parallel_loop3A_668, %parallel_loop3A_673 : vector<16xi32>
          %parallel_loop3A_675 = arith.select %parallel_loop3A_671, %parallel_loop3A_674, %parallel_loop3A_668 : vector<16xi1>, vector<16xi32>
          %parallel_loop3A_676 = vector.shape_cast %parallel_loop3A_675 : vector<16xi32> to vector<16x1xi32>
          %parallel_loop3A_677 = vector.shape_cast %parallel_loop3A_676 : vector<16x1xi32> to vector<16xi32>
          %parallel_loop3A_678 = tpu.dynamic_gather %parallel_loop3A_662[%parallel_loop3A_677] in [0] : vector<16xf32>, vector<16xi32> -> vector<16xf32>
          %parallel_loop3A_679 = arith.addf %parallel_loop3A_662, %parallel_loop3A_678 : vector<16xf32>
          %parallel_loop3A_680 = arith.constant 4 : i32
          %parallel_loop3A_681 = vector.broadcast %parallel_loop3A_680 : i32 to vector<16xi32>
          %parallel_loop3A_682 = arith.addi %iota3A, %parallel_loop3A_681 : vector<16xi32>
          %parallel_loop3A_683 = arith.constant 15 : i32
          %parallel_loop3A_684 = vector.broadcast %parallel_loop3A_683 : i32 to vector<16xi32>
          %parallel_loop3A_685 = arith.andi %parallel_loop3A_682, %parallel_loop3A_684 : vector<16xi32>
          %parallel_loop3A_686 = arith.constant 0 : i32
          %parallel_loop3A_687 = vector.broadcast %parallel_loop3A_686 : i32 to vector<16xi32>
          %parallel_loop3A_688 = arith.cmpi slt, %parallel_loop3A_685, %parallel_loop3A_687 : vector<16xi32>
          %parallel_loop3A_689 = arith.constant 16 : i32
          %parallel_loop3A_690 = vector.broadcast %parallel_loop3A_689 : i32 to vector<16xi32>
          %parallel_loop3A_691 = arith.addi %parallel_loop3A_685, %parallel_loop3A_690 : vector<16xi32>
          %parallel_loop3A_692 = arith.select %parallel_loop3A_688, %parallel_loop3A_691, %parallel_loop3A_685 : vector<16xi1>, vector<16xi32>
          %parallel_loop3A_693 = vector.shape_cast %parallel_loop3A_692 : vector<16xi32> to vector<16x1xi32>
          %parallel_loop3A_694 = vector.shape_cast %parallel_loop3A_693 : vector<16x1xi32> to vector<16xi32>
          %parallel_loop3A_695 = tpu.dynamic_gather %parallel_loop3A_679[%parallel_loop3A_694] in [0] : vector<16xf32>, vector<16xi32> -> vector<16xf32>
          %parallel_loop3A_696 = arith.addf %parallel_loop3A_679, %parallel_loop3A_695 : vector<16xf32>
          %parallel_loop3A_697 = arith.constant 2 : i32
          %parallel_loop3A_698 = vector.broadcast %parallel_loop3A_697 : i32 to vector<16xi32>
          %parallel_loop3A_699 = arith.addi %iota3A, %parallel_loop3A_698 : vector<16xi32>
          %parallel_loop3A_700 = arith.constant 15 : i32
          %parallel_loop3A_701 = vector.broadcast %parallel_loop3A_700 : i32 to vector<16xi32>
          %parallel_loop3A_702 = arith.andi %parallel_loop3A_699, %parallel_loop3A_701 : vector<16xi32>
          %parallel_loop3A_703 = arith.constant 0 : i32
          %parallel_loop3A_704 = vector.broadcast %parallel_loop3A_703 : i32 to vector<16xi32>
          %parallel_loop3A_705 = arith.cmpi slt, %parallel_loop3A_702, %parallel_loop3A_704 : vector<16xi32>
          %parallel_loop3A_706 = arith.constant 16 : i32
          %parallel_loop3A_707 = vector.broadcast %parallel_loop3A_706 : i32 to vector<16xi32>
          %parallel_loop3A_708 = arith.addi %parallel_loop3A_702, %parallel_loop3A_707 : vector<16xi32>
          %parallel_loop3A_709 = arith.select %parallel_loop3A_705, %parallel_loop3A_708, %parallel_loop3A_702 : vector<16xi1>, vector<16xi32>
          %parallel_loop3A_710 = vector.shape_cast %parallel_loop3A_709 : vector<16xi32> to vector<16x1xi32>
          %parallel_loop3A_711 = vector.shape_cast %parallel_loop3A_710 : vector<16x1xi32> to vector<16xi32>
          %parallel_loop3A_712 = tpu.dynamic_gather %parallel_loop3A_696[%parallel_loop3A_711] in [0] : vector<16xf32>, vector<16xi32> -> vector<16xf32>
          %parallel_loop3A_713 = arith.addf %parallel_loop3A_696, %parallel_loop3A_712 : vector<16xf32>
          %parallel_loop3A_714 = arith.constant 1 : i32
          %parallel_loop3A_715 = vector.broadcast %parallel_loop3A_714 : i32 to vector<16xi32>
          %parallel_loop3A_716 = arith.addi %iota3A, %parallel_loop3A_715 : vector<16xi32>
          %parallel_loop3A_717 = arith.constant 15 : i32
          %parallel_loop3A_718 = vector.broadcast %parallel_loop3A_717 : i32 to vector<16xi32>
          %parallel_loop3A_719 = arith.andi %parallel_loop3A_716, %parallel_loop3A_718 : vector<16xi32>
          %parallel_loop3A_720 = arith.constant 0 : i32
          %parallel_loop3A_721 = vector.broadcast %parallel_loop3A_720 : i32 to vector<16xi32>
          %parallel_loop3A_722 = arith.cmpi slt, %parallel_loop3A_719, %parallel_loop3A_721 : vector<16xi32>
          %parallel_loop3A_723 = arith.constant 16 : i32
          %parallel_loop3A_724 = vector.broadcast %parallel_loop3A_723 : i32 to vector<16xi32>
          %parallel_loop3A_725 = arith.addi %parallel_loop3A_719, %parallel_loop3A_724 : vector<16xi32>
          %parallel_loop3A_726 = arith.select %parallel_loop3A_722, %parallel_loop3A_725, %parallel_loop3A_719 : vector<16xi1>, vector<16xi32>
          %parallel_loop3A_727 = vector.shape_cast %parallel_loop3A_726 : vector<16xi32> to vector<16x1xi32>
          %parallel_loop3A_728 = vector.shape_cast %parallel_loop3A_727 : vector<16x1xi32> to vector<16xi32>
          %parallel_loop3A_729 = tpu.dynamic_gather %parallel_loop3A_713[%parallel_loop3A_728] in [0] : vector<16xf32>, vector<16xi32> -> vector<16xf32>
          %parallel_loop3A_730 = arith.addf %parallel_loop3A_713, %parallel_loop3A_729 : vector<16xf32>
          %parallel_loop3A_731 = arith.mulf %parallel_loop3A_730, %parallel_loop3A_213 : vector<16xf32>
          %parallel_loop3A_732 = arith.mulf %parallel_loop3A_573, %parallel_loop3A_731 : vector<16xf32>
          %parallel_loop3A_733 = arith.index_cast %parallel_loop3A_198 : i32 to index
          %parallel_loop3A_734 = arith.constant 80 : index
          %parallel_loop3A_735 = tpu.vector_load %arg10[%parallel_loop3A_733, %parallel_loop3A_734] {strides = array<i32>} : memref<64x128xf32, #tpu.memory_space<vmem>>, vector<16xf32>,
          tpu.vector_store %arg10[%parallel_loop3A_733, %parallel_loop3A_734], %parallel_loop3A_732 {strides = array<i32>} : memref<64x128xf32, #tpu.memory_space<vmem>>, vector<16xf32>,
          %parallel_loop3A_736 = arith.index_cast %parallel_loop3A_198 : i32 to index
          %parallel_loop3A_737 = arith.constant 48 : index
          %parallel_loop3A_738 = tpu.vector_load %arg14[%parallel_loop3A_736, %parallel_loop3A_737] {strides = array<i32>} : memref<64x128xi32, #tpu.memory_space<vmem>>, vector<16xi32>,
          %parallel_loop3A_739 = vector.bitcast %parallel_loop3A_738 : vector<16xi32> to vector<32xbf16>
          %parallel_loop3A_740 = arith.index_cast %parallel_loop3A_198 : i32 to index
          %parallel_loop3A_741 = arith.constant 112 : index
          %parallel_loop3A_742 = tpu.vector_load %arg14[%parallel_loop3A_740, %parallel_loop3A_741] {strides = array<i32>} : memref<64x128xi32, #tpu.memory_space<vmem>>, vector<16xi32>,
          %parallel_loop3A_743 = vector.bitcast %parallel_loop3A_742 : vector<16xi32> to vector<32xbf16>
          %parallel_loop3A_744 = tpu.unpack_subelements %parallel_loop3A_739, 0 {pack_format = #tpu.pack_format<interleaved>} : vector<32xbf16> -> vector<16xf32>
          %parallel_loop3A_745 = tpu.unpack_subelements %parallel_loop3A_739, 1 {pack_format = #tpu.pack_format<interleaved>} : vector<32xbf16> -> vector<16xf32>
          %parallel_loop3A_746 = tpu.unpack_subelements %parallel_loop3A_743, 0 {pack_format = #tpu.pack_format<interleaved>} : vector<32xbf16> -> vector<16xf32>
          %parallel_loop3A_747 = tpu.unpack_subelements %parallel_loop3A_743, 1 {pack_format = #tpu.pack_format<interleaved>} : vector<32xbf16> -> vector<16xf32>
          %parallel_loop3A_748 = arith.index_cast %parallel_loop3A_198 : i32 to index
          %parallel_loop3A_749 = arith.constant 96 : index
          %parallel_loop3A_750 = tpu.vector_load %arg12[%parallel_loop3A_748, %parallel_loop3A_749] {strides = array<i32>} : memref<64x128xf32, #tpu.memory_space<vmem>>, vector<16xf32>,
          %parallel_loop3A_751 = arith.index_cast %parallel_loop3A_198 : i32 to index
          %parallel_loop3A_752 = arith.constant 96 : index
          %parallel_loop3A_753 = tpu.vector_load %arg10[%parallel_loop3A_751, %parallel_loop3A_752] {strides = array<i32>} : memref<64x128xf32, #tpu.memory_space<vmem>>, vector<16xf32>,
          %parallel_loop3A_754 = arith.mulf %parallel_loop3A_750, %parallel_loop3A_753 : vector<16xf32>
          %parallel_loop3A_755 = arith.mulf %parallel_loop3A_754, %parallel_loop3A_744 : vector<16xf32>
          %parallel_loop3A_756 = arith.constant 8 : i32
          %parallel_loop3A_757 = vector.broadcast %parallel_loop3A_756 : i32 to vector<16xi32>
          %parallel_loop3A_758 = arith.addi %iota3A, %parallel_loop3A_757 : vector<16xi32>
          %parallel_loop3A_759 = arith.constant 15 : i32
          %parallel_loop3A_760 = vector.broadcast %parallel_loop3A_759 : i32 to vector<16xi32>
          %parallel_loop3A_761 = arith.andi %parallel_loop3A_758, %parallel_loop3A_760 : vector<16xi32>
          %parallel_loop3A_762 = arith.constant 0 : i32
          %parallel_loop3A_763 = vector.broadcast %parallel_loop3A_762 : i32 to vector<16xi32>
          %parallel_loop3A_764 = arith.cmpi slt, %parallel_loop3A_761, %parallel_loop3A_763 : vector<16xi32>
          %parallel_loop3A_765 = arith.constant 16 : i32
          %parallel_loop3A_766 = vector.broadcast %parallel_loop3A_765 : i32 to vector<16xi32>
          %parallel_loop3A_767 = arith.addi %parallel_loop3A_761, %parallel_loop3A_766 : vector<16xi32>
          %parallel_loop3A_768 = arith.select %parallel_loop3A_764, %parallel_loop3A_767, %parallel_loop3A_761 : vector<16xi1>, vector<16xi32>
          %parallel_loop3A_769 = vector.shape_cast %parallel_loop3A_768 : vector<16xi32> to vector<16x1xi32>
          %parallel_loop3A_770 = vector.shape_cast %parallel_loop3A_769 : vector<16x1xi32> to vector<16xi32>
          %parallel_loop3A_771 = tpu.dynamic_gather %parallel_loop3A_755[%parallel_loop3A_770] in [0] : vector<16xf32>, vector<16xi32> -> vector<16xf32>
          %parallel_loop3A_772 = arith.addf %parallel_loop3A_755, %parallel_loop3A_771 : vector<16xf32>
          %parallel_loop3A_773 = arith.constant 4 : i32
          %parallel_loop3A_774 = vector.broadcast %parallel_loop3A_773 : i32 to vector<16xi32>
          %parallel_loop3A_775 = arith.addi %iota3A, %parallel_loop3A_774 : vector<16xi32>
          %parallel_loop3A_776 = arith.constant 15 : i32
          %parallel_loop3A_777 = vector.broadcast %parallel_loop3A_776 : i32 to vector<16xi32>
          %parallel_loop3A_778 = arith.andi %parallel_loop3A_775, %parallel_loop3A_777 : vector<16xi32>
          %parallel_loop3A_779 = arith.constant 0 : i32
          %parallel_loop3A_780 = vector.broadcast %parallel_loop3A_779 : i32 to vector<16xi32>
          %parallel_loop3A_781 = arith.cmpi slt, %parallel_loop3A_778, %parallel_loop3A_780 : vector<16xi32>
          %parallel_loop3A_782 = arith.constant 16 : i32
          %parallel_loop3A_783 = vector.broadcast %parallel_loop3A_782 : i32 to vector<16xi32>
          %parallel_loop3A_784 = arith.addi %parallel_loop3A_778, %parallel_loop3A_783 : vector<16xi32>
          %parallel_loop3A_785 = arith.select %parallel_loop3A_781, %parallel_loop3A_784, %parallel_loop3A_778 : vector<16xi1>, vector<16xi32>
          %parallel_loop3A_786 = vector.shape_cast %parallel_loop3A_785 : vector<16xi32> to vector<16x1xi32>
          %parallel_loop3A_787 = vector.shape_cast %parallel_loop3A_786 : vector<16x1xi32> to vector<16xi32>
          %parallel_loop3A_788 = tpu.dynamic_gather %parallel_loop3A_772[%parallel_loop3A_787] in [0] : vector<16xf32>, vector<16xi32> -> vector<16xf32>
          %parallel_loop3A_789 = arith.addf %parallel_loop3A_772, %parallel_loop3A_788 : vector<16xf32>
          %parallel_loop3A_790 = arith.constant 2 : i32
          %parallel_loop3A_791 = vector.broadcast %parallel_loop3A_790 : i32 to vector<16xi32>
          %parallel_loop3A_792 = arith.addi %iota3A, %parallel_loop3A_791 : vector<16xi32>
          %parallel_loop3A_793 = arith.constant 15 : i32
          %parallel_loop3A_794 = vector.broadcast %parallel_loop3A_793 : i32 to vector<16xi32>
          %parallel_loop3A_795 = arith.andi %parallel_loop3A_792, %parallel_loop3A_794 : vector<16xi32>
          %parallel_loop3A_796 = arith.constant 0 : i32
          %parallel_loop3A_797 = vector.broadcast %parallel_loop3A_796 : i32 to vector<16xi32>
          %parallel_loop3A_798 = arith.cmpi slt, %parallel_loop3A_795, %parallel_loop3A_797 : vector<16xi32>
          %parallel_loop3A_799 = arith.constant 16 : i32
          %parallel_loop3A_800 = vector.broadcast %parallel_loop3A_799 : i32 to vector<16xi32>
          %parallel_loop3A_801 = arith.addi %parallel_loop3A_795, %parallel_loop3A_800 : vector<16xi32>
          %parallel_loop3A_802 = arith.select %parallel_loop3A_798, %parallel_loop3A_801, %parallel_loop3A_795 : vector<16xi1>, vector<16xi32>
          %parallel_loop3A_803 = vector.shape_cast %parallel_loop3A_802 : vector<16xi32> to vector<16x1xi32>
          %parallel_loop3A_804 = vector.shape_cast %parallel_loop3A_803 : vector<16x1xi32> to vector<16xi32>
          %parallel_loop3A_805 = tpu.dynamic_gather %parallel_loop3A_789[%parallel_loop3A_804] in [0] : vector<16xf32>, vector<16xi32> -> vector<16xf32>
          %parallel_loop3A_806 = arith.addf %parallel_loop3A_789, %parallel_loop3A_805 : vector<16xf32>
          %parallel_loop3A_807 = arith.constant 1 : i32
          %parallel_loop3A_808 = vector.broadcast %parallel_loop3A_807 : i32 to vector<16xi32>
          %parallel_loop3A_809 = arith.addi %iota3A, %parallel_loop3A_808 : vector<16xi32>
          %parallel_loop3A_810 = arith.constant 15 : i32
          %parallel_loop3A_811 = vector.broadcast %parallel_loop3A_810 : i32 to vector<16xi32>
          %parallel_loop3A_812 = arith.andi %parallel_loop3A_809, %parallel_loop3A_811 : vector<16xi32>
          %parallel_loop3A_813 = arith.constant 0 : i32
          %parallel_loop3A_814 = vector.broadcast %parallel_loop3A_813 : i32 to vector<16xi32>
          %parallel_loop3A_815 = arith.cmpi slt, %parallel_loop3A_812, %parallel_loop3A_814 : vector<16xi32>
          %parallel_loop3A_816 = arith.constant 16 : i32
          %parallel_loop3A_817 = vector.broadcast %parallel_loop3A_816 : i32 to vector<16xi32>
          %parallel_loop3A_818 = arith.addi %parallel_loop3A_812, %parallel_loop3A_817 : vector<16xi32>
          %parallel_loop3A_819 = arith.select %parallel_loop3A_815, %parallel_loop3A_818, %parallel_loop3A_812 : vector<16xi1>, vector<16xi32>
          %parallel_loop3A_820 = vector.shape_cast %parallel_loop3A_819 : vector<16xi32> to vector<16x1xi32>
          %parallel_loop3A_821 = vector.shape_cast %parallel_loop3A_820 : vector<16x1xi32> to vector<16xi32>
          %parallel_loop3A_822 = tpu.dynamic_gather %parallel_loop3A_806[%parallel_loop3A_821] in [0] : vector<16xf32>, vector<16xi32> -> vector<16xf32>
          %parallel_loop3A_823 = arith.addf %parallel_loop3A_806, %parallel_loop3A_822 : vector<16xf32>
          %parallel_loop3A_824 = arith.mulf %parallel_loop3A_823, %parallel_loop3A_213 : vector<16xf32>
          %parallel_loop3A_825 = arith.mulf %parallel_loop3A_746, %parallel_loop3A_824 : vector<16xf32>
          %parallel_loop3A_826 = arith.index_cast %parallel_loop3A_198 : i32 to index
          %parallel_loop3A_827 = arith.constant 96 : index
          %parallel_loop3A_828 = tpu.vector_load %arg10[%parallel_loop3A_826, %parallel_loop3A_827] {strides = array<i32>} : memref<64x128xf32, #tpu.memory_space<vmem>>, vector<16xf32>,
          tpu.vector_store %arg10[%parallel_loop3A_826, %parallel_loop3A_827], %parallel_loop3A_825 {strides = array<i32>} : memref<64x128xf32, #tpu.memory_space<vmem>>, vector<16xf32>,
          %parallel_loop3A_829 = arith.index_cast %parallel_loop3A_198 : i32 to index
          %parallel_loop3A_830 = arith.constant 112 : index
          %parallel_loop3A_831 = tpu.vector_load %arg12[%parallel_loop3A_829, %parallel_loop3A_830] {strides = array<i32>} : memref<64x128xf32, #tpu.memory_space<vmem>>, vector<16xf32>,
          %parallel_loop3A_832 = arith.index_cast %parallel_loop3A_198 : i32 to index
          %parallel_loop3A_833 = arith.constant 112 : index
          %parallel_loop3A_834 = tpu.vector_load %arg10[%parallel_loop3A_832, %parallel_loop3A_833] {strides = array<i32>} : memref<64x128xf32, #tpu.memory_space<vmem>>, vector<16xf32>,
          %parallel_loop3A_835 = arith.mulf %parallel_loop3A_831, %parallel_loop3A_834 : vector<16xf32>
          %parallel_loop3A_836 = arith.mulf %parallel_loop3A_835, %parallel_loop3A_745 : vector<16xf32>
          %parallel_loop3A_837 = arith.constant 8 : i32
          %parallel_loop3A_838 = vector.broadcast %parallel_loop3A_837 : i32 to vector<16xi32>
          %parallel_loop3A_839 = arith.addi %iota3A, %parallel_loop3A_838 : vector<16xi32>
          %parallel_loop3A_840 = arith.constant 15 : i32
          %parallel_loop3A_841 = vector.broadcast %parallel_loop3A_840 : i32 to vector<16xi32>
          %parallel_loop3A_842 = arith.andi %parallel_loop3A_839, %parallel_loop3A_841 : vector<16xi32>
          %parallel_loop3A_843 = arith.constant 0 : i32
          %parallel_loop3A_844 = vector.broadcast %parallel_loop3A_843 : i32 to vector<16xi32>
          %parallel_loop3A_845 = arith.cmpi slt, %parallel_loop3A_842, %parallel_loop3A_844 : vector<16xi32>
          %parallel_loop3A_846 = arith.constant 16 : i32
          %parallel_loop3A_847 = vector.broadcast %parallel_loop3A_846 : i32 to vector<16xi32>
          %parallel_loop3A_848 = arith.addi %parallel_loop3A_842, %parallel_loop3A_847 : vector<16xi32>
          %parallel_loop3A_849 = arith.select %parallel_loop3A_845, %parallel_loop3A_848, %parallel_loop3A_842 : vector<16xi1>, vector<16xi32>
          %parallel_loop3A_850 = vector.shape_cast %parallel_loop3A_849 : vector<16xi32> to vector<16x1xi32>
          %parallel_loop3A_851 = vector.shape_cast %parallel_loop3A_850 : vector<16x1xi32> to vector<16xi32>
          %parallel_loop3A_852 = tpu.dynamic_gather %parallel_loop3A_836[%parallel_loop3A_851] in [0] : vector<16xf32>, vector<16xi32> -> vector<16xf32>
          %parallel_loop3A_853 = arith.addf %parallel_loop3A_836, %parallel_loop3A_852 : vector<16xf32>
          %parallel_loop3A_854 = arith.constant 4 : i32
          %parallel_loop3A_855 = vector.broadcast %parallel_loop3A_854 : i32 to vector<16xi32>
          %parallel_loop3A_856 = arith.addi %iota3A, %parallel_loop3A_855 : vector<16xi32>
          %parallel_loop3A_857 = arith.constant 15 : i32
          %parallel_loop3A_858 = vector.broadcast %parallel_loop3A_857 : i32 to vector<16xi32>
          %parallel_loop3A_859 = arith.andi %parallel_loop3A_856, %parallel_loop3A_858 : vector<16xi32>
          %parallel_loop3A_860 = arith.constant 0 : i32
          %parallel_loop3A_861 = vector.broadcast %parallel_loop3A_860 : i32 to vector<16xi32>
          %parallel_loop3A_862 = arith.cmpi slt, %parallel_loop3A_859, %parallel_loop3A_861 : vector<16xi32>
          %parallel_loop3A_863 = arith.constant 16 : i32
          %parallel_loop3A_864 = vector.broadcast %parallel_loop3A_863 : i32 to vector<16xi32>
          %parallel_loop3A_865 = arith.addi %parallel_loop3A_859, %parallel_loop3A_864 : vector<16xi32>
          %parallel_loop3A_866 = arith.select %parallel_loop3A_862, %parallel_loop3A_865, %parallel_loop3A_859 : vector<16xi1>, vector<16xi32>
          %parallel_loop3A_867 = vector.shape_cast %parallel_loop3A_866 : vector<16xi32> to vector<16x1xi32>
          %parallel_loop3A_868 = vector.shape_cast %parallel_loop3A_867 : vector<16x1xi32> to vector<16xi32>
          %parallel_loop3A_869 = tpu.dynamic_gather %parallel_loop3A_853[%parallel_loop3A_868] in [0] : vector<16xf32>, vector<16xi32> -> vector<16xf32>
          %parallel_loop3A_870 = arith.addf %parallel_loop3A_853, %parallel_loop3A_869 : vector<16xf32>
          %parallel_loop3A_871 = arith.constant 2 : i32
          %parallel_loop3A_872 = vector.broadcast %parallel_loop3A_871 : i32 to vector<16xi32>
          %parallel_loop3A_873 = arith.addi %iota3A, %parallel_loop3A_872 : vector<16xi32>
          %parallel_loop3A_874 = arith.constant 15 : i32
          %parallel_loop3A_875 = vector.broadcast %parallel_loop3A_874 : i32 to vector<16xi32>
          %parallel_loop3A_876 = arith.andi %parallel_loop3A_873, %parallel_loop3A_875 : vector<16xi32>
          %parallel_loop3A_877 = arith.constant 0 : i32
          %parallel_loop3A_878 = vector.broadcast %parallel_loop3A_877 : i32 to vector<16xi32>
          %parallel_loop3A_879 = arith.cmpi slt, %parallel_loop3A_876, %parallel_loop3A_878 : vector<16xi32>
          %parallel_loop3A_880 = arith.constant 16 : i32
          %parallel_loop3A_881 = vector.broadcast %parallel_loop3A_880 : i32 to vector<16xi32>
          %parallel_loop3A_882 = arith.addi %parallel_loop3A_876, %parallel_loop3A_881 : vector<16xi32>
          %parallel_loop3A_883 = arith.select %parallel_loop3A_879, %parallel_loop3A_882, %parallel_loop3A_876 : vector<16xi1>, vector<16xi32>
          %parallel_loop3A_884 = vector.shape_cast %parallel_loop3A_883 : vector<16xi32> to vector<16x1xi32>
          %parallel_loop3A_885 = vector.shape_cast %parallel_loop3A_884 : vector<16x1xi32> to vector<16xi32>
          %parallel_loop3A_886 = tpu.dynamic_gather %parallel_loop3A_870[%parallel_loop3A_885] in [0] : vector<16xf32>, vector<16xi32> -> vector<16xf32>
          %parallel_loop3A_887 = arith.addf %parallel_loop3A_870, %parallel_loop3A_886 : vector<16xf32>
          %parallel_loop3A_888 = arith.constant 1 : i32
          %parallel_loop3A_889 = vector.broadcast %parallel_loop3A_888 : i32 to vector<16xi32>
          %parallel_loop3A_890 = arith.addi %iota3A, %parallel_loop3A_889 : vector<16xi32>
          %parallel_loop3A_891 = arith.constant 15 : i32
          %parallel_loop3A_892 = vector.broadcast %parallel_loop3A_891 : i32 to vector<16xi32>
          %parallel_loop3A_893 = arith.andi %parallel_loop3A_890, %parallel_loop3A_892 : vector<16xi32>
          %parallel_loop3A_894 = arith.constant 0 : i32
          %parallel_loop3A_895 = vector.broadcast %parallel_loop3A_894 : i32 to vector<16xi32>
          %parallel_loop3A_896 = arith.cmpi slt, %parallel_loop3A_893, %parallel_loop3A_895 : vector<16xi32>
          %parallel_loop3A_897 = arith.constant 16 : i32
          %parallel_loop3A_898 = vector.broadcast %parallel_loop3A_897 : i32 to vector<16xi32>
          %parallel_loop3A_899 = arith.addi %parallel_loop3A_893, %parallel_loop3A_898 : vector<16xi32>
          %parallel_loop3A_900 = arith.select %parallel_loop3A_896, %parallel_loop3A_899, %parallel_loop3A_893 : vector<16xi1>, vector<16xi32>
          %parallel_loop3A_901 = vector.shape_cast %parallel_loop3A_900 : vector<16xi32> to vector<16x1xi32>
          %parallel_loop3A_902 = vector.shape_cast %parallel_loop3A_901 : vector<16x1xi32> to vector<16xi32>
          %parallel_loop3A_903 = tpu.dynamic_gather %parallel_loop3A_887[%parallel_loop3A_902] in [0] : vector<16xf32>, vector<16xi32> -> vector<16xf32>
          %parallel_loop3A_904 = arith.addf %parallel_loop3A_887, %parallel_loop3A_903 : vector<16xf32>
          %parallel_loop3A_905 = arith.mulf %parallel_loop3A_904, %parallel_loop3A_213 : vector<16xf32>
          %parallel_loop3A_906 = arith.mulf %parallel_loop3A_747, %parallel_loop3A_905 : vector<16xf32>
          %parallel_loop3A_907 = arith.index_cast %parallel_loop3A_198 : i32 to index
          %parallel_loop3A_908 = arith.constant 112 : index
          %parallel_loop3A_909 = tpu.vector_load %arg10[%parallel_loop3A_907, %parallel_loop3A_908] {strides = array<i32>} : memref<64x128xf32, #tpu.memory_space<vmem>>, vector<16xf32>,
          tpu.vector_store %arg10[%parallel_loop3A_907, %parallel_loop3A_908], %parallel_loop3A_906 {strides = array<i32>} : memref<64x128xf32, #tpu.memory_space<vmem>>, vector<16xf32>,
        } {sc.loop_unroll_factor = 8 : i64, sc.parallel_access}
      }
      %scan3A_138 = arith.constant 4 : i32
      %dma_start3A_139 = arith.constant 0 : i32
      %dma_start3A_140 = arith.constant 0 : i32
      %dma_start3A_141 = tpu.memref_slice %arg8[%dma_start3A_139, %dma_start3A_140] : memref<3x64xi32, #tpu.memory_space<vmem>> -> memref<1x64xi32, #tpu.memory_space<vmem>>
      %dma_start3A_142 = tpu.memref_squeeze %dma_start3A_141 : memref<1x64xi32, #tpu.memory_space<vmem>> -> memref<64xi32, #tpu.memory_space<vmem>>
      %dma_start3A_143 = arith.constant 0 : i32
      %dma_start3A_144 = arith.constant 0 : i32
      %dma_start3A_145 = tpu.memref_slice %arg16[%dma_start3A_143, %dma_start3A_144] : memref<10000x128xf32, #tpu.memory_space<vmem_shared>> -> memref<10000x128xf32, #tpu.memory_space<vmem_shared>>
      tpu.enqueue_indirect_dma source(%arg10 : memref<64x128xf32, #tpu.memory_space<vmem>>) target(%dma_start3A_145 : memref<10000x128xf32, #tpu.memory_space<vmem_shared>>) offsets(%dma_start3A_142 : memref<64xi32, #tpu.memory_space<vmem>>) semaphore(%arg23 : memref<!tpu.dma_semaphore, #tpu.memory_space<semaphore_mem>>) {add = true}
      %dma_wait3A_146 = arith.constant 0 : i32
      %dma_wait3A_147 = arith.constant 0 : i32
      %dma_wait3A_148 = tpu.memref_slice %arg9[%dma_wait3A_146, %dma_wait3A_147] : memref<3x64xi32, #tpu.memory_space<vmem>> -> memref<1x64xi32, #tpu.memory_space<vmem>>
      %dma_wait3A_149 = tpu.memref_squeeze %dma_wait3A_148 : memref<1x64xi32, #tpu.memory_space<vmem>> -> memref<64xi32, #tpu.memory_space<vmem>>
      %dma_wait3A_150 = arith.constant 0 : i32
      %dma_wait3A_151 = arith.constant 0 : i32
      %dma_wait3A_152 = tpu.memref_slice %arg2[%dma_wait3A_150, %dma_wait3A_151] : memref<10000x128xf32, #tpu.memory_space<hbm>> -> memref<10000x128xf32, #tpu.memory_space<hbm>>
      tpu.wait_indirect_dma semaphore(%arg20 : memref<!tpu.dma_semaphore, #tpu.memory_space<semaphore_mem>>) src(%dma_wait3A_152 : memref<10000x128xf32, #tpu.memory_space<hbm>>) dst(%arg13 : memref<64x128xf32, #tpu.memory_space<vmem>>)
      %dma_wait3A_153 = arith.constant 1 : i32
      %dma_wait3A_154 = arith.constant 0 : i32
      %dma_wait3A_155 = tpu.memref_slice %arg9[%dma_wait3A_153, %dma_wait3A_154] : memref<3x64xi32, #tpu.memory_space<vmem>> -> memref<1x64xi32, #tpu.memory_space<vmem>>
      %dma_wait3A_156 = tpu.memref_squeeze %dma_wait3A_155 : memref<1x64xi32, #tpu.memory_space<vmem>> -> memref<64xi32, #tpu.memory_space<vmem>>
      %dma_wait3A_157 = arith.constant 0 : i32
      %dma_wait3A_158 = arith.constant 0 : i32
      %dma_wait3A_159 = tpu.memref_slice %arg3[%dma_wait3A_157, %dma_wait3A_158] : memref<10000x128xi32, #tpu.memory_space<hbm>> -> memref<10000x128xi32, #tpu.memory_space<hbm>>
      tpu.wait_indirect_dma semaphore(%arg22 : memref<!tpu.dma_semaphore, #tpu.memory_space<semaphore_mem>>) src(%dma_wait3A_159 : memref<10000x128xi32, #tpu.memory_space<hbm>>) dst(%arg15 : memref<64x128xi32, #tpu.memory_space<vmem>>)
      %scan3A_160 = arith.constant 0 : i32
      %scan3A_161 = arith.constant 0 : i32
      %scan3A_162 = arith.constant 4 : i32
      %scan3A_163 = arith.addi %scan3A_161, %scan3A_162 : i32
      %scan3A_164 = arith.constant 1 : i32
      scf.for %scan3A_187 = %scan3A_161 to %scan3A_163 step %scan3A_164  : i32 {
        %mul3A_188 = arith.constant 16 : i32
        %mul3A_189 = arith.muli %scan3A_187, %mul3A_188 : i32
        %get3A = arith.constant 2 : i32
        %get3A_190 = arith.index_cast %get3A : i32 to index
        %get3A_191 = arith.index_cast %mul3A_189 : i32 to index
        %get3A_192 = tpu.vector_load %arg9[%get3A_190, %get3A_191] {strides = array<i32>} : memref<3x64xi32, #tpu.memory_space<vmem>>, vector<16xi32>,
        %bitcast3A = vector.bitcast %get3A_192 : vector<16xi32> to vector<16xf32>
        %parallel_loop3A = arith.constant 0 : i32
        %parallel_loop3A_193 = arith.constant 16 : i32
        %parallel_loop3A_194 = arith.constant 1 : i32
        scf.for %parallel_loop3A_195 = %parallel_loop3A to %parallel_loop3A_193 step %parallel_loop3A_194  : i32 {
          %parallel_loop3A_196 = arith.constant 16 : i32
          %parallel_loop3A_197 = arith.muli %scan3A_187, %parallel_loop3A_196 : i32
          %parallel_loop3A_198 = arith.addi %parallel_loop3A_197, %parallel_loop3A_195 : i32
          %parallel_loop3A_199 = arith.constant 0 : i32
          %parallel_loop3A_200 = vector.broadcast %parallel_loop3A_199 : i32 to vector<16xi32>
          %parallel_loop3A_201 = arith.muli %iota3A, %parallel_loop3A_200 : vector<16xi32>
          %parallel_loop3A_202 = vector.broadcast %parallel_loop3A_195 : i32 to vector<16xi32>
          %parallel_loop3A_203 = arith.addi %parallel_loop3A_201, %parallel_loop3A_202 : vector<16xi32>
          %parallel_loop3A_204 = arith.constant 0 : i32
          %parallel_loop3A_205 = vector.broadcast %parallel_loop3A_204 : i32 to vector<16xi32>
          %parallel_loop3A_206 = arith.cmpi slt, %parallel_loop3A_203, %parallel_loop3A_205 : vector<16xi32>
          %parallel_loop3A_207 = arith.constant 16 : i32
          %parallel_loop3A_208 = vector.broadcast %parallel_loop3A_207 : i32 to vector<16xi32>
          %parallel_loop3A_209 = arith.addi %parallel_loop3A_203, %parallel_loop3A_208 : vector<16xi32>
          %parallel_loop3A_210 = arith.select %parallel_loop3A_206, %parallel_loop3A_209, %parallel_loop3A_203 : vector<16xi1>, vector<16xi32>
          %parallel_loop3A_211 = vector.shape_cast %parallel_loop3A_210 : vector<16xi32> to vector<16x1xi32>
          %parallel_loop3A_212 = vector.shape_cast %parallel_loop3A_211 : vector<16x1xi32> to vector<16xi32>
          %parallel_loop3A_213 = tpu.dynamic_gather %bitcast3A[%parallel_loop3A_212] in [0] : vector<16xf32>, vector<16xi32> -> vector<16xf32>
          %parallel_loop3A_214 = arith.index_cast %parallel_loop3A_198 : i32 to index
          %parallel_loop3A_215 = arith.constant 0 : index
          %parallel_loop3A_216 = tpu.vector_load %arg15[%parallel_loop3A_214, %parallel_loop3A_215] {strides = array<i32>} : memref<64x128xi32, #tpu.memory_space<vmem>>, vector<16xi32>,
          %parallel_loop3A_217 = vector.bitcast %parallel_loop3A_216 : vector<16xi32> to vector<32xbf16>
          %parallel_loop3A_218 = arith.index_cast %parallel_loop3A_198 : i32 to index
          %parallel_loop3A_219 = arith.constant 64 : index
          %parallel_loop3A_220 = tpu.vector_load %arg15[%parallel_loop3A_218, %parallel_loop3A_219] {strides = array<i32>} : memref<64x128xi32, #tpu.memory_space<vmem>>, vector<16xi32>,
          %parallel_loop3A_221 = vector.bitcast %parallel_loop3A_220 : vector<16xi32> to vector<32xbf16>
          %parallel_loop3A_222 = tpu.unpack_subelements %parallel_loop3A_217, 0 {pack_format = #tpu.pack_format<interleaved>} : vector<32xbf16> -> vector<16xf32>
          %parallel_loop3A_223 = tpu.unpack_subelements %parallel_loop3A_217, 1 {pack_format = #tpu.pack_format<interleaved>} : vector<32xbf16> -> vector<16xf32>
          %parallel_loop3A_224 = tpu.unpack_subelements %parallel_loop3A_221, 0 {pack_format = #tpu.pack_format<interleaved>} : vector<32xbf16> -> vector<16xf32>
          %parallel_loop3A_225 = tpu.unpack_subelements %parallel_loop3A_221, 1 {pack_format = #tpu.pack_format<interleaved>} : vector<32xbf16> -> vector<16xf32>
          %parallel_loop3A_226 = arith.index_cast %parallel_loop3A_198 : i32 to index
          %parallel_loop3A_227 = arith.constant 0 : index
          %parallel_loop3A_228 = tpu.vector_load %arg13[%parallel_loop3A_226, %parallel_loop3A_227] {strides = array<i32>} : memref<64x128xf32, #tpu.memory_space<vmem>>, vector<16xf32>,
          %parallel_loop3A_229 = arith.index_cast %parallel_loop3A_198 : i32 to index
          %parallel_loop3A_230 = arith.constant 0 : index
          %parallel_loop3A_231 = tpu.vector_load %arg11[%parallel_loop3A_229, %parallel_loop3A_230] {strides = array<i32>} : memref<64x128xf32, #tpu.memory_space<vmem>>, vector<16xf32>,
          %parallel_loop3A_232 = arith.mulf %parallel_loop3A_228, %parallel_loop3A_231 : vector<16xf32>
          %parallel_loop3A_233 = arith.mulf %parallel_loop3A_232, %parallel_loop3A_222 : vector<16xf32>
          %parallel_loop3A_234 = arith.constant 8 : i32
          %parallel_loop3A_235 = vector.broadcast %parallel_loop3A_234 : i32 to vector<16xi32>
          %parallel_loop3A_236 = arith.addi %iota3A, %parallel_loop3A_235 : vector<16xi32>
          %parallel_loop3A_237 = arith.constant 15 : i32
          %parallel_loop3A_238 = vector.broadcast %parallel_loop3A_237 : i32 to vector<16xi32>
          %parallel_loop3A_239 = arith.andi %parallel_loop3A_236, %parallel_loop3A_238 : vector<16xi32>
          %parallel_loop3A_240 = arith.constant 0 : i32
          %parallel_loop3A_241 = vector.broadcast %parallel_loop3A_240 : i32 to vector<16xi32>
          %parallel_loop3A_242 = arith.cmpi slt, %parallel_loop3A_239, %parallel_loop3A_241 : vector<16xi32>
          %parallel_loop3A_243 = arith.constant 16 : i32
          %parallel_loop3A_244 = vector.broadcast %parallel_loop3A_243 : i32 to vector<16xi32>
          %parallel_loop3A_245 = arith.addi %parallel_loop3A_239, %parallel_loop3A_244 : vector<16xi32>
          %parallel_loop3A_246 = arith.select %parallel_loop3A_242, %parallel_loop3A_245, %parallel_loop3A_239 : vector<16xi1>, vector<16xi32>
          %parallel_loop3A_247 = vector.shape_cast %parallel_loop3A_246 : vector<16xi32> to vector<16x1xi32>
          %parallel_loop3A_248 = vector.shape_cast %parallel_loop3A_247 : vector<16x1xi32> to vector<16xi32>
          %parallel_loop3A_249 = tpu.dynamic_gather %parallel_loop3A_233[%parallel_loop3A_248] in [0] : vector<16xf32>, vector<16xi32> -> vector<16xf32>
          %parallel_loop3A_250 = arith.addf %parallel_loop3A_233, %parallel_loop3A_249 : vector<16xf32>
          %parallel_loop3A_251 = arith.constant 4 : i32
          %parallel_loop3A_252 = vector.broadcast %parallel_loop3A_251 : i32 to vector<16xi32>
          %parallel_loop3A_253 = arith.addi %iota3A, %parallel_loop3A_252 : vector<16xi32>
          %parallel_loop3A_254 = arith.constant 15 : i32
          %parallel_loop3A_255 = vector.broadcast %parallel_loop3A_254 : i32 to vector<16xi32>
          %parallel_loop3A_256 = arith.andi %parallel_loop3A_253, %parallel_loop3A_255 : vector<16xi32>
          %parallel_loop3A_257 = arith.constant 0 : i32
          %parallel_loop3A_258 = vector.broadcast %parallel_loop3A_257 : i32 to vector<16xi32>
          %parallel_loop3A_259 = arith.cmpi slt, %parallel_loop3A_256, %parallel_loop3A_258 : vector<16xi32>
          %parallel_loop3A_260 = arith.constant 16 : i32
          %parallel_loop3A_261 = vector.broadcast %parallel_loop3A_260 : i32 to vector<16xi32>
          %parallel_loop3A_262 = arith.addi %parallel_loop3A_256, %parallel_loop3A_261 : vector<16xi32>
          %parallel_loop3A_263 = arith.select %parallel_loop3A_259, %parallel_loop3A_262, %parallel_loop3A_256 : vector<16xi1>, vector<16xi32>
          %parallel_loop3A_264 = vector.shape_cast %parallel_loop3A_263 : vector<16xi32> to vector<16x1xi32>
          %parallel_loop3A_265 = vector.shape_cast %parallel_loop3A_264 : vector<16x1xi32> to vector<16xi32>
          %parallel_loop3A_266 = tpu.dynamic_gather %parallel_loop3A_250[%parallel_loop3A_265] in [0] : vector<16xf32>, vector<16xi32> -> vector<16xf32>
          %parallel_loop3A_267 = arith.addf %parallel_loop3A_250, %parallel_loop3A_266 : vector<16xf32>
          %parallel_loop3A_268 = arith.constant 2 : i32
          %parallel_loop3A_269 = vector.broadcast %parallel_loop3A_268 : i32 to vector<16xi32>
          %parallel_loop3A_270 = arith.addi %iota3A, %parallel_loop3A_269 : vector<16xi32>
          %parallel_loop3A_271 = arith.constant 15 : i32
          %parallel_loop3A_272 = vector.broadcast %parallel_loop3A_271 : i32 to vector<16xi32>
          %parallel_loop3A_273 = arith.andi %parallel_loop3A_270, %parallel_loop3A_272 : vector<16xi32>
          %parallel_loop3A_274 = arith.constant 0 : i32
          %parallel_loop3A_275 = vector.broadcast %parallel_loop3A_274 : i32 to vector<16xi32>
          %parallel_loop3A_276 = arith.cmpi slt, %parallel_loop3A_273, %parallel_loop3A_275 : vector<16xi32>
          %parallel_loop3A_277 = arith.constant 16 : i32
          %parallel_loop3A_278 = vector.broadcast %parallel_loop3A_277 : i32 to vector<16xi32>
          %parallel_loop3A_279 = arith.addi %parallel_loop3A_273, %parallel_loop3A_278 : vector<16xi32>
          %parallel_loop3A_280 = arith.select %parallel_loop3A_276, %parallel_loop3A_279, %parallel_loop3A_273 : vector<16xi1>, vector<16xi32>
          %parallel_loop3A_281 = vector.shape_cast %parallel_loop3A_280 : vector<16xi32> to vector<16x1xi32>
          %parallel_loop3A_282 = vector.shape_cast %parallel_loop3A_281 : vector<16x1xi32> to vector<16xi32>
          %parallel_loop3A_283 = tpu.dynamic_gather %parallel_loop3A_267[%parallel_loop3A_282] in [0] : vector<16xf32>, vector<16xi32> -> vector<16xf32>
          %parallel_loop3A_284 = arith.addf %parallel_loop3A_267, %parallel_loop3A_283 : vector<16xf32>
          %parallel_loop3A_285 = arith.constant 1 : i32
          %parallel_loop3A_286 = vector.broadcast %parallel_loop3A_285 : i32 to vector<16xi32>
          %parallel_loop3A_287 = arith.addi %iota3A, %parallel_loop3A_286 : vector<16xi32>
          %parallel_loop3A_288 = arith.constant 15 : i32
          %parallel_loop3A_289 = vector.broadcast %parallel_loop3A_288 : i32 to vector<16xi32>
          %parallel_loop3A_290 = arith.andi %parallel_loop3A_287, %parallel_loop3A_289 : vector<16xi32>
          %parallel_loop3A_291 = arith.constant 0 : i32
          %parallel_loop3A_292 = vector.broadcast %parallel_loop3A_291 : i32 to vector<16xi32>
          %parallel_loop3A_293 = arith.cmpi slt, %parallel_loop3A_290, %parallel_loop3A_292 : vector<16xi32>
          %parallel_loop3A_294 = arith.constant 16 : i32
          %parallel_loop3A_295 = vector.broadcast %parallel_loop3A_294 : i32 to vector<16xi32>
          %parallel_loop3A_296 = arith.addi %parallel_loop3A_290, %parallel_loop3A_295 : vector<16xi32>
          %parallel_loop3A_297 = arith.select %parallel_loop3A_293, %parallel_loop3A_296, %parallel_loop3A_290 : vector<16xi1>, vector<16xi32>
          %parallel_loop3A_298 = vector.shape_cast %parallel_loop3A_297 : vector<16xi32> to vector<16x1xi32>
          %parallel_loop3A_299 = vector.shape_cast %parallel_loop3A_298 : vector<16x1xi32> to vector<16xi32>
          %parallel_loop3A_300 = tpu.dynamic_gather %parallel_loop3A_284[%parallel_loop3A_299] in [0] : vector<16xf32>, vector<16xi32> -> vector<16xf32>
          %parallel_loop3A_301 = arith.addf %parallel_loop3A_284, %parallel_loop3A_300 : vector<16xf32>
          %parallel_loop3A_302 = arith.mulf %parallel_loop3A_301, %parallel_loop3A_213 : vector<16xf32>
          %parallel_loop3A_303 = arith.mulf %parallel_loop3A_224, %parallel_loop3A_302 : vector<16xf32>
          %parallel_loop3A_304 = arith.index_cast %parallel_loop3A_198 : i32 to index
          %parallel_loop3A_305 = arith.constant 0 : index
          %parallel_loop3A_306 = tpu.vector_load %arg11[%parallel_loop3A_304, %parallel_loop3A_305] {strides = array<i32>} : memref<64x128xf32, #tpu.memory_space<vmem>>, vector<16xf32>,
          tpu.vector_store %arg11[%parallel_loop3A_304, %parallel_loop3A_305], %parallel_loop3A_303 {strides = array<i32>} : memref<64x128xf32, #tpu.memory_space<vmem>>, vector<16xf32>,
          %parallel_loop3A_307 = arith.index_cast %parallel_loop3A_198 : i32 to index
          %parallel_loop3A_308 = arith.constant 16 : index
          %parallel_loop3A_309 = tpu.vector_load %arg13[%parallel_loop3A_307, %parallel_loop3A_308] {strides = array<i32>} : memref<64x128xf32, #tpu.memory_space<vmem>>, vector<16xf32>,
          %parallel_loop3A_310 = arith.index_cast %parallel_loop3A_198 : i32 to index
          %parallel_loop3A_311 = arith.constant 16 : index
          %parallel_loop3A_312 = tpu.vector_load %arg11[%parallel_loop3A_310, %parallel_loop3A_311] {strides = array<i32>} : memref<64x128xf32, #tpu.memory_space<vmem>>, vector<16xf32>,
          %parallel_loop3A_313 = arith.mulf %parallel_loop3A_309, %parallel_loop3A_312 : vector<16xf32>
          %parallel_loop3A_314 = arith.mulf %parallel_loop3A_313, %parallel_loop3A_223 : vector<16xf32>
          %parallel_loop3A_315 = arith.constant 8 : i32
          %parallel_loop3A_316 = vector.broadcast %parallel_loop3A_315 : i32 to vector<16xi32>
          %parallel_loop3A_317 = arith.addi %iota3A, %parallel_loop3A_316 : vector<16xi32>
          %parallel_loop3A_318 = arith.constant 15 : i32
          %parallel_loop3A_319 = vector.broadcast %parallel_loop3A_318 : i32 to vector<16xi32>
          %parallel_loop3A_320 = arith.andi %parallel_loop3A_317, %parallel_loop3A_319 : vector<16xi32>
          %parallel_loop3A_321 = arith.constant 0 : i32
          %parallel_loop3A_322 = vector.broadcast %parallel_loop3A_321 : i32 to vector<16xi32>
          %parallel_loop3A_323 = arith.cmpi slt, %parallel_loop3A_320, %parallel_loop3A_322 : vector<16xi32>
          %parallel_loop3A_324 = arith.constant 16 : i32
          %parallel_loop3A_325 = vector.broadcast %parallel_loop3A_324 : i32 to vector<16xi32>
          %parallel_loop3A_326 = arith.addi %parallel_loop3A_320, %parallel_loop3A_325 : vector<16xi32>
          %parallel_loop3A_327 = arith.select %parallel_loop3A_323, %parallel_loop3A_326, %parallel_loop3A_320 : vector<16xi1>, vector<16xi32>
          %parallel_loop3A_328 = vector.shape_cast %parallel_loop3A_327 : vector<16xi32> to vector<16x1xi32>
          %parallel_loop3A_329 = vector.shape_cast %parallel_loop3A_328 : vector<16x1xi32> to vector<16xi32>
          %parallel_loop3A_330 = tpu.dynamic_gather %parallel_loop3A_314[%parallel_loop3A_329] in [0] : vector<16xf32>, vector<16xi32> -> vector<16xf32>
          %parallel_loop3A_331 = arith.addf %parallel_loop3A_314, %parallel_loop3A_330 : vector<16xf32>
          %parallel_loop3A_332 = arith.constant 4 : i32
          %parallel_loop3A_333 = vector.broadcast %parallel_loop3A_332 : i32 to vector<16xi32>
          %parallel_loop3A_334 = arith.addi %iota3A, %parallel_loop3A_333 : vector<16xi32>
          %parallel_loop3A_335 = arith.constant 15 : i32
          %parallel_loop3A_336 = vector.broadcast %parallel_loop3A_335 : i32 to vector<16xi32>
          %parallel_loop3A_337 = arith.andi %parallel_loop3A_334, %parallel_loop3A_336 : vector<16xi32>
          %parallel_loop3A_338 = arith.constant 0 : i32
          %parallel_loop3A_339 = vector.broadcast %parallel_loop3A_338 : i32 to vector<16xi32>
          %parallel_loop3A_340 = arith.cmpi slt, %parallel_loop3A_337, %parallel_loop3A_339 : vector<16xi32>
          %parallel_loop3A_341 = arith.constant 16 : i32
          %parallel_loop3A_342 = vector.broadcast %parallel_loop3A_341 : i32 to vector<16xi32>
          %parallel_loop3A_343 = arith.addi %parallel_loop3A_337, %parallel_loop3A_342 : vector<16xi32>
          %parallel_loop3A_344 = arith.select %parallel_loop3A_340, %parallel_loop3A_343, %parallel_loop3A_337 : vector<16xi1>, vector<16xi32>
          %parallel_loop3A_345 = vector.shape_cast %parallel_loop3A_344 : vector<16xi32> to vector<16x1xi32>
          %parallel_loop3A_346 = vector.shape_cast %parallel_loop3A_345 : vector<16x1xi32> to vector<16xi32>
          %parallel_loop3A_347 = tpu.dynamic_gather %parallel_loop3A_331[%parallel_loop3A_346] in [0] : vector<16xf32>, vector<16xi32> -> vector<16xf32>
          %parallel_loop3A_348 = arith.addf %parallel_loop3A_331, %parallel_loop3A_347 : vector<16xf32>
          %parallel_loop3A_349 = arith.constant 2 : i32
          %parallel_loop3A_350 = vector.broadcast %parallel_loop3A_349 : i32 to vector<16xi32>
          %parallel_loop3A_351 = arith.addi %iota3A, %parallel_loop3A_350 : vector<16xi32>
          %parallel_loop3A_352 = arith.constant 15 : i32
          %parallel_loop3A_353 = vector.broadcast %parallel_loop3A_352 : i32 to vector<16xi32>
          %parallel_loop3A_354 = arith.andi %parallel_loop3A_351, %parallel_loop3A_353 : vector<16xi32>
          %parallel_loop3A_355 = arith.constant 0 : i32
          %parallel_loop3A_356 = vector.broadcast %parallel_loop3A_355 : i32 to vector<16xi32>
          %parallel_loop3A_357 = arith.cmpi slt, %parallel_loop3A_354, %parallel_loop3A_356 : vector<16xi32>
          %parallel_loop3A_358 = arith.constant 16 : i32
          %parallel_loop3A_359 = vector.broadcast %parallel_loop3A_358 : i32 to vector<16xi32>
          %parallel_loop3A_360 = arith.addi %parallel_loop3A_354, %parallel_loop3A_359 : vector<16xi32>
          %parallel_loop3A_361 = arith.select %parallel_loop3A_357, %parallel_loop3A_360, %parallel_loop3A_354 : vector<16xi1>, vector<16xi32>
          %parallel_loop3A_362 = vector.shape_cast %parallel_loop3A_361 : vector<16xi32> to vector<16x1xi32>
          %parallel_loop3A_363 = vector.shape_cast %parallel_loop3A_362 : vector<16x1xi32> to vector<16xi32>
          %parallel_loop3A_364 = tpu.dynamic_gather %parallel_loop3A_348[%parallel_loop3A_363] in [0] : vector<16xf32>, vector<16xi32> -> vector<16xf32>
          %parallel_loop3A_365 = arith.addf %parallel_loop3A_348, %parallel_loop3A_364 : vector<16xf32>
          %parallel_loop3A_366 = arith.constant 1 : i32
          %parallel_loop3A_367 = vector.broadcast %parallel_loop3A_366 : i32 to vector<16xi32>
          %parallel_loop3A_368 = arith.addi %iota3A, %parallel_loop3A_367 : vector<16xi32>
          %parallel_loop3A_369 = arith.constant 15 : i32
          %parallel_loop3A_370 = vector.broadcast %parallel_loop3A_369 : i32 to vector<16xi32>
          %parallel_loop3A_371 = arith.andi %parallel_loop3A_368, %parallel_loop3A_370 : vector<16xi32>
          %parallel_loop3A_372 = arith.constant 0 : i32
          %parallel_loop3A_373 = vector.broadcast %parallel_loop3A_372 : i32 to vector<16xi32>
          %parallel_loop3A_374 = arith.cmpi slt, %parallel_loop3A_371, %parallel_loop3A_373 : vector<16xi32>
          %parallel_loop3A_375 = arith.constant 16 : i32
          %parallel_loop3A_376 = vector.broadcast %parallel_loop3A_375 : i32 to vector<16xi32>
          %parallel_loop3A_377 = arith.addi %parallel_loop3A_371, %parallel_loop3A_376 : vector<16xi32>
          %parallel_loop3A_378 = arith.select %parallel_loop3A_374, %parallel_loop3A_377, %parallel_loop3A_371 : vector<16xi1>, vector<16xi32>
          %parallel_loop3A_379 = vector.shape_cast %parallel_loop3A_378 : vector<16xi32> to vector<16x1xi32>
          %parallel_loop3A_380 = vector.shape_cast %parallel_loop3A_379 : vector<16x1xi32> to vector<16xi32>
          %parallel_loop3A_381 = tpu.dynamic_gather %parallel_loop3A_365[%parallel_loop3A_380] in [0] : vector<16xf32>, vector<16xi32> -> vector<16xf32>
          %parallel_loop3A_382 = arith.addf %parallel_loop3A_365, %parallel_loop3A_381 : vector<16xf32>
          %parallel_loop3A_383 = arith.mulf %parallel_loop3A_382, %parallel_loop3A_213 : vector<16xf32>
          %parallel_loop3A_384 = arith.mulf %parallel_loop3A_225, %parallel_loop3A_383 : vector<16xf32>
          %parallel_loop3A_385 = arith.index_cast %parallel_loop3A_198 : i32 to index
          %parallel_loop3A_386 = arith.constant 16 : index
          %parallel_loop3A_387 = tpu.vector_load %arg11[%parallel_loop3A_385, %parallel_loop3A_386] {strides = array<i32>} : memref<64x128xf32, #tpu.memory_space<vmem>>, vector<16xf32>,
          tpu.vector_store %arg11[%parallel_loop3A_385, %parallel_loop3A_386], %parallel_loop3A_384 {strides = array<i32>} : memref<64x128xf32, #tpu.memory_space<vmem>>, vector<16xf32>,
          %parallel_loop3A_388 = arith.index_cast %parallel_loop3A_198 : i32 to index
          %parallel_loop3A_389 = arith.constant 16 : index
          %parallel_loop3A_390 = tpu.vector_load %arg15[%parallel_loop3A_388, %parallel_loop3A_389] {strides = array<i32>} : memref<64x128xi32, #tpu.memory_space<vmem>>, vector<16xi32>,
          %parallel_loop3A_391 = vector.bitcast %parallel_loop3A_390 : vector<16xi32> to vector<32xbf16>
          %parallel_loop3A_392 = arith.index_cast %parallel_loop3A_198 : i32 to index
          %parallel_loop3A_393 = arith.constant 80 : index
          %parallel_loop3A_394 = tpu.vector_load %arg15[%parallel_loop3A_392, %parallel_loop3A_393] {strides = array<i32>} : memref<64x128xi32, #tpu.memory_space<vmem>>, vector<16xi32>,
          %parallel_loop3A_395 = vector.bitcast %parallel_loop3A_394 : vector<16xi32> to vector<32xbf16>
          %parallel_loop3A_396 = tpu.unpack_subelements %parallel_loop3A_391, 0 {pack_format = #tpu.pack_format<interleaved>} : vector<32xbf16> -> vector<16xf32>
          %parallel_loop3A_397 = tpu.unpack_subelements %parallel_loop3A_391, 1 {pack_format = #tpu.pack_format<interleaved>} : vector<32xbf16> -> vector<16xf32>
          %parallel_loop3A_398 = tpu.unpack_subelements %parallel_loop3A_395, 0 {pack_format = #tpu.pack_format<interleaved>} : vector<32xbf16> -> vector<16xf32>
          %parallel_loop3A_399 = tpu.unpack_subelements %parallel_loop3A_395, 1 {pack_format = #tpu.pack_format<interleaved>} : vector<32xbf16> -> vector<16xf32>
          %parallel_loop3A_400 = arith.index_cast %parallel_loop3A_198 : i32 to index
          %parallel_loop3A_401 = arith.constant 32 : index
          %parallel_loop3A_402 = tpu.vector_load %arg13[%parallel_loop3A_400, %parallel_loop3A_401] {strides = array<i32>} : memref<64x128xf32, #tpu.memory_space<vmem>>, vector<16xf32>,
          %parallel_loop3A_403 = arith.index_cast %parallel_loop3A_198 : i32 to index
          %parallel_loop3A_404 = arith.constant 32 : index
          %parallel_loop3A_405 = tpu.vector_load %arg11[%parallel_loop3A_403, %parallel_loop3A_404] {strides = array<i32>} : memref<64x128xf32, #tpu.memory_space<vmem>>, vector<16xf32>,
          %parallel_loop3A_406 = arith.mulf %parallel_loop3A_402, %parallel_loop3A_405 : vector<16xf32>
          %parallel_loop3A_407 = arith.mulf %parallel_loop3A_406, %parallel_loop3A_396 : vector<16xf32>
          %parallel_loop3A_408 = arith.constant 8 : i32
          %parallel_loop3A_409 = vector.broadcast %parallel_loop3A_408 : i32 to vector<16xi32>
          %parallel_loop3A_410 = arith.addi %iota3A, %parallel_loop3A_409 : vector<16xi32>
          %parallel_loop3A_411 = arith.constant 15 : i32
          %parallel_loop3A_412 = vector.broadcast %parallel_loop3A_411 : i32 to vector<16xi32>
          %parallel_loop3A_413 = arith.andi %parallel_loop3A_410, %parallel_loop3A_412 : vector<16xi32>
          %parallel_loop3A_414 = arith.constant 0 : i32
          %parallel_loop3A_415 = vector.broadcast %parallel_loop3A_414 : i32 to vector<16xi32>
          %parallel_loop3A_416 = arith.cmpi slt, %parallel_loop3A_413, %parallel_loop3A_415 : vector<16xi32>
          %parallel_loop3A_417 = arith.constant 16 : i32
          %parallel_loop3A_418 = vector.broadcast %parallel_loop3A_417 : i32 to vector<16xi32>
          %parallel_loop3A_419 = arith.addi %parallel_loop3A_413, %parallel_loop3A_418 : vector<16xi32>
          %parallel_loop3A_420 = arith.select %parallel_loop3A_416, %parallel_loop3A_419, %parallel_loop3A_413 : vector<16xi1>, vector<16xi32>
          %parallel_loop3A_421 = vector.shape_cast %parallel_loop3A_420 : vector<16xi32> to vector<16x1xi32>
          %parallel_loop3A_422 = vector.shape_cast %parallel_loop3A_421 : vector<16x1xi32> to vector<16xi32>
          %parallel_loop3A_423 = tpu.dynamic_gather %parallel_loop3A_407[%parallel_loop3A_422] in [0] : vector<16xf32>, vector<16xi32> -> vector<16xf32>
          %parallel_loop3A_424 = arith.addf %parallel_loop3A_407, %parallel_loop3A_423 : vector<16xf32>
          %parallel_loop3A_425 = arith.constant 4 : i32
          %parallel_loop3A_426 = vector.broadcast %parallel_loop3A_425 : i32 to vector<16xi32>
          %parallel_loop3A_427 = arith.addi %iota3A, %parallel_loop3A_426 : vector<16xi32>
          %parallel_loop3A_428 = arith.constant 15 : i32
          %parallel_loop3A_429 = vector.broadcast %parallel_loop3A_428 : i32 to vector<16xi32>
          %parallel_loop3A_430 = arith.andi %parallel_loop3A_427, %parallel_loop3A_429 : vector<16xi32>
          %parallel_loop3A_431 = arith.constant 0 : i32
          %parallel_loop3A_432 = vector.broadcast %parallel_loop3A_431 : i32 to vector<16xi32>
          %parallel_loop3A_433 = arith.cmpi slt, %parallel_loop3A_430, %parallel_loop3A_432 : vector<16xi32>
          %parallel_loop3A_434 = arith.constant 16 : i32
          %parallel_loop3A_435 = vector.broadcast %parallel_loop3A_434 : i32 to vector<16xi32>
          %parallel_loop3A_436 = arith.addi %parallel_loop3A_430, %parallel_loop3A_435 : vector<16xi32>
          %parallel_loop3A_437 = arith.select %parallel_loop3A_433, %parallel_loop3A_436, %parallel_loop3A_430 : vector<16xi1>, vector<16xi32>
          %parallel_loop3A_438 = vector.shape_cast %parallel_loop3A_437 : vector<16xi32> to vector<16x1xi32>
          %parallel_loop3A_439 = vector.shape_cast %parallel_loop3A_438 : vector<16x1xi32> to vector<16xi32>
          %parallel_loop3A_440 = tpu.dynamic_gather %parallel_loop3A_424[%parallel_loop3A_439] in [0] : vector<16xf32>, vector<16xi32> -> vector<16xf32>
          %parallel_loop3A_441 = arith.addf %parallel_loop3A_424, %parallel_loop3A_440 : vector<16xf32>
          %parallel_loop3A_442 = arith.constant 2 : i32
          %parallel_loop3A_443 = vector.broadcast %parallel_loop3A_442 : i32 to vector<16xi32>
          %parallel_loop3A_444 = arith.addi %iota3A, %parallel_loop3A_443 : vector<16xi32>
          %parallel_loop3A_445 = arith.constant 15 : i32
          %parallel_loop3A_446 = vector.broadcast %parallel_loop3A_445 : i32 to vector<16xi32>
          %parallel_loop3A_447 = arith.andi %parallel_loop3A_444, %parallel_loop3A_446 : vector<16xi32>
          %parallel_loop3A_448 = arith.constant 0 : i32
          %parallel_loop3A_449 = vector.broadcast %parallel_loop3A_448 : i32 to vector<16xi32>
          %parallel_loop3A_450 = arith.cmpi slt, %parallel_loop3A_447, %parallel_loop3A_449 : vector<16xi32>
          %parallel_loop3A_451 = arith.constant 16 : i32
          %parallel_loop3A_452 = vector.broadcast %parallel_loop3A_451 : i32 to vector<16xi32>
          %parallel_loop3A_453 = arith.addi %parallel_loop3A_447, %parallel_loop3A_452 : vector<16xi32>
          %parallel_loop3A_454 = arith.select %parallel_loop3A_450, %parallel_loop3A_453, %parallel_loop3A_447 : vector<16xi1>, vector<16xi32>
          %parallel_loop3A_455 = vector.shape_cast %parallel_loop3A_454 : vector<16xi32> to vector<16x1xi32>
          %parallel_loop3A_456 = vector.shape_cast %parallel_loop3A_455 : vector<16x1xi32> to vector<16xi32>
          %parallel_loop3A_457 = tpu.dynamic_gather %parallel_loop3A_441[%parallel_loop3A_456] in [0] : vector<16xf32>, vector<16xi32> -> vector<16xf32>
          %parallel_loop3A_458 = arith.addf %parallel_loop3A_441, %parallel_loop3A_457 : vector<16xf32>
          %parallel_loop3A_459 = arith.constant 1 : i32
          %parallel_loop3A_460 = vector.broadcast %parallel_loop3A_459 : i32 to vector<16xi32>
          %parallel_loop3A_461 = arith.addi %iota3A, %parallel_loop3A_460 : vector<16xi32>
          %parallel_loop3A_462 = arith.constant 15 : i32
          %parallel_loop3A_463 = vector.broadcast %parallel_loop3A_462 : i32 to vector<16xi32>
          %parallel_loop3A_464 = arith.andi %parallel_loop3A_461, %parallel_loop3A_463 : vector<16xi32>
          %parallel_loop3A_465 = arith.constant 0 : i32
          %parallel_loop3A_466 = vector.broadcast %parallel_loop3A_465 : i32 to vector<16xi32>
          %parallel_loop3A_467 = arith.cmpi slt, %parallel_loop3A_464, %parallel_loop3A_466 : vector<16xi32>
          %parallel_loop3A_468 = arith.constant 16 : i32
          %parallel_loop3A_469 = vector.broadcast %parallel_loop3A_468 : i32 to vector<16xi32>
          %parallel_loop3A_470 = arith.addi %parallel_loop3A_464, %parallel_loop3A_469 : vector<16xi32>
          %parallel_loop3A_471 = arith.select %parallel_loop3A_467, %parallel_loop3A_470, %parallel_loop3A_464 : vector<16xi1>, vector<16xi32>
          %parallel_loop3A_472 = vector.shape_cast %parallel_loop3A_471 : vector<16xi32> to vector<16x1xi32>
          %parallel_loop3A_473 = vector.shape_cast %parallel_loop3A_472 : vector<16x1xi32> to vector<16xi32>
          %parallel_loop3A_474 = tpu.dynamic_gather %parallel_loop3A_458[%parallel_loop3A_473] in [0] : vector<16xf32>, vector<16xi32> -> vector<16xf32>
          %parallel_loop3A_475 = arith.addf %parallel_loop3A_458, %parallel_loop3A_474 : vector<16xf32>
          %parallel_loop3A_476 = arith.mulf %parallel_loop3A_475, %parallel_loop3A_213 : vector<16xf32>
          %parallel_loop3A_477 = arith.mulf %parallel_loop3A_398, %parallel_loop3A_476 : vector<16xf32>
          %parallel_loop3A_478 = arith.index_cast %parallel_loop3A_198 : i32 to index
          %parallel_loop3A_479 = arith.constant 32 : index
          %parallel_loop3A_480 = tpu.vector_load %arg11[%parallel_loop3A_478, %parallel_loop3A_479] {strides = array<i32>} : memref<64x128xf32, #tpu.memory_space<vmem>>, vector<16xf32>,
          tpu.vector_store %arg11[%parallel_loop3A_478, %parallel_loop3A_479], %parallel_loop3A_477 {strides = array<i32>} : memref<64x128xf32, #tpu.memory_space<vmem>>, vector<16xf32>,
          %parallel_loop3A_481 = arith.index_cast %parallel_loop3A_198 : i32 to index
          %parallel_loop3A_482 = arith.constant 48 : index
          %parallel_loop3A_483 = tpu.vector_load %arg13[%parallel_loop3A_481, %parallel_loop3A_482] {strides = array<i32>} : memref<64x128xf32, #tpu.memory_space<vmem>>, vector<16xf32>,
          %parallel_loop3A_484 = arith.index_cast %parallel_loop3A_198 : i32 to index
          %parallel_loop3A_485 = arith.constant 48 : index
          %parallel_loop3A_486 = tpu.vector_load %arg11[%parallel_loop3A_484, %parallel_loop3A_485] {strides = array<i32>} : memref<64x128xf32, #tpu.memory_space<vmem>>, vector<16xf32>,
          %parallel_loop3A_487 = arith.mulf %parallel_loop3A_483, %parallel_loop3A_486 : vector<16xf32>
          %parallel_loop3A_488 = arith.mulf %parallel_loop3A_487, %parallel_loop3A_397 : vector<16xf32>
          %parallel_loop3A_489 = arith.constant 8 : i32
          %parallel_loop3A_490 = vector.broadcast %parallel_loop3A_489 : i32 to vector<16xi32>
          %parallel_loop3A_491 = arith.addi %iota3A, %parallel_loop3A_490 : vector<16xi32>
          %parallel_loop3A_492 = arith.constant 15 : i32
          %parallel_loop3A_493 = vector.broadcast %parallel_loop3A_492 : i32 to vector<16xi32>
          %parallel_loop3A_494 = arith.andi %parallel_loop3A_491, %parallel_loop3A_493 : vector<16xi32>
          %parallel_loop3A_495 = arith.constant 0 : i32
          %parallel_loop3A_496 = vector.broadcast %parallel_loop3A_495 : i32 to vector<16xi32>
          %parallel_loop3A_497 = arith.cmpi slt, %parallel_loop3A_494, %parallel_loop3A_496 : vector<16xi32>
          %parallel_loop3A_498 = arith.constant 16 : i32
          %parallel_loop3A_499 = vector.broadcast %parallel_loop3A_498 : i32 to vector<16xi32>
          %parallel_loop3A_500 = arith.addi %parallel_loop3A_494, %parallel_loop3A_499 : vector<16xi32>
          %parallel_loop3A_501 = arith.select %parallel_loop3A_497, %parallel_loop3A_500, %parallel_loop3A_494 : vector<16xi1>, vector<16xi32>
          %parallel_loop3A_502 = vector.shape_cast %parallel_loop3A_501 : vector<16xi32> to vector<16x1xi32>
          %parallel_loop3A_503 = vector.shape_cast %parallel_loop3A_502 : vector<16x1xi32> to vector<16xi32>
          %parallel_loop3A_504 = tpu.dynamic_gather %parallel_loop3A_488[%parallel_loop3A_503] in [0] : vector<16xf32>, vector<16xi32> -> vector<16xf32>
          %parallel_loop3A_505 = arith.addf %parallel_loop3A_488, %parallel_loop3A_504 : vector<16xf32>
          %parallel_loop3A_506 = arith.constant 4 : i32
          %parallel_loop3A_507 = vector.broadcast %parallel_loop3A_506 : i32 to vector<16xi32>
          %parallel_loop3A_508 = arith.addi %iota3A, %parallel_loop3A_507 : vector<16xi32>
          %parallel_loop3A_509 = arith.constant 15 : i32
          %parallel_loop3A_510 = vector.broadcast %parallel_loop3A_509 : i32 to vector<16xi32>
          %parallel_loop3A_511 = arith.andi %parallel_loop3A_508, %parallel_loop3A_510 : vector<16xi32>
          %parallel_loop3A_512 = arith.constant 0 : i32
          %parallel_loop3A_513 = vector.broadcast %parallel_loop3A_512 : i32 to vector<16xi32>
          %parallel_loop3A_514 = arith.cmpi slt, %parallel_loop3A_511, %parallel_loop3A_513 : vector<16xi32>
          %parallel_loop3A_515 = arith.constant 16 : i32
          %parallel_loop3A_516 = vector.broadcast %parallel_loop3A_515 : i32 to vector<16xi32>
          %parallel_loop3A_517 = arith.addi %parallel_loop3A_511, %parallel_loop3A_516 : vector<16xi32>
          %parallel_loop3A_518 = arith.select %parallel_loop3A_514, %parallel_loop3A_517, %parallel_loop3A_511 : vector<16xi1>, vector<16xi32>
          %parallel_loop3A_519 = vector.shape_cast %parallel_loop3A_518 : vector<16xi32> to vector<16x1xi32>
          %parallel_loop3A_520 = vector.shape_cast %parallel_loop3A_519 : vector<16x1xi32> to vector<16xi32>
          %parallel_loop3A_521 = tpu.dynamic_gather %parallel_loop3A_505[%parallel_loop3A_520] in [0] : vector<16xf32>, vector<16xi32> -> vector<16xf32>
          %parallel_loop3A_522 = arith.addf %parallel_loop3A_505, %parallel_loop3A_521 : vector<16xf32>
          %parallel_loop3A_523 = arith.constant 2 : i32
          %parallel_loop3A_524 = vector.broadcast %parallel_loop3A_523 : i32 to vector<16xi32>
          %parallel_loop3A_525 = arith.addi %iota3A, %parallel_loop3A_524 : vector<16xi32>
          %parallel_loop3A_526 = arith.constant 15 : i32
          %parallel_loop3A_527 = vector.broadcast %parallel_loop3A_526 : i32 to vector<16xi32>
          %parallel_loop3A_528 = arith.andi %parallel_loop3A_525, %parallel_loop3A_527 : vector<16xi32>
          %parallel_loop3A_529 = arith.constant 0 : i32
          %parallel_loop3A_530 = vector.broadcast %parallel_loop3A_529 : i32 to vector<16xi32>
          %parallel_loop3A_531 = arith.cmpi slt, %parallel_loop3A_528, %parallel_loop3A_530 : vector<16xi32>
          %parallel_loop3A_532 = arith.constant 16 : i32
          %parallel_loop3A_533 = vector.broadcast %parallel_loop3A_532 : i32 to vector<16xi32>
          %parallel_loop3A_534 = arith.addi %parallel_loop3A_528, %parallel_loop3A_533 : vector<16xi32>
          %parallel_loop3A_535 = arith.select %parallel_loop3A_531, %parallel_loop3A_534, %parallel_loop3A_528 : vector<16xi1>, vector<16xi32>
          %parallel_loop3A_536 = vector.shape_cast %parallel_loop3A_535 : vector<16xi32> to vector<16x1xi32>
          %parallel_loop3A_537 = vector.shape_cast %parallel_loop3A_536 : vector<16x1xi32> to vector<16xi32>
          %parallel_loop3A_538 = tpu.dynamic_gather %parallel_loop3A_522[%parallel_loop3A_537] in [0] : vector<16xf32>, vector<16xi32> -> vector<16xf32>
          %parallel_loop3A_539 = arith.addf %parallel_loop3A_522, %parallel_loop3A_538 : vector<16xf32>
          %parallel_loop3A_540 = arith.constant 1 : i32
          %parallel_loop3A_541 = vector.broadcast %parallel_loop3A_540 : i32 to vector<16xi32>
          %parallel_loop3A_542 = arith.addi %iota3A, %parallel_loop3A_541 : vector<16xi32>
          %parallel_loop3A_543 = arith.constant 15 : i32
          %parallel_loop3A_544 = vector.broadcast %parallel_loop3A_543 : i32 to vector<16xi32>
          %parallel_loop3A_545 = arith.andi %parallel_loop3A_542, %parallel_loop3A_544 : vector<16xi32>
          %parallel_loop3A_546 = arith.constant 0 : i32
          %parallel_loop3A_547 = vector.broadcast %parallel_loop3A_546 : i32 to vector<16xi32>
          %parallel_loop3A_548 = arith.cmpi slt, %parallel_loop3A_545, %parallel_loop3A_547 : vector<16xi32>
          %parallel_loop3A_549 = arith.constant 16 : i32
          %parallel_loop3A_550 = vector.broadcast %parallel_loop3A_549 : i32 to vector<16xi32>
          %parallel_loop3A_551 = arith.addi %parallel_loop3A_545, %parallel_loop3A_550 : vector<16xi32>
          %parallel_loop3A_552 = arith.select %parallel_loop3A_548, %parallel_loop3A_551, %parallel_loop3A_545 : vector<16xi1>, vector<16xi32>
          %parallel_loop3A_553 = vector.shape_cast %parallel_loop3A_552 : vector<16xi32> to vector<16x1xi32>
          %parallel_loop3A_554 = vector.shape_cast %parallel_loop3A_553 : vector<16x1xi32> to vector<16xi32>
          %parallel_loop3A_555 = tpu.dynamic_gather %parallel_loop3A_539[%parallel_loop3A_554] in [0] : vector<16xf32>, vector<16xi32> -> vector<16xf32>
          %parallel_loop3A_556 = arith.addf %parallel_loop3A_539, %parallel_loop3A_555 : vector<16xf32>
          %parallel_loop3A_557 = arith.mulf %parallel_loop3A_556, %parallel_loop3A_213 : vector<16xf32>
          %parallel_loop3A_558 = arith.mulf %parallel_loop3A_399, %parallel_loop3A_557 : vector<16xf32>
          %parallel_loop3A_559 = arith.index_cast %parallel_loop3A_198 : i32 to index
          %parallel_loop3A_560 = arith.constant 48 : index
          %parallel_loop3A_561 = tpu.vector_load %arg11[%parallel_loop3A_559, %parallel_loop3A_560] {strides = array<i32>} : memref<64x128xf32, #tpu.memory_space<vmem>>, vector<16xf32>,
          tpu.vector_store %arg11[%parallel_loop3A_559, %parallel_loop3A_560], %parallel_loop3A_558 {strides = array<i32>} : memref<64x128xf32, #tpu.memory_space<vmem>>, vector<16xf32>,
          %parallel_loop3A_562 = arith.index_cast %parallel_loop3A_198 : i32 to index
          %parallel_loop3A_563 = arith.constant 32 : index
          %parallel_loop3A_564 = tpu.vector_load %arg15[%parallel_loop3A_562, %parallel_loop3A_563] {strides = array<i32>} : memref<64x128xi32, #tpu.memory_space<vmem>>, vector<16xi32>,
          %parallel_loop3A_565 = vector.bitcast %parallel_loop3A_564 : vector<16xi32> to vector<32xbf16>
          %parallel_loop3A_566 = arith.index_cast %parallel_loop3A_198 : i32 to index
          %parallel_loop3A_567 = arith.constant 96 : index
          %parallel_loop3A_568 = tpu.vector_load %arg15[%parallel_loop3A_566, %parallel_loop3A_567] {strides = array<i32>} : memref<64x128xi32, #tpu.memory_space<vmem>>, vector<16xi32>,
          %parallel_loop3A_569 = vector.bitcast %parallel_loop3A_568 : vector<16xi32> to vector<32xbf16>
          %parallel_loop3A_570 = tpu.unpack_subelements %parallel_loop3A_565, 0 {pack_format = #tpu.pack_format<interleaved>} : vector<32xbf16> -> vector<16xf32>
          %parallel_loop3A_571 = tpu.unpack_subelements %parallel_loop3A_565, 1 {pack_format = #tpu.pack_format<interleaved>} : vector<32xbf16> -> vector<16xf32>
          %parallel_loop3A_572 = tpu.unpack_subelements %parallel_loop3A_569, 0 {pack_format = #tpu.pack_format<interleaved>} : vector<32xbf16> -> vector<16xf32>
          %parallel_loop3A_573 = tpu.unpack_subelements %parallel_loop3A_569, 1 {pack_format = #tpu.pack_format<interleaved>} : vector<32xbf16> -> vector<16xf32>
          %parallel_loop3A_574 = arith.index_cast %parallel_loop3A_198 : i32 to index
          %parallel_loop3A_575 = arith.constant 64 : index
          %parallel_loop3A_576 = tpu.vector_load %arg13[%parallel_loop3A_574, %parallel_loop3A_575] {strides = array<i32>} : memref<64x128xf32, #tpu.memory_space<vmem>>, vector<16xf32>,
          %parallel_loop3A_577 = arith.index_cast %parallel_loop3A_198 : i32 to index
          %parallel_loop3A_578 = arith.constant 64 : index
          %parallel_loop3A_579 = tpu.vector_load %arg11[%parallel_loop3A_577, %parallel_loop3A_578] {strides = array<i32>} : memref<64x128xf32, #tpu.memory_space<vmem>>, vector<16xf32>,
          %parallel_loop3A_580 = arith.mulf %parallel_loop3A_576, %parallel_loop3A_579 : vector<16xf32>
          %parallel_loop3A_581 = arith.mulf %parallel_loop3A_580, %parallel_loop3A_570 : vector<16xf32>
          %parallel_loop3A_582 = arith.constant 8 : i32
          %parallel_loop3A_583 = vector.broadcast %parallel_loop3A_582 : i32 to vector<16xi32>
          %parallel_loop3A_584 = arith.addi %iota3A, %parallel_loop3A_583 : vector<16xi32>
          %parallel_loop3A_585 = arith.constant 15 : i32
          %parallel_loop3A_586 = vector.broadcast %parallel_loop3A_585 : i32 to vector<16xi32>
          %parallel_loop3A_587 = arith.andi %parallel_loop3A_584, %parallel_loop3A_586 : vector<16xi32>
          %parallel_loop3A_588 = arith.constant 0 : i32
          %parallel_loop3A_589 = vector.broadcast %parallel_loop3A_588 : i32 to vector<16xi32>
          %parallel_loop3A_590 = arith.cmpi slt, %parallel_loop3A_587, %parallel_loop3A_589 : vector<16xi32>
          %parallel_loop3A_591 = arith.constant 16 : i32
          %parallel_loop3A_592 = vector.broadcast %parallel_loop3A_591 : i32 to vector<16xi32>
          %parallel_loop3A_593 = arith.addi %parallel_loop3A_587, %parallel_loop3A_592 : vector<16xi32>
          %parallel_loop3A_594 = arith.select %parallel_loop3A_590, %parallel_loop3A_593, %parallel_loop3A_587 : vector<16xi1>, vector<16xi32>
          %parallel_loop3A_595 = vector.shape_cast %parallel_loop3A_594 : vector<16xi32> to vector<16x1xi32>
          %parallel_loop3A_596 = vector.shape_cast %parallel_loop3A_595 : vector<16x1xi32> to vector<16xi32>
          %parallel_loop3A_597 = tpu.dynamic_gather %parallel_loop3A_581[%parallel_loop3A_596] in [0] : vector<16xf32>, vector<16xi32> -> vector<16xf32>
          %parallel_loop3A_598 = arith.addf %parallel_loop3A_581, %parallel_loop3A_597 : vector<16xf32>
          %parallel_loop3A_599 = arith.constant 4 : i32
          %parallel_loop3A_600 = vector.broadcast %parallel_loop3A_599 : i32 to vector<16xi32>
          %parallel_loop3A_601 = arith.addi %iota3A, %parallel_loop3A_600 : vector<16xi32>
          %parallel_loop3A_602 = arith.constant 15 : i32
          %parallel_loop3A_603 = vector.broadcast %parallel_loop3A_602 : i32 to vector<16xi32>
          %parallel_loop3A_604 = arith.andi %parallel_loop3A_601, %parallel_loop3A_603 : vector<16xi32>
          %parallel_loop3A_605 = arith.constant 0 : i32
          %parallel_loop3A_606 = vector.broadcast %parallel_loop3A_605 : i32 to vector<16xi32>
          %parallel_loop3A_607 = arith.cmpi slt, %parallel_loop3A_604, %parallel_loop3A_606 : vector<16xi32>
          %parallel_loop3A_608 = arith.constant 16 : i32
          %parallel_loop3A_609 = vector.broadcast %parallel_loop3A_608 : i32 to vector<16xi32>
          %parallel_loop3A_610 = arith.addi %parallel_loop3A_604, %parallel_loop3A_609 : vector<16xi32>
          %parallel_loop3A_611 = arith.select %parallel_loop3A_607, %parallel_loop3A_610, %parallel_loop3A_604 : vector<16xi1>, vector<16xi32>
          %parallel_loop3A_612 = vector.shape_cast %parallel_loop3A_611 : vector<16xi32> to vector<16x1xi32>
          %parallel_loop3A_613 = vector.shape_cast %parallel_loop3A_612 : vector<16x1xi32> to vector<16xi32>
          %parallel_loop3A_614 = tpu.dynamic_gather %parallel_loop3A_598[%parallel_loop3A_613] in [0] : vector<16xf32>, vector<16xi32> -> vector<16xf32>
          %parallel_loop3A_615 = arith.addf %parallel_loop3A_598, %parallel_loop3A_614 : vector<16xf32>
          %parallel_loop3A_616 = arith.constant 2 : i32
          %parallel_loop3A_617 = vector.broadcast %parallel_loop3A_616 : i32 to vector<16xi32>
          %parallel_loop3A_618 = arith.addi %iota3A, %parallel_loop3A_617 : vector<16xi32>
          %parallel_loop3A_619 = arith.constant 15 : i32
          %parallel_loop3A_620 = vector.broadcast %parallel_loop3A_619 : i32 to vector<16xi32>
          %parallel_loop3A_621 = arith.andi %parallel_loop3A_618, %parallel_loop3A_620 : vector<16xi32>
          %parallel_loop3A_622 = arith.constant 0 : i32
          %parallel_loop3A_623 = vector.broadcast %parallel_loop3A_622 : i32 to vector<16xi32>
          %parallel_loop3A_624 = arith.cmpi slt, %parallel_loop3A_621, %parallel_loop3A_623 : vector<16xi32>
          %parallel_loop3A_625 = arith.constant 16 : i32
          %parallel_loop3A_626 = vector.broadcast %parallel_loop3A_625 : i32 to vector<16xi32>
          %parallel_loop3A_627 = arith.addi %parallel_loop3A_621, %parallel_loop3A_626 : vector<16xi32>
          %parallel_loop3A_628 = arith.select %parallel_loop3A_624, %parallel_loop3A_627, %parallel_loop3A_621 : vector<16xi1>, vector<16xi32>
          %parallel_loop3A_629 = vector.shape_cast %parallel_loop3A_628 : vector<16xi32> to vector<16x1xi32>
          %parallel_loop3A_630 = vector.shape_cast %parallel_loop3A_629 : vector<16x1xi32> to vector<16xi32>
          %parallel_loop3A_631 = tpu.dynamic_gather %parallel_loop3A_615[%parallel_loop3A_630] in [0] : vector<16xf32>, vector<16xi32> -> vector<16xf32>
          %parallel_loop3A_632 = arith.addf %parallel_loop3A_615, %parallel_loop3A_631 : vector<16xf32>
          %parallel_loop3A_633 = arith.constant 1 : i32
          %parallel_loop3A_634 = vector.broadcast %parallel_loop3A_633 : i32 to vector<16xi32>
          %parallel_loop3A_635 = arith.addi %iota3A, %parallel_loop3A_634 : vector<16xi32>
          %parallel_loop3A_636 = arith.constant 15 : i32
          %parallel_loop3A_637 = vector.broadcast %parallel_loop3A_636 : i32 to vector<16xi32>
          %parallel_loop3A_638 = arith.andi %parallel_loop3A_635, %parallel_loop3A_637 : vector<16xi32>
          %parallel_loop3A_639 = arith.constant 0 : i32
          %parallel_loop3A_640 = vector.broadcast %parallel_loop3A_639 : i32 to vector<16xi32>
          %parallel_loop3A_641 = arith.cmpi slt, %parallel_loop3A_638, %parallel_loop3A_640 : vector<16xi32>
          %parallel_loop3A_642 = arith.constant 16 : i32
          %parallel_loop3A_643 = vector.broadcast %parallel_loop3A_642 : i32 to vector<16xi32>
          %parallel_loop3A_644 = arith.addi %parallel_loop3A_638, %parallel_loop3A_643 : vector<16xi32>
          %parallel_loop3A_645 = arith.select %parallel_loop3A_641, %parallel_loop3A_644, %parallel_loop3A_638 : vector<16xi1>, vector<16xi32>
          %parallel_loop3A_646 = vector.shape_cast %parallel_loop3A_645 : vector<16xi32> to vector<16x1xi32>
          %parallel_loop3A_647 = vector.shape_cast %parallel_loop3A_646 : vector<16x1xi32> to vector<16xi32>
          %parallel_loop3A_648 = tpu.dynamic_gather %parallel_loop3A_632[%parallel_loop3A_647] in [0] : vector<16xf32>, vector<16xi32> -> vector<16xf32>
          %parallel_loop3A_649 = arith.addf %parallel_loop3A_632, %parallel_loop3A_648 : vector<16xf32>
          %parallel_loop3A_650 = arith.mulf %parallel_loop3A_649, %parallel_loop3A_213 : vector<16xf32>
          %parallel_loop3A_651 = arith.mulf %parallel_loop3A_572, %parallel_loop3A_650 : vector<16xf32>
          %parallel_loop3A_652 = arith.index_cast %parallel_loop3A_198 : i32 to index
          %parallel_loop3A_653 = arith.constant 64 : index
          %parallel_loop3A_654 = tpu.vector_load %arg11[%parallel_loop3A_652, %parallel_loop3A_653] {strides = array<i32>} : memref<64x128xf32, #tpu.memory_space<vmem>>, vector<16xf32>,
          tpu.vector_store %arg11[%parallel_loop3A_652, %parallel_loop3A_653], %parallel_loop3A_651 {strides = array<i32>} : memref<64x128xf32, #tpu.memory_space<vmem>>, vector<16xf32>,
          %parallel_loop3A_655 = arith.index_cast %parallel_loop3A_198 : i32 to index
          %parallel_loop3A_656 = arith.constant 80 : index
          %parallel_loop3A_657 = tpu.vector_load %arg13[%parallel_loop3A_655, %parallel_loop3A_656] {strides = array<i32>} : memref<64x128xf32, #tpu.memory_space<vmem>>, vector<16xf32>,
          %parallel_loop3A_658 = arith.index_cast %parallel_loop3A_198 : i32 to index
          %parallel_loop3A_659 = arith.constant 80 : index
          %parallel_loop3A_660 = tpu.vector_load %arg11[%parallel_loop3A_658, %parallel_loop3A_659] {strides = array<i32>} : memref<64x128xf32, #tpu.memory_space<vmem>>, vector<16xf32>,
          %parallel_loop3A_661 = arith.mulf %parallel_loop3A_657, %parallel_loop3A_660 : vector<16xf32>
          %parallel_loop3A_662 = arith.mulf %parallel_loop3A_661, %parallel_loop3A_571 : vector<16xf32>
          %parallel_loop3A_663 = arith.constant 8 : i32
          %parallel_loop3A_664 = vector.broadcast %parallel_loop3A_663 : i32 to vector<16xi32>
          %parallel_loop3A_665 = arith.addi %iota3A, %parallel_loop3A_664 : vector<16xi32>
          %parallel_loop3A_666 = arith.constant 15 : i32
          %parallel_loop3A_667 = vector.broadcast %parallel_loop3A_666 : i32 to vector<16xi32>
          %parallel_loop3A_668 = arith.andi %parallel_loop3A_665, %parallel_loop3A_667 : vector<16xi32>
          %parallel_loop3A_669 = arith.constant 0 : i32
          %parallel_loop3A_670 = vector.broadcast %parallel_loop3A_669 : i32 to vector<16xi32>
          %parallel_loop3A_671 = arith.cmpi slt, %parallel_loop3A_668, %parallel_loop3A_670 : vector<16xi32>
          %parallel_loop3A_672 = arith.constant 16 : i32
          %parallel_loop3A_673 = vector.broadcast %parallel_loop3A_672 : i32 to vector<16xi32>
          %parallel_loop3A_674 = arith.addi %parallel_loop3A_668, %parallel_loop3A_673 : vector<16xi32>
          %parallel_loop3A_675 = arith.select %parallel_loop3A_671, %parallel_loop3A_674, %parallel_loop3A_668 : vector<16xi1>, vector<16xi32>
          %parallel_loop3A_676 = vector.shape_cast %parallel_loop3A_675 : vector<16xi32> to vector<16x1xi32>
          %parallel_loop3A_677 = vector.shape_cast %parallel_loop3A_676 : vector<16x1xi32> to vector<16xi32>
          %parallel_loop3A_678 = tpu.dynamic_gather %parallel_loop3A_662[%parallel_loop3A_677] in [0] : vector<16xf32>, vector<16xi32> -> vector<16xf32>
          %parallel_loop3A_679 = arith.addf %parallel_loop3A_662, %parallel_loop3A_678 : vector<16xf32>
          %parallel_loop3A_680 = arith.constant 4 : i32
          %parallel_loop3A_681 = vector.broadcast %parallel_loop3A_680 : i32 to vector<16xi32>
          %parallel_loop3A_682 = arith.addi %iota3A, %parallel_loop3A_681 : vector<16xi32>
          %parallel_loop3A_683 = arith.constant 15 : i32
          %parallel_loop3A_684 = vector.broadcast %parallel_loop3A_683 : i32 to vector<16xi32>
          %parallel_loop3A_685 = arith.andi %parallel_loop3A_682, %parallel_loop3A_684 : vector<16xi32>
          %parallel_loop3A_686 = arith.constant 0 : i32
          %parallel_loop3A_687 = vector.broadcast %parallel_loop3A_686 : i32 to vector<16xi32>
          %parallel_loop3A_688 = arith.cmpi slt, %parallel_loop3A_685, %parallel_loop3A_687 : vector<16xi32>
          %parallel_loop3A_689 = arith.constant 16 : i32
          %parallel_loop3A_690 = vector.broadcast %parallel_loop3A_689 : i32 to vector<16xi32>
          %parallel_loop3A_691 = arith.addi %parallel_loop3A_685, %parallel_loop3A_690 : vector<16xi32>
          %parallel_loop3A_692 = arith.select %parallel_loop3A_688, %parallel_loop3A_691, %parallel_loop3A_685 : vector<16xi1>, vector<16xi32>
          %parallel_loop3A_693 = vector.shape_cast %parallel_loop3A_692 : vector<16xi32> to vector<16x1xi32>
          %parallel_loop3A_694 = vector.shape_cast %parallel_loop3A_693 : vector<16x1xi32> to vector<16xi32>
          %parallel_loop3A_695 = tpu.dynamic_gather %parallel_loop3A_679[%parallel_loop3A_694] in [0] : vector<16xf32>, vector<16xi32> -> vector<16xf32>
          %parallel_loop3A_696 = arith.addf %parallel_loop3A_679, %parallel_loop3A_695 : vector<16xf32>
          %parallel_loop3A_697 = arith.constant 2 : i32
          %parallel_loop3A_698 = vector.broadcast %parallel_loop3A_697 : i32 to vector<16xi32>
          %parallel_loop3A_699 = arith.addi %iota3A, %parallel_loop3A_698 : vector<16xi32>
          %parallel_loop3A_700 = arith.constant 15 : i32
          %parallel_loop3A_701 = vector.broadcast %parallel_loop3A_700 : i32 to vector<16xi32>
          %parallel_loop3A_702 = arith.andi %parallel_loop3A_699, %parallel_loop3A_701 : vector<16xi32>
          %parallel_loop3A_703 = arith.constant 0 : i32
          %parallel_loop3A_704 = vector.broadcast %parallel_loop3A_703 : i32 to vector<16xi32>
          %parallel_loop3A_705 = arith.cmpi slt, %parallel_loop3A_702, %parallel_loop3A_704 : vector<16xi32>
          %parallel_loop3A_706 = arith.constant 16 : i32
          %parallel_loop3A_707 = vector.broadcast %parallel_loop3A_706 : i32 to vector<16xi32>
          %parallel_loop3A_708 = arith.addi %parallel_loop3A_702, %parallel_loop3A_707 : vector<16xi32>
          %parallel_loop3A_709 = arith.select %parallel_loop3A_705, %parallel_loop3A_708, %parallel_loop3A_702 : vector<16xi1>, vector<16xi32>
          %parallel_loop3A_710 = vector.shape_cast %parallel_loop3A_709 : vector<16xi32> to vector<16x1xi32>
          %parallel_loop3A_711 = vector.shape_cast %parallel_loop3A_710 : vector<16x1xi32> to vector<16xi32>
          %parallel_loop3A_712 = tpu.dynamic_gather %parallel_loop3A_696[%parallel_loop3A_711] in [0] : vector<16xf32>, vector<16xi32> -> vector<16xf32>
          %parallel_loop3A_713 = arith.addf %parallel_loop3A_696, %parallel_loop3A_712 : vector<16xf32>
          %parallel_loop3A_714 = arith.constant 1 : i32
          %parallel_loop3A_715 = vector.broadcast %parallel_loop3A_714 : i32 to vector<16xi32>
          %parallel_loop3A_716 = arith.addi %iota3A, %parallel_loop3A_715 : vector<16xi32>
          %parallel_loop3A_717 = arith.constant 15 : i32
          %parallel_loop3A_718 = vector.broadcast %parallel_loop3A_717 : i32 to vector<16xi32>
          %parallel_loop3A_719 = arith.andi %parallel_loop3A_716, %parallel_loop3A_718 : vector<16xi32>
          %parallel_loop3A_720 = arith.constant 0 : i32
          %parallel_loop3A_721 = vector.broadcast %parallel_loop3A_720 : i32 to vector<16xi32>
          %parallel_loop3A_722 = arith.cmpi slt, %parallel_loop3A_719, %parallel_loop3A_721 : vector<16xi32>
          %parallel_loop3A_723 = arith.constant 16 : i32
          %parallel_loop3A_724 = vector.broadcast %parallel_loop3A_723 : i32 to vector<16xi32>
          %parallel_loop3A_725 = arith.addi %parallel_loop3A_719, %parallel_loop3A_724 : vector<16xi32>
          %parallel_loop3A_726 = arith.select %parallel_loop3A_722, %parallel_loop3A_725, %parallel_loop3A_719 : vector<16xi1>, vector<16xi32>
          %parallel_loop3A_727 = vector.shape_cast %parallel_loop3A_726 : vector<16xi32> to vector<16x1xi32>
          %parallel_loop3A_728 = vector.shape_cast %parallel_loop3A_727 : vector<16x1xi32> to vector<16xi32>
          %parallel_loop3A_729 = tpu.dynamic_gather %parallel_loop3A_713[%parallel_loop3A_728] in [0] : vector<16xf32>, vector<16xi32> -> vector<16xf32>
          %parallel_loop3A_730 = arith.addf %parallel_loop3A_713, %parallel_loop3A_729 : vector<16xf32>
          %parallel_loop3A_731 = arith.mulf %parallel_loop3A_730, %parallel_loop3A_213 : vector<16xf32>
          %parallel_loop3A_732 = arith.mulf %parallel_loop3A_573, %parallel_loop3A_731 : vector<16xf32>
          %parallel_loop3A_733 = arith.index_cast %parallel_loop3A_198 : i32 to index
          %parallel_loop3A_734 = arith.constant 80 : index
          %parallel_loop3A_735 = tpu.vector_load %arg11[%parallel_loop3A_733, %parallel_loop3A_734] {strides = array<i32>} : memref<64x128xf32, #tpu.memory_space<vmem>>, vector<16xf32>,
          tpu.vector_store %arg11[%parallel_loop3A_733, %parallel_loop3A_734], %parallel_loop3A_732 {strides = array<i32>} : memref<64x128xf32, #tpu.memory_space<vmem>>, vector<16xf32>,
          %parallel_loop3A_736 = arith.index_cast %parallel_loop3A_198 : i32 to index
          %parallel_loop3A_737 = arith.constant 48 : index
          %parallel_loop3A_738 = tpu.vector_load %arg15[%parallel_loop3A_736, %parallel_loop3A_737] {strides = array<i32>} : memref<64x128xi32, #tpu.memory_space<vmem>>, vector<16xi32>,
          %parallel_loop3A_739 = vector.bitcast %parallel_loop3A_738 : vector<16xi32> to vector<32xbf16>
          %parallel_loop3A_740 = arith.index_cast %parallel_loop3A_198 : i32 to index
          %parallel_loop3A_741 = arith.constant 112 : index
          %parallel_loop3A_742 = tpu.vector_load %arg15[%parallel_loop3A_740, %parallel_loop3A_741] {strides = array<i32>} : memref<64x128xi32, #tpu.memory_space<vmem>>, vector<16xi32>,
          %parallel_loop3A_743 = vector.bitcast %parallel_loop3A_742 : vector<16xi32> to vector<32xbf16>
          %parallel_loop3A_744 = tpu.unpack_subelements %parallel_loop3A_739, 0 {pack_format = #tpu.pack_format<interleaved>} : vector<32xbf16> -> vector<16xf32>
          %parallel_loop3A_745 = tpu.unpack_subelements %parallel_loop3A_739, 1 {pack_format = #tpu.pack_format<interleaved>} : vector<32xbf16> -> vector<16xf32>
          %parallel_loop3A_746 = tpu.unpack_subelements %parallel_loop3A_743, 0 {pack_format = #tpu.pack_format<interleaved>} : vector<32xbf16> -> vector<16xf32>
          %parallel_loop3A_747 = tpu.unpack_subelements %parallel_loop3A_743, 1 {pack_format = #tpu.pack_format<interleaved>} : vector<32xbf16> -> vector<16xf32>
          %parallel_loop3A_748 = arith.index_cast %parallel_loop3A_198 : i32 to index
          %parallel_loop3A_749 = arith.constant 96 : index
          %parallel_loop3A_750 = tpu.vector_load %arg13[%parallel_loop3A_748, %parallel_loop3A_749] {strides = array<i32>} : memref<64x128xf32, #tpu.memory_space<vmem>>, vector<16xf32>,
          %parallel_loop3A_751 = arith.index_cast %parallel_loop3A_198 : i32 to index
          %parallel_loop3A_752 = arith.constant 96 : index
          %parallel_loop3A_753 = tpu.vector_load %arg11[%parallel_loop3A_751, %parallel_loop3A_752] {strides = array<i32>} : memref<64x128xf32, #tpu.memory_space<vmem>>, vector<16xf32>,
          %parallel_loop3A_754 = arith.mulf %parallel_loop3A_750, %parallel_loop3A_753 : vector<16xf32>
          %parallel_loop3A_755 = arith.mulf %parallel_loop3A_754, %parallel_loop3A_744 : vector<16xf32>
          %parallel_loop3A_756 = arith.constant 8 : i32
          %parallel_loop3A_757 = vector.broadcast %parallel_loop3A_756 : i32 to vector<16xi32>
          %parallel_loop3A_758 = arith.addi %iota3A, %parallel_loop3A_757 : vector<16xi32>
          %parallel_loop3A_759 = arith.constant 15 : i32
          %parallel_loop3A_760 = vector.broadcast %parallel_loop3A_759 : i32 to vector<16xi32>
          %parallel_loop3A_761 = arith.andi %parallel_loop3A_758, %parallel_loop3A_760 : vector<16xi32>
          %parallel_loop3A_762 = arith.constant 0 : i32
          %parallel_loop3A_763 = vector.broadcast %parallel_loop3A_762 : i32 to vector<16xi32>
          %parallel_loop3A_764 = arith.cmpi slt, %parallel_loop3A_761, %parallel_loop3A_763 : vector<16xi32>
          %parallel_loop3A_765 = arith.constant 16 : i32
          %parallel_loop3A_766 = vector.broadcast %parallel_loop3A_765 : i32 to vector<16xi32>
          %parallel_loop3A_767 = arith.addi %parallel_loop3A_761, %parallel_loop3A_766 : vector<16xi32>
          %parallel_loop3A_768 = arith.select %parallel_loop3A_764, %parallel_loop3A_767, %parallel_loop3A_761 : vector<16xi1>, vector<16xi32>
          %parallel_loop3A_769 = vector.shape_cast %parallel_loop3A_768 : vector<16xi32> to vector<16x1xi32>
          %parallel_loop3A_770 = vector.shape_cast %parallel_loop3A_769 : vector<16x1xi32> to vector<16xi32>
          %parallel_loop3A_771 = tpu.dynamic_gather %parallel_loop3A_755[%parallel_loop3A_770] in [0] : vector<16xf32>, vector<16xi32> -> vector<16xf32>
          %parallel_loop3A_772 = arith.addf %parallel_loop3A_755, %parallel_loop3A_771 : vector<16xf32>
          %parallel_loop3A_773 = arith.constant 4 : i32
          %parallel_loop3A_774 = vector.broadcast %parallel_loop3A_773 : i32 to vector<16xi32>
          %parallel_loop3A_775 = arith.addi %iota3A, %parallel_loop3A_774 : vector<16xi32>
          %parallel_loop3A_776 = arith.constant 15 : i32
          %parallel_loop3A_777 = vector.broadcast %parallel_loop3A_776 : i32 to vector<16xi32>
          %parallel_loop3A_778 = arith.andi %parallel_loop3A_775, %parallel_loop3A_777 : vector<16xi32>
          %parallel_loop3A_779 = arith.constant 0 : i32
          %parallel_loop3A_780 = vector.broadcast %parallel_loop3A_779 : i32 to vector<16xi32>
          %parallel_loop3A_781 = arith.cmpi slt, %parallel_loop3A_778, %parallel_loop3A_780 : vector<16xi32>
          %parallel_loop3A_782 = arith.constant 16 : i32
          %parallel_loop3A_783 = vector.broadcast %parallel_loop3A_782 : i32 to vector<16xi32>
          %parallel_loop3A_784 = arith.addi %parallel_loop3A_778, %parallel_loop3A_783 : vector<16xi32>
          %parallel_loop3A_785 = arith.select %parallel_loop3A_781, %parallel_loop3A_784, %parallel_loop3A_778 : vector<16xi1>, vector<16xi32>
          %parallel_loop3A_786 = vector.shape_cast %parallel_loop3A_785 : vector<16xi32> to vector<16x1xi32>
          %parallel_loop3A_787 = vector.shape_cast %parallel_loop3A_786 : vector<16x1xi32> to vector<16xi32>
          %parallel_loop3A_788 = tpu.dynamic_gather %parallel_loop3A_772[%parallel_loop3A_787] in [0] : vector<16xf32>, vector<16xi32> -> vector<16xf32>
          %parallel_loop3A_789 = arith.addf %parallel_loop3A_772, %parallel_loop3A_788 : vector<16xf32>
          %parallel_loop3A_790 = arith.constant 2 : i32
          %parallel_loop3A_791 = vector.broadcast %parallel_loop3A_790 : i32 to vector<16xi32>
          %parallel_loop3A_792 = arith.addi %iota3A, %parallel_loop3A_791 : vector<16xi32>
          %parallel_loop3A_793 = arith.constant 15 : i32
          %parallel_loop3A_794 = vector.broadcast %parallel_loop3A_793 : i32 to vector<16xi32>
          %parallel_loop3A_795 = arith.andi %parallel_loop3A_792, %parallel_loop3A_794 : vector<16xi32>
          %parallel_loop3A_796 = arith.constant 0 : i32
          %parallel_loop3A_797 = vector.broadcast %parallel_loop3A_796 : i32 to vector<16xi32>
          %parallel_loop3A_798 = arith.cmpi slt, %parallel_loop3A_795, %parallel_loop3A_797 : vector<16xi32>
          %parallel_loop3A_799 = arith.constant 16 : i32
          %parallel_loop3A_800 = vector.broadcast %parallel_loop3A_799 : i32 to vector<16xi32>
          %parallel_loop3A_801 = arith.addi %parallel_loop3A_795, %parallel_loop3A_800 : vector<16xi32>
          %parallel_loop3A_802 = arith.select %parallel_loop3A_798, %parallel_loop3A_801, %parallel_loop3A_795 : vector<16xi1>, vector<16xi32>
          %parallel_loop3A_803 = vector.shape_cast %parallel_loop3A_802 : vector<16xi32> to vector<16x1xi32>
          %parallel_loop3A_804 = vector.shape_cast %parallel_loop3A_803 : vector<16x1xi32> to vector<16xi32>
          %parallel_loop3A_805 = tpu.dynamic_gather %parallel_loop3A_789[%parallel_loop3A_804] in [0] : vector<16xf32>, vector<16xi32> -> vector<16xf32>
          %parallel_loop3A_806 = arith.addf %parallel_loop3A_789, %parallel_loop3A_805 : vector<16xf32>
          %parallel_loop3A_807 = arith.constant 1 : i32
          %parallel_loop3A_808 = vector.broadcast %parallel_loop3A_807 : i32 to vector<16xi32>
          %parallel_loop3A_809 = arith.addi %iota3A, %parallel_loop3A_808 : vector<16xi32>
          %parallel_loop3A_810 = arith.constant 15 : i32
          %parallel_loop3A_811 = vector.broadcast %parallel_loop3A_810 : i32 to vector<16xi32>
          %parallel_loop3A_812 = arith.andi %parallel_loop3A_809, %parallel_loop3A_811 : vector<16xi32>
          %parallel_loop3A_813 = arith.constant 0 : i32
          %parallel_loop3A_814 = vector.broadcast %parallel_loop3A_813 : i32 to vector<16xi32>
          %parallel_loop3A_815 = arith.cmpi slt, %parallel_loop3A_812, %parallel_loop3A_814 : vector<16xi32>
          %parallel_loop3A_816 = arith.constant 16 : i32
          %parallel_loop3A_817 = vector.broadcast %parallel_loop3A_816 : i32 to vector<16xi32>
          %parallel_loop3A_818 = arith.addi %parallel_loop3A_812, %parallel_loop3A_817 : vector<16xi32>
          %parallel_loop3A_819 = arith.select %parallel_loop3A_815, %parallel_loop3A_818, %parallel_loop3A_812 : vector<16xi1>, vector<16xi32>
          %parallel_loop3A_820 = vector.shape_cast %parallel_loop3A_819 : vector<16xi32> to vector<16x1xi32>
          %parallel_loop3A_821 = vector.shape_cast %parallel_loop3A_820 : vector<16x1xi32> to vector<16xi32>
          %parallel_loop3A_822 = tpu.dynamic_gather %parallel_loop3A_806[%parallel_loop3A_821] in [0] : vector<16xf32>, vector<16xi32> -> vector<16xf32>
          %parallel_loop3A_823 = arith.addf %parallel_loop3A_806, %parallel_loop3A_822 : vector<16xf32>
          %parallel_loop3A_824 = arith.mulf %parallel_loop3A_823, %parallel_loop3A_213 : vector<16xf32>
          %parallel_loop3A_825 = arith.mulf %parallel_loop3A_746, %parallel_loop3A_824 : vector<16xf32>
          %parallel_loop3A_826 = arith.index_cast %parallel_loop3A_198 : i32 to index
          %parallel_loop3A_827 = arith.constant 96 : index
          %parallel_loop3A_828 = tpu.vector_load %arg11[%parallel_loop3A_826, %parallel_loop3A_827] {strides = array<i32>} : memref<64x128xf32, #tpu.memory_space<vmem>>, vector<16xf32>,
          tpu.vector_store %arg11[%parallel_loop3A_826, %parallel_loop3A_827], %parallel_loop3A_825 {strides = array<i32>} : memref<64x128xf32, #tpu.memory_space<vmem>>, vector<16xf32>,
          %parallel_loop3A_829 = arith.index_cast %parallel_loop3A_198 : i32 to index
          %parallel_loop3A_830 = arith.constant 112 : index
          %parallel_loop3A_831 = tpu.vector_load %arg13[%parallel_loop3A_829, %parallel_loop3A_830] {strides = array<i32>} : memref<64x128xf32, #tpu.memory_space<vmem>>, vector<16xf32>,
          %parallel_loop3A_832 = arith.index_cast %parallel_loop3A_198 : i32 to index
          %parallel_loop3A_833 = arith.constant 112 : index
          %parallel_loop3A_834 = tpu.vector_load %arg11[%parallel_loop3A_832, %parallel_loop3A_833] {strides = array<i32>} : memref<64x128xf32, #tpu.memory_space<vmem>>, vector<16xf32>,
          %parallel_loop3A_835 = arith.mulf %parallel_loop3A_831, %parallel_loop3A_834 : vector<16xf32>
          %parallel_loop3A_836 = arith.mulf %parallel_loop3A_835, %parallel_loop3A_745 : vector<16xf32>
          %parallel_loop3A_837 = arith.constant 8 : i32
          %parallel_loop3A_838 = vector.broadcast %parallel_loop3A_837 : i32 to vector<16xi32>
          %parallel_loop3A_839 = arith.addi %iota3A, %parallel_loop3A_838 : vector<16xi32>
          %parallel_loop3A_840 = arith.constant 15 : i32
          %parallel_loop3A_841 = vector.broadcast %parallel_loop3A_840 : i32 to vector<16xi32>
          %parallel_loop3A_842 = arith.andi %parallel_loop3A_839, %parallel_loop3A_841 : vector<16xi32>
          %parallel_loop3A_843 = arith.constant 0 : i32
          %parallel_loop3A_844 = vector.broadcast %parallel_loop3A_843 : i32 to vector<16xi32>
          %parallel_loop3A_845 = arith.cmpi slt, %parallel_loop3A_842, %parallel_loop3A_844 : vector<16xi32>
          %parallel_loop3A_846 = arith.constant 16 : i32
          %parallel_loop3A_847 = vector.broadcast %parallel_loop3A_846 : i32 to vector<16xi32>
          %parallel_loop3A_848 = arith.addi %parallel_loop3A_842, %parallel_loop3A_847 : vector<16xi32>
          %parallel_loop3A_849 = arith.select %parallel_loop3A_845, %parallel_loop3A_848, %parallel_loop3A_842 : vector<16xi1>, vector<16xi32>
          %parallel_loop3A_850 = vector.shape_cast %parallel_loop3A_849 : vector<16xi32> to vector<16x1xi32>
          %parallel_loop3A_851 = vector.shape_cast %parallel_loop3A_850 : vector<16x1xi32> to vector<16xi32>
          %parallel_loop3A_852 = tpu.dynamic_gather %parallel_loop3A_836[%parallel_loop3A_851] in [0] : vector<16xf32>, vector<16xi32> -> vector<16xf32>
          %parallel_loop3A_853 = arith.addf %parallel_loop3A_836, %parallel_loop3A_852 : vector<16xf32>
          %parallel_loop3A_854 = arith.constant 4 : i32
          %parallel_loop3A_855 = vector.broadcast %parallel_loop3A_854 : i32 to vector<16xi32>
          %parallel_loop3A_856 = arith.addi %iota3A, %parallel_loop3A_855 : vector<16xi32>
          %parallel_loop3A_857 = arith.constant 15 : i32
          %parallel_loop3A_858 = vector.broadcast %parallel_loop3A_857 : i32 to vector<16xi32>
          %parallel_loop3A_859 = arith.andi %parallel_loop3A_856, %parallel_loop3A_858 : vector<16xi32>
          %parallel_loop3A_860 = arith.constant 0 : i32
          %parallel_loop3A_861 = vector.broadcast %parallel_loop3A_860 : i32 to vector<16xi32>
          %parallel_loop3A_862 = arith.cmpi slt, %parallel_loop3A_859, %parallel_loop3A_861 : vector<16xi32>
          %parallel_loop3A_863 = arith.constant 16 : i32
          %parallel_loop3A_864 = vector.broadcast %parallel_loop3A_863 : i32 to vector<16xi32>
          %parallel_loop3A_865 = arith.addi %parallel_loop3A_859, %parallel_loop3A_864 : vector<16xi32>
          %parallel_loop3A_866 = arith.select %parallel_loop3A_862, %parallel_loop3A_865, %parallel_loop3A_859 : vector<16xi1>, vector<16xi32>
          %parallel_loop3A_867 = vector.shape_cast %parallel_loop3A_866 : vector<16xi32> to vector<16x1xi32>
          %parallel_loop3A_868 = vector.shape_cast %parallel_loop3A_867 : vector<16x1xi32> to vector<16xi32>
          %parallel_loop3A_869 = tpu.dynamic_gather %parallel_loop3A_853[%parallel_loop3A_868] in [0] : vector<16xf32>, vector<16xi32> -> vector<16xf32>
          %parallel_loop3A_870 = arith.addf %parallel_loop3A_853, %parallel_loop3A_869 : vector<16xf32>
          %parallel_loop3A_871 = arith.constant 2 : i32
          %parallel_loop3A_872 = vector.broadcast %parallel_loop3A_871 : i32 to vector<16xi32>
          %parallel_loop3A_873 = arith.addi %iota3A, %parallel_loop3A_872 : vector<16xi32>
          %parallel_loop3A_874 = arith.constant 15 : i32
          %parallel_loop3A_875 = vector.broadcast %parallel_loop3A_874 : i32 to vector<16xi32>
          %parallel_loop3A_876 = arith.andi %parallel_loop3A_873, %parallel_loop3A_875 : vector<16xi32>
          %parallel_loop3A_877 = arith.constant 0 : i32
          %parallel_loop3A_878 = vector.broadcast %parallel_loop3A_877 : i32 to vector<16xi32>
          %parallel_loop3A_879 = arith.cmpi slt, %parallel_loop3A_876, %parallel_loop3A_878 : vector<16xi32>
          %parallel_loop3A_880 = arith.constant 16 : i32
          %parallel_loop3A_881 = vector.broadcast %parallel_loop3A_880 : i32 to vector<16xi32>
          %parallel_loop3A_882 = arith.addi %parallel_loop3A_876, %parallel_loop3A_881 : vector<16xi32>
          %parallel_loop3A_883 = arith.select %parallel_loop3A_879, %parallel_loop3A_882, %parallel_loop3A_876 : vector<16xi1>, vector<16xi32>
          %parallel_loop3A_884 = vector.shape_cast %parallel_loop3A_883 : vector<16xi32> to vector<16x1xi32>
          %parallel_loop3A_885 = vector.shape_cast %parallel_loop3A_884 : vector<16x1xi32> to vector<16xi32>
          %parallel_loop3A_886 = tpu.dynamic_gather %parallel_loop3A_870[%parallel_loop3A_885] in [0] : vector<16xf32>, vector<16xi32> -> vector<16xf32>
          %parallel_loop3A_887 = arith.addf %parallel_loop3A_870, %parallel_loop3A_886 : vector<16xf32>
          %parallel_loop3A_888 = arith.constant 1 : i32
          %parallel_loop3A_889 = vector.broadcast %parallel_loop3A_888 : i32 to vector<16xi32>
          %parallel_loop3A_890 = arith.addi %iota3A, %parallel_loop3A_889 : vector<16xi32>
          %parallel_loop3A_891 = arith.constant 15 : i32
          %parallel_loop3A_892 = vector.broadcast %parallel_loop3A_891 : i32 to vector<16xi32>
          %parallel_loop3A_893 = arith.andi %parallel_loop3A_890, %parallel_loop3A_892 : vector<16xi32>
          %parallel_loop3A_894 = arith.constant 0 : i32
          %parallel_loop3A_895 = vector.broadcast %parallel_loop3A_894 : i32 to vector<16xi32>
          %parallel_loop3A_896 = arith.cmpi slt, %parallel_loop3A_893, %parallel_loop3A_895 : vector<16xi32>
          %parallel_loop3A_897 = arith.constant 16 : i32
          %parallel_loop3A_898 = vector.broadcast %parallel_loop3A_897 : i32 to vector<16xi32>
          %parallel_loop3A_899 = arith.addi %parallel_loop3A_893, %parallel_loop3A_898 : vector<16xi32>
          %parallel_loop3A_900 = arith.select %parallel_loop3A_896, %parallel_loop3A_899, %parallel_loop3A_893 : vector<16xi1>, vector<16xi32>
          %parallel_loop3A_901 = vector.shape_cast %parallel_loop3A_900 : vector<16xi32> to vector<16x1xi32>
          %parallel_loop3A_902 = vector.shape_cast %parallel_loop3A_901 : vector<16x1xi32> to vector<16xi32>
          %parallel_loop3A_903 = tpu.dynamic_gather %parallel_loop3A_887[%parallel_loop3A_902] in [0] : vector<16xf32>, vector<16xi32> -> vector<16xf32>
          %parallel_loop3A_904 = arith.addf %parallel_loop3A_887, %parallel_loop3A_903 : vector<16xf32>
          %parallel_loop3A_905 = arith.mulf %parallel_loop3A_904, %parallel_loop3A_213 : vector<16xf32>
          %parallel_loop3A_906 = arith.mulf %parallel_loop3A_747, %parallel_loop3A_905 : vector<16xf32>
          %parallel_loop3A_907 = arith.index_cast %parallel_loop3A_198 : i32 to index
          %parallel_loop3A_908 = arith.constant 112 : index
          %parallel_loop3A_909 = tpu.vector_load %arg11[%parallel_loop3A_907, %parallel_loop3A_908] {strides = array<i32>} : memref<64x128xf32, #tpu.memory_space<vmem>>, vector<16xf32>,
          tpu.vector_store %arg11[%parallel_loop3A_907, %parallel_loop3A_908], %parallel_loop3A_906 {strides = array<i32>} : memref<64x128xf32, #tpu.memory_space<vmem>>, vector<16xf32>,
        } {sc.loop_unroll_factor = 8 : i64, sc.parallel_access}
      }
      %scan3A_165 = arith.constant 4 : i32
      %dma_start3A_166 = arith.constant 0 : i32
      %dma_start3A_167 = arith.constant 0 : i32
      %dma_start3A_168 = tpu.memref_slice %arg9[%dma_start3A_166, %dma_start3A_167] : memref<3x64xi32, #tpu.memory_space<vmem>> -> memref<1x64xi32, #tpu.memory_space<vmem>>
      %dma_start3A_169 = tpu.memref_squeeze %dma_start3A_168 : memref<1x64xi32, #tpu.memory_space<vmem>> -> memref<64xi32, #tpu.memory_space<vmem>>
      %dma_start3A_170 = arith.constant 0 : i32
      %dma_start3A_171 = arith.constant 0 : i32
      %dma_start3A_172 = tpu.memref_slice %arg16[%dma_start3A_170, %dma_start3A_171] : memref<10000x128xf32, #tpu.memory_space<vmem_shared>> -> memref<10000x128xf32, #tpu.memory_space<vmem_shared>>
      tpu.enqueue_indirect_dma source(%arg11 : memref<64x128xf32, #tpu.memory_space<vmem>>) target(%dma_start3A_172 : memref<10000x128xf32, #tpu.memory_space<vmem_shared>>) offsets(%dma_start3A_169 : memref<64xi32, #tpu.memory_space<vmem>>) semaphore(%arg24 : memref<!tpu.dma_semaphore, #tpu.memory_space<semaphore_mem>>) {add = true}
      %dma_wait3A_173 = arith.constant 0 : i32
      %dma_wait3A_174 = arith.constant 0 : i32
      %dma_wait3A_175 = tpu.memref_slice %arg8[%dma_wait3A_173, %dma_wait3A_174] : memref<3x64xi32, #tpu.memory_space<vmem>> -> memref<1x64xi32, #tpu.memory_space<vmem>>
      %dma_wait3A_176 = tpu.memref_squeeze %dma_wait3A_175 : memref<1x64xi32, #tpu.memory_space<vmem>> -> memref<64xi32, #tpu.memory_space<vmem>>
      %dma_wait3A_177 = arith.constant 0 : i32
      %dma_wait3A_178 = arith.constant 0 : i32
      %dma_wait3A_179 = tpu.memref_slice %arg16[%dma_wait3A_177, %dma_wait3A_178] : memref<10000x128xf32, #tpu.memory_space<vmem_shared>> -> memref<10000x128xf32, #tpu.memory_space<vmem_shared>>
      tpu.wait_indirect_dma semaphore(%arg23 : memref<!tpu.dma_semaphore, #tpu.memory_space<semaphore_mem>>) src(%arg10 : memref<64x128xf32, #tpu.memory_space<vmem>>) dst(%dma_wait3A_179 : memref<10000x128xf32, #tpu.memory_space<vmem_shared>>)
      %dma_wait3A_180 = arith.constant 0 : i32
      %dma_wait3A_181 = arith.constant 0 : i32
      %dma_wait3A_182 = tpu.memref_slice %arg9[%dma_wait3A_180, %dma_wait3A_181] : memref<3x64xi32, #tpu.memory_space<vmem>> -> memref<1x64xi32, #tpu.memory_space<vmem>>
      %dma_wait3A_183 = tpu.memref_squeeze %dma_wait3A_182 : memref<1x64xi32, #tpu.memory_space<vmem>> -> memref<64xi32, #tpu.memory_space<vmem>>
      %dma_wait3A_184 = arith.constant 0 : i32
      %dma_wait3A_185 = arith.constant 0 : i32
      %dma_wait3A_186 = tpu.memref_slice %arg16[%dma_wait3A_184, %dma_wait3A_185] : memref<10000x128xf32, #tpu.memory_space<vmem_shared>> -> memref<10000x128xf32, #tpu.memory_space<vmem_shared>>
      tpu.wait_indirect_dma semaphore(%arg24 : memref<!tpu.dma_semaphore, #tpu.memory_space<semaphore_mem>>) src(%arg11 : memref<64x128xf32, #tpu.memory_space<vmem>>) dst(%dma_wait3A_186 : memref<10000x128xf32, #tpu.memory_space<vmem_shared>>)
    }
    %barrier3A_26 = arith.constant 0 : index
    tpu.barrier barrier_id(%barrier3A_26)
    %mul3A_27 = arith.constant 624 : i32
    %mul3A_28 = arith.muli %arg1, %mul3A_27 : i32
    %mul3A_29 = arith.constant 624 : i32
    %mul3A_30 = arith.muli %arg1, %mul3A_29 : i32
    "tpu.region"() ({
      %run_scoped3A = tpu.sem_alloc : memref<!tpu.dma_semaphore, #tpu.memory_space<semaphore_mem>>
      %dma_start3A = arith.constant 0 : i32
      %dma_start3A_36 = tpu.memref_slice %arg7[%arg0, %mul3A_30, %dma_start3A] : memref<2x10000x128xf32, #tpu.memory_space<hbm>> -> memref<1x624x128xf32, #tpu.memory_space<hbm>>
      %dma_start3A_37 = tpu.memref_squeeze %dma_start3A_36 : memref<1x624x128xf32, #tpu.memory_space<hbm>> -> memref<624x128xf32, #tpu.memory_space<hbm>>
      %dma_start3A_38 = arith.constant 0 : i32
      %dma_start3A_39 = tpu.memref_slice %arg16[%mul3A_28, %dma_start3A_38] : memref<10000x128xf32, #tpu.memory_space<vmem_shared>> -> memref<624x128xf32, #tpu.memory_space<vmem_shared>>
      tpu.enqueue_dma source(%dma_start3A_39 : memref<624x128xf32, #tpu.memory_space<vmem_shared>>) target(%dma_start3A_37 : memref<624x128xf32, #tpu.memory_space<hbm>>) target_semaphore(%run_scoped3A : memref<!tpu.dma_semaphore, #tpu.memory_space<semaphore_mem>>)
      %dma_wait3A = arith.constant 0 : i32
      %dma_wait3A_40 = tpu.memref_slice %arg7[%arg0, %mul3A_30, %dma_wait3A] : memref<2x10000x128xf32, #tpu.memory_space<hbm>> -> memref<1x624x128xf32, #tpu.memory_space<hbm>>
      %dma_wait3A_41 = tpu.memref_squeeze %dma_wait3A_40 : memref<1x624x128xf32, #tpu.memory_space<hbm>> -> memref<624x128xf32, #tpu.memory_space<hbm>>
      %dma_wait3A_42 = arith.constant 0 : i32
      %dma_wait3A_43 = tpu.memref_slice %arg16[%mul3A_28, %dma_wait3A_42] : memref<10000x128xf32, #tpu.memory_space<vmem_shared>> -> memref<624x128xf32, #tpu.memory_space<vmem_shared>>
      tpu.wait_dma2 semaphore(%run_scoped3A : memref<!tpu.dma_semaphore, #tpu.memory_space<semaphore_mem>>) src(%dma_wait3A_43 : memref<624x128xf32, #tpu.memory_space<vmem_shared>>) dst(%dma_wait3A_41 : memref<624x128xf32, #tpu.memory_space<hbm>>)
      tpu.yield
    }) : () -> ()
    %eq3A_31 = arith.constant 0 : i32
    %eq3A_32 = arith.cmpi eq, %arg1, %eq3A_31 : i32
    %convert_element_type3A_33 = arith.extui %eq3A_32 : i1 to i32
    %cond3A_34 = arith.constant 0 : i32
    %cond3A_35 = arith.cmpi ne, %convert_element_type3A_33, %cond3A_34 : i32
    scf.if %cond3A_35 {
      "tpu.region"() ({
        %run_scoped3A = tpu.sem_alloc : memref<!tpu.dma_semaphore, #tpu.memory_space<semaphore_mem>>
        %dma_start3A = arith.constant 9984 : i32
        %dma_start3A_36 = arith.constant 0 : i32
        %dma_start3A_37 = tpu.memref_slice %arg7[%arg0, %dma_start3A, %dma_start3A_36] : memref<2x10000x128xf32, #tpu.memory_space<hbm>> -> memref<1x16x128xf32, #tpu.memory_space<hbm>>
        %dma_start3A_38 = tpu.memref_squeeze %dma_start3A_37 : memref<1x16x128xf32, #tpu.memory_space<hbm>> -> memref<16x128xf32, #tpu.memory_space<hbm>>
        %dma_start3A_39 = arith.constant 9984 : i32
        %dma_start3A_40 = arith.constant 0 : i32
        %dma_start3A_41 = tpu.memref_slice %arg16[%dma_start3A_39, %dma_start3A_40] : memref<10000x128xf32, #tpu.memory_space<vmem_shared>> -> memref<16x128xf32, #tpu.memory_space<vmem_shared>>
        tpu.enqueue_dma source(%dma_start3A_41 : memref<16x128xf32, #tpu.memory_space<vmem_shared>>) target(%dma_start3A_38 : memref<16x128xf32, #tpu.memory_space<hbm>>) target_semaphore(%run_scoped3A : memref<!tpu.dma_semaphore, #tpu.memory_space<semaphore_mem>>)
        %dma_wait3A = arith.constant 9984 : i32
        %dma_wait3A_42 = arith.constant 0 : i32
        %dma_wait3A_43 = tpu.memref_slice %arg7[%arg0, %dma_wait3A, %dma_wait3A_42] : memref<2x10000x128xf32, #tpu.memory_space<hbm>> -> memref<1x16x128xf32, #tpu.memory_space<hbm>>
        %dma_wait3A_44 = tpu.memref_squeeze %dma_wait3A_43 : memref<1x16x128xf32, #tpu.memory_space<hbm>> -> memref<16x128xf32, #tpu.memory_space<hbm>>
        %dma_wait3A_45 = arith.constant 9984 : i32
        %dma_wait3A_46 = arith.constant 0 : i32
        %dma_wait3A_47 = tpu.memref_slice %arg16[%dma_wait3A_45, %dma_wait3A_46] : memref<10000x128xf32, #tpu.memory_space<vmem_shared>> -> memref<16x128xf32, #tpu.memory_space<vmem_shared>>
        tpu.wait_dma2 semaphore(%run_scoped3A : memref<!tpu.dma_semaphore, #tpu.memory_space<semaphore_mem>>) src(%dma_wait3A_47 : memref<16x128xf32, #tpu.memory_space<vmem_shared>>) dst(%dma_wait3A_44 : memref<16x128xf32, #tpu.memory_space<hbm>>)
        tpu.yield
      }) : () -> ()
    } else {
    }
    return
  }
}

module attributes {stable_mosaic.version = 14 : i64} {
  func.func @_proj_body(%arg0: i32, %arg1: memref<1000x128xf32, #tpu.memory_space<vmem>>, %arg2: memref<128x128xf32, #tpu.memory_space<vmem>>, %arg3: memref<128x256xf32, #tpu.memory_space<vmem>>, %arg4: memref<1000x128xf32, #tpu.memory_space<vmem>>, %arg5: memref<1000x256xbf16, #tpu.memory_space<vmem>>) attributes {dimension_semantics = [#tpu.dimension_semantics<arbitrary>], iteration_bounds = array<i64: 10>, scalar_prefetch = 0 : i64, scratch_operands = 0 : i64, tpu.core_type = #tpu.core_type<tc>, window_params = [{transform_indices = @transform_0, window_bounds = array<i64: 1000, 128>}, {pipeline_mode = #tpu.pipeline_mode<synchronous>, transform_indices = @transform_1, window_bounds = array<i64: 128, 128>}, {pipeline_mode = #tpu.pipeline_mode<synchronous>, transform_indices = @transform_2, window_bounds = array<i64: 128, 256>}, {transform_indices = @transform_3, window_bounds = array<i64: 1000, 128>}, {transform_indices = @transform_4, window_bounds = array<i64: 1000, 256>}]} {
    %get3A = arith.constant 0 : index
    %get3A_0 = arith.constant 0 : index
    %get3A_1 = vector.load %arg1[%get3A, %get3A_0] : memref<1000x128xf32, #tpu.memory_space<vmem>>, vector<1000x128xf32>
    %get3A_2 = arith.constant 0 : index
    %get3A_3 = arith.constant 0 : index
    %get3A_4 = vector.load %arg2[%get3A_2, %get3A_3] : memref<128x128xf32, #tpu.memory_space<vmem>>, vector<128x128xf32>
    %dot_general3A = arith.constant dense<0.000000e+00> : vector<1000x128xf32>
    %dot_general3A_5 = tpu.matmul %get3A_1, %get3A_4, %dot_general3A {dimension_numbers = #tpu.dot_dimension_numbers<[1], [0], [0], [1], [0, 0, 1, 1], [], []>, transpose_lhs_hint = false} : vector<1000x128xf32>, vector<128x128xf32>, vector<1000x128xf32> -> vector<1000x128xf32>
    %swap3A = arith.constant 0 : index
    %swap3A_6 = arith.constant 0 : index
    %swap3A_7 = vector.load %arg4[%swap3A, %swap3A_6] : memref<1000x128xf32, #tpu.memory_space<vmem>>, vector<1000x128xf32>
    tpu.vector_store %arg4[%swap3A, %swap3A_6], %dot_general3A_5 {strides = array<i32>} : memref<1000x128xf32, #tpu.memory_space<vmem>>, vector<1000x128xf32>,
    %get3A_8 = arith.constant 0 : index
    %get3A_9 = arith.constant 0 : index
    %get3A_10 = vector.load %arg3[%get3A_8, %get3A_9] : memref<128x256xf32, #tpu.memory_space<vmem>>, vector<128x256xf32>
    %dot_general3A_11 = arith.constant dense<0.000000e+00> : vector<1000x256xf32>
    %dot_general3A_12 = tpu.matmul %get3A_1, %get3A_10, %dot_general3A_11 {dimension_numbers = #tpu.dot_dimension_numbers<[1], [0], [0], [1], [0, 0, 1, 1], [], []>, transpose_lhs_hint = false} : vector<1000x128xf32>, vector<128x256xf32>, vector<1000x256xf32> -> vector<1000x256xf32>
    %convert_element_type3A = arith.truncf %dot_general3A_12 : vector<1000x256xf32> to vector<1000x256xbf16>
    %swap3A_13 = arith.constant 0 : index
    %swap3A_14 = arith.constant 0 : index
    %swap3A_15 = vector.load %arg5[%swap3A_13, %swap3A_14] : memref<1000x256xbf16, #tpu.memory_space<vmem>>, vector<1000x256xbf16>
    tpu.vector_store %arg5[%swap3A_13, %swap3A_14], %convert_element_type3A {strides = array<i32>} : memref<1000x256xbf16, #tpu.memory_space<vmem>>, vector<1000x256xbf16>,
    return
  }
  func.func @transform_0(%arg0: i32) -> (i32, i32) {
    %c0_i32 = arith.constant 0 : i32
    %c0_i32_0 = arith.constant 0 : i32
    return %arg0, %c0_i32 : i32, i32
  }
  func.func @transform_1(%arg0: i32) -> (i32, i32) {
    %c0_i32 = arith.constant 0 : i32
    %c0_i32_0 = arith.constant 0 : i32
    %c0_i32_1 = arith.constant 0 : i32
    return %c0_i32, %c0_i32_0 : i32, i32
  }
  func.func @transform_2(%arg0: i32) -> (i32, i32) {
    %c0_i32 = arith.constant 0 : i32
    %c0_i32_0 = arith.constant 0 : i32
    %c0_i32_1 = arith.constant 0 : i32
    return %c0_i32, %c0_i32_0 : i32, i32
  }
  func.func @transform_3(%arg0: i32) -> (i32, i32) {
    %c0_i32 = arith.constant 0 : i32
    %c0_i32_0 = arith.constant 0 : i32
    return %arg0, %c0_i32 : i32, i32
  }
  func.func @transform_4(%arg0: i32) -> (i32, i32) {
    %c0_i32 = arith.constant 0 : i32
    %c0_i32_0 = arith.constant 0 : i32
    return %arg0, %c0_i32 : i32, i32
  }
}

module attributes {stable_mosaic.version = 14 : i64} {
  func.func @_scale_body(%arg0: i32, %arg1: memref<1250x256xf32, #tpu.memory_space<vmem>>, %arg2: memref<1250x256xf32, #tpu.memory_space<vmem>>, %arg3: memref<1250x256xf32, #tpu.memory_space<vmem>>) attributes {dimension_semantics = [#tpu.dimension_semantics<arbitrary>], iteration_bounds = array<i64: 1>, scalar_prefetch = 0 : i64, scratch_operands = 0 : i64, tpu.core_type = #tpu.core_type<tc>, window_params = [{pipeline_mode = #tpu.pipeline_mode<synchronous>, transform_indices = @transform_0, window_bounds = array<i64: 1250, 256>}, {pipeline_mode = #tpu.pipeline_mode<synchronous>, transform_indices = @transform_1, window_bounds = array<i64: 1250, 256>}, {pipeline_mode = #tpu.pipeline_mode<synchronous>, transform_indices = @transform_2, window_bounds = array<i64: 1250, 256>}]} {
    %get3A = arith.constant 0 : index
    %get3A_0 = arith.constant 0 : index
    %get3A_1 = vector.load %arg1[%get3A, %get3A_0] : memref<1250x256xf32, #tpu.memory_space<vmem>>, vector<1250x256xf32>
    %get3A_2 = arith.constant 0 : index
    %get3A_3 = arith.constant 0 : index
    %get3A_4 = vector.load %arg2[%get3A_2, %get3A_3] : memref<1250x256xf32, #tpu.memory_space<vmem>>, vector<1250x256xf32>
    %mul3A = arith.mulf %get3A_1, %get3A_4 : vector<1250x256xf32>
    %mul3A_5 = arith.constant 2.500000e-01 : f32
    %mul3A_6 = vector.broadcast %mul3A_5 : f32 to vector<1250x256xf32>
    %mul3A_7 = arith.mulf %mul3A, %mul3A_6 : vector<1250x256xf32>
    %swap3A = arith.constant 0 : index
    %swap3A_8 = arith.constant 0 : index
    %swap3A_9 = vector.load %arg3[%swap3A, %swap3A_8] : memref<1250x256xf32, #tpu.memory_space<vmem>>, vector<1250x256xf32>
    tpu.vector_store %arg3[%swap3A, %swap3A_8], %mul3A_7 {strides = array<i32>} : memref<1250x256xf32, #tpu.memory_space<vmem>>, vector<1250x256xf32>,
    return
  }
  func.func @transform_0(%arg0: i32) -> (i32, i32) {
    %c0_i32 = arith.constant 0 : i32
    %c0_i32_0 = arith.constant 0 : i32
    %c0_i32_1 = arith.constant 0 : i32
    return %c0_i32, %c0_i32_0 : i32, i32
  }
  func.func @transform_1(%arg0: i32) -> (i32, i32) {
    %c0_i32 = arith.constant 0 : i32
    %c0_i32_0 = arith.constant 0 : i32
    %c0_i32_1 = arith.constant 0 : i32
    return %c0_i32, %c0_i32_0 : i32, i32
  }
  func.func @transform_2(%arg0: i32) -> (i32, i32) {
    %c0_i32 = arith.constant 0 : i32
    %c0_i32_0 = arith.constant 0 : i32
    %c0_i32_1 = arith.constant 0 : i32
    return %c0_i32, %c0_i32_0 : i32, i32
  }
}

module attributes {stable_mosaic.version = 14 : i64} {
  func.func @_combine_body(%arg0: i32, %arg1: memref<2x1000x128xf32, #tpu.memory_space<vmem>>, %arg2: memref<1000x128xf32, #tpu.memory_space<vmem>>) attributes {dimension_semantics = [#tpu.dimension_semantics<arbitrary>], iteration_bounds = array<i64: 10>, scalar_prefetch = 0 : i64, scratch_operands = 0 : i64, tpu.core_type = #tpu.core_type<tc>, window_params = [{transform_indices = @transform_0, window_bounds = array<i64: 2, 1000, 128>}, {transform_indices = @transform_1, window_bounds = array<i64: 1000, 128>}]} {
    %get3A = arith.constant 0 : index
    %get3A_0 = arith.constant 0 : index
    %get3A_1 = arith.constant 0 : index
    %get3A_2 = vector.load %arg1[%get3A, %get3A_0, %get3A_1] : memref<2x1000x128xf32, #tpu.memory_space<vmem>>, vector<1x1000x128xf32>
    %get3A_3 = vector.shape_cast %get3A_2 : vector<1x1000x128xf32> to vector<1000x128xf32>
    %get3A_4 = arith.constant 1 : index
    %get3A_5 = arith.constant 0 : index
    %get3A_6 = arith.constant 0 : index
    %get3A_7 = vector.load %arg1[%get3A_4, %get3A_5, %get3A_6] : memref<2x1000x128xf32, #tpu.memory_space<vmem>>, vector<1x1000x128xf32>
    %get3A_8 = vector.shape_cast %get3A_7 : vector<1x1000x128xf32> to vector<1000x128xf32>
    %add3A = arith.addf %get3A_3, %get3A_8 : vector<1000x128xf32>
    %swap3A = arith.constant 0 : index
    %swap3A_9 = arith.constant 0 : index
    %swap3A_10 = vector.load %arg2[%swap3A, %swap3A_9] : memref<1000x128xf32, #tpu.memory_space<vmem>>, vector<1000x128xf32>
    tpu.vector_store %arg2[%swap3A, %swap3A_9], %add3A {strides = array<i32>} : memref<1000x128xf32, #tpu.memory_space<vmem>>, vector<1000x128xf32>,
    return
  }
  func.func @transform_0(%arg0: i32) -> (i32, i32, i32) {
    %c0_i32 = arith.constant 0 : i32
    %c0_i32_0 = arith.constant 0 : i32
    %c0_i32_1 = arith.constant 0 : i32
    return %c0_i32, %arg0, %c0_i32_0 : i32, i32, i32
  }
  func.func @transform_1(%arg0: i32) -> (i32, i32) {
    %c0_i32 = arith.constant 0 : i32
    %c0_i32_0 = arith.constant 0 : i32
    return %arg0, %c0_i32 : i32, i32
  }
}

</mosaic_0001>

<sc_bundles>
// kernel: kernel.6.cloned.1.call-start
scs
__scs_entry_jumppad:
0x0: {  	(pc) =	sbr.rel $0x88, $3  }
0x1: {  	(tag) =	ssettag $0x0;
	lr =	simm.s32 $0x1  }
0x2: {  	[smem:$0x3F98] =	sst lr;
	_ =	strace $0xD0000000  }
0x3: {  	_ = 	snop  }
0x4: {  	_ = 	snop  }
0x5: {  	_ = 	snop  }
0x6: {  	_ = 	snop  }
0x7: {  	_ = 	snop  }
__scs_overlays_trampoline_lowered:
0x8: {  	[smem:$0x3FA7] =	sst s0  }
0x9: {  	[smem:$0x3FA8] =	sst s1  }
0xa: {  	[smem:$0x3FA9] =	sst s2  }
0xb: {  	[smem:$0x3FAA] =	sst s3  }
0xc: {  	[smem:$0x3FAB] =	sst s4  }
0xd: {  	[smem:$0x3FAC] =	sst s5  }
0xe: {  	[smem:$0x3FAD] =	sst s6  }
0xf: {  	[smem:$0x3FAE] =	sst s7  }
0x10: {  	[smem:$0x3FAF] =	sst s8  }
0x11: {  	[smem:$0x3FB0] =	sst s9;
	s0 =	simm.s32 @!p0 $0x0  }
0x12: {  	s1 =	sld [smem:$0x3F96];
	s0 =	simm.s32 @p0 $0x1  }
0x13: {  	[smem:$0x3FB1] =	sst s0;
	s0 =	simm.s32 @!p1 $0x0  }
0x14: {  	s2 =	sld [smem:$0x3F95];
	s0 =	simm.s32 @p1 $0x1  }
0x15: {  	[smem:$0x3FB2] =	sst s0;
	s0 =	simm.s32 @!p2 $0x0  }
0x16: {  	s3 =	sld [smem:$0x3FDB];
	s0 =	simm.s32 @p2 $0x1  }
0x17: {  	s4 =	simm.s32 $0x1BF5;
	[smem:$0x3FB4] =	sst s0  }
0x18: {  	s0 =	sld [smem:$0x3F97];
	_ =	swait.ge [sflag:s4], $0x0  }
0x19: {  	s7 =	sld [smem:$0x3F98]  }
0x1a: {  	s8 =	sadd.s32 $0xFFFFE003, lr  }
0x1b: {  	s9 =	sadd.s32 $0xFFFFFEF7, lr;
	s5 =	simm.s32 $0xFFFFFFFF;
	p2 =	slt.u32 s8, $0xFFFFF086  }
0x1c: {  	p1 =	slt.u32 s9, $0xF7A;
	s5 =	simm.s32 @!p2 $0x0  }
0x1d: {  	s5 =	simm.s32 @p1 $0x1;
	p0 =	seq.s32 s7, s2  }
0x1e: {  	s7 =	smul.u32 @!p0 $0xF7A, s2;
	p2 =	seq.s32 @!p0 s5, $0x0  }
0x1f: {  	s9 =	smul.u32 $0xF7A, s1;
	s8 =	simm.s32 @!p0 $0x1BF5;
	p2 =	por !p2, p0  }
0x20: {  	[sflag:s8] =	ssyncset.s32 @!p0 $0xFFFFF086;
	s6 =	sadd.s32 @!p0 s3, s7;
	s7 =	simm.s32 @!p0 $0x108  }
0x21: {  	s3 =	sadd.s32 s3, s9;
	s6 =	sadd.s32 @!p0 $0x88, s6;
	s7 =	simm.s32 @p2 $0x1082  }
0x22: {  	[simem:s7], [sflag:s8] =	dma.local @!p0 [hbm:s6], $0xF7A  }
0x23: {  	s9 =	sor.u32 $0xD0000000, s2;
	s6 =	simm.s32 $0x108;
	_ =	swait.ge @!p0 [sflag:s8], $0x0  }
0x24: {  	s3 =	sadd.s32 $0x88, s3;
	s6 =	simm.s32 @!p1 $0x1082;
	[sflag:s4] =	ssyncset.s32 $0xFFFFF086  }
0x25: {  	[simem:s6], [sflag:s4] =	dma.local [hbm:s3], $0xF7A  }
0x26: {  	[smem:$0x3F98] =	sst s1;
	(tag) =	ssettag s2;
	_ =	strace s9  }
0x27: {  	s1 =	sld [smem:$0x3FA8]  }
0x28: {  	s2 =	sld [smem:$0x3FA9]  }
0x29: {  	s4 =	sld [smem:$0x3FAB]  }
0x2a: {  	p0 =	seq.s32 s5, $0x0;
	s5 =	sld [smem:$0x3FAC]  }
0x2b: {  	s6 =	sld [smem:$0x3FAD]  }
0x2c: {  	s7 =	sld [smem:$0x3FAE]  }
0x2d: {  	s3 =	simm.s32 $0x108;
	s8 =	sld [smem:$0x3FAF]  }
0x2e: {  	s3 =	simm.s32 @!p0 $0x1082;
	s9 =	sld [smem:$0x3FB0]  }
0x2f: {  	lr =	sadd.s32 s0, s3;
	s0 =	sld [smem:$0x3FA7]  }
0x30: {  	s3 =	sld [smem:$0x3FAA]  }
0x31: {  	[smem:$0x3FB3] =	sst s10  }
0x32: {  	s10 =	sld [smem:$0x3FB1];
	_ =	sdelay $0x3  }
0x33: {  	p0 =	seq.s32 s10, $0x1;
	s10 =	sld [smem:$0x3FB3];
	_ =	sdelay $0x3  }
0x34: {  	[smem:$0x3FB3] =	sst s10  }
0x35: {  	s10 =	sld [smem:$0x3FB2];
	_ =	sdelay $0x3  }
0x36: {  	p1 =	seq.s32 s10, $0x1;
	s10 =	sld [smem:$0x3FB3];
	_ =	sdelay $0x3  }
0x37: {  	[smem:$0x3FB3] =	sst s10  }
0x38: {  	s10 =	sld [smem:$0x3FB4]  }
0x39: {  	_ = 	snop;
	(pc) =	sbr.ind lr, $3  }
0x3a: {  	_ = 	snop  }
0x3b: {  	_ = 	snop  }
0x3c: {  	p2 =	seq.s32 s10, $0x1;
	s10 =	sld [smem:$0x3FB3]  }
0x3d: {  	_ =	shalt  }
0x3e: {  	_ =	shalt  }
0x3f: {  	_ =	shalt  }
0x40: {  	_ =	shalt  }
0x41: {  	_ =	shalt  }
0x42: {  	_ =	shalt  }
0x43: {  	_ =	shalt  }
0x44: {  	_ =	shalt  }
0x45: {  	_ =	shalt  }
0x46: {  	_ =	shalt  }
0x47: {  	_ =	shalt  }
0x48: {  	_ =	shalt  }
0x49: {  	_ =	shalt  }
0x4a: {  	_ =	shalt  }
0x4b: {  	_ =	shalt  }
0x4c: {  	_ =	shalt  }
0x4d: {  	_ =	shalt  }
0x4e: {  	_ =	shalt  }
0x4f: {  	_ =	shalt  }
0x50: {  	_ =	shalt  }
0x51: {  	_ =	shalt  }
0x52: {  	_ =	shalt  }
0x53: {  	_ =	shalt  }
0x54: {  	_ =	shalt  }
0x55: {  	_ =	shalt  }
0x56: {  	_ =	shalt  }
0x57: {  	_ =	shalt  }
0x58: {  	_ =	shalt  }
0x59: {  	_ =	shalt  }
0x5a: {  	_ =	shalt  }
0x5b: {  	_ =	shalt  }
0x5c: {  	_ =	shalt  }
0x5d: {  	_ =	shalt  }
0x5e: {  	_ =	shalt  }
0x5f: {  	_ =	shalt  }
0x60: {  	_ =	shalt  }
0x61: {  	_ =	shalt  }
0x62: {  	_ =	shalt  }
0x63: {  	_ =	shalt  }
0x64: {  	_ =	shalt  }
0x65: {  	_ =	shalt  }
0x66: {  	_ =	shalt  }
0x67: {  	_ =	shalt  }
0x68: {  	_ =	shalt  }
0x69: {  	_ =	shalt  }
0x6a: {  	_ =	shalt  }
0x6b: {  	_ =	shalt  }
0x6c: {  	_ =	shalt  }
0x6d: {  	_ =	shalt  }
0x6e: {  	_ =	shalt  }
0x6f: {  	_ =	shalt  }
0x70: {  	_ =	shalt  }
0x71: {  	_ =	shalt  }
0x72: {  	_ =	shalt  }
0x73: {  	_ =	shalt  }
0x74: {  	_ =	shalt  }
0x75: {  	_ =	shalt  }
0x76: {  	_ =	shalt  }
0x77: {  	_ =	shalt  }
0x78: {  	_ =	shalt  }
0x79: {  	_ =	shalt  }
0x7a: {  	_ =	shalt  }
0x7b: {  	_ =	shalt  }
0x7c: {  	_ =	shalt  }
0x7d: {  	_ =	shalt  }
0x7e: {  	_ =	shalt  }
0x7f: {  	_ =	shalt  }
0x80: {  	_ =	shalt  }
0x81: {  	_ =	shalt  }
0x82: {  	_ =	shalt  }
0x83: {  	_ =	shalt  }
0x84: {  	_ =	shalt  }
0x85: {  	_ =	shalt  }
0x86: {  	_ =	shalt  }
0x87: {  	_ =	shalt  }
.Lfunc_end0:
.L_simem_size_0:
called_computation_lowered:
.L_overlay_start_0:
0x88: {  	s2 =	sld [smem:$0x3FD9]  }
0x89: {  	s3 =	sld [smem:$0x3FFE];
	_ =	sdelay $0x1  }
0x8a: {  	s1 =	srdreg.scid  }
0x8b: {  	s0 =	sand.u32 $0x1, s1  }
0x8c: {  	s17 =	sshll.u32 s0, $0xA;
	s2 =	sadd.s32 s3, s2  }
0x8d: {  	s2 =	sadd.s32 s2, s17  }
0x8e: {  	[smem:$0x3FBF] =	sst s2  }
0x8f: {  	_ = 	snop  }
0x90: {  	s2 =	sld [smem:$0x3FC8]  }
0x91: {  	s18 =	sld [smem:$0x3FD0];
	(tm) =	ssettm $0x1  }
0x92: {  	s4 =	sld [smem:$0x3FFB];
	_ =	sdelay $0x3  }
0x93: {  	_ =	strace s4  }
0x94: {  	s4 =	sld [smem:$0x3FFC];
	_ =	sdelay $0x3  }
0x95: {  	_ =	strace s4  }
0x96: {  	s4 =	sld [smem:$0x3FFD];
	_ =	sdelay $0x3  }
0x97: {  	_ =	strace s4  }
0x98: {  	_ =	strace $0x8FFFFFFF  }
0x99: {  	s19 =	sld [smem:$0x3FDB];
	_ =	sdelay $0x1  }
0x9a: {  	s5 =	simm.s32 $_scs_section_size  }
0x9b: {  	s6 =	simm.s32 $_size__tile_overlayer_lowered;
	s7 =	simm.s32 $_tile_overlayer_lowered  }
0x9c: {  	s22 =	simm.s32 $0x1BFF;
	s21 =	sshll.u32 s7, $0x1;
	s4 =	sadd.s32 s5, s19  }
0x9d: {  	s8 =	simm.s32 $0x0;
	s20 =	sshll.u32 s6, $0x1;
	s6 =	sadd.s32 s21, s4  }
0x9e: {  	[timem:s8], [sflag:s22] =	dma.local [hbm:s6], s20  }
0x9f: {  	_ =	swait.ge [sflag:s22], s20  }
0xa0: {  	s5 =	ssub.s32 $0x0, s20;
	[sflag:s22] =	ssyncset.done $0x0  }
0xa1: {  	[sflag:s22] =	ssyncadd.s32 s5;
	_ =	sdelay $0x1  }
0xa2: {  	s23 =	simm.s32 $0x1B8B  }
0xa3: {  	_ =	swait.ge [sflag:s23], $0x1  }
0xa4: {  	[sflag:s23] =	ssyncset.done $0x0  }
0xa5: {  	s25 =	simm.s32 $0x1B8E;
	s24 =	sld [smem:$0x3FFE];
	[sflag:s23] =	ssyncadd.s32 $0xFFFFFFFF  }
0xa6: {  	s26 =	simm.s32 $execute0_lowered;
	[smem:$0x3FD2] =	sst s25  }
0xa7: {  	s6 =	sshll.u32 s26, $0x1;
	_ =	strace $0x80000046;
	[dreg:$0x1] =	wrdreg $0xFFFFFFFF  }
0xa8: {  	s28 =	simm.s32 $_size_execute0_lowered;
	s4 =	sadd.s32 s4, s6;
	[dreg:$0x0] =	wrdreg $0x0  }
0xa9: {  	s6 =	sshll.u32 s28, $0x1;
	[dreg:$0x2] =	wrdreg s4  }
0xaa: {  	[dreg:$0x3] =	wrdreg s6  }
0xab: {  	[dreg:$0x4] =	wrdreg $0xC0  }
0xac: {  	_ =	task [dreg:s8], $0x5FFFF  }
0xad: {  	[dreg:$0x1] =	wrdreg $0xFFFFFFFF  }
0xae: {  	[dreg:$0x0] =	wrdreg $0x60  }
0xaf: {  	[dreg:$0x2] =	wrdreg s18  }
0xb0: {  	[dreg:$0x3] =	wrdreg s24  }
0xb1: {  	[dreg:$0x4] =	wrdreg s2  }
0xb2: {  	[dreg:$0x5] =	wrdreg $0xC4000  }
0xb3: {  	[dreg:$0x6] =	wrdreg $0x9  }
0xb4: {  	_ =	task.clear_ibuf [dreg:s8], $0x7FFFF;
	_ =	strace $0x90000046  }
0xb5: {  	s29 =	simm.s32 $0x9;
	_ =	strace $0x80000048  }
0xb6: {  	_ =	swait.ge [sflag:s29], $0x1  }
0xb7: {  	[sflag:s29] =	ssyncadd.s32 $0xFFFFFFFF  }
0xb8: {  	_ =	strace $0x90000048  }
0xb9: {  	_ =	sfence  }
0xba: {  	s30 =	sld [smem:$0x0];
	_ =	sdelay $0x2  }
0xbb: {  	s31 =	sshll.u32 s1, $0xD;
	s1 =	sshrl.u32 s1, $0x2  }
0xbc: {  	s3 =	sand.u32 $0x4000, s31;
	s1 =	sadd.s32 s1, s30  }
0xbd: {  	s0 =	sor.u32 s3, s0;
	s1 =	sshll.u32 s1, $0x11  }
0xbe: {  	s0 =	sor.u32 s1, s0  }
0xbf: {  	s0 =	sadd.s32 $0x8F2B, s0  }
0xc0: {  	[sflag:s0] =	ssyncadd.remote.s32 $0x1  }
0xc1: {  	_ =	sfence.sel $0xFFFF  }
0xc2: {  	[dreg:$0x0] =	wrdreg $0xFFFFFFFF;
	(pc) =	sbr.abs _section_cstart, $3  }
0xc3: {  	[dreg:$0x1] =	wrdreg $0xFFFFFFFF  }
0xc4: {  	_ =	task.clear_ibuf [dreg:s8], $0x2FFFF;
	_ =	strace $0x9FFFFFFF  }
0xc5: {  	(tm) =	ssettm $0x7FFFFFFF  }
tec
execute0_lowered:
.L_overlay_start_1:
0x0: {  	(tag) =	ssettag $0x1  }
0x1: {  	s0 =	rddreg [dreg:$0x1]  }
0x2: {  	s2 =	rddreg [dreg:$0x2]  }
0x3: {  	s3 =	rddreg [dreg:$0x3];
	s16 =	simm.s32 $0x0;
	s1 =	stileid.u32  }
0x4: {  	s7 =	srdreg.scid;
	s19 =	simm.s32 $0x400;
	s20 =	simm.s32 $0x200  }
0x5: {  	s21 =	simm.s32 $0x2400;
	s22 =	simm.s32 $0x1;
	s28 =	simm.s32 $0x2  }
0x6: {  	[smem:$0x7FF] =	sst s16;
	s4 =	smul.u32 $0x13800, s1;
	s5 =	sadd.s32 $0x1200, s0  }
0x7: {  	s6 =	sadd.s32 $0x28400, s0;
	s10 =	sand.u32 $0x1, s7;
	s12 =	sadd.s32 $0x9D800, s0  }
0x8: {  	s14 =	smul.u32 $0x4E000, s1;
	s25 =	sshll.u32 s1, $0x6;
	_ =	strace $0x80000047  }
0x9: {  	s8 =	ssub.s32 $0x2, s10;
	s9 =	sshll.u32 s10, $0x4;
	s10 =	smul.u32 $0x138800, s10  }
0xa: {  	s17 =	sor.u32 $0x1C09, s25;
	s23 =	sshrl.u32 s4, $0x3;
	s24 =	sshrl.u32 s8, $0x1  }
0xb: {  	v0 =	vimm.s32 $0xFEDCBA98;
	v1 =	vimm.s32 $0x76543210;
	s9 =	sor.u32 s1, s9;
	s14 =	sshrl.u32 s14, $0x2;
	[dreg:$0x7] =	wrdreg s17  }
0xc: {  	v2 =	vimm.s32 $0x3210FEDC;
	v3 =	vimm.s32 $0xBA987654;
	s11 =	sadd.s32 s23, s0;
	s13 =	ssub.s32 s8, s24;
	s7 =	smul.u32 $0x9C, s9  }
0xd: {  	v4 =	vimm.s32 $0x10FEDCBA;
	v5 =	vimm.s32 $0x98765432;
	p0 =	slt.u32 s9, $0x4;
	s8 =	simm.s32 $0x4F;
	s9 =	smin.u32 s9, $0x4  }
0xe: {  	v6 =	vimm.s32 $0xFEDCBA9;
	v7 =	vimm.s32 $0x87654321;
	v0 =	vunpack.c.l.s4.s8 v0;
	s15 =	sshrl.u32 s10, $0x3;
	s14 =	sadd.s32 s14, s3;
	s4 =	sadd.s32 s4, s10  }
0xf: {  	v1 =	vunpack.c.l.s4.s8 v1;
	v2 =	vunpack.c.l.s4.s8 v2;
	v3 =	vunpack.c.l.s4.s8 v3;
	s0 =	sadd.s32 $0x9D600, s0;
	s24 =	simm.s32 $0x9;
	s23 =	simm.s32 $0x40  }
0x10: {  	v4 =	vunpack.c.l.s4.s8 v4;
	v5 =	vunpack.c.l.s4.s8 v5;
	v6 =	vunpack.c.l.s4.s8 v6;
	s10 =	simm.s32 $0x5;
	s8 =	simm.s32 @!p0 $0x4E;
	s11 =	sadd.s32 $0x76600, s11  }
0x11: {  	v7 =	vunpack.c.l.s4.s8 v7;
	v0 =	vunpack.c.0.s8.s32 v0;
	v2 =	vunpack.c.0.s8.s32 v2;
	s26 =	sadd.s32 s12, s15;
	[dreg:$0x8] =	wrdreg s0;
	s29 =	sshrl.u32 s4, $0x3  }
0x12: {  	v3 =	vunpack.c.0.s8.s32 v3;
	v4 =	vunpack.c.0.s8.s32 v4;
	v5 =	vunpack.c.0.s8.s32 v5;
	s31 =	smax.u32 s13, $0x1;
	p0 =	sne.s32 s1, $0x0;
	[dreg:$0x6] =	wrdreg s11  }
0x13: {  	v6 =	vunpack.c.0.s8.s32 v6;
	v7 =	vunpack.c.0.s8.s32 v7;
	v1 =	vunpack.c.0.s8.s32 v1;
	s18 =	sshrl.u32 s14, $0x3;
	s13 =	simm.s32 $0x6;
	[dreg:$0xb] =	wrdreg s31  }
0x14: {  	v2 =	vcombine.low v3, v2;
	v3 =	vcombine.low v5, v4;
	v0 =	vand.u32 $0xF, v0;
	s14 =	simm.s32 $0x7;
	s30 =	sadd.s32 $0x27000, s26;
	[dreg:$0xc] =	wrdreg s18  }
0x15: {  	v4 =	vcombine.low v7, v6;
	s11 =	sadd.s32 $0x138000, s3;
	s0 =	sadd.s32 s12, s29;
	v25 =	vcombine.low v0, v1;
	[dreg:$0x9] =	wrdreg s30  }
0x16: {  	s15 =	simm.s32 $0x8;
	[dreg:$0xa] =	wrdreg s0;
	s11 =	sshrl.u32 @!p0 s11, $0x3  }
0x17: {  	s12 =	simm.s32 $0x4;
	s0 =	simm.s32 $0x3;
	v1 =	vand.u32 $0xF, v2;
	v2 =	vand.u32 $0xF, v3;
	v3 =	vand.u32 $0xF, v4;
	[dreg:$0xd] =	wrdreg s11;
	[tilespmem:$0x1FFF0] =	vst v25  }
.LBB2_1:
0x18: {  	[dreg:$0x5] =	wrdreg s16  }
0x19: {  	s1 =	rddreg [dreg:$0x6]  }
0x1a: {  	[spmem:s18], [sflag:s17] =	dma.local [hbm:s1], $0x2700  }
0x1b: {  	_ =	swait.ge [sflag:s24], $0x2700  }
0x1c: {  	[sflag:s24] =	ssyncset.done $0x0  }
0x1d: {  	s1 =	rddreg [dreg:$0x8];
	[sflag:s24] =	ssyncadd.s32 $0xFFFFD900  }
0x1e: {  	[spmem:s11], [sflag:s17] =	dma.local @!p0 [hbm:s1], $0x100  }
0x1f: {  	s1 =	simm.s32 @!p0 $0x9  }
0x20: {  	_ =	swait.ge @!p0 [sflag:s1], $0x100  }
0x21: {  	[sflag:s1] =	ssyncset.done @!p0 $0x0  }
0x22: {  	[sflag:s1] =	ssyncadd.s32 @!p0 $0xFFFFFF00  }
0x23: {  	s16 =	simm.s32 $0x0;
	[bflag:$0x0] =	sbarrier.arrive $0xFFFF  }
.LBB2_2:
0x24: {  	s1 =	sadd.s32 s9, s16  }
0x25: {  	s1 =	sshll.u32 s1, $0x1  }
0x26: {  	s1 =	sadd.s32 s7, s1  }
0x27: {  	s4 =	sshll.u32 s1, $0x6  }
0x28: {  	s4 =	sand.u32 $0x1FFFFF80, s4  }
0x29: {  	s18 =	simm.s32 $0x0;
	s11 =	sshll.u32 s1, $0xA;
	s4 =	sadd.s32 s6, s4  }
0x2a: {  	[tilespmem:s18], [sflag:$0x1] =	stream.linear.gather [hbm4b:s4+s18], $0x180, $0x38;
	[tilespmem:$0x1FC80] =	vst v63  }
0x2b: {  	s1 =	sor.u32 $0x1, s1;
	s4 =	sand.u32 $0x1FFFF800, s11  }
0x2c: {  	s17 =	sshll.u32 s1, $0x6;
	s4 =	sadd.s32 s2, s4  }
0x2d: {  	[tilespmem:s19], [sflag:$0x1] =	stream.linear.gather [hbm4b:s4+s18], $0x2000, $0x38;
	[tilespmem:$0x1FC80] =	vst v63  }
0x2e: {  	s1 =	sshll.u32 s1, $0xA;
	s4 =	sand.u32 $0x1FFFFFC0, s17  }
0x2f: {  	s1 =	sand.u32 $0x1FFFFC00, s1;
	s4 =	sadd.s32 s6, s4  }
0x30: {  	[tilespmem:s20], [sflag:$0x2] =	stream.linear.gather [hbm4b:s4+s18], $0x180, $0x38;
	[tilespmem:$0x1FC80] =	vst v63  }
0x31: {  	s1 =	sadd.s32 s2, s1  }
0x32: {  	[tilespmem:s21], [sflag:$0x2] =	stream.linear.gather [hbm4b:s1+s18], $0x2000, $0x38;
	[tilespmem:$0x1FC80] =	vst v63  }
0x33: {  	_ =	swait.ge [sflag:s22], $0x180  }
0x34: {  	[sflag:s22] =	ssyncset.done $0x0  }
0x35: {  	[sflag:s22] =	ssyncadd.s32 $0xFFFFFE80  }
0x36: {  	_ =	swait.ge [sflag:s22], $0x2000  }
0x37: {  	[sflag:s22] =	ssyncset.done $0x0  }
0x38: {  	[sflag:s22] =	ssyncadd.s32 $0xFFFFE000  }
0x39: {  	s25 =	simm.s32 $0x4400;
	s24 =	rddreg [dreg:$0x0]  }
0x3a: {  	[tilespmem:s25], [sflag:$0x3] =	stream.indirect.gather [hbm4b:s24+s23], $0x80, s18, s23, $0xb8;
	[tilespmem:$0x1FC80] =	vst v63  }
0x3b: {  	s26 =	simm.s32 $0x80;
	s11 =	simm.s32 $0x8400  }
0x3c: {  	[tilespmem:s11], [sflag:$0x5] =	stream.indirect.gather [hbm4b:s5+s23], $0x80, s26, s23, $0xb8;
	[tilespmem:$0x1FC80] =	vst v63  }
0x3d: {  	_ =	swait.ge [sflag:s28], $0x180  }
0x3e: {  	[sflag:s28] =	ssyncset.done $0x0  }
0x3f: {  	[sflag:s28] =	ssyncadd.s32 $0xFFFFFE80  }
0x40: {  	_ =	swait.ge [sflag:s28], $0x2000  }
0x41: {  	[sflag:s28] =	ssyncset.done $0x0  }
0x42: {  	s29 =	simm.s32 $0x6400;
	[sflag:s28] =	ssyncadd.s32 $0xFFFFE000  }
0x43: {  	[tilespmem:s29], [sflag:$0x4] =	stream.indirect.gather [hbm4b:s24+s23], $0x80, s20, s23, $0xb8;
	[tilespmem:$0x1FC80] =	vst v63  }
0x44: {  	s30 =	simm.s32 $0x280;
	s31 =	simm.s32 $0xA400  }
0x45: {  	[tilespmem:s31], [sflag:$0x6] =	stream.indirect.gather [hbm4b:s5+s23], $0x80, s30, s23, $0xb8;
	[tilespmem:$0x1FC80] =	vst v63  }
0x46: {  	_ =	swait.ge [sflag:s0], $0x2000  }
0x47: {  	[sflag:s0] =	ssyncset.done $0x0  }
0x48: {  	[sflag:s0] =	ssyncadd.s32 $0xFFFFE000  }
0x49: {  	_ =	swait.ge [sflag:s10], $0x2000  }
0x4a: {  	[sflag:s10] =	ssyncset.done $0x0  }
0x4b: {  	[sflag:s10] =	ssyncadd.s32 $0xFFFFE000  }
.LBB2_3:
0x4c: {  	s17 =	sshll.u32 s18, $0x4  }
0x4d: {  	v0 =	vld [tilespmem:s17+$0x100];
	_ =	sdelay $0x4  }
0x4e: {  	p1 =	por $0x1, $0x1;
	s4 =	simm.s32 $0x0;
	[tilespmem:$0x1FFE0] =	vst v0  }
.LBB2_4:
0x4f: {  	s1 =	sor.u32 s17, s4  }
0x50: {  	v4 =	vld [tilespmem:$0x1FFE0];
	s11 =	sshll.u32 s1, $0x7  }
0x51: {  	v5 =	vld [tilespmem:s11+$0x8400]  }
0x52: {  	v6 =	vld [tilespmem:s11+$0x4400]  }
0x53: {  	v7 =	vld [tilespmem:s11+$0x400]  }
0x54: {  	v8 =	vld [tilespmem:s11+$0x4410]  }
0x55: {  	v9 =	vld [tilespmem:s11+$0x410]  }
0x56: {  	v32 =	vld [tilespmem:s11+$0x8410]  }
0x57: {  	v33 =	vld [tilespmem:s11+$0x4420]  }
0x58: {  	v34 =	vld [tilespmem:s11+$0x420]  }
0x59: {  	v11 =	vld [tilespmem:s11+$0x4430]  }
0x5a: {  	v12 =	vld [tilespmem:s11+$0x430]  }
0x5b: {  	v39 =	vld [tilespmem:s11+$0x8440]  }
0x5c: {  	v42 =	vld [tilespmem:s11+$0x8420]  }
0x5d: {  	v46 =	vld [tilespmem:s11+$0x4450]  }
0x5e: {  	v47 =	vld [tilespmem:s11+$0x450]  }
0x5f: {  	v16 =	vmov s4;
	v20 =	vld [tilespmem:s11+$0x4460]  }
0x60: {  	v53 =	vld [tilespmem:s11+$0x460];
	v16 =	vperm.xlane v4, v16  }
0x61: {  	v50 =	vld [tilespmem:s11+$0x8430];
	v6 =	vmul.f32 v7, v6;
	v30 =	vunpack.i.l.bf16.f32 v5;
	v31 =	vmul.f32 v9, v8  }
0x62: {  	v19 =	vld [tilespmem:s11+$0x8450];
	v5 =	vunpack.i.u.bf16.f32 v5;
	v7 =	vmul.f32 v34, v33;
	v37 =	vunpack.i.l.bf16.f32 v32  }
0x63: {  	v38 =	vmul.f32 v12, v11;
	v8 =	vunpack.i.u.bf16.f32 v32;
	v18 =	vunpack.i.u.bf16.f32 v39  }
0x64: {  	v44 =	vld [tilespmem:s11+$0x4440];
	v52 =	vunpack.i.l.bf16.f32 v42;
	v9 =	vmul.f32 v47, v46;
	v6 =	vmul.f32 v6, v30  }
0x65: {  	s31 =	sor.u32 $0x1, s4;
	v14 =	vld [tilespmem:s11+$0x440];
	v11 =	vunpack.i.l.bf16.f32 v39;
	v12 =	vmul.f32 v53, v20;
	v5 =	vmul.f32 v31, v5  }
0x66: {  	s24 =	sor.u32 s17, s31;
	v21 =	vld [tilespmem:s11+$0x4470];
	v60 =	vunpack.i.l.bf16.f32 v50;
	v7 =	vmul.f32 v7, v37;
	v10 =	vperm.xlane v6, v25  }
0x67: {  	v56 =	vld [tilespmem:s11+$0x470];
	s24 =	sshll.u32 s24, $0x7;
	v61 =	vunpack.i.u.bf16.f32 v19;
	v8 =	vmul.f32 v38, v8;
	v12 =	vmul.f32 v12, v60  }
0x68: {  	v32 =	vld [tilespmem:s24+$0x8400];
	v35 =	vperm.xlane v5, v25;
	v41 =	vperm.xlane v7, v25;
	v6 =	vadd.f32 v6, v10  }
0x69: {  	v63 =	vunpack.i.l.bf16.f32 v19;
	v45 =	vperm.xlane v8, v25;
	v22 =	vperm.xlane v12, v25  }
0x6a: {  	v5 =	vadd.f32 v5, v35;
	v10 =	vunpack.i.u.bf16.f32 v42;
	v13 =	vperm.xlane v6, v1  }
0x6b: {  	v28 =	vld [tilespmem:s24+$0x4400];
	v7 =	vadd.f32 v7, v41;
	v8 =	vadd.f32 v8, v45;
	v9 =	vmul.f32 v9, v10  }
0x6c: {  	v30 =	vld [tilespmem:s24+$0x400];
	v10 =	vmul.f32 v56, v21;
	v6 =	vadd.f32 v6, v13;
	v13 =	vmul.f32 v14, v44  }
0x6d: {  	v39 =	vunpack.i.l.bf16.f32 v32;
	v36 =	vperm.xlane v5, v1;
	v17 =	vperm.xlane v7, v1  }
0x6e: {  	v19 =	vunpack.i.u.bf16.f32 v32;
	v49 =	vperm.xlane v8, v1;
	v13 =	vmul.f32 v13, v52  }
0x6f: {  	v58 =	vperm.xlane v9, v25;
	v5 =	vadd.f32 v5, v36;
	v7 =	vadd.f32 v7, v17  }
0x70: {  	v14 =	vunpack.i.u.bf16.f32 v50;
	v40 =	vperm.xlane v6, v2;
	v55 =	vperm.xlane v13, v25  }
0x71: {  	v8 =	vadd.f32 v8, v49;
	v10 =	vmul.f32 v10, v14;
	v14 =	vmul.f32 v30, v28  }
0x72: {  	v43 =	vperm.xlane v5, v2;
	v6 =	vadd.f32 v6, v40;
	v13 =	vadd.f32 v13, v55  }
0x73: {  	v9 =	vadd.f32 v9, v58;
	v51 =	vperm.xlane v7, v2;
	v54 =	vperm.xlane v8, v2  }
0x74: {  	v5 =	vadd.f32 v5, v43;
	v15 =	vperm.xlane v6, v3;
	v59 =	vperm.xlane v13, v1  }
0x75: {  	v29 =	vperm.xlane v10, v25;
	v7 =	vadd.f32 v7, v51;
	v8 =	vadd.f32 v8, v54  }
0x76: {  	v37 =	vld [tilespmem:s24+$0x4410];
	v62 =	vperm.xlane v9, v1;
	v6 =	vadd.f32 v6, v15;
	v13 =	vadd.f32 v13, v59  }
0x77: {  	v40 =	vld [tilespmem:s24+$0x410];
	v10 =	vadd.f32 v10, v29;
	v48 =	vperm.xlane v5, v3;
	v57 =	vperm.xlane v7, v3  }
0x78: {  	v12 =	vadd.f32 v12, v22;
	v6 =	vmul.f32 v6, v16;
	v23 =	vperm.xlane v13, v2  }
0x79: {  	v9 =	vadd.f32 v9, v62;
	v17 =	vperm.xlane v8, v3;
	v35 =	vperm.xlane v10, v1  }
0x7a: {  	v0 =	vmul.f32 v6, v11;
	v11 =	vadd.f32 v13, v23;
	v23 =	vperm.xlane v12, v1  }
0x7b: {  	v31 =	vperm.xlane v9, v2;
	v8 =	vadd.f32 v8, v17;
	v10 =	vadd.f32 v10, v35  }
0x7c: {  	v5 =	vadd.f32 v5, v48;
	v17 =	vmul.f32 v40, v37;
	v12 =	vadd.f32 v12, v23  }
0x7d: {  	v22 =	vld [tilespmem:s11+$0x8460];
	v9 =	vadd.f32 v9, v31;
	v33 =	vmul.f32 v8, v16;
	v43 =	vperm.xlane v10, v2  }
0x7e: {  	v7 =	vadd.f32 v7, v57;
	v34 =	vperm.xlane v11, v3;
	v38 =	vperm.xlane v12, v2  }
0x7f: {  	v36 =	vperm.xlane v9, v3;
	v13 =	vmul.f32 v14, v39;
	v14 =	vadd.f32 v10, v43  }
0x80: {  	v5 =	vmul.f32 v5, v16;
	v11 =	vadd.f32 v11, v34;
	v12 =	vadd.f32 v12, v38  }
0x81: {  	v9 =	vadd.f32 v9, v36;
	[tilespmem:$0x1FF90] =	vst v0;
	v0 =	vmul.f32 v33, v61;
	v48 =	vperm.xlane v14, v3  }
0x82: {  	v42 =	vld [tilespmem:s11+$0x8470];
	v41 =	vunpack.i.u.bf16.f32 v22;
	v11 =	vmul.f32 v11, v16;
	v46 =	vperm.xlane v12, v3  }
0x83: {  	v22 =	vunpack.i.l.bf16.f32 v22;
	v7 =	vmul.f32 v7, v16;
	v45 =	vmul.f32 v9, v16;
	[tilespmem:$0x1FFA0] =	vst v0;
	v0 =	vld [tilespmem:$0x1FFF0]  }
0x84: {  	v9 =	vmul.f32 v11, v22;
	v11 =	vadd.f32 v12, v46;
	v12 =	vadd.f32 v14, v48  }
0x85: {  	v44 =	vld [tilespmem:s24+$0x4420];
	v17 =	vmul.f32 v17, v19;
	v24 =	vperm.xlane v13, v25  }
0x86: {  	v25 =	vld [tilespmem:s24+$0x420];
	v11 =	vmul.f32 v11, v16;
	v16 =	vmul.f32 v12, v16  }
0x87: {  	v47 =	vld [tilespmem:s24+$0x8410];
	v49 =	vunpack.i.u.bf16.f32 v42  }
0x88: {  	v19 =	vperm.xlane v17, v0;
	v0 =	vmul.f32 v16, v49  }
0x89: {  	v52 =	vld [tilespmem:s24+$0x4430]  }
0x8a: {  	[tilespmem:$0x1FFB0] =	vst v0;
	v0 =	vld [tilespmem:$0x1FFF0]  }
0x8b: {  	v54 =	vld [tilespmem:s24+$0x430];
	v51 =	vmul.f32 v25, v44  }
0x8c: {  	v53 =	vunpack.i.l.bf16.f32 v47;
	v58 =	vld [tilespmem:s24+$0x440]  }
0x8d: {  	v13 =	vadd.f32 v13, v24;
	v24 =	vld [tilespmem:s24+$0x4440];
	v14 =	vmul.f32 v51, v53;
	_ =	sdelay $0x1  }
0x8e: {  	v50 =	vperm.xlane v13, v1;
	v17 =	vadd.f32 v17, v19;
	v57 =	vperm.xlane v14, v0;
	v0 =	vld [tilespmem:$0x1FFF0]  }
0x8f: {  	v15 =	vunpack.i.l.bf16.f32 v42;
	v61 =	vmul.f32 v54, v52  }
0x90: {  	v55 =	vld [tilespmem:s24+$0x8420];
	v6 =	vunpack.i.u.bf16.f32 v47;
	v13 =	vadd.f32 v13, v50;
	v60 =	vperm.xlane v17, v1  }
0x91: {  	v62 =	vld [tilespmem:s24+$0x450];
	v20 =	vmul.f32 v58, v24;
	v16 =	vmul.f32 v61, v6;
	v14 =	vadd.f32 v14, v57  }
0x92: {  	v25 =	vld [tilespmem:s24+$0x4450];
	v56 =	vperm.xlane v13, v2;
	v12 =	vmul.f32 v11, v15;
	v15 =	vadd.f32 v17, v60  }
0x93: {  	v26 =	vperm.xlane v14, v1;
	v24 =	vperm.xlane v16, v0;
	v0 =	vld [tilespmem:$0x1FFF0]  }
0x94: {  	v5 =	vmul.f32 v5, v18;
	v11 =	vperm.xlane v15, v2  }
0x95: {  	v13 =	vadd.f32 v13, v56;
	v14 =	vadd.f32 v14, v26;
	v26 =	vunpack.i.l.bf16.f32 v55  }
0x96: {  	v8 =	vmul.f32 v7, v63;
	v15 =	vadd.f32 v15, v11;
	v28 =	vmul.f32 v20, v26  }
0x97: {  	v7 =	vld [tilespmem:s24+$0x8440];
	v18 =	vmul.f32 v62, v25;
	v63 =	vperm.xlane v13, v3  }
0x98: {  	v59 =	vmov s31;
	v30 =	vperm.xlane v15, v3;
	v25 =	vperm.xlane v28, v0;
	v0 =	vld [tilespmem:$0x1FFF0]  }
0x99: {  	v19 =	vperm.xlane v4, v59;
	v13 =	vadd.f32 v13, v63  }
0x9a: {  	v21 =	vunpack.i.u.bf16.f32 v55;
	v15 =	vadd.f32 v15, v30  }
0x9b: {  	v18 =	vmul.f32 v18, v21;
	v13 =	vmul.f32 v13, v19  }
0x9c: {  	v35 =	vld [tilespmem:s24+$0x460];
	v22 =	vunpack.i.l.bf16.f32 v7;
	v15 =	vmul.f32 v15, v19;
	v16 =	vadd.f32 v16, v24  }
0x9d: {  	v33 =	vld [tilespmem:s24+$0x4460];
	v24 =	vunpack.i.u.bf16.f32 v7;
	v32 =	vperm.xlane v18, v0;
	v0 =	vmul.f32 v13, v22  }
0x9e: {  	v29 =	vperm.xlane v14, v2;
	v31 =	vperm.xlane v16, v1;
	v17 =	vadd.f32 v28, v25;
	v25 =	vld [tilespmem:s24+$0x8430]  }
0x9f: {  	[tilespmem:$0x1FFC0] =	vst v0;
	v0 =	vmul.f32 v15, v24  }
0xa0: {  	v14 =	vadd.f32 v14, v29;
	v29 =	vld [tilespmem:s24+$0x470];
	v16 =	vadd.f32 v16, v31  }
0xa1: {  	v26 =	vperm.xlane v17, v1;
	[tilespmem:$0x1FFD0] =	vst v0;
	v0 =	vld [tilespmem:$0x1FFF0]  }
0xa2: {  	v20 =	vmul.f32 v35, v33;
	v28 =	vld [tilespmem:s24+$0x4470];
	v27 =	vperm.xlane v16, v2  }
0xa3: {  	v10 =	vmul.f32 v45, v41;
	v17 =	vadd.f32 v17, v26;
	v41 =	vunpack.i.l.bf16.f32 v25  }
0xa4: {  	v36 =	vadd.f32 v16, v27;
	v20 =	vmul.f32 v20, v41  }
0xa5: {  	v18 =	vadd.f32 v18, v32;
	v39 =	vperm.xlane v17, v2  }
0xa6: {  	v24 =	vperm.xlane v36, v3;
	v27 =	vperm.xlane v20, v0;
	v0 =	vld [tilespmem:$0x1FFF0]  }
0xa7: {  	s26 =	sor.u32 $0x2, s4;
	v42 =	vmul.f32 v29, v28;
	v26 =	vperm.xlane v18, v1;
	v17 =	vadd.f32 v17, v39  }
0xa8: {  	s25 =	sor.u32 s17, s26;
	v37 =	vld [tilespmem:s24+$0x8450];
	v43 =	vunpack.i.u.bf16.f32 v25;
	v15 =	vadd.f32 v36, v24  }
0xa9: {  	s25 =	sshll.u32 s25, $0x7;
	v24 =	vld [tilespmem:s24+$0x8460];
	v21 =	vmul.f32 v42, v43;
	v18 =	vadd.f32 v18, v26;
	v26 =	vperm.xlane v17, v3  }
0xaa: {  	v46 =	vld [tilespmem:s25+$0x4400]  }
0xab: {  	v17 =	vadd.f32 v17, v26;
	v20 =	vadd.f32 v20, v27;
	v27 =	vld [tilespmem:s25+$0x400];
	v26 =	vperm.xlane v21, v0  }
0xac: {  	v44 =	vld [tilespmem:s25+$0x8400];
	v15 =	vmul.f32 v15, v19  }
0xad: {  	v25 =	vunpack.i.u.bf16.f32 v37;
	v17 =	vmul.f32 v17, v19;
	v21 =	vadd.f32 v21, v26  }
0xae: {  	v47 =	vld [tilespmem:s25+$0x4410];
	v13 =	vmul.f32 v15, v25;
	v48 =	vunpack.i.u.bf16.f32 v24;
	v24 =	vunpack.i.l.bf16.f32 v24  }
0xaf: {  	v17 =	vmul.f32 v17, v24;
	v0 =	vld [tilespmem:$0x1FFF0];
	v24 =	vperm.xlane v21, v1  }
0xb0: {  	v25 =	vperm.xlane v20, v1;
	v26 =	vld [tilespmem:s25+$0x410];
	v27 =	vmul.f32 v27, v46  }
0xb1: {  	v34 =	vperm.xlane v14, v3;
	v21 =	vadd.f32 v21, v24;
	v24 =	vunpack.i.l.bf16.f32 v44  }
0xb2: {  	v20 =	vadd.f32 v20, v25;
	v24 =	vmul.f32 v27, v24  }
0xb3: {  	v49 =	vld [tilespmem:s25+$0x420];
	v23 =	vadd.f32 v14, v34;
	v40 =	vperm.xlane v18, v2  }
0xb4: {  	v50 =	vperm.xlane v20, v2;
	v51 =	vperm.xlane v24, v0;
	v0 =	vld [tilespmem:$0x1FFF0]  }
0xb5: {  	v38 =	vmul.f32 v23, v19;
	v25 =	vld [tilespmem:s25+$0x4420];
	v22 =	vmul.f32 v26, v47  }
0xb6: {  	v30 =	vld [tilespmem:s25+$0x8410];
	v23 =	vunpack.i.u.bf16.f32 v44;
	v18 =	vadd.f32 v18, v40;
	v20 =	vadd.f32 v20, v50  }
0xb7: {  	v22 =	vmul.f32 v22, v23  }
0xb8: {  	v31 =	vld [tilespmem:s25+$0x430];
	v45 =	vperm.xlane v18, v3;
	v52 =	vperm.xlane v20, v3  }
0xb9: {  	v26 =	vperm.xlane v21, v2;
	v53 =	vperm.xlane v22, v0;
	v0 =	vld [tilespmem:$0x1FFF0]  }
0xba: {  	v18 =	vadd.f32 v18, v45;
	v25 =	vmul.f32 v49, v25;
	v27 =	vld [tilespmem:s24+$0x8470];
	v20 =	vadd.f32 v20, v52  }
0xbb: {  	v54 =	vunpack.i.l.bf16.f32 v30;
	v21 =	vadd.f32 v21, v26;
	v26 =	vld [tilespmem:s25+$0x4430];
	v24 =	vadd.f32 v24, v51  }
0xbc: {  	v18 =	vmul.f32 v18, v19;
	v25 =	vmul.f32 v25, v54  }
0xbd: {  	v20 =	vmul.f32 v20, v19;
	v55 =	vperm.xlane v24, v1;
	v22 =	vadd.f32 v22, v53  }
0xbe: {  	v32 =	vperm.xlane v21, v3;
	v29 =	vperm.xlane v25, v0  }
0xbf: {  	v56 =	vunpack.i.u.bf16.f32 v27;
	v23 =	vadd.f32 v24, v55;
	v24 =	vperm.xlane v22, v1;
	v0 =	vld [tilespmem:$0x1FFF0]  }
0xc0: {  	v21 =	vadd.f32 v21, v32;
	v57 =	vmul.f32 v31, v26;
	v25 =	vadd.f32 v25, v29  }
0xc1: {  	v26 =	vperm.xlane v23, v2;
	v22 =	vadd.f32 v22, v24;
	v24 =	vunpack.i.u.bf16.f32 v30  }
0xc2: {  	v58 =	vld [tilespmem:s25+$0x4440];
	v27 =	vunpack.i.l.bf16.f32 v27;
	v24 =	vmul.f32 v57, v24;
	v59 =	vperm.xlane v25, v1  }
0xc3: {  	v60 =	vld [tilespmem:s25+$0x440];
	v21 =	vmul.f32 v21, v19;
	v19 =	vmul.f32 v20, v27;
	v23 =	vadd.f32 v23, v26  }
0xc4: {  	v27 =	vld [tilespmem:s25+$0x8420];
	v26 =	vperm.xlane v22, v2;
	v62 =	vperm.xlane v24, v0;
	v25 =	vadd.f32 v25, v59  }
0xc5: {  	v11 =	vld [tilespmem:s25+$0x4450]  }
0xc6: {  	v33 =	vld [tilespmem:s25+$0x450];
	v22 =	vadd.f32 v22, v26;
	v24 =	vadd.f32 v24, v62;
	v26 =	vperm.xlane v25, v2  }
0xc7: {  	v0 =	vld [tilespmem:$0x1FFF0]  }
0xc8: {  	v41 =	vld [tilespmem:s25+$0x8430];
	v29 =	vmul.f32 v60, v58;
	v25 =	vadd.f32 v25, v26;
	v26 =	vperm.xlane v24, v1  }
0xc9: {  	v36 =	vld [tilespmem:s25+$0x460];
	v39 =	vunpack.i.l.bf16.f32 v27  }
0xca: {  	v45 =	vld [tilespmem:s25+$0x470];
	v40 =	vmul.f32 v29, v39;
	v42 =	vperm.xlane v25, v3;
	v24 =	vadd.f32 v24, v26  }
0xcb: {  	v44 =	vld [tilespmem:s25+$0x4470]  }
0xcc: {  	s29 =	sor.u32 $0x3, s4;
	v35 =	vperm.xlane v40, v0;
	v0 =	vld [tilespmem:$0x1FFF0];
	v43 =	vadd.f32 v25, v42;
	v25 =	vperm.xlane v24, v2  }
0xcd: {  	v63 =	vmov s26;
	s26 =	sor.u32 s17, s29;
	v31 =	vmul.f32 v33, v11;
	v26 =	vld [tilespmem:s25+$0x4460]  }
0xce: {  	v61 =	vld [tilespmem:s25+$0x8440];
	s26 =	sshll.u32 s26, $0x7;
	v24 =	vadd.f32 v24, v25;
	v25 =	vunpack.i.u.bf16.f32 v27  }
0xcf: {  	v16 =	vunpack.i.l.bf16.f32 v37;
	v51 =	vld [tilespmem:s26+$0x8400];
	v25 =	vmul.f32 v31, v25  }
0xd0: {  	v16 =	vmul.f32 v38, v16;
	v18 =	vmul.f32 v18, v48;
	v53 =	vld [tilespmem:s26+$0x4400]  }
0xd1: {  	v6 =	vperm.xlane v23, v3;
	v48 =	vperm.xlane v25, v0;
	v0 =	vld [tilespmem:$0x1FFF0]  }
0xd2: {  	v49 =	vunpack.i.l.bf16.f32 v41;
	v50 =	vmul.f32 v45, v44;
	v58 =	vld [tilespmem:s26+$0x410];
	v26 =	vmul.f32 v36, v26  }
0xd3: {  	v20 =	vmul.f32 v21, v56;
	v30 =	vperm.xlane v4, v63;
	v23 =	vadd.f32 v23, v6;
	v39 =	vld [tilespmem:s26+$0x4410]  }
0xd4: {  	v56 =	vld [tilespmem:s26+$0x400];
	v7 =	vperm.xlane v22, v3;
	v28 =	vadd.f32 v40, v35;
	v26 =	vmul.f32 v26, v49  }
0xd5: {  	v21 =	vunpack.i.l.bf16.f32 v61;
	v29 =	vunpack.i.u.bf16.f32 v41;
	v23 =	vmul.f32 v23, v30  }
0xd6: {  	v22 =	vadd.f32 v22, v7;
	v46 =	vperm.xlane v28, v1;
	v55 =	vperm.xlane v26, v0;
	v0 =	vld [tilespmem:$0x1FFF0]  }
0xd7: {  	v34 =	vunpack.i.u.bf16.f32 v61;
	v29 =	vmul.f32 v50, v29;
	v21 =	vmul.f32 v23, v21  }
0xd8: {  	v6 =	vmul.f32 v58, v39;
	v22 =	vmul.f32 v22, v30;
	v27 =	vld [tilespmem:s25+$0x8450];
	v28 =	vadd.f32 v28, v46  }
0xd9: {  	v63 =	vunpack.i.l.bf16.f32 v51;
	v31 =	vmul.f32 v56, v53;
	v47 =	vperm.xlane v24, v3  }
0xda: {  	v23 =	vmul.f32 v43, v30;
	v52 =	vperm.xlane v28, v2;
	v25 =	vadd.f32 v25, v48  }
0xdb: {  	v31 =	vmul.f32 v31, v63;
	v24 =	vadd.f32 v24, v47;
	v57 =	vperm.xlane v29, v0  }
0xdc: {  	v28 =	vadd.f32 v28, v52;
	v38 =	vperm.xlane v25, v1;
	v26 =	vadd.f32 v26, v55;
	v0 =	vld [tilespmem:$0x1FFF0]  }
0xdd: {  	v54 =	vunpack.i.u.bf16.f32 v27;
	v27 =	vunpack.i.l.bf16.f32 v27;
	v29 =	vadd.f32 v29, v57  }
0xde: {  	v50 =	vld [tilespmem:s26+$0x420];
	v37 =	vmul.f32 v24, v30;
	v25 =	vadd.f32 v25, v38;
	v60 =	vperm.xlane v26, v1  }
0xdf: {  	v32 =	vunpack.i.u.bf16.f32 v51;
	v47 =	vld [tilespmem:s26+$0x4420];
	v24 =	vmul.f32 v23, v27;
	v62 =	vperm.xlane v29, v1  }
0xe0: {  	v27 =	vld [tilespmem:s25+$0x8460];
	v59 =	vperm.xlane v28, v3;
	v61 =	vperm.xlane v25, v2;
	v26 =	vadd.f32 v26, v60  }
0xe1: {  	v23 =	vmul.f32 v37, v54;
	v37 =	vperm.xlane v31, v0;
	v0 =	vld [tilespmem:$0x1FFF0];
	v29 =	vadd.f32 v29, v62  }
0xe2: {  	v32 =	vmul.f32 v6, v32;
	v25 =	vadd.f32 v25, v61;
	v7 =	vperm.xlane v26, v2  }
0xe3: {  	v15 =	vmul.f32 v22, v34;
	v28 =	vadd.f32 v28, v59;
	v44 =	vperm.xlane v29, v2  }
0xe4: {  	v54 =	vmul.f32 v50, v47;
	v14 =	vperm.xlane v25, v3;
	v26 =	vadd.f32 v26, v7  }
0xe5: {  	v46 =	vld [tilespmem:s26+$0x8410];
	v28 =	vmul.f32 v28, v30;
	v11 =	vunpack.i.u.bf16.f32 v27;
	v29 =	vadd.f32 v29, v44  }
0xe6: {  	v41 =	vld [tilespmem:s26+$0x4430];
	v25 =	vadd.f32 v25, v14;
	v48 =	vperm.xlane v26, v3;
	v45 =	vperm.xlane v32, v0  }
0xe7: {  	v42 =	vld [tilespmem:s26+$0x430];
	v27 =	vunpack.i.l.bf16.f32 v27;
	v31 =	vadd.f32 v31, v37;
	v40 =	vperm.xlane v29, v3  }
0xe8: {  	v25 =	vmul.f32 v25, v30;
	v38 =	vadd.f32 v26, v48;
	v0 =	vld [tilespmem:$0x1FFF0];
	v32 =	vadd.f32 v32, v45  }
0xe9: {  	v49 =	vperm.xlane v31, v1;
	v26 =	vmul.f32 v28, v27;
	v27 =	vadd.f32 v29, v40  }
0xea: {  	v22 =	vld [tilespmem:s25+$0x8470];
	v57 =	vunpack.i.l.bf16.f32 v46;
	v52 =	vmul.f32 v38, v30;
	v51 =	vperm.xlane v32, v1  }
0xeb: {  	v63 =	vld [tilespmem:s26+$0x4440];
	v27 =	vmul.f32 v27, v30;
	v30 =	vmul.f32 v54, v57  }
0xec: {  	v59 =	vmul.f32 v42, v41;
	v55 =	vld [tilespmem:s26+$0x8440];
	v31 =	vadd.f32 v31, v49;
	v32 =	vadd.f32 v32, v51  }
0xed: {  	v25 =	vmul.f32 v25, v11;
	v7 =	vperm.xlane v30, v0;
	v0 =	vld [tilespmem:$0x1FFF0]  }
0xee: {  	v11 =	vld [tilespmem:s26+$0x440];
	v53 =	vperm.xlane v31, v2;
	v56 =	vperm.xlane v32, v2  }
0xef: {  	v60 =	vld [tilespmem:s26+$0x8420];
	v62 =	vunpack.i.u.bf16.f32 v46  }
0xf0: {  	v29 =	vadd.f32 v31, v53;
	v31 =	vadd.f32 v32, v56;
	v32 =	vmul.f32 v59, v62  }
0xf1: {  	v43 =	vld [tilespmem:s26+$0x4450]  }
0xf2: {  	v58 =	vunpack.i.u.bf16.f32 v22;
	v35 =	vunpack.i.l.bf16.f32 v22;
	v22 =	vperm.xlane v32, v0;
	v0 =	vld [tilespmem:$0x1FFF0]  }
0xf3: {  	v44 =	vld [tilespmem:s26+$0x450];
	v34 =	vmul.f32 v11, v63  }
0xf4: {  	v33 =	vunpack.i.l.bf16.f32 v55;
	v47 =	vunpack.i.l.bf16.f32 v60;
	v48 =	vunpack.i.u.bf16.f32 v55;
	v55 =	vld [tilespmem:s26+$0x460]  }
0xf5: {  	v49 =	vld [tilespmem:s26+$0x8450];
	v34 =	vmul.f32 v34, v47  }
0xf6: {  	v6 =	vmov s29;
	v28 =	vmul.f32 v52, v35;
	v53 =	vld [tilespmem:s26+$0x4460]  }
0xf7: {  	v40 =	vperm.xlane v4, v6;
	v30 =	vadd.f32 v30, v7;
	v54 =	vperm.xlane v34, v0;
	v0 =	vld [tilespmem:$0x1FFF0]  }
0xf8: {  	s30 =	sor.u32 $0x4, s4;
	v50 =	vmul.f32 v44, v43;
	v61 =	vperm.xlane v29, v3  }
0xf9: {  	s29 =	sor.u32 s17, s30;
	v52 =	vunpack.i.u.bf16.f32 v60;
	v27 =	vmul.f32 v27, v58;
	v58 =	vld [tilespmem:s26+$0x8430];
	v45 =	vperm.xlane v30, v1  }
0xfa: {  	s29 =	sshll.u32 s29, $0x7;
	v63 =	vld [tilespmem:s26+$0x470];
	v39 =	vunpack.i.l.bf16.f32 v49;
	v36 =	vmul.f32 v50, v52;
	v14 =	vperm.xlane v31, v3  }
0xfb: {  	v47 =	vld [tilespmem:s29+$0x4410];
	v29 =	vadd.f32 v29, v61;
	v38 =	vmul.f32 v55, v53;
	v35 =	vadd.f32 v30, v45  }
0xfc: {  	v31 =	vadd.f32 v31, v14;
	v32 =	vadd.f32 v32, v22;
	v60 =	vperm.xlane v36, v0;
	v0 =	vld [tilespmem:$0x1FFF0]  }
0xfd: {  	v61 =	vld [tilespmem:s26+$0x4470];
	v62 =	vunpack.i.u.bf16.f32 v49;
	v29 =	vmul.f32 v29, v40;
	v51 =	vperm.xlane v35, v2  }
0xfe: {  	v49 =	vld [tilespmem:s29+$0x400];
	v11 =	vunpack.i.l.bf16.f32 v58;
	v31 =	vmul.f32 v31, v40;
	v46 =	vperm.xlane v32, v1  }
0xff: {  	v14 =	vmul.f32 v38, v11;
	v22 =	vld [tilespmem:s29+$0x4400];
	v56 =	vadd.f32 v35, v51  }
0x100: {  	v53 =	vld [tilespmem:s29+$0x8400];
	v30 =	vmul.f32 v29, v33;
	v29 =	vmul.f32 v31, v48;
	v32 =	vadd.f32 v32, v46  }
0x101: {  	v59 =	vadd.f32 v34, v54;
	v44 =	vperm.xlane v56, v3;
	v52 =	vperm.xlane v14, v0;
	v0 =	vld [tilespmem:$0x1FFF0]  }
0x102: {  	v55 =	vld [tilespmem:s29+$0x410];
	v35 =	vmul.f32 v63, v61;
	v51 =	vunpack.i.u.bf16.f32 v58;
	v57 =	vperm.xlane v32, v2  }
0x103: {  	v45 =	vperm.xlane v59, v1;
	v33 =	vadd.f32 v56, v44;
	v34 =	vadd.f32 v36, v60  }
0x104: {  	v35 =	vmul.f32 v35, v51;
	v37 =	vmul.f32 v49, v22;
	v32 =	vadd.f32 v32, v57  }
0x105: {  	v31 =	vadd.f32 v59, v45;
	v33 =	vmul.f32 v33, v40;
	v7 =	vperm.xlane v34, v1  }
0x106: {  	v6 =	vperm.xlane v32, v3;
	v60 =	vunpack.i.l.bf16.f32 v53;
	v57 =	vperm.xlane v35, v0;
	v0 =	vld [tilespmem:$0x1FFF0]  }
0x107: {  	v36 =	vmul.f32 v55, v47;
	v48 =	vperm.xlane v31, v2;
	v34 =	vadd.f32 v34, v7  }
0x108: {  	v37 =	vmul.f32 v37, v60;
	v32 =	vadd.f32 v32, v6;
	v54 =	vadd.f32 v14, v52  }
0x109: {  	v61 =	vld [tilespmem:s26+$0x8460];
	v6 =	vunpack.i.u.bf16.f32 v53;
	v44 =	vadd.f32 v31, v48;
	v46 =	vperm.xlane v34, v2  }
0x10a: {  	v36 =	vmul.f32 v36, v6;
	v58 =	vperm.xlane v54, v1  }
0x10b: {  	v56 =	vperm.xlane v44, v3;
	v34 =	vadd.f32 v34, v46;
	v7 =	vperm.xlane v37, v0;
	v0 =	vld [tilespmem:$0x1FFF0]  }
0x10c: {  	v53 =	vld [tilespmem:s29+$0x420];
	v50 =	vmul.f32 v32, v40;
	v32 =	vmul.f32 v33, v39;
	v33 =	vadd.f32 v54, v58  }
0x10d: {  	v52 =	vld [tilespmem:s29+$0x4420];
	v39 =	vadd.f32 v44, v56;
	v59 =	vperm.xlane v34, v3;
	v35 =	vadd.f32 v35, v57  }
0x10e: {  	v49 =	vunpack.i.l.bf16.f32 v61;
	v55 =	vld [tilespmem:s29+$0x8410];
	v31 =	vmul.f32 v50, v62;
	v63 =	vperm.xlane v33, v2  }
0x10f: {  	v42 =	vld [tilespmem:s26+$0x8470];
	v39 =	vmul.f32 v39, v40;
	v34 =	vadd.f32 v34, v59;
	v62 =	vperm.xlane v35, v1  }
0x110: {  	v58 =	vld [tilespmem:s29+$0x4430];
	v41 =	vadd.f32 v33, v63;
	v37 =	vadd.f32 v37, v7;
	v48 =	vperm.xlane v36, v0  }
0x111: {  	v35 =	vadd.f32 v35, v62;
	v11 =	vmul.f32 v34, v40;
	v34 =	vmul.f32 v39, v49;
	v0 =	vld [tilespmem:$0x1FFF0]  }
0x112: {  	v39 =	vmul.f32 v53, v52;
	v51 =	vperm.xlane v37, v1;
	v36 =	vadd.f32 v36, v48;
	v48 =	vld [tilespmem:s29+$0x430]  }
0x113: {  	v14 =	vunpack.i.u.bf16.f32 v61;
	v60 =	vunpack.i.l.bf16.f32 v55;
	v63 =	vld [tilespmem:s29+$0x4440];
	v50 =	vperm.xlane v41, v3  }
0x114: {  	v7 =	vld [tilespmem:s29+$0x440];
	v22 =	vperm.xlane v35, v2;
	v39 =	vmul.f32 v39, v60;
	v37 =	vadd.f32 v37, v51  }
0x115: {  	v61 =	vmov s30;
	v33 =	vmul.f32 v11, v14;
	v54 =	vadd.f32 v41, v50  }
0x116: {  	v35 =	vadd.f32 v35, v22;
	v46 =	vperm.xlane v37, v2;
	v11 =	vperm.xlane v39, v0;
	v0 =	vld [tilespmem:$0x1FFF0]  }
0x117: {  	v52 =	vld [tilespmem:s29+$0x4460];
	v41 =	vunpack.i.u.bf16.f32 v55;
	v38 =	vmul.f32 v54, v40;
	v6 =	vmul.f32 v48, v58  }
0x118: {  	v56 =	vperm.xlane v35, v3;
	v57 =	vperm.xlane v36, v1;
	v37 =	vadd.f32 v37, v46;
	v46 =	vld [tilespmem:s29+$0x8420]  }
0x119: {  	v49 =	vunpack.i.l.bf16.f32 v42;
	v14 =	vld [tilespmem:s29+$0x4450];
	v44 =	vmul.f32 v7, v63;
	v41 =	vmul.f32 v6, v41  }
0x11a: {  	v51 =	vld [tilespmem:s29+$0x450];
	v43 =	vadd.f32 v35, v56;
	v35 =	vmul.f32 v38, v49;
	v36 =	vadd.f32 v36, v57  }
0x11b: {  	v62 =	vperm.xlane v37, v3;
	v39 =	vadd.f32 v39, v11;
	v57 =	vperm.xlane v41, v0;
	v0 =	vld [tilespmem:$0x1FFF0]  }
0x11c: {  	v42 =	vunpack.i.u.bf16.f32 v42;
	v38 =	vld [tilespmem:s29+$0x8440];
	v40 =	vmul.f32 v43, v40;
	v59 =	vperm.xlane v36, v2  }
0x11d: {  	v37 =	vadd.f32 v37, v62;
	v58 =	vperm.xlane v39, v1;
	v62 =	vld [tilespmem:s29+$0x4470];
	v60 =	vunpack.i.l.bf16.f32 v46  }
0x11e: {  	v6 =	vld [tilespmem:s29+$0x470];
	v43 =	vadd.f32 v36, v59;
	v36 =	vmul.f32 v40, v42;
	v42 =	vmul.f32 v44, v60  }
0x11f: {  	v47 =	vperm.xlane v4, v61;
	v59 =	vld [tilespmem:s29+$0x460]  }
0x120: {  	v39 =	vadd.f32 v39, v58;
	v50 =	vperm.xlane v43, v3;
	v7 =	vperm.xlane v42, v0;
	v0 =	vld [tilespmem:$0x1FFF0]  }
0x121: {  	v61 =	vmul.f32 v51, v14;
	v46 =	vunpack.i.u.bf16.f32 v46;
	v41 =	vadd.f32 v41, v57  }
0x122: {  	v37 =	vmul.f32 v37, v47;
	v53 =	vperm.xlane v39, v2;
	v43 =	vadd.f32 v43, v50;
	v50 =	vld [tilespmem:s29+$0x8430]  }
0x123: {  	v56 =	vunpack.i.l.bf16.f32 v38;
	v46 =	vmul.f32 v61, v46;
	v63 =	vperm.xlane v41, v1  }
0x124: {  	v40 =	vld [tilespmem:s29+$0x8450];
	v37 =	vmul.f32 v37, v56;
	v44 =	vmul.f32 v6, v62;
	v39 =	vadd.f32 v39, v53  }
0x125: {  	v55 =	vmul.f32 v59, v52;
	v41 =	vadd.f32 v41, v63;
	v11 =	vperm.xlane v46, v0;
	v0 =	vld [tilespmem:$0x1FFF0]  }
0x126: {  	s1 =	sor.u32 $0x5, s4;
	v38 =	vunpack.i.u.bf16.f32 v38;
	v43 =	vmul.f32 v43, v47;
	v60 =	vperm.xlane v39, v3  }
0x127: {  	s31 =	sor.u32 s17, s1;
	v42 =	vadd.f32 v42, v7;
	v14 =	vperm.xlane v41, v2;
	v57 =	vunpack.i.l.bf16.f32 v50  }
0x128: {  	s30 =	sshll.u32 s31, $0x7;
	v38 =	vmul.f32 v43, v38;
	v43 =	vmul.f32 v55, v57;
	v56 =	vadd.f32 v46, v11  }
0x129: {  	v6 =	vld [tilespmem:s30+$0x4400];
	v48 =	vunpack.i.u.bf16.f32 v40;
	v58 =	vperm.xlane v42, v1;
	v41 =	vadd.f32 v41, v14  }
0x12a: {  	v39 =	vadd.f32 v39, v60;
	v59 =	vperm.xlane v56, v1;
	v61 =	vperm.xlane v43, v0;
	v0 =	vld [tilespmem:$0x1FFF0]  }
0x12b: {  	v40 =	vunpack.i.l.bf16.f32 v40;
	v14 =	vld [tilespmem:s30+$0x400];
	v42 =	vadd.f32 v42, v58;
	v7 =	vperm.xlane v41, v3  }
0x12c: {  	v53 =	vld [tilespmem:s30+$0x8400];
	v50 =	vunpack.i.u.bf16.f32 v50;
	v39 =	vmul.f32 v39, v47;
	v45 =	vadd.f32 v56, v59  }
0x12d: {  	v60 =	vld [tilespmem:s29+$0x8460];
	v44 =	vmul.f32 v44, v50;
	v63 =	vperm.xlane v42, v2;
	v41 =	vadd.f32 v41, v7  }
0x12e: {  	v55 =	vld [tilespmem:s30+$0x4410];
	v39 =	vmul.f32 v39, v40;
	v11 =	vperm.xlane v45, v2  }
0x12f: {  	v42 =	vadd.f32 v42, v63;
	v63 =	vld [tilespmem:s30+$0x410];
	v41 =	vmul.f32 v41, v47;
	v62 =	vperm.xlane v44, v0  }
0x130: {  	v46 =	vmul.f32 v14, v6;
	v43 =	vadd.f32 v43, v61;
	v45 =	vadd.f32 v45, v11;
	v0 =	vld [tilespmem:$0x1FFF0]  }
0x131: {  	v59 =	vperm.xlane v42, v3;
	v40 =	vmul.f32 v41, v48;
	v44 =	vadd.f32 v44, v62  }
0x132: {  	v57 =	vperm.xlane v43, v1;
	v52 =	vperm.xlane v45, v3;
	v62 =	vunpack.i.l.bf16.f32 v53  }
0x133: {  	v50 =	vunpack.i.u.bf16.f32 v60;
	v14 =	vld [tilespmem:s30+$0x4420];
	v46 =	vmul.f32 v46, v62;
	v58 =	vperm.xlane v44, v1  }
0x134: {  	v42 =	vadd.f32 v42, v59;
	v48 =	vmul.f32 v63, v55;
	v43 =	vadd.f32 v43, v57;
	v57 =	vld [tilespmem:s30+$0x420]  }
0x135: {  	v45 =	vadd.f32 v45, v52;
	v52 =	vperm.xlane v46, v0;
	v0 =	vld [tilespmem:$0x1FFF0];
	v44 =	vadd.f32 v44, v58  }
0x136: {  	v7 =	vunpack.i.l.bf16.f32 v60;
	v6 =	vmul.f32 v42, v47;
	v54 =	vperm.xlane v43, v2  }
0x137: {  	v60 =	vunpack.i.u.bf16.f32 v53;
	v58 =	vadd.f32 v46, v52;
	v46 =	vld [tilespmem:s30+$0x8410];
	v61 =	vperm.xlane v44, v2  }
0x138: {  	v51 =	vld [tilespmem:s29+$0x8470];
	v63 =	vmul.f32 v48, v60;
	v42 =	vmul.f32 v6, v7;
	v43 =	vadd.f32 v43, v54  }
0x139: {  	v62 =	vld [tilespmem:s30+$0x430];
	v45 =	vmul.f32 v45, v47;
	v6 =	vmul.f32 v57, v14;
	v44 =	vadd.f32 v44, v61  }
0x13a: {  	v11 =	vperm.xlane v43, v3;
	v7 =	vperm.xlane v63, v0;
	v0 =	vld [tilespmem:$0x1FFF0]  }
0x13b: {  	v41 =	vmul.f32 v45, v50;
	v50 =	vld [tilespmem:s30+$0x4430];
	v56 =	vperm.xlane v44, v3  }
0x13c: {  	v43 =	vadd.f32 v43, v11;
	v11 =	vunpack.i.l.bf16.f32 v46  }
0x13d: {  	v59 =	vunpack.i.u.bf16.f32 v51;
	v14 =	vld [tilespmem:s30+$0x440];
	v48 =	vmul.f32 v6, v11;
	v44 =	vadd.f32 v44, v56  }
0x13e: {  	v51 =	vunpack.i.l.bf16.f32 v51;
	v57 =	vld [tilespmem:s30+$0x8420];
	v61 =	vperm.xlane v58, v1;
	v43 =	vmul.f32 v43, v47  }
0x13f: {  	v44 =	vmul.f32 v44, v47;
	v47 =	vadd.f32 v63, v7;
	v63 =	vperm.xlane v48, v0;
	v0 =	vld [tilespmem:$0x1FFF0]  }
0x140: {  	v45 =	vadd.f32 v58, v61;
	v43 =	vmul.f32 v43, v51;
	v51 =	vld [tilespmem:s30+$0x4440];
	v62 =	vmul.f32 v62, v50  }
0x141: {  	v46 =	vunpack.i.u.bf16.f32 v46  }
0x142: {  	v60 =	vmov s1;
	v61 =	vperm.xlane v45, v2;
	v46 =	vmul.f32 v62, v46  }
0x143: {  	v54 =	vld [tilespmem:s30+$0x8440];
	v52 =	vperm.xlane v4, v60  }
0x144: {  	v45 =	vadd.f32 v45, v61;
	v6 =	vperm.xlane v47, v1;
	v60 =	vperm.xlane v46, v0;
	v0 =	vld [tilespmem:$0x1FFF0]  }
0x145: {  	v7 =	vld [tilespmem:s30+$0x4450];
	v61 =	vunpack.i.l.bf16.f32 v57;
	v48 =	vadd.f32 v48, v63;
	v11 =	vmul.f32 v14, v51  }
0x146: {  	v44 =	vmul.f32 v44, v59;
	v56 =	vperm.xlane v45, v3;
	v14 =	vld [tilespmem:s30+$0x450];
	v47 =	vadd.f32 v47, v6  }
0x147: {  	v59 =	vperm.xlane v48, v1;
	v50 =	vmul.f32 v11, v61  }
0x148: {  	v58 =	vunpack.i.u.bf16.f32 v54;
	v45 =	vadd.f32 v45, v56;
	v62 =	vperm.xlane v47, v2  }
0x149: {  	v53 =	vld [tilespmem:s30+$0x4460];
	v54 =	vunpack.i.l.bf16.f32 v54;
	v48 =	vadd.f32 v48, v59;
	v63 =	vperm.xlane v50, v0  }
0x14a: {  	v45 =	vmul.f32 v45, v52;
	v46 =	vadd.f32 v46, v60;
	v60 =	vld [tilespmem:s30+$0x460];
	v47 =	vadd.f32 v47, v62  }
0x14b: {  	v49 =	vmul.f32 v14, v7;
	v7 =	vperm.xlane v48, v2;
	v50 =	vadd.f32 v50, v63  }
0x14c: {  	v11 =	vunpack.i.u.bf16.f32 v57;
	v6 =	vperm.xlane v46, v1;
	v14 =	vperm.xlane v47, v3;
	v0 =	vld [tilespmem:$0x1FFF0]  }
0x14d: {  	v56 =	vld [tilespmem:s30+$0x8430];
	v45 =	vmul.f32 v45, v54;
	v48 =	vadd.f32 v48, v7;
	v61 =	vperm.xlane v50, v1  }
0x14e: {  	v49 =	vmul.f32 v49, v11;
	v46 =	vadd.f32 v46, v6;
	v47 =	vadd.f32 v47, v14  }
0x14f: {  	v6 =	vperm.xlane v48, v3;
	v53 =	vmul.f32 v60, v53;
	v50 =	vadd.f32 v50, v61  }
0x150: {  	v57 =	vld [tilespmem:s30+$0x8450];
	v62 =	vperm.xlane v46, v2;
	v47 =	vmul.f32 v47, v52  }
0x151: {  	s1 =	sor.u32 $0x6, s4;
	v54 =	vld [tilespmem:s30+$0x470];
	v63 =	vperm.xlane v49, v0;
	v11 =	vperm.xlane v50, v2  }
0x152: {  	s31 =	sor.u32 s17, s1;
	v60 =	vunpack.i.l.bf16.f32 v56;
	v7 =	vadd.f32 v46, v62;
	v0 =	vld [tilespmem:$0x1FFF0];
	v46 =	vmul.f32 v47, v58  }
0x153: {  	s31 =	sshll.u32 s31, $0x7;
	v49 =	vadd.f32 v49, v63;
	v47 =	vadd.f32 v50, v11;
	v50 =	vmul.f32 v53, v60;
	v53 =	vld [tilespmem:s30+$0x4470]  }
0x154: {  	v48 =	vadd.f32 v48, v6;
	v62 =	vld [tilespmem:s31+$0x400]  }
0x155: {  	v14 =	vperm.xlane v7, v3;
	v59 =	vperm.xlane v49, v1;
	v11 =	vld [tilespmem:s31+$0x4400]  }
0x156: {  	v56 =	vunpack.i.u.bf16.f32 v56;
	v48 =	vmul.f32 v48, v52;
	v58 =	vld [tilespmem:s31+$0x8400]  }
0x157: {  	v51 =	vadd.f32 v7, v14;
	v49 =	vadd.f32 v49, v59;
	v7 =	vperm.xlane v50, v0;
	v0 =	vld [tilespmem:$0x1FFF0]  }
0x158: {  	v14 =	vunpack.i.u.bf16.f32 v57;
	v6 =	vperm.xlane v47, v3;
	v53 =	vmul.f32 v54, v53  }
0x159: {  	v51 =	vmul.f32 v51, v52;
	v61 =	vperm.xlane v49, v2;
	v50 =	vadd.f32 v50, v7  }
0x15a: {  	v59 =	vld [tilespmem:s31+$0x410];
	v55 =	vadd.f32 v47, v6;
	v11 =	vmul.f32 v62, v11;
	v53 =	vmul.f32 v53, v56  }
0x15b: {  	v47 =	vmul.f32 v51, v14;
	v51 =	vld [tilespmem:s30+$0x8460];
	v14 =	vunpack.i.l.bf16.f32 v58;
	v6 =	vperm.xlane v50, v1  }
0x15c: {  	v56 =	vmul.f32 v11, v14;
	v11 =	vperm.xlane v53, v0;
	v0 =	vld [tilespmem:$0x1FFF0]  }
0x15d: {  	v57 =	vunpack.i.l.bf16.f32 v57;
	v49 =	vadd.f32 v49, v61;
	v54 =	vld [tilespmem:s31+$0x4410]  }
0x15e: {  	v48 =	vmul.f32 v48, v57;
	v57 =	vadd.f32 v50, v6  }
0x15f: {  	v7 =	vperm.xlane v49, v3  }
0x160: {  	v63 =	vld [tilespmem:s31+$0x420];
	v55 =	vmul.f32 v55, v52;
	v6 =	vperm.xlane v57, v2  }
0x161: {  	v49 =	vadd.f32 v49, v7;
	v7 =	vunpack.i.l.bf16.f32 v51;
	v14 =	vperm.xlane v56, v0;
	v0 =	vld [tilespmem:$0x1FFF0]  }
0x162: {  	v62 =	vld [tilespmem:s31+$0x4420];
	v50 =	vmul.f32 v55, v7;
	v55 =	vadd.f32 v57, v6;
	v6 =	vmul.f32 v59, v54  }
0x163: {  	v58 =	vunpack.i.u.bf16.f32 v58;
	v61 =	vld [tilespmem:s31+$0x8410];
	v60 =	vunpack.i.u.bf16.f32 v51;
	v51 =	vadd.f32 v53, v11  }
0x164: {  	v54 =	vld [tilespmem:s31+$0x4430];
	v53 =	vmul.f32 v6, v58  }
0x165: {  	v49 =	vmul.f32 v49, v52;
	v57 =	vld [tilespmem:s31+$0x430];
	v11 =	vperm.xlane v51, v1  }
0x166: {  	v7 =	vperm.xlane v55, v3;
	v6 =	vperm.xlane v53, v0;
	v0 =	vld [tilespmem:$0x1FFF0]  }
0x167: {  	v62 =	vmul.f32 v63, v62;
	v49 =	vmul.f32 v49, v60  }
0x168: {  	v58 =	vld [tilespmem:s30+$0x8470];
	v60 =	vadd.f32 v51, v11;
	v55 =	vadd.f32 v55, v7;
	v7 =	vunpack.i.l.bf16.f32 v61  }
0x169: {  	v56 =	vadd.f32 v56, v14;
	v59 =	vmul.f32 v62, v7  }
0x16a: {  	v62 =	vperm.xlane v60, v2;
	v51 =	vmul.f32 v57, v54  }
0x16b: {  	v14 =	vperm.xlane v56, v1;
	v11 =	vperm.xlane v59, v0;
	v0 =	vld [tilespmem:$0x1FFF0]  }
0x16c: {  	v57 =	vunpack.i.u.bf16.f32 v61;
	v55 =	vmul.f32 v55, v52;
	v53 =	vadd.f32 v53, v6  }
0x16d: {  	v57 =	vmul.f32 v51, v57;
	v56 =	vadd.f32 v56, v14;
	v14 =	vunpack.i.l.bf16.f32 v58  }
0x16e: {  	v22 =	vmov v4;
	v51 =	vmul.f32 v55, v14;
	v4 =	vperm.xlane v53, v1  }
0x16f: {  	[tilespmem:s11+$0x410] =	vst v5;
	v5 =	vld [tilespmem:$0x1FFF0];
	v55 =	vadd.f32 v60, v62;
	v54 =	vperm.xlane v56, v2;
	v59 =	vadd.f32 v59, v11  }
0x170: {  	v6 =	vmov s1;
	v62 =	vld [tilespmem:s31+$0x8440];
	s1 =	sor.u32 $0x7, s4;
	v4 =	vadd.f32 v53, v4;
	v11 =	vperm.xlane v57, v0  }
0x171: {  	v60 =	vld [tilespmem:s31+$0x440];
	s4 =	sor.u32 s17, s1;
	v14 =	vperm.xlane v55, v3;
	v56 =	vadd.f32 v56, v54;
	v61 =	vperm.xlane v59, v1  }
0x172: {  	s4 =	sshll.u32 s4, $0x7;
	v54 =	vperm.xlane v22, v6;
	v6 =	vld [tilespmem:s31+$0x4450];
	v0 =	vperm.xlane v4, v2;
	v53 =	vadd.f32 v57, v11  }
0x173: {  	[tilespmem:s11+$0x440] =	vst v9;
	v9 =	vld [tilespmem:s4+$0x400];
	v55 =	vadd.f32 v55, v14;
	v7 =	vperm.xlane v56, v3;
	v57 =	vadd.f32 v59, v61  }
0x174: {  	[tilespmem:s25+$0x410] =	vst v15;
	v15 =	vld [tilespmem:s4+$0x8440];
	v0 =	vadd.f32 v4, v0;
	v4 =	vperm.xlane v53, v1  }
0x175: {  	v52 =	vmul.f32 v55, v52;
	v56 =	vadd.f32 v56, v7;
	v59 =	vld [tilespmem:s31+$0x4440];
	v11 =	vperm.xlane v57, v2  }
0x176: {  	v58 =	vunpack.i.u.bf16.f32 v58;
	v61 =	vld [tilespmem:s31+$0x8420];
	v14 =	vperm.xlane v0, v3;
	v4 =	vadd.f32 v53, v4  }
0x177: {  	v52 =	vmul.f32 v52, v58;
	v58 =	vld [tilespmem:s31+$0x4460];
	v56 =	vmul.f32 v56, v54;
	v55 =	vadd.f32 v57, v11  }
0x178: {  	v7 =	vunpack.i.l.bf16.f32 v62;
	v57 =	vld [tilespmem:s31+$0x450];
	v0 =	vadd.f32 v0, v14;
	v11 =	vperm.xlane v4, v2  }
0x179: {  	v53 =	vmul.f32 v56, v7;
	v7 =	vld [tilespmem:s31+$0x8430];
	v14 =	vperm.xlane v55, v3  }
0x17a: {  	v59 =	vmul.f32 v60, v59;
	v60 =	vld [tilespmem:s31+$0x460];
	v0 =	vmul.f32 v0, v54;
	v4 =	vadd.f32 v4, v11  }
0x17b: {  	v11 =	vunpack.i.l.bf16.f32 v61;
	v63 =	vadd.f32 v55, v14;
	v14 =	vunpack.i.u.bf16.f32 v62;
	v62 =	vld [tilespmem:$0x1FF90]  }
0x17c: {  	v56 =	vmul.f32 v59, v11;
	v55 =	vmul.f32 v0, v14;
	v0 =	vld [tilespmem:s31+$0x8450]  }
0x17d: {  	v11 =	vld [tilespmem:s31+$0x4470];
	v59 =	vperm.xlane v4, v3  }
0x17e: {  	v6 =	vmul.f32 v57, v6;
	v14 =	vperm.xlane v56, v5;
	v5 =	vld [tilespmem:$0x1FFA0]  }
0x17f: {  	[tilespmem:s11+$0x420] =	vst v8;
	v57 =	vld [tilespmem:s31+$0x470];
	v8 =	vmul.f32 v60, v58;
	v58 =	vunpack.i.u.bf16.f32 v61;
	v4 =	vadd.f32 v4, v59  }
0x180: {  	v60 =	vld [tilespmem:s4+$0x4400];
	v6 =	vmul.f32 v6, v58;
	v56 =	vadd.f32 v56, v14  }
0x181: {  	[tilespmem:s11+$0x400] =	vst v62;
	v62 =	vmul.f32 v63, v54;
	v14 =	vunpack.i.l.bf16.f32 v7;
	v58 =	vmul.f32 v4, v54;
	v4 =	vld [tilespmem:$0x1FFF0]  }
0x182: {  	[tilespmem:s11+$0x450] =	vst v10;
	v8 =	vmul.f32 v8, v14;
	v14 =	vld [tilespmem:$0x1FFB0];
	v59 =	vperm.xlane v56, v1  }
0x183: {  	v10 =	vunpack.i.u.bf16.f32 v0;
	v0 =	vunpack.i.l.bf16.f32 v0;
	[tilespmem:s11+$0x430] =	vst v5;
	v5 =	vld [tilespmem:s4+$0x4410]  }
0x184: {  	v62 =	vmul.f32 v62, v0;
	v0 =	vmul.f32 v58, v10;
	v10 =	vadd.f32 v56, v59;
	v56 =	vld [tilespmem:s4+$0x410]  }
0x185: {  	[tilespmem:s11+$0x460] =	vst v12;
	v59 =	vld [tilespmem:$0x1FFC0]  }
0x186: {  	[tilespmem:s24+$0x420] =	vst v16;
	v63 =	vld [tilespmem:s4+$0x8400]  }
0x187: {  	[tilespmem:s26+$0x440] =	vst v34;
	v12 =	vperm.xlane v6, v4;
	v4 =	vld [tilespmem:$0x1FFF0]  }
0x188: {  	v34 =	vunpack.i.l.bf16.f32 v15;
	v15 =	vunpack.i.u.bf16.f32 v15;
	v61 =	vmov s1;
	[tilespmem:s11+$0x470] =	vst v14;
	v14 =	vld [tilespmem:$0x1FFF0]  }
0x189: {  	[tilespmem:s24+$0x430] =	vst v13;
	v57 =	vmul.f32 v57, v11;
	v9 =	vmul.f32 v9, v60;
	v6 =	vadd.f32 v6, v12  }
0x18a: {  	v7 =	vunpack.i.u.bf16.f32 v7;
	[tilespmem:s24+$0x400] =	vst v59;
	v59 =	vperm.xlane v10, v2;
	v5 =	vmul.f32 v56, v5;
	v56 =	vld [tilespmem:$0x1FFF0]  }
0x18b: {  	[tilespmem:s24+$0x440] =	vst v17;
	v17 =	vld [tilespmem:$0x1FFF0];
	v7 =	vmul.f32 v57, v7;
	v60 =	vunpack.i.l.bf16.f32 v63;
	v12 =	vperm.xlane v6, v1  }
0x18c: {  	[tilespmem:s26+$0x410] =	vst v29;
	v29 =	vld [tilespmem:s4+$0x4440];
	v16 =	vunpack.i.u.bf16.f32 v63;
	v4 =	vperm.xlane v8, v4;
	v10 =	vadd.f32 v10, v59  }
0x18d: {  	[tilespmem:s26+$0x400] =	vst v30;
	v30 =	vld [tilespmem:s4+$0x440];
	v11 =	vperm.xlane v7, v14;
	v5 =	vmul.f32 v5, v16;
	v6 =	vadd.f32 v6, v12  }
0x18e: {  	[tilespmem:s24+$0x450] =	vst v18;
	v58 =	vld [tilespmem:$0x1FFD0];
	v4 =	vadd.f32 v8, v4;
	v8 =	vmul.f32 v9, v60;
	v18 =	vperm.xlane v10, v3  }
0x18f: {  	[tilespmem:s24+$0x460] =	vst v19;
	v7 =	vadd.f32 v7, v11;
	v9 =	vld [tilespmem:s31+$0x8460];
	v19 =	vperm.xlane v6, v2;
	v14 =	vperm.xlane v5, v56  }
0x190: {  	[tilespmem:s26+$0x420] =	vst v32;
	v32 =	vld [tilespmem:s4+$0x4450];
	v13 =	vperm.xlane v4, v1;
	v12 =	vperm.xlane v8, v17;
	v10 =	vadd.f32 v10, v18  }
0x191: {  	[tilespmem:s25+$0x400] =	vst v21;
	v56 =	vld [tilespmem:s4+$0x420];
	v21 =	vperm.xlane v7, v1;
	v6 =	vadd.f32 v6, v19;
	v5 =	vadd.f32 v5, v14  }
0x192: {  	[tilespmem:s26+$0x450] =	vst v33;
	v14 =	vld [tilespmem:s4+$0x4420];
	v4 =	vadd.f32 v4, v13;
	v8 =	vadd.f32 v8, v12;
	v10 =	vmul.f32 v10, v54  }
0x193: {  	v33 =	vld [tilespmem:s4+$0x450];
	[tilespmem:s24+$0x410] =	vst v58;
	v7 =	vadd.f32 v7, v21;
	v58 =	vperm.xlane v6, v3;
	v21 =	vperm.xlane v5, v1  }
0x194: {  	[tilespmem:s24+$0x470] =	vst v20;
	v18 =	vld [tilespmem:s4+$0x8410];
	v60 =	vunpack.i.l.bf16.f32 v9;
	v20 =	vperm.xlane v4, v2;
	v57 =	vperm.xlane v8, v1  }
0x195: {  	v63 =	vperm.xlane v7, v2;
	v6 =	vadd.f32 v6, v58;
	v5 =	vadd.f32 v5, v21  }
0x196: {  	[tilespmem:s25+$0x430] =	vst v23;
	v10 =	vmul.f32 v10, v60;
	v4 =	vadd.f32 v4, v20;
	v8 =	vadd.f32 v8, v57  }
0x197: {  	[tilespmem:s25+$0x450] =	vst v25;
	v25 =	vld [tilespmem:$0x1FFF0];
	v57 =	vunpack.i.u.bf16.f32 v9;
	v12 =	vmul.f32 v56, v14;
	v9 =	vmul.f32 v30, v29  }
0x198: {  	[tilespmem:s25+$0x460] =	vst v28;
	v13 =	vld [tilespmem:s31+$0x8470];
	v7 =	vadd.f32 v7, v63;
	v20 =	vmul.f32 v33, v32;
	v17 =	vperm.xlane v5, v2  }
0x199: {  	[tilespmem:s26+$0x430] =	vst v31;
	v28 =	vld [tilespmem:s4+$0x8420];
	v31 =	vunpack.i.l.bf16.f32 v18;
	v59 =	vperm.xlane v4, v3;
	v23 =	vperm.xlane v8, v2  }
0x19a: {  	[tilespmem:s25+$0x420] =	vst v24;
	v16 =	vld [tilespmem:s4+$0x4430];
	v6 =	vmul.f32 v6, v54;
	v58 =	vperm.xlane v7, v3;
	v5 =	vadd.f32 v5, v17  }
0x19b: {  	[tilespmem:s25+$0x440] =	vst v26;
	v56 =	vld [tilespmem:s4+$0x4460];
	v12 =	vmul.f32 v12, v31;
	v4 =	vadd.f32 v4, v59;
	v11 =	vadd.f32 v8, v23  }
0x19c: {  	[tilespmem:s25+$0x470] =	vst v27;
	v6 =	vmul.f32 v6, v57;
	v57 =	vld [tilespmem:s4+$0x460];
	v7 =	vadd.f32 v7, v58;
	v17 =	vperm.xlane v5, v3  }
0x19d: {  	[tilespmem:s26+$0x460] =	vst v35;
	v60 =	vunpack.i.l.bf16.f32 v13;
	v59 =	vld [tilespmem:s4+$0x430];
	v4 =	vmul.f32 v4, v54;
	v63 =	vperm.xlane v11, v3  }
0x19e: {  	[tilespmem:s26+$0x470] =	vst v36;
	v35 =	vld [tilespmem:s4+$0x8430];
	v13 =	vunpack.i.u.bf16.f32 v13;
	v7 =	vmul.f32 v7, v54;
	v54 =	vperm.xlane v12, v25  }
0x19f: {  	[tilespmem:s29+$0x400] =	vst v37;
	v37 =	vld [tilespmem:s4+$0x8450];
	v8 =	vperm.xlane v22, v61;
	v5 =	vadd.f32 v5, v17;
	v4 =	vmul.f32 v4, v60  }
0x1a0: {  	[tilespmem:s29+$0x410] =	vst v38;
	v58 =	vld [tilespmem:s4+$0x4470];
	v11 =	vadd.f32 v11, v63;
	v7 =	vmul.f32 v7, v13;
	v12 =	vadd.f32 v12, v54  }
0x1a1: {  	[tilespmem:s29+$0x420] =	vst v39;
	v60 =	vld [tilespmem:s4+$0x470];
	v63 =	vunpack.i.l.bf16.f32 v28;
	v29 =	vmul.f32 v57, v56;
	v5 =	vmul.f32 v5, v8  }
0x1a2: {  	[tilespmem:s29+$0x430] =	vst v40;
	v28 =	vunpack.i.u.bf16.f32 v28;
	v16 =	vmul.f32 v59, v16;
	v9 =	vmul.f32 v9, v63  }
0x1a3: {  	[tilespmem:s29+$0x440] =	vst v42;
	v18 =	vunpack.i.u.bf16.f32 v18;
	v14 =	vmul.f32 v20, v28;
	v11 =	vmul.f32 v11, v8  }
0x1a4: {  	[tilespmem:s29+$0x450] =	vst v41;
	v31 =	vunpack.i.l.bf16.f32 v35;
	v61 =	vperm.xlane v12, v1;
	v5 =	vmul.f32 v5, v15  }
0x1a5: {  	[tilespmem:s30+$0x400] =	vst v45;
	v45 =	vunpack.i.l.bf16.f32 v37;
	v59 =	vmul.f32 v16, v18;
	v16 =	vmul.f32 v29, v31  }
0x1a6: {  	[tilespmem:s29+$0x460] =	vst v43;
	v17 =	vunpack.i.u.bf16.f32 v35;
	v32 =	vperm.xlane v9, v25;
	v13 =	vmul.f32 v60, v58  }
0x1a7: {  	[tilespmem:s29+$0x470] =	vst v44;
	v57 =	vunpack.i.u.bf16.f32 v37;
	v33 =	vperm.xlane v14, v25;
	v18 =	vperm.xlane v59, v25  }
0x1a8: {  	[tilespmem:s30+$0x410] =	vst v46;
	v9 =	vadd.f32 v9, v32;
	v35 =	vperm.xlane v16, v25;
	v13 =	vmul.f32 v13, v17  }
0x1a9: {  	[tilespmem:s30+$0x420] =	vst v48;
	v11 =	vmul.f32 v11, v34;
	v12 =	vadd.f32 v12, v61;
	v15 =	vadd.f32 v59, v18  }
0x1aa: {  	[tilespmem:s30+$0x430] =	vst v47;
	v16 =	vadd.f32 v16, v35;
	v38 =	vperm.xlane v9, v1;
	v36 =	vperm.xlane v13, v25  }
0x1ab: {  	[tilespmem:s30+$0x440] =	vst v50;
	v14 =	vadd.f32 v14, v33;
	v30 =	vperm.xlane v12, v2;
	v34 =	vperm.xlane v15, v1  }
0x1ac: {  	[tilespmem:s30+$0x450] =	vst v49;
	v9 =	vadd.f32 v9, v38;
	v42 =	vperm.xlane v16, v1;
	v13 =	vadd.f32 v13, v36  }
0x1ad: {  	[tilespmem:s30+$0x460] =	vst v51;
	v40 =	vperm.xlane v14, v1;
	v12 =	vadd.f32 v12, v30;
	v15 =	vadd.f32 v15, v34  }
0x1ae: {  	[tilespmem:s30+$0x470] =	vst v52;
	v16 =	vadd.f32 v16, v42;
	v44 =	vperm.xlane v9, v2;
	v43 =	vperm.xlane v13, v1  }
0x1af: {  	[tilespmem:s31+$0x400] =	vst v53;
	v14 =	vadd.f32 v14, v40;
	v39 =	vperm.xlane v12, v3;
	v41 =	vperm.xlane v15, v2  }
0x1b0: {  	[tilespmem:s31+$0x410] =	vst v55;
	v9 =	vadd.f32 v9, v44;
	v47 =	vperm.xlane v16, v2;
	v13 =	vadd.f32 v13, v43  }
0x1b1: {  	[tilespmem:s31+$0x420] =	vst v62;
	v46 =	vperm.xlane v14, v2;
	v12 =	vadd.f32 v12, v39;
	v15 =	vadd.f32 v15, v41  }
0x1b2: {  	v51 =	vld [tilespmem:s4+$0x8460];
	[tilespmem:s31+$0x430] =	vst v0;
	v16 =	vadd.f32 v16, v47;
	v52 =	vperm.xlane v9, v3;
	v49 =	vperm.xlane v13, v2  }
0x1b3: {  	[tilespmem:s31+$0x440] =	vst v10;
	v48 =	vadd.f32 v14, v46;
	v0 =	vmul.f32 v12, v8;
	v21 =	vperm.xlane v15, v3  }
0x1b4: {  	v55 =	vld [tilespmem:s4+$0x8470];
	[tilespmem:s31+$0x450] =	vst v6;
	v9 =	vadd.f32 v9, v52;
	v56 =	vperm.xlane v16, v3;
	v53 =	vadd.f32 v13, v49  }
0x1b5: {  	[tilespmem:s31+$0x460] =	vst v4;
	v54 =	vperm.xlane v48, v3;
	v0 =	vmul.f32 v0, v45;
	v50 =	vadd.f32 v15, v21  }
0x1b6: {  	[tilespmem:s31+$0x470] =	vst v7;
	v59 =	vadd.f32 v16, v56;
	v9 =	vmul.f32 v9, v8;
	v58 =	vperm.xlane v53, v3  }
0x1b7: {  	[tilespmem:s4+$0x410] =	vst v5;
	v60 =	vunpack.i.l.bf16.f32 v51;
	v12 =	vadd.f32 v48, v54;
	v4 =	vmul.f32 v50, v8  }
0x1b8: {  	[tilespmem:s4+$0x420] =	vst v0;
	v0 =	vmul.f32 v9, v60;
	v7 =	vmul.f32 v59, v8;
	v5 =	vadd.f32 v53, v58  }
0x1b9: {  	p2 =	por p1, p1;
	v63 =	vunpack.i.l.bf16.f32 v55;
	[tilespmem:s4+$0x400] =	vst v11;
	v61 =	vmul.f32 v12, v8;
	v4 =	vmul.f32 v4, v57  }
.Ltmp0:
0x1ba: {  	v62 =	vunpack.i.u.bf16.f32 v51;
	[tilespmem:s4+$0x440] =	vst v0;
	v6 =	vmul.f32 v7, v63;
	v5 =	vmul.f32 v5, v8;
	(pc) =	sbr.rel @p2 .LBB2_4-.Ltmp0, $4  }
0x1bb: {  	v0 =	vunpack.i.u.bf16.f32 v55;
	[tilespmem:s4+$0x430] =	vst v4;
	v4 =	vmul.f32 v61, v62  }
0x1bc: {  	[tilespmem:s4+$0x460] =	vst v6;
	v0 =	vmul.f32 v5, v0  }
0x1bd: {  	[tilespmem:s4+$0x450] =	vst v4  }
0x1be: {  	p1 =	por $0x0, $0x0;
	[tilespmem:s4+$0x470] =	vst v0;
	s4 =	simm.s32 $0x8  }
0x1bf: {  	s18 =	sadd.s32 $0x1, s18  }
0x1c0: {  	p1 =	sne.s32 s18, $0x4  }
.Ltmp1:
0x1c1: {  	_ = 	snop;
	(pc) =	sbr.rel @p1 .LBB2_3-.Ltmp1, $1  }
0x1c2: {  	_ =	sdelay $0x3  }
0x1c3: {  	s18 =	simm.s32 $0x0  }
0x1c4: {  	[spmem:s3] =	stream.indirect.scatter.add.f32 [tilespmem:s19], [sflag:$0x7], $0x80, s18, s23, $0xb8;
	[tilespmem:$0x1FC80] =	vst v63  }
0x1c5: {  	_ =	swait.ge [sflag:s12], $0x2000  }
0x1c6: {  	[sflag:s12] =	ssyncset.done $0x0  }
0x1c7: {  	[sflag:s12] =	ssyncadd.s32 $0xFFFFE000  }
0x1c8: {  	_ =	swait.ge [sflag:s13], $0x2000  }
0x1c9: {  	[sflag:s13] =	ssyncset.done $0x0  }
0x1ca: {  	[sflag:s13] =	ssyncadd.s32 $0xFFFFE000  }
.LBB2_7:
0x1cb: {  	s17 =	sshll.u32 s18, $0x4  }
0x1cc: {  	v0 =	vld [tilespmem:s17+$0x300];
	_ =	sdelay $0x4  }
0x1cd: {  	p1 =	por $0x1, $0x1;
	s4 =	simm.s32 $0x0;
	[tilespmem:$0x1FF80] =	vst v0  }
.LBB2_8:
0x1ce: {  	s1 =	sor.u32 s17, s4  }
0x1cf: {  	s11 =	sshll.u32 s1, $0x7  }
0x1d0: {  	v7 =	vld [tilespmem:s11+$0x6410]  }
0x1d1: {  	v8 =	vld [tilespmem:s11+$0x2410]  }
0x1d2: {  	v0 =	vld [tilespmem:s11+$0xA400];
	_ =	sdelay $0x1  }
0x1d3: {  	v49 =	vld [tilespmem:$0x1FF80]  }
0x1d4: {  	v5 =	vld [tilespmem:s11+$0x6400]  }
0x1d5: {  	v6 =	vld [tilespmem:s11+$0x2400];
	v36 =	vmul.f32 v8, v7  }
0x1d6: {  	v37 =	vld [tilespmem:s11+$0xA410];
	v35 =	vunpack.i.l.bf16.f32 v0;
	v0 =	vunpack.i.u.bf16.f32 v0  }
0x1d7: {  	v38 =	vld [tilespmem:s11+$0x6420];
	v0 =	vmul.f32 v36, v0  }
0x1d8: {  	v39 =	vld [tilespmem:s11+$0x2420]  }
0x1d9: {  	v10 =	vld [tilespmem:s11+$0x6430];
	v40 =	vperm.xlane v0, v25  }
0x1da: {  	v11 =	vld [tilespmem:s11+$0x2430]  }
0x1db: {  	v44 =	vld [tilespmem:s11+$0xA440];
	v0 =	vadd.f32 v0, v40  }
0x1dc: {  	v47 =	vld [tilespmem:s11+$0xA420]  }
0x1dd: {  	v54 =	vld [tilespmem:s11+$0x6450];
	v41 =	vperm.xlane v0, v1  }
0x1de: {  	v55 =	vld [tilespmem:s11+$0x2450]  }
0x1df: {  	v15 =	vmov s4;
	v19 =	vld [tilespmem:s11+$0x6460];
	v43 =	vmul.f32 v11, v10;
	v0 =	vadd.f32 v0, v41  }
0x1e0: {  	v61 =	vld [tilespmem:s11+$0x2460];
	v15 =	vperm.xlane v49, v15;
	v7 =	vunpack.i.u.bf16.f32 v37  }
0x1e1: {  	v58 =	vld [tilespmem:s11+$0xA430];
	v7 =	vmul.f32 v43, v7;
	v51 =	vperm.xlane v0, v2  }
0x1e2: {  	v5 =	vmul.f32 v6, v5;
	v6 =	vmul.f32 v39, v38  }
0x1e3: {  	v42 =	vunpack.i.l.bf16.f32 v37;
	v53 =	vperm.xlane v7, v25;
	v0 =	vadd.f32 v0, v51  }
0x1e4: {  	v18 =	vld [tilespmem:s11+$0xA450];
	v17 =	vunpack.i.u.bf16.f32 v44;
	v60 =	vunpack.i.l.bf16.f32 v47;
	v8 =	vmul.f32 v55, v54  }
0x1e5: {  	v11 =	vmul.f32 v61, v19;
	v7 =	vadd.f32 v7, v53;
	v56 =	vperm.xlane v0, v3  }
0x1e6: {  	v52 =	vld [tilespmem:s11+$0x6440];
	v30 =	vunpack.i.l.bf16.f32 v58;
	v5 =	vmul.f32 v5, v35;
	v6 =	vmul.f32 v6, v42  }
0x1e7: {  	v20 =	vld [tilespmem:s11+$0x6470];
	v11 =	vmul.f32 v11, v30;
	v57 =	vperm.xlane v7, v1;
	v0 =	vadd.f32 v0, v56  }
0x1e8: {  	v63 =	vld [tilespmem:s11+$0x2470];
	v10 =	vunpack.i.l.bf16.f32 v44;
	v9 =	vperm.xlane v5, v25;
	v46 =	vperm.xlane v6, v25  }
0x1e9: {  	v13 =	vld [tilespmem:s11+$0x2440];
	v31 =	vunpack.i.u.bf16.f32 v18;
	v7 =	vadd.f32 v7, v57;
	v0 =	vmul.f32 v0, v15  }
0x1ea: {  	v34 =	vperm.xlane v11, v25;
	v5 =	vadd.f32 v5, v9;
	v6 =	vadd.f32 v6, v46  }
0x1eb: {  	v9 =	vunpack.i.u.bf16.f32 v47;
	v62 =	vperm.xlane v7, v2;
	v0 =	vmul.f32 v0, v17  }
0x1ec: {  	s26 =	sor.u32 $0x1, s4;
	v33 =	vunpack.i.l.bf16.f32 v18;
	v8 =	vmul.f32 v8, v9;
	v12 =	vperm.xlane v5, v1  }
0x1ed: {  	s24 =	sor.u32 s17, s26;
	v9 =	vmul.f32 v63, v20;
	v16 =	vperm.xlane v6, v1;
	[tilespmem:$0x1FF30] =	vst v0;
	v0 =	vadd.f32 v7, v62  }
0x1ee: {  	s24 =	sshll.u32 s24, $0x7;
	v5 =	vadd.f32 v5, v12;
	v12 =	vmul.f32 v13, v52;
	v13 =	vunpack.i.u.bf16.f32 v58  }
0x1ef: {  	v40 =	vld [tilespmem:s24+$0xA400];
	v6 =	vadd.f32 v6, v16;
	v9 =	vmul.f32 v9, v13;
	v16 =	vperm.xlane v0, v3  }
0x1f0: {  	v11 =	vadd.f32 v11, v34;
	v28 =	vperm.xlane v8, v25;
	v45 =	vperm.xlane v5, v2  }
0x1f1: {  	v12 =	vmul.f32 v12, v60;
	v37 =	vperm.xlane v9, v25;
	v0 =	vadd.f32 v0, v16  }
0x1f2: {  	v48 =	vld [tilespmem:s24+$0x2410];
	v42 =	vperm.xlane v11, v1;
	v8 =	vadd.f32 v8, v28;
	v5 =	vadd.f32 v5, v45  }
0x1f3: {  	v24 =	vld [tilespmem:s24+$0xA410];
	v21 =	vperm.xlane v12, v25;
	v9 =	vadd.f32 v9, v37;
	v0 =	vmul.f32 v0, v15  }
0x1f4: {  	v41 =	vld [tilespmem:s11+$0xA460];
	v47 =	vunpack.i.l.bf16.f32 v40;
	v32 =	vperm.xlane v8, v1;
	v14 =	vperm.xlane v5, v3  }
0x1f5: {  	v45 =	vld [tilespmem:s24+$0x6410];
	v23 =	vadd.f32 v12, v21;
	v44 =	vperm.xlane v9, v1;
	v0 =	vmul.f32 v0, v31  }
0x1f6: {  	v38 =	vld [tilespmem:s24+$0x2400];
	v59 =	vperm.xlane v6, v2;
	v12 =	vadd.f32 v8, v32;
	v5 =	vadd.f32 v5, v14  }
0x1f7: {  	v36 =	vld [tilespmem:s24+$0x6400];
	v18 =	vunpack.i.u.bf16.f32 v40;
	[tilespmem:$0x1FF40] =	vst v0;
	v0 =	vadd.f32 v11, v42;
	v11 =	vadd.f32 v9, v44  }
0x1f8: {  	v51 =	vld [tilespmem:s11+$0xA470];
	v14 =	vadd.f32 v6, v59;
	v29 =	vperm.xlane v23, v1;
	v39 =	vperm.xlane v12, v2  }
0x1f9: {  	v50 =	vunpack.i.u.bf16.f32 v41;
	v5 =	vmul.f32 v5, v15;
	v53 =	vperm.xlane v11, v2  }
0x1fa: {  	v57 =	vmul.f32 v48, v45;
	v22 =	vperm.xlane v14, v3;
	v12 =	vadd.f32 v12, v39  }
0x1fb: {  	v54 =	vld [tilespmem:s24+$0x6420];
	v4 =	vmul.f32 v5, v10;
	v10 =	vadd.f32 v23, v29;
	v11 =	vadd.f32 v11, v53  }
0x1fc: {  	v13 =	vperm.xlane v12, v3;
	v23 =	vld [tilespmem:s24+$0x2420];
	v7 =	vadd.f32 v14, v22;
	v14 =	vmul.f32 v38, v36  }
0x1fd: {  	v59 =	vunpack.i.u.bf16.f32 v51;
	v29 =	vunpack.i.l.bf16.f32 v24;
	v58 =	vperm.xlane v11, v3  }
0x1fe: {  	v35 =	vperm.xlane v10, v2;
	v12 =	vadd.f32 v12, v13;
	v14 =	vmul.f32 v14, v47  }
0x1ff: {  	v30 =	vld [tilespmem:s24+$0x2430];
	v7 =	vmul.f32 v7, v15;
	v46 =	vperm.xlane v0, v2;
	v11 =	vadd.f32 v11, v58  }
0x200: {  	v62 =	vld [tilespmem:s24+$0x6430];
	v10 =	vadd.f32 v10, v35;
	v12 =	vmul.f32 v12, v15;
	v22 =	vperm.xlane v14, v25  }
0x201: {  	v61 =	vmul.f32 v23, v54;
	v0 =	vadd.f32 v0, v46;
	v11 =	vmul.f32 v11, v15  }
0x202: {  	v43 =	vperm.xlane v10, v3;
	v56 =	vadd.f32 v14, v22;
	v14 =	vmul.f32 v57, v18  }
0x203: {  	[tilespmem:$0x1FF20] =	vst v4;
	v13 =	vunpack.i.l.bf16.f32 v51;
	v55 =	vperm.xlane v0, v3;
	v4 =	vmul.f32 v11, v59  }
0x204: {  	v34 =	vld [tilespmem:s24+$0x6440];
	v10 =	vadd.f32 v10, v43;
	v28 =	vperm.xlane v14, v25;
	v31 =	vmul.f32 v61, v29  }
0x205: {  	v8 =	vmul.f32 v7, v33;
	v17 =	vmul.f32 v30, v62;
	v0 =	vadd.f32 v0, v55;
	[tilespmem:$0x1FF50] =	vst v4;
	v4 =	vld [tilespmem:$0x1FFF0]  }
0x206: {  	v36 =	vld [tilespmem:s24+$0x2440];
	v52 =	vmul.f32 v10, v15;
	v33 =	vadd.f32 v14, v28;
	v35 =	vperm.xlane v31, v25  }
0x207: {  	v32 =	vld [tilespmem:s24+$0xA420];
	v60 =	vperm.xlane v56, v1;
	v42 =	vunpack.i.u.bf16.f32 v24;
	v0 =	vmul.f32 v0, v15  }
0x208: {  	v17 =	vmul.f32 v17, v42;
	v38 =	vperm.xlane v33, v1;
	v15 =	vadd.f32 v31, v35  }
0x209: {  	v40 =	vld [tilespmem:s24+$0x2450];
	v10 =	vmul.f32 v12, v50;
	v63 =	vadd.f32 v56, v60;
	v12 =	vmul.f32 v0, v13  }
0x20a: {  	v13 =	vadd.f32 v33, v38;
	v25 =	vperm.xlane v15, v1;
	v44 =	vperm.xlane v17, v4;
	v4 =	vld [tilespmem:$0x1FFF0]  }
0x20b: {  	v39 =	vld [tilespmem:s24+$0x6450];
	v14 =	vmul.f32 v36, v34;
	v0 =	vperm.xlane v63, v2  }
0x20c: {  	v43 =	vperm.xlane v13, v2;
	v15 =	vadd.f32 v15, v25;
	v25 =	vunpack.i.l.bf16.f32 v32  }
0x20d: {  	v37 =	vmov s26;
	v0 =	vadd.f32 v63, v0;
	v14 =	vmul.f32 v14, v25  }
0x20e: {  	v20 =	vunpack.i.l.bf16.f32 v41;
	v19 =	vperm.xlane v49, v37;
	v24 =	vld [tilespmem:s24+$0xA440];
	v13 =	vadd.f32 v13, v43  }
0x20f: {  	v41 =	vperm.xlane v0, v3;
	v17 =	vadd.f32 v17, v44;
	v48 =	vperm.xlane v14, v4;
	v4 =	vld [tilespmem:$0x1FFF0]  }
0x210: {  	v45 =	vmul.f32 v40, v39;
	v16 =	vunpack.i.u.bf16.f32 v32;
	v50 =	vperm.xlane v13, v3  }
0x211: {  	v54 =	vld [tilespmem:s24+$0x6460];
	v0 =	vadd.f32 v0, v41;
	v51 =	vperm.xlane v17, v1;
	v14 =	vadd.f32 v14, v48  }
0x212: {  	v16 =	vmul.f32 v45, v16;
	v7 =	vmul.f32 v52, v20;
	v56 =	vld [tilespmem:s24+$0x2460];
	v13 =	vadd.f32 v13, v50  }
0x213: {  	v53 =	vld [tilespmem:s24+$0xA430];
	v0 =	vmul.f32 v0, v19;
	v17 =	vadd.f32 v17, v51;
	v25 =	vperm.xlane v14, v1  }
0x214: {  	v27 =	vld [tilespmem:s24+$0x6470];
	v47 =	vunpack.i.u.bf16.f32 v24;
	v13 =	vmul.f32 v13, v19;
	v52 =	vperm.xlane v16, v4  }
0x215: {  	v28 =	vld [tilespmem:s24+$0x2470];
	v24 =	vunpack.i.l.bf16.f32 v24;
	v26 =	vperm.xlane v17, v2;
	v57 =	vadd.f32 v14, v25  }
0x216: {  	v14 =	vmul.f32 v0, v24;
	v0 =	vmul.f32 v13, v47;
	v16 =	vadd.f32 v16, v52  }
0x217: {  	v18 =	vmul.f32 v56, v54;
	v46 =	vperm.xlane v15, v2;
	v4 =	vld [tilespmem:$0x1FFF0]  }
0x218: {  	v62 =	vunpack.i.l.bf16.f32 v53;
	[tilespmem:$0x1FF60] =	vst v0;
	v0 =	vadd.f32 v17, v26;
	v25 =	vperm.xlane v16, v1  }
0x219: {  	v18 =	vmul.f32 v18, v62;
	v15 =	vadd.f32 v15, v46  }
0x21a: {  	v58 =	vld [tilespmem:s24+$0xA450];
	v63 =	vmul.f32 v28, v27;
	v24 =	vperm.xlane v0, v3;
	v16 =	vadd.f32 v16, v25  }
0x21b: {  	v55 =	vperm.xlane v15, v3;
	v59 =	vperm.xlane v57, v2  }
0x21c: {  	v26 =	vperm.xlane v18, v4;
	v4 =	vld [tilespmem:$0x1FFF0];
	v0 =	vadd.f32 v0, v24;
	v61 =	vperm.xlane v16, v2  }
0x21d: {  	s26 =	sor.u32 $0x2, s4;
	v9 =	vunpack.i.u.bf16.f32 v53;
	v15 =	vadd.f32 v15, v55;
	v60 =	vadd.f32 v57, v59  }
0x21e: {  	s29 =	sor.u32 s17, s26;
	v22 =	vmul.f32 v63, v9;
	v0 =	vmul.f32 v0, v19;
	v21 =	vadd.f32 v16, v61  }
0x21f: {  	s25 =	sshll.u32 s29, $0x7;
	v11 =	vunpack.i.u.bf16.f32 v58;
	v15 =	vmul.f32 v15, v19;
	v24 =	vld [tilespmem:s24+$0xA460];
	v25 =	vperm.xlane v60, v3  }
0x220: {  	v33 =	vld [tilespmem:s25+$0x6400];
	v0 =	vmul.f32 v0, v11;
	v32 =	vperm.xlane v21, v3  }
0x221: {  	v18 =	vadd.f32 v18, v26;
	v26 =	vld [tilespmem:s25+$0x2400];
	v20 =	vadd.f32 v60, v25;
	v25 =	vperm.xlane v22, v4  }
0x222: {  	v27 =	vld [tilespmem:s25+$0xA400];
	v13 =	vunpack.i.l.bf16.f32 v58;
	[tilespmem:$0x1FF70] =	vst v0;
	v0 =	vadd.f32 v21, v32  }
0x223: {  	v16 =	vmul.f32 v15, v13;
	v35 =	vmul.f32 v20, v19;
	v22 =	vadd.f32 v22, v25  }
0x224: {  	v37 =	vld [tilespmem:s25+$0x2410];
	v25 =	vunpack.i.u.bf16.f32 v24;
	v24 =	vunpack.i.l.bf16.f32 v24;
	v0 =	vmul.f32 v0, v19  }
0x225: {  	v4 =	vld [tilespmem:$0x1FFF0];
	v17 =	vmul.f32 v35, v24;
	v24 =	vperm.xlane v22, v1  }
0x226: {  	v34 =	vld [tilespmem:s25+$0x6410];
	v15 =	vmul.f32 v0, v25;
	v0 =	vmul.f32 v26, v33  }
0x227: {  	v36 =	vperm.xlane v18, v1;
	v22 =	vadd.f32 v22, v24;
	v24 =	vunpack.i.l.bf16.f32 v27  }
0x228: {  	v0 =	vmul.f32 v0, v24  }
0x229: {  	v29 =	vld [tilespmem:s25+$0x6420];
	v20 =	vadd.f32 v18, v36  }
0x22a: {  	v24 =	vunpack.i.u.bf16.f32 v27;
	v27 =	vperm.xlane v0, v4;
	v4 =	vld [tilespmem:$0x1FFF0]  }
0x22b: {  	v21 =	vmul.f32 v37, v34;
	v25 =	vld [tilespmem:s25+$0x2420];
	v26 =	vperm.xlane v20, v2  }
0x22c: {  	v38 =	vld [tilespmem:s25+$0xA410];
	v39 =	vperm.xlane v22, v2  }
0x22d: {  	v30 =	vld [tilespmem:s25+$0x2430];
	v20 =	vadd.f32 v20, v26;
	v21 =	vmul.f32 v21, v24  }
0x22e: {  	v26 =	vld [tilespmem:s24+$0xA470];
	v22 =	vadd.f32 v22, v39  }
0x22f: {  	v24 =	vperm.xlane v20, v3;
	v0 =	vadd.f32 v0, v27;
	v27 =	vperm.xlane v21, v4;
	v4 =	vld [tilespmem:$0x1FFF0]  }
0x230: {  	v31 =	vperm.xlane v22, v3;
	v40 =	vmul.f32 v25, v29;
	v25 =	vld [tilespmem:s25+$0x6430]  }
0x231: {  	v41 =	vunpack.i.l.bf16.f32 v38;
	v20 =	vadd.f32 v20, v24  }
0x232: {  	v22 =	vadd.f32 v22, v31;
	v23 =	vmul.f32 v40, v41;
	v24 =	vperm.xlane v0, v1  }
0x233: {  	v20 =	vmul.f32 v20, v19;
	v21 =	vadd.f32 v21, v27  }
0x234: {  	v22 =	vmul.f32 v22, v19;
	v0 =	vadd.f32 v0, v24;
	v29 =	vperm.xlane v23, v4  }
0x235: {  	v42 =	vmul.f32 v30, v25;
	v27 =	vunpack.i.u.bf16.f32 v26;
	v24 =	vperm.xlane v21, v1;
	v4 =	vld [tilespmem:$0x1FFF0]  }
0x236: {  	v43 =	vld [tilespmem:s25+$0x6440];
	v26 =	vunpack.i.l.bf16.f32 v26;
	v25 =	vperm.xlane v0, v2;
	v23 =	vadd.f32 v23, v29  }
0x237: {  	v44 =	vld [tilespmem:s25+$0x2440];
	v19 =	vmul.f32 v20, v26;
	v21 =	vadd.f32 v21, v24;
	v24 =	vunpack.i.u.bf16.f32 v38  }
0x238: {  	v26 =	vld [tilespmem:s25+$0xA420];
	v24 =	vmul.f32 v42, v24;
	v29 =	vperm.xlane v23, v1  }
0x239: {  	v0 =	vadd.f32 v0, v25;
	v25 =	vperm.xlane v21, v2  }
0x23a: {  	v48 =	vld [tilespmem:s25+$0x6450];
	v20 =	vmul.f32 v22, v27;
	v27 =	vperm.xlane v24, v4;
	v23 =	vadd.f32 v23, v29  }
0x23b: {  	v46 =	vmov s26;
	v32 =	vld [tilespmem:s25+$0x2450];
	v21 =	vadd.f32 v21, v25  }
0x23c: {  	v47 =	vperm.xlane v0, v3;
	v4 =	vld [tilespmem:$0x1FFF0];
	v24 =	vadd.f32 v24, v27;
	v25 =	vperm.xlane v23, v2  }
0x23d: {  	v45 =	vld [tilespmem:s25+$0xA440];
	v28 =	vmul.f32 v44, v43;
	v50 =	vunpack.i.l.bf16.f32 v26;
	v27 =	vperm.xlane v21, v3  }
0x23e: {  	v0 =	vadd.f32 v0, v47;
	v23 =	vadd.f32 v23, v25;
	v25 =	vperm.xlane v24, v1  }
0x23f: {  	v29 =	vperm.xlane v49, v46;
	v21 =	vadd.f32 v21, v27;
	v27 =	vmul.f32 v28, v50  }
0x240: {  	v54 =	vld [tilespmem:s25+$0x6470];
	v30 =	vmul.f32 v32, v48;
	v24 =	vadd.f32 v24, v25  }
0x241: {  	v36 =	vld [tilespmem:s25+$0x2460];
	v0 =	vmul.f32 v0, v29;
	v35 =	vperm.xlane v27, v4  }
0x242: {  	s29 =	sor.u32 $0x3, s4;
	v22 =	vunpack.i.l.bf16.f32 v45;
	v4 =	vld [tilespmem:$0x1FFF0];
	v52 =	vperm.xlane v23, v3;
	v53 =	vperm.xlane v24, v2  }
0x243: {  	s30 =	sor.u32 s17, s29;
	v34 =	vmul.f32 v21, v29;
	v21 =	vmul.f32 v0, v22;
	v25 =	vld [tilespmem:s25+$0x6460]  }
0x244: {  	s26 =	sshll.u32 s30, $0x7;
	v51 =	vld [tilespmem:s25+$0xA430];
	v0 =	vadd.f32 v23, v52;
	v23 =	vadd.f32 v24, v53;
	v24 =	vunpack.i.u.bf16.f32 v26  }
0x245: {  	v63 =	vld [tilespmem:s26+$0x6400];
	v24 =	vmul.f32 v30, v24  }
0x246: {  	v55 =	vld [tilespmem:s25+$0x2470]  }
0x247: {  	v58 =	vperm.xlane v24, v4;
	v4 =	vld [tilespmem:$0x1FFF0]  }
0x248: {  	v61 =	vld [tilespmem:s26+$0xA400];
	v25 =	vmul.f32 v36, v25  }
0x249: {  	v59 =	vunpack.i.l.bf16.f32 v51;
	v37 =	vld [tilespmem:s26+$0x6410]  }
0x24a: {  	v41 =	vld [tilespmem:s26+$0x2410];
	v25 =	vmul.f32 v25, v59  }
0x24b: {  	v26 =	vld [tilespmem:s25+$0xA450]  }
0x24c: {  	v33 =	vunpack.i.u.bf16.f32 v45;
	v27 =	vadd.f32 v27, v35;
	v11 =	vperm.xlane v25, v4;
	v4 =	vld [tilespmem:$0x1FFF0]  }
0x24d: {  	v60 =	vmul.f32 v55, v54;
	v13 =	vld [tilespmem:s26+$0x2400];
	v18 =	vmul.f32 v34, v33  }
0x24e: {  	v56 =	vperm.xlane v27, v1;
	v33 =	vadd.f32 v24, v58;
	v24 =	vunpack.i.u.bf16.f32 v51  }
0x24f: {  	v47 =	vmul.f32 v41, v37;
	v46 =	vunpack.i.l.bf16.f32 v61;
	v30 =	vmul.f32 v60, v24  }
0x250: {  	v0 =	vmul.f32 v0, v29;
	v27 =	vadd.f32 v27, v56;
	v9 =	vunpack.i.u.bf16.f32 v26  }
0x251: {  	v24 =	vunpack.i.l.bf16.f32 v26;
	v26 =	vperm.xlane v33, v1;
	v40 =	vperm.xlane v30, v4  }
0x252: {  	v28 =	vmul.f32 v13, v63;
	v62 =	vperm.xlane v27, v2;
	v25 =	vadd.f32 v25, v11;
	v4 =	vld [tilespmem:$0x1FFF0]  }
0x253: {  	v24 =	vmul.f32 v0, v24;
	v0 =	vadd.f32 v33, v26;
	v30 =	vadd.f32 v30, v40  }
0x254: {  	v28 =	vmul.f32 v28, v46;
	v56 =	vld [tilespmem:s26+$0x6420];
	v27 =	vadd.f32 v27, v62;
	v43 =	vperm.xlane v25, v1  }
0x255: {  	v31 =	vunpack.i.u.bf16.f32 v61;
	v58 =	vld [tilespmem:s26+$0x2420];
	v44 =	vperm.xlane v0, v2;
	v45 =	vperm.xlane v30, v1  }
0x256: {  	v57 =	vperm.xlane v23, v3;
	v42 =	vperm.xlane v27, v3;
	v25 =	vadd.f32 v25, v43  }
0x257: {  	v0 =	vadd.f32 v0, v44;
	v36 =	vperm.xlane v28, v4;
	v4 =	vld [tilespmem:$0x1FFF0];
	v30 =	vadd.f32 v30, v45  }
0x258: {  	v31 =	vmul.f32 v47, v31;
	v23 =	vadd.f32 v23, v57;
	v26 =	vld [tilespmem:s25+$0xA460];
	v48 =	vperm.xlane v25, v2  }
0x259: {  	v27 =	vadd.f32 v27, v42;
	v51 =	vperm.xlane v0, v3;
	v53 =	vperm.xlane v30, v2  }
0x25a: {  	v23 =	vmul.f32 v23, v29;
	v61 =	vmul.f32 v58, v56;
	v25 =	vadd.f32 v25, v48  }
0x25b: {  	v55 =	vld [tilespmem:s26+$0xA410];
	v27 =	vmul.f32 v27, v29;
	v0 =	vadd.f32 v0, v51;
	v30 =	vadd.f32 v30, v53  }
0x25c: {  	v41 =	vld [tilespmem:s26+$0x2430];
	v57 =	vperm.xlane v25, v3;
	v54 =	vperm.xlane v31, v4  }
0x25d: {  	v50 =	vunpack.i.u.bf16.f32 v26;
	v40 =	vld [tilespmem:s26+$0x6430];
	v0 =	vmul.f32 v0, v29;
	v39 =	vperm.xlane v30, v3  }
0x25e: {  	v26 =	vunpack.i.l.bf16.f32 v26;
	v37 =	vadd.f32 v25, v57;
	v4 =	vld [tilespmem:$0x1FFF0];
	v31 =	vadd.f32 v31, v54  }
0x25f: {  	v13 =	vld [tilespmem:s26+$0xA420];
	v26 =	vmul.f32 v27, v26;
	v25 =	vmul.f32 v0, v50;
	v0 =	vadd.f32 v30, v39  }
0x260: {  	v6 =	vunpack.i.l.bf16.f32 v55;
	v52 =	vld [tilespmem:s25+$0xA470];
	v27 =	vmul.f32 v37, v29;
	v59 =	vperm.xlane v31, v1  }
0x261: {  	v62 =	vld [tilespmem:s26+$0xA440];
	v0 =	vmul.f32 v0, v29;
	v29 =	vmul.f32 v61, v6  }
0x262: {  	v48 =	vld [tilespmem:s26+$0x2440];
	v28 =	vadd.f32 v28, v36;
	v31 =	vadd.f32 v31, v59  }
0x263: {  	v11 =	vmul.f32 v41, v40;
	v47 =	vperm.xlane v29, v4;
	v4 =	vld [tilespmem:$0x1FFF0]  }
0x264: {  	v45 =	vld [tilespmem:s26+$0x6440];
	v38 =	vperm.xlane v28, v1;
	v63 =	vperm.xlane v31, v2  }
0x265: {  	v42 =	vld [tilespmem:s26+$0x6450];
	v44 =	vunpack.i.u.bf16.f32 v55  }
0x266: {  	v43 =	vld [tilespmem:s26+$0x2450];
	v28 =	vadd.f32 v28, v38;
	v30 =	vadd.f32 v31, v63;
	v31 =	vmul.f32 v11, v44  }
0x267: {  	v23 =	vmul.f32 v23, v9  }
0x268: {  	v46 =	vmov s29;
	v60 =	vperm.xlane v28, v2;
	v51 =	vperm.xlane v31, v4;
	v4 =	vld [tilespmem:$0x1FFF0]  }
0x269: {  	v9 =	vunpack.i.u.bf16.f32 v52;
	v33 =	vunpack.i.l.bf16.f32 v52;
	v34 =	vmul.f32 v48, v45  }
0x26a: {  	v56 =	vunpack.i.u.bf16.f32 v62;
	v55 =	vunpack.i.l.bf16.f32 v13;
	v28 =	vadd.f32 v28, v60  }
0x26b: {  	v32 =	vunpack.i.l.bf16.f32 v62;
	v58 =	vmul.f32 v43, v42;
	v57 =	vld [tilespmem:s26+$0xA450];
	v34 =	vmul.f32 v34, v55  }
0x26c: {  	v39 =	vperm.xlane v49, v46;
	v61 =	vld [tilespmem:s26+$0x6460];
	v22 =	vperm.xlane v28, v3;
	v29 =	vadd.f32 v29, v47  }
0x26d: {  	v60 =	vunpack.i.u.bf16.f32 v13;
	v50 =	vperm.xlane v30, v3;
	v62 =	vperm.xlane v34, v4;
	v4 =	vld [tilespmem:$0x1FFF0]  }
0x26e: {  	v38 =	vadd.f32 v28, v22;
	v28 =	vmul.f32 v27, v33;
	v63 =	vld [tilespmem:s26+$0x2460];
	v53 =	vperm.xlane v29, v1  }
0x26f: {  	v13 =	vld [tilespmem:s26+$0xA430];
	v22 =	vmul.f32 v0, v9;
	v0 =	vadd.f32 v30, v50;
	v31 =	vadd.f32 v31, v51  }
0x270: {  	v33 =	vmul.f32 v58, v60;
	v52 =	vmul.f32 v38, v39;
	v29 =	vadd.f32 v29, v53  }
0x271: {  	s31 =	sor.u32 $0x4, s4;
	v50 =	vld [tilespmem:s26+$0x6470];
	v0 =	vmul.f32 v0, v39;
	v54 =	vperm.xlane v31, v1  }
0x272: {  	s30 =	sor.u32 s17, s31;
	v59 =	vperm.xlane v29, v2;
	v48 =	vperm.xlane v33, v4;
	v4 =	vld [tilespmem:$0x1FFF0]  }
0x273: {  	s29 =	sshll.u32 s30, $0x7;
	v38 =	vunpack.i.l.bf16.f32 v57;
	v53 =	vld [tilespmem:s26+$0x2470];
	v35 =	vmul.f32 v63, v61;
	v31 =	vadd.f32 v31, v54  }
0x274: {  	v58 =	vld [tilespmem:s29+$0x6400];
	v9 =	vadd.f32 v29, v59;
	v29 =	vmul.f32 v0, v56;
	v56 =	vunpack.i.l.bf16.f32 v13  }
0x275: {  	v60 =	vld [tilespmem:s29+$0x2400];
	v51 =	vunpack.i.u.bf16.f32 v57;
	v57 =	vmul.f32 v35, v56;
	v11 =	vperm.xlane v31, v2  }
0x276: {  	v30 =	vmul.f32 v52, v32;
	v63 =	vld [tilespmem:s29+$0xA400];
	v0 =	vadd.f32 v34, v62;
	v52 =	vperm.xlane v9, v3  }
0x277: {  	v31 =	vadd.f32 v31, v11;
	v33 =	vadd.f32 v33, v48;
	v62 =	vperm.xlane v57, v4;
	v4 =	vld [tilespmem:$0x1FFF0]  }
0x278: {  	v61 =	vunpack.i.u.bf16.f32 v13;
	v36 =	vmul.f32 v53, v50;
	v44 =	vperm.xlane v0, v1  }
0x279: {  	v32 =	vadd.f32 v9, v52;
	v54 =	vperm.xlane v31, v3;
	v55 =	vperm.xlane v33, v1  }
0x27a: {  	v13 =	vld [tilespmem:s29+$0x2410];
	v35 =	vmul.f32 v60, v58;
	v36 =	vmul.f32 v36, v61;
	v0 =	vadd.f32 v0, v44  }
0x27b: {  	v11 =	vld [tilespmem:s29+$0x6410];
	v32 =	vmul.f32 v32, v39;
	v31 =	vadd.f32 v31, v54;
	v33 =	vadd.f32 v33, v55  }
0x27c: {  	v53 =	vunpack.i.l.bf16.f32 v63;
	v59 =	vperm.xlane v0, v2;
	v50 =	vperm.xlane v36, v4;
	v4 =	vld [tilespmem:$0x1FFF0]  }
0x27d: {  	v31 =	vmul.f32 v31, v39;
	v34 =	vadd.f32 v57, v62;
	v9 =	vperm.xlane v33, v2  }
0x27e: {  	v45 =	vld [tilespmem:s26+$0xA460];
	v35 =	vmul.f32 v35, v53;
	v32 =	vmul.f32 v32, v38;
	v0 =	vadd.f32 v0, v59  }
0x27f: {  	v46 =	vld [tilespmem:s29+$0x6420];
	v31 =	vmul.f32 v31, v51;
	v51 =	vperm.xlane v34, v1;
	v33 =	vadd.f32 v33, v9  }
0x280: {  	v38 =	vmul.f32 v13, v11;
	v11 =	vld [tilespmem:s29+$0x2420];
	v48 =	vperm.xlane v0, v3  }
0x281: {  	v34 =	vadd.f32 v34, v51;
	v52 =	vperm.xlane v33, v3;
	v42 =	vperm.xlane v35, v4;
	v4 =	vld [tilespmem:$0x1FFF0]  }
0x282: {  	v56 =	vunpack.i.u.bf16.f32 v63;
	v0 =	vadd.f32 v0, v48;
	v36 =	vadd.f32 v36, v50  }
0x283: {  	v57 =	vmul.f32 v38, v56;
	v55 =	vperm.xlane v34, v2;
	v33 =	vadd.f32 v33, v52;
	v52 =	vld [tilespmem:s29+$0xA410]  }
0x284: {  	v62 =	vunpack.i.l.bf16.f32 v45;
	v0 =	vmul.f32 v0, v39;
	v54 =	vperm.xlane v36, v1  }
0x285: {  	v47 =	vld [tilespmem:s29+$0x2430];
	v37 =	vmul.f32 v11, v46;
	v58 =	vadd.f32 v34, v55;
	v35 =	vadd.f32 v35, v42  }
0x286: {  	v34 =	vmul.f32 v0, v62;
	v36 =	vadd.f32 v36, v54;
	v61 =	vperm.xlane v57, v4;
	v4 =	vld [tilespmem:$0x1FFF0]  }
0x287: {  	v59 =	vunpack.i.u.bf16.f32 v45;
	v33 =	vmul.f32 v33, v39;
	v54 =	vld [tilespmem:s29+$0x6430];
	v6 =	vperm.xlane v35, v1  }
0x288: {  	v60 =	vperm.xlane v36, v2;
	v56 =	vunpack.i.l.bf16.f32 v52;
	v9 =	vadd.f32 v57, v61  }
0x289: {  	v41 =	vld [tilespmem:s26+$0xA470];
	v63 =	vperm.xlane v58, v3;
	v37 =	vmul.f32 v37, v56;
	v13 =	vadd.f32 v35, v6  }
0x28a: {  	v33 =	vmul.f32 v33, v59;
	v59 =	vld [tilespmem:s29+$0x6440];
	v0 =	vadd.f32 v36, v60;
	v43 =	vperm.xlane v9, v1  }
0x28b: {  	v45 =	vperm.xlane v13, v2;
	v62 =	vperm.xlane v37, v4;
	v4 =	vld [tilespmem:$0x1FFF0]  }
0x28c: {  	v60 =	vmul.f32 v47, v54;
	v53 =	vperm.xlane v0, v3;
	v61 =	vld [tilespmem:s29+$0x2440];
	v36 =	vadd.f32 v9, v43  }
0x28d: {  	v38 =	vadd.f32 v58, v63;
	v42 =	vunpack.i.u.bf16.f32 v52;
	v40 =	vadd.f32 v13, v45;
	v45 =	vld [tilespmem:s29+$0xA420]  }
0x28e: {  	v50 =	vld [tilespmem:s29+$0x2450];
	v42 =	vmul.f32 v60, v42;
	v0 =	vadd.f32 v0, v53;
	v55 =	vperm.xlane v36, v2  }
0x28f: {  	v48 =	vunpack.i.l.bf16.f32 v41;
	v63 =	vld [tilespmem:s29+$0x6450];
	v38 =	vmul.f32 v38, v39  }
0x290: {  	v0 =	vmul.f32 v0, v39;
	v39 =	vadd.f32 v36, v55;
	v55 =	vperm.xlane v42, v4;
	v4 =	vld [tilespmem:$0x1FFF0]  }
0x291: {  	v41 =	vunpack.i.u.bf16.f32 v41;
	v51 =	vld [tilespmem:s29+$0x6460];
	v57 =	vmov s31;
	v43 =	vmul.f32 v61, v59  }
0x292: {  	v56 =	vld [tilespmem:s29+$0x2460];
	v46 =	vperm.xlane v49, v57;
	v58 =	vperm.xlane v40, v3;
	v57 =	vunpack.i.l.bf16.f32 v45  }
0x293: {  	v36 =	vmul.f32 v0, v41;
	v41 =	vmul.f32 v43, v57  }
0x294: {  	v35 =	vmul.f32 v38, v48;
	v38 =	vld [tilespmem:s29+$0xA440]  }
0x295: {  	v40 =	vadd.f32 v40, v58;
	v58 =	vmul.f32 v50, v63;
	v63 =	vperm.xlane v41, v4;
	v4 =	vld [tilespmem:$0x1FFF0];
	_ =	sdelay $0x1  }
0x296: {  	v53 =	vmul.f32 v56, v51;
	v9 =	vmovc v49;
	v49 =	vld [tilespmem:s29+$0xA430];
	v45 =	vunpack.i.u.bf16.f32 v45;
	v0 =	vmul.f32 v40, v46  }
0x297: {  	v59 =	vld [tilespmem:s29+$0x6470];
	v45 =	vmul.f32 v58, v45;
	v11 =	vperm.xlane v39, v3  }
0x298: {  	v13 =	vadd.f32 v37, v62;
	v61 =	vld [tilespmem:s29+$0x2470];
	v54 =	vunpack.i.l.bf16.f32 v38;
	v42 =	vadd.f32 v42, v55  }
0x299: {  	v37 =	vmul.f32 v0, v54;
	v39 =	vadd.f32 v39, v11;
	v11 =	vperm.xlane v45, v4;
	v4 =	vld [tilespmem:$0x1FFF0]  }
0x29a: {  	v0 =	vperm.xlane v13, v1;
	v60 =	vperm.xlane v42, v1  }
0x29b: {  	v55 =	vunpack.i.l.bf16.f32 v49  }
0x29c: {  	v40 =	vld [tilespmem:s29+$0xA450];
	v0 =	vadd.f32 v13, v0;
	v62 =	vadd.f32 v42, v60;
	v42 =	vmul.f32 v53, v55  }
0x29d: {  	v43 =	vmul.f32 v61, v59  }
0x29e: {  	v52 =	vperm.xlane v0, v2;
	v41 =	vadd.f32 v41, v63;
	v59 =	vperm.xlane v42, v4;
	v4 =	vld [tilespmem:$0x1FFF0]  }
0x29f: {  	v38 =	vunpack.i.u.bf16.f32 v38;
	v49 =	vunpack.i.u.bf16.f32 v49  }
0x2a0: {  	v43 =	vmul.f32 v43, v49;
	v0 =	vadd.f32 v0, v52;
	v56 =	vperm.xlane v41, v1  }
0x2a1: {  	v39 =	vmul.f32 v39, v46;
	v47 =	vunpack.i.u.bf16.f32 v40;
	v40 =	vunpack.i.l.bf16.f32 v40  }
0x2a2: {  	v13 =	vperm.xlane v62, v2;
	v58 =	vperm.xlane v0, v3;
	v41 =	vadd.f32 v41, v56  }
0x2a3: {  	s31 =	sor.u32 $0x5, s4;
	v38 =	vmul.f32 v39, v38;
	v54 =	vadd.f32 v45, v11;
	v60 =	vperm.xlane v43, v4  }
0x2a4: {  	s30 =	sor.u32 s17, s31;
	v39 =	vadd.f32 v62, v13;
	v0 =	vadd.f32 v0, v58;
	v61 =	vperm.xlane v41, v2  }
0x2a5: {  	s30 =	sshll.u32 s30, $0x7;
	v49 =	vld [tilespmem:s29+$0xA460];
	v57 =	vperm.xlane v54, v1;
	v42 =	vadd.f32 v42, v59;
	v43 =	vadd.f32 v43, v60  }
0x2a6: {  	v62 =	vld [tilespmem:s30+$0x6400];
	v63 =	vperm.xlane v39, v3;
	v0 =	vmul.f32 v0, v46;
	v41 =	vadd.f32 v41, v61  }
0x2a7: {  	v11 =	vld [tilespmem:s30+$0x2400];
	v44 =	vadd.f32 v54, v57;
	v13 =	vperm.xlane v42, v1;
	v56 =	vperm.xlane v43, v1  }
0x2a8: {  	v50 =	vadd.f32 v39, v63;
	v39 =	vmul.f32 v0, v40;
	v0 =	vperm.xlane v41, v3  }
0x2a9: {  	v6 =	vperm.xlane v44, v2;
	v42 =	vadd.f32 v42, v13;
	v43 =	vadd.f32 v43, v56  }
0x2aa: {  	v57 =	vmul.f32 v50, v46;
	v0 =	vadd.f32 v41, v0  }
0x2ab: {  	v52 =	vld [tilespmem:s30+$0xA400];
	v44 =	vadd.f32 v44, v6;
	v59 =	vperm.xlane v42, v2;
	v60 =	vperm.xlane v43, v2  }
0x2ac: {  	v53 =	vld [tilespmem:s30+$0x6410];
	v45 =	vmul.f32 v11, v62;
	v0 =	vmul.f32 v0, v46;
	v13 =	vunpack.i.l.bf16.f32 v49  }
0x2ad: {  	v63 =	vld [tilespmem:s30+$0x2410];
	v58 =	vperm.xlane v44, v3;
	v62 =	vadd.f32 v42, v59;
	v43 =	vadd.f32 v43, v60  }
0x2ae: {  	v51 =	vld [tilespmem:s29+$0xA470];
	v40 =	vmul.f32 v57, v47;
	v42 =	vmul.f32 v0, v13  }
0x2af: {  	v4 =	vld [tilespmem:$0x1FFF0];
	v44 =	vadd.f32 v44, v58;
	v57 =	vperm.xlane v62, v3;
	v0 =	vperm.xlane v43, v3  }
0x2b0: {  	v61 =	vunpack.i.l.bf16.f32 v52  }
0x2b1: {  	v55 =	vld [tilespmem:s30+$0x2420];
	v11 =	vmul.f32 v44, v46;
	v44 =	vadd.f32 v62, v57;
	v0 =	vadd.f32 v43, v0  }
0x2b2: {  	v54 =	vld [tilespmem:s30+$0x6420];
	v45 =	vmul.f32 v45, v61;
	v61 =	vmul.f32 v63, v53  }
0x2b3: {  	v47 =	vld [tilespmem:s30+$0xA410];
	v44 =	vmul.f32 v44, v46;
	v0 =	vmul.f32 v0, v46  }
0x2b4: {  	v6 =	vld [tilespmem:s30+$0x2430];
	v58 =	vperm.xlane v45, v4;
	v59 =	vunpack.i.u.bf16.f32 v51;
	v51 =	vunpack.i.l.bf16.f32 v51  }
0x2b5: {  	v49 =	vunpack.i.u.bf16.f32 v49;
	v43 =	vmul.f32 v44, v51;
	v44 =	vmul.f32 v0, v59;
	v0 =	vld [tilespmem:$0x1FFF0]  }
0x2b6: {  	v4 =	vld [tilespmem:$0x1FFF0];
	v45 =	vadd.f32 v45, v58;
	v41 =	vmul.f32 v11, v49;
	v62 =	vunpack.i.u.bf16.f32 v52  }
0x2b7: {  	v49 =	vld [tilespmem:s30+$0x6430];
	v60 =	vmul.f32 v61, v62;
	v61 =	vmul.f32 v55, v54  }
0x2b8: {  	v63 =	vperm.xlane v45, v1;
	v62 =	vunpack.i.l.bf16.f32 v47  }
0x2b9: {  	v50 =	vld [tilespmem:s30+$0xA420];
	v48 =	vmul.f32 v61, v62  }
0x2ba: {  	v45 =	vadd.f32 v45, v63;
	v63 =	vld [tilespmem:s30+$0x2440];
	v0 =	vperm.xlane v60, v0  }
0x2bb: {  	v61 =	vperm.xlane v48, v4;
	v4 =	vld [tilespmem:$0x1FFF0]  }
0x2bc: {  	v51 =	vld [tilespmem:s30+$0x6440];
	v0 =	vadd.f32 v60, v0;
	v60 =	vmul.f32 v6, v49  }
0x2bd: {  	v56 =	vld [tilespmem:s30+$0xA440];
	v47 =	vunpack.i.u.bf16.f32 v47;
	v13 =	vperm.xlane v45, v2  }
0x2be: {  	v11 =	vmov s31;
	v46 =	vmul.f32 v60, v47  }
0x2bf: {  	v52 =	vperm.xlane v9, v11;
	v11 =	vld [tilespmem:s30+$0x2450];
	v45 =	vadd.f32 v45, v13  }
0x2c0: {  	v62 =	vperm.xlane v0, v1;
	v13 =	vperm.xlane v46, v4;
	v4 =	vld [tilespmem:$0x1FFF0]  }
0x2c1: {  	v48 =	vadd.f32 v48, v61;
	v55 =	vperm.xlane v45, v3;
	v63 =	vmul.f32 v63, v51;
	v47 =	vld [tilespmem:s30+$0x6450]  }
0x2c2: {  	v57 =	vunpack.i.u.bf16.f32 v56;
	v60 =	vunpack.i.l.bf16.f32 v50;
	v0 =	vadd.f32 v0, v62  }
0x2c3: {  	v58 =	vperm.xlane v48, v1;
	v45 =	vadd.f32 v45, v55;
	v49 =	vmul.f32 v63, v60  }
0x2c4: {  	v54 =	vunpack.i.l.bf16.f32 v56;
	v61 =	vperm.xlane v0, v2;
	v46 =	vadd.f32 v46, v13  }
0x2c5: {  	v55 =	vld [tilespmem:s30+$0xA430];
	v48 =	vadd.f32 v48, v58;
	v45 =	vmul.f32 v45, v52;
	v62 =	vperm.xlane v49, v4  }
0x2c6: {  	v47 =	vmul.f32 v11, v47;
	v0 =	vadd.f32 v0, v61;
	v63 =	vperm.xlane v46, v1;
	v4 =	vld [tilespmem:$0x1FFF0]  }
0x2c7: {  	v53 =	vld [tilespmem:s30+$0x6460];
	v6 =	vperm.xlane v48, v2;
	v50 =	vunpack.i.u.bf16.f32 v50;
	v49 =	vadd.f32 v49, v62  }
0x2c8: {  	v47 =	vmul.f32 v47, v50;
	v50 =	vld [tilespmem:s30+$0x2460];
	v56 =	vperm.xlane v0, v3;
	v46 =	vadd.f32 v46, v63  }
0x2c9: {  	v45 =	vmul.f32 v45, v54;
	v11 =	vperm.xlane v49, v1  }
0x2ca: {  	v48 =	vadd.f32 v48, v6;
	v0 =	vadd.f32 v0, v56;
	v13 =	vperm.xlane v46, v2  }
0x2cb: {  	v59 =	vunpack.i.l.bf16.f32 v55;
	v60 =	vperm.xlane v47, v4;
	v49 =	vadd.f32 v49, v11  }
0x2cc: {  	v61 =	vperm.xlane v48, v3;
	v0 =	vmul.f32 v0, v52;
	v62 =	vadd.f32 v46, v13;
	v4 =	vld [tilespmem:$0x1FFF0]  }
0x2cd: {  	s1 =	sor.u32 $0x6, s4;
	v56 =	vld [tilespmem:s30+$0xA450];
	v50 =	vmul.f32 v50, v53;
	v47 =	vadd.f32 v47, v60;
	v63 =	vperm.xlane v49, v2  }
0x2ce: {  	s31 =	sor.u32 s17, s1;
	v54 =	vld [tilespmem:s30+$0x2470];
	v48 =	vadd.f32 v48, v61;
	v6 =	vperm.xlane v62, v3;
	v46 =	vmul.f32 v0, v57  }
0x2cf: {  	s31 =	sshll.u32 s31, $0x7;
	v58 =	vperm.xlane v47, v1;
	v0 =	vadd.f32 v49, v63;
	v49 =	vmul.f32 v50, v59;
	v50 =	vld [tilespmem:s30+$0x6470]  }
0x2d0: {  	v55 =	vunpack.i.u.bf16.f32 v55;
	v61 =	vld [tilespmem:s31+$0x2400];
	v48 =	vmul.f32 v48, v52  }
0x2d1: {  	v51 =	vadd.f32 v62, v6;
	v53 =	vadd.f32 v47, v58;
	v58 =	vld [tilespmem:s31+$0x6400];
	v11 =	vperm.xlane v49, v4  }
0x2d2: {  	v57 =	vld [tilespmem:s31+$0xA400];
	v13 =	vunpack.i.u.bf16.f32 v56;
	v56 =	vunpack.i.l.bf16.f32 v56;
	v47 =	vperm.xlane v0, v3  }
0x2d3: {  	v51 =	vmul.f32 v51, v52;
	v4 =	vld [tilespmem:$0x1FFF0];
	v60 =	vperm.xlane v53, v2;
	v49 =	vadd.f32 v49, v11  }
0x2d4: {  	v48 =	vmul.f32 v48, v56;
	v0 =	vadd.f32 v0, v47;
	v50 =	vmul.f32 v54, v50  }
0x2d5: {  	v47 =	vmul.f32 v51, v13;
	v53 =	vadd.f32 v53, v60;
	v6 =	vperm.xlane v49, v1  }
0x2d6: {  	v51 =	vld [tilespmem:s30+$0xA460];
	v13 =	vmul.f32 v61, v58;
	v55 =	vmul.f32 v50, v55  }
0x2d7: {  	v54 =	vld [tilespmem:s31+$0x6410];
	v11 =	vperm.xlane v53, v3;
	v49 =	vadd.f32 v49, v6;
	v6 =	vunpack.i.l.bf16.f32 v57  }
0x2d8: {  	v56 =	vmul.f32 v13, v6;
	v13 =	vperm.xlane v55, v4;
	v4 =	vld [tilespmem:$0x1FFF0]  }
0x2d9: {  	v58 =	vld [tilespmem:s31+$0x2410]  }
0x2da: {  	v53 =	vadd.f32 v53, v11  }
0x2db: {  	v0 =	vmul.f32 v0, v52  }
0x2dc: {  	v62 =	vld [tilespmem:s31+$0x2420];
	v50 =	vunpack.i.l.bf16.f32 v51;
	v60 =	vperm.xlane v49, v2;
	v11 =	vmul.f32 v53, v52  }
0x2dd: {  	v59 =	vunpack.i.u.bf16.f32 v51;
	v50 =	vmul.f32 v0, v50;
	v6 =	vperm.xlane v56, v4;
	v4 =	vld [tilespmem:$0x1FFF0]  }
0x2de: {  	v61 =	vld [tilespmem:s31+$0x6420];
	v0 =	vadd.f32 v49, v60;
	v49 =	vmul.f32 v11, v59;
	v11 =	vmul.f32 v58, v54  }
0x2df: {  	v63 =	vld [tilespmem:s31+$0xA410];
	v57 =	vunpack.i.u.bf16.f32 v57  }
0x2e0: {  	v51 =	vadd.f32 v55, v13;
	v54 =	vld [tilespmem:s31+$0x6430];
	v13 =	vperm.xlane v0, v3;
	v53 =	vmul.f32 v11, v57  }
0x2e1: {  	v58 =	vld [tilespmem:s31+$0x2430];
	v56 =	vadd.f32 v56, v6  }
0x2e2: {  	v6 =	vperm.xlane v51, v1;
	v0 =	vadd.f32 v0, v13;
	v13 =	vperm.xlane v53, v4;
	v4 =	vld [tilespmem:$0x1FFF0]  }
0x2e3: {  	v57 =	vld [tilespmem:s30+$0xA470];
	v11 =	vmul.f32 v62, v61;
	v55 =	vperm.xlane v56, v1  }
0x2e4: {  	v59 =	vadd.f32 v51, v6;
	v6 =	vunpack.i.l.bf16.f32 v63  }
0x2e5: {  	v55 =	vadd.f32 v56, v55;
	v56 =	vmul.f32 v11, v6  }
0x2e6: {  	v0 =	vmul.f32 v0, v52;
	v51 =	vmul.f32 v58, v54  }
0x2e7: {  	v60 =	vperm.xlane v59, v2;
	v61 =	vperm.xlane v56, v4;
	v4 =	vld [tilespmem:$0x1FFF0]  }
0x2e8: {  	v11 =	vunpack.i.u.bf16.f32 v63;
	v53 =	vadd.f32 v53, v13;
	v13 =	vunpack.i.l.bf16.f32 v57  }
0x2e9: {  	v58 =	vmul.f32 v51, v11;
	v51 =	vmul.f32 v0, v13;
	v0 =	vadd.f32 v59, v60  }
0x2ea: {  	v54 =	vperm.xlane v55, v2  }
0x2eb: {  	v59 =	vperm.xlane v0, v3  }
0x2ec: {  	v55 =	vadd.f32 v55, v54;
	v54 =	vperm.xlane v58, v4  }
0x2ed: {  	v0 =	vadd.f32 v0, v59  }
0x2ee: {  	v58 =	vadd.f32 v58, v54  }
0x2ef: {  	v11 =	vmov s1;
	v0 =	vmul.f32 v0, v52  }
0x2f0: {  	v54 =	vperm.xlane v9, v11;
	v11 =	vperm.xlane v58, v1  }
0x2f1: {  	v57 =	vunpack.i.u.bf16.f32 v57  }
0x2f2: {  	v6 =	vperm.xlane v53, v1;
	v58 =	vadd.f32 v58, v11;
	v11 =	vmul.f32 v0, v57;
	v0 =	vld [tilespmem:$0x1FF20];
	_ =	sdelay $0x1  }
0x2f3: {  	v53 =	vadd.f32 v53, v6;
	_ =	sdelay $0x1  }
0x2f4: {  	v60 =	vld [tilespmem:s31+$0x2440];
	v4 =	vperm.xlane v53, v2  }
0x2f5: {  	[tilespmem:s11+$0x2400] =	vst v0;
	v0 =	vld [tilespmem:$0x1FF30]  }
0x2f6: {  	v13 =	vperm.xlane v55, v3;
	v59 =	vld [tilespmem:s31+$0x6440];
	v4 =	vadd.f32 v53, v4  }
0x2f7: {  	v63 =	vld [tilespmem:s31+$0xA420]  }
0x2f8: {  	v55 =	vadd.f32 v55, v13;
	v13 =	vperm.xlane v4, v3  }
0x2f9: {  	v62 =	vld [tilespmem:s31+$0xA440]  }
0x2fa: {  	v4 =	vadd.f32 v4, v13;
	v13 =	vperm.xlane v58, v2;
	[tilespmem:s11+$0x2410] =	vst v0;
	v0 =	vld [tilespmem:$0x1FFF0]  }
0x2fb: {  	v59 =	vmul.f32 v60, v59  }
0x2fc: {  	v5 =	vld [tilespmem:s31+$0x6450];
	v52 =	vadd.f32 v58, v13;
	v58 =	vunpack.i.l.bf16.f32 v63  }
0x2fd: {  	v60 =	vld [tilespmem:s31+$0x2460];
	v4 =	vmul.f32 v4, v54;
	v58 =	vmul.f32 v59, v58  }
0x2fe: {  	s1 =	sor.u32 $0x7, s4;
	v56 =	vadd.f32 v56, v61;
	v55 =	vmul.f32 v55, v54;
	v57 =	vld [tilespmem:s31+$0x2450];
	v13 =	vunpack.i.u.bf16.f32 v62  }
0x2ff: {  	s4 =	sor.u32 s17, s1;
	v6 =	vunpack.i.l.bf16.f32 v62;
	v27 =	vmul.f32 v4, v13;
	v13 =	vperm.xlane v58, v0;
	v0 =	vld [tilespmem:$0x1FF40]  }
0x300: {  	s4 =	sshll.u32 s4, $0x7;
	v61 =	vperm.xlane v56, v1;
	v53 =	vmul.f32 v55, v6;
	v55 =	vld [tilespmem:s31+$0x6460]  }
0x301: {  	[tilespmem:s26+$0x2460] =	vst v35;
	v35 =	vld [tilespmem:s4+$0xA450]  }
0x302: {  	v56 =	vadd.f32 v56, v61;
	v4 =	vld [tilespmem:s31+$0xA450];
	v59 =	vperm.xlane v52, v3  }
0x303: {  	[tilespmem:s11+$0x2420] =	vst v8;
	v6 =	vld [tilespmem:s31+$0xA430]  }
0x304: {  	v61 =	vperm.xlane v56, v2;
	v8 =	vadd.f32 v52, v59;
	[tilespmem:s11+$0x2430] =	vst v0;
	v0 =	vld [tilespmem:$0x1FFF0]  }
0x305: {  	v5 =	vmul.f32 v57, v5;
	v52 =	vmul.f32 v60, v55;
	v60 =	vld [tilespmem:s4+$0x6400];
	v58 =	vadd.f32 v58, v13  }
0x306: {  	v56 =	vadd.f32 v56, v61;
	v57 =	vunpack.i.u.bf16.f32 v63;
	v59 =	vld [tilespmem:s4+$0x2400];
	v8 =	vmul.f32 v8, v54  }
0x307: {  	[tilespmem:s11+$0x2450] =	vst v10;
	v62 =	vld [tilespmem:s31+$0x6470];
	v57 =	vmul.f32 v5, v57;
	v5 =	vunpack.i.u.bf16.f32 v4;
	v10 =	vperm.xlane v58, v1  }
0x308: {  	v61 =	vperm.xlane v56, v3;
	v63 =	vld [tilespmem:s4+$0xA400];
	v5 =	vmul.f32 v8, v5  }
0x309: {  	[tilespmem:s11+$0x2460] =	vst v12;
	v13 =	vunpack.i.l.bf16.f32 v6;
	v8 =	vadd.f32 v58, v10;
	v12 =	vperm.xlane v57, v0;
	v0 =	vld [tilespmem:$0x1FFF0]  }
0x30a: {  	v56 =	vadd.f32 v56, v61;
	v55 =	vld [tilespmem:s31+$0x2470];
	v52 =	vmul.f32 v52, v13  }
0x30b: {  	v13 =	vld [tilespmem:$0x1FF50];
	v58 =	vmul.f32 v59, v60;
	v59 =	vperm.xlane v8, v2  }
0x30c: {  	[tilespmem:s11+$0x2440] =	vst v7;
	v56 =	vmul.f32 v56, v54;
	v10 =	vld [tilespmem:s4+$0x2410]  }
0x30d: {  	[tilespmem:s24+$0x2400] =	vst v14;
	v4 =	vunpack.i.l.bf16.f32 v4;
	v8 =	vadd.f32 v8, v59;
	v59 =	vld [tilespmem:$0x1FFF0]  }
0x30e: {  	[tilespmem:s24+$0x2420] =	vst v16;
	v4 =	vmul.f32 v56, v4;
	v7 =	vperm.xlane v52, v0;
	v0 =	vld [tilespmem:s4+$0x6410]  }
0x30f: {  	[tilespmem:s24+$0x2440] =	vst v17;
	v56 =	vmul.f32 v55, v62;
	v62 =	vunpack.i.l.bf16.f32 v63;
	v12 =	vadd.f32 v57, v12;
	v57 =	vld [tilespmem:$0x1FF60]  }
0x310: {  	v6 =	vunpack.i.u.bf16.f32 v6;
	[tilespmem:s11+$0x2470] =	vst v13;
	v13 =	vmul.f32 v58, v62;
	v62 =	vld [tilespmem:$0x1FFF0]  }
0x311: {  	[tilespmem:s24+$0x2450] =	vst v15;
	v6 =	vmul.f32 v56, v6;
	v60 =	vperm.xlane v12, v1  }
0x312: {  	v14 =	vld [tilespmem:s31+$0xA460];
	[tilespmem:s29+$0x2470] =	vst v44;
	v44 =	vunpack.i.l.bf16.f32 v35  }
0x313: {  	[tilespmem:s25+$0x2410] =	vst v18;
	v18 =	vld [tilespmem:s4+$0xA440];
	v12 =	vadd.f32 v12, v60;
	v0 =	vmul.f32 v10, v0;
	v10 =	vperm.xlane v6, v59  }
0x314: {  	v60 =	vunpack.i.u.bf16.f32 v63;
	v63 =	vperm.xlane v8, v3;
	v7 =	vadd.f32 v52, v7;
	[tilespmem:s24+$0x2410] =	vst v57;
	v57 =	vld [tilespmem:$0x1FF70]  }
0x315: {  	[tilespmem:s25+$0x2400] =	vst v21;
	v56 =	vld [tilespmem:$0x1FFF0];
	v15 =	vperm.xlane v13, v62;
	v16 =	vperm.xlane v12, v2;
	v6 =	vadd.f32 v6, v10  }
0x316: {  	[tilespmem:s25+$0x2420] =	vst v24;
	v21 =	vld [tilespmem:s4+$0xA410];
	v61 =	vmov s1;
	v8 =	vadd.f32 v8, v63;
	v58 =	vperm.xlane v7, v1  }
0x317: {  	[tilespmem:s26+$0x2400] =	vst v30;
	v24 =	vld [tilespmem:s4+$0xA420];
	v13 =	vadd.f32 v13, v15;
	v12 =	vadd.f32 v12, v16;
	v55 =	vperm.xlane v6, v1  }
0x318: {  	[tilespmem:s26+$0x2420] =	vst v32;
	v30 =	vld [tilespmem:s4+$0x6440];
	v8 =	vmul.f32 v8, v54;
	v7 =	vadd.f32 v7, v58;
	v0 =	vmul.f32 v0, v60  }
0x319: {  	v32 =	vld [tilespmem:s4+$0x2440];
	[tilespmem:s24+$0x2430] =	vst v57;
	v57 =	vperm.xlane v13, v1;
	v58 =	vperm.xlane v12, v3;
	v6 =	vadd.f32 v6, v55  }
0x31a: {  	[tilespmem:s25+$0x2450] =	vst v25;
	v25 =	vld [tilespmem:s4+$0x6450];
	v60 =	vunpack.i.l.bf16.f32 v14;
	v52 =	vperm.xlane v7, v2;
	v17 =	vperm.xlane v0, v56  }
0x31b: {  	[tilespmem:s25+$0x2440] =	vst v26;
	v26 =	vld [tilespmem:s4+$0x6460];
	v13 =	vadd.f32 v13, v57;
	v10 =	vadd.f32 v12, v58;
	v62 =	vperm.xlane v6, v2  }
0x31c: {  	v16 =	vld [tilespmem:s31+$0xA470];
	v15 =	vmul.f32 v8, v60;
	v7 =	vadd.f32 v7, v52;
	v0 =	vadd.f32 v0, v17  }
0x31d: {  	[tilespmem:s24+$0x2460] =	vst v19;
	v56 =	vld [tilespmem:s4+$0x2420];
	v52 =	vperm.xlane v13, v2;
	v57 =	vmul.f32 v10, v54;
	v6 =	vadd.f32 v6, v62  }
0x31e: {  	[tilespmem:s24+$0x2470] =	vst v20;
	v60 =	vunpack.i.u.bf16.f32 v14;
	v55 =	vld [tilespmem:s4+$0x6420];
	v59 =	vperm.xlane v7, v3;
	v63 =	vperm.xlane v0, v1  }
0x31f: {  	[tilespmem:s25+$0x2430] =	vst v23;
	v58 =	vadd.f32 v13, v52;
	v13 =	vmul.f32 v57, v60;
	v57 =	vld [tilespmem:$0x1FFF0];
	v62 =	vperm.xlane v6, v3  }
0x320: {  	[tilespmem:s25+$0x2460] =	vst v28;
	v8 =	vperm.xlane v9, v61;
	v14 =	vmul.f32 v32, v30;
	v60 =	vld [tilespmem:s4+$0x2470];
	v7 =	vadd.f32 v7, v59  }
0x321: {  	[tilespmem:s25+$0x2470] =	vst v22;
	v28 =	vunpack.i.l.bf16.f32 v16;
	v59 =	vld [tilespmem:s4+$0x6430];
	v0 =	vadd.f32 v0, v63;
	v6 =	vadd.f32 v6, v62  }
0x322: {  	[tilespmem:s26+$0x2410] =	vst v29;
	v16 =	vunpack.i.u.bf16.f32 v16;
	v63 =	vld [tilespmem:s4+$0x2430];
	v29 =	vperm.xlane v58, v3;
	v7 =	vmul.f32 v7, v54  }
0x323: {  	[tilespmem:s26+$0x2430] =	vst v31;
	v52 =	vunpack.i.l.bf16.f32 v21;
	v20 =	vperm.xlane v0, v2;
	v6 =	vmul.f32 v6, v54;
	v54 =	vld [tilespmem:s4+$0x2450]  }
0x324: {  	[tilespmem:s26+$0x2440] =	vst v34;
	v21 =	vunpack.i.u.bf16.f32 v21;
	v17 =	vmul.f32 v56, v55;
	v56 =	vld [tilespmem:s4+$0xA430];
	v10 =	vadd.f32 v58, v29  }
0x325: {  	[tilespmem:s26+$0x2450] =	vst v33;
	v55 =	vunpack.i.l.bf16.f32 v18;
	v58 =	vld [tilespmem:s4+$0x2460];
	v7 =	vmul.f32 v7, v28;
	v0 =	vadd.f32 v0, v20  }
0x326: {  	[tilespmem:s26+$0x2470] =	vst v36;
	v18 =	vunpack.i.u.bf16.f32 v18;
	v17 =	vmul.f32 v17, v52;
	v10 =	vmul.f32 v10, v8;
	v62 =	vld [tilespmem:$0x1FFF0]  }
0x327: {  	[tilespmem:s29+$0x2400] =	vst v37;
	v12 =	vmul.f32 v63, v59;
	v59 =	vld [tilespmem:s4+$0x6470];
	v63 =	vunpack.i.u.bf16.f32 v24;
	v20 =	vperm.xlane v0, v3  }
0x328: {  	[tilespmem:s30+$0x2450] =	vst v49;
	v49 =	vld [tilespmem:s4+$0xA460];
	v10 =	vmul.f32 v10, v55;
	v23 =	vmul.f32 v54, v25;
	v25 =	vunpack.i.l.bf16.f32 v24  }
0x329: {  	[tilespmem:s29+$0x2410] =	vst v38;
	v12 =	vmul.f32 v12, v21;
	v0 =	vadd.f32 v0, v20;
	v14 =	vmul.f32 v14, v25;
	v25 =	vld [tilespmem:$0x1FFF0]  }
0x32a: {  	[tilespmem:s29+$0x2420] =	vst v39;
	v29 =	vunpack.i.l.bf16.f32 v56;
	v6 =	vmul.f32 v6, v16;
	v16 =	vperm.xlane v17, v57  }
0x32b: {  	[tilespmem:s29+$0x2430] =	vst v40;
	v9 =	vmul.f32 v58, v26;
	v20 =	vunpack.i.u.bf16.f32 v56;
	v0 =	vmul.f32 v0, v8  }
0x32c: {  	[tilespmem:s29+$0x2440] =	vst v42;
	v21 =	vperm.xlane v12, v62;
	v16 =	vadd.f32 v17, v16;
	v17 =	vmul.f32 v60, v59  }
0x32d: {  	[tilespmem:s29+$0x2450] =	vst v41;
	v57 =	vunpack.i.u.bf16.f32 v35;
	v0 =	vmul.f32 v0, v18;
	v19 =	vmul.f32 v23, v63  }
0x32e: {  	[tilespmem:s29+$0x2460] =	vst v43;
	v60 =	vunpack.i.l.bf16.f32 v49;
	v18 =	vmul.f32 v9, v29;
	v30 =	vperm.xlane v14, v25  }
0x32f: {  	[tilespmem:s30+$0x2400] =	vst v45;
	v12 =	vadd.f32 v12, v21;
	v17 =	vmul.f32 v17, v20;
	v31 =	vperm.xlane v19, v25  }
0x330: {  	[tilespmem:s30+$0x2410] =	vst v46;
	v61 =	vperm.xlane v16, v1;
	v33 =	vperm.xlane v18, v25;
	v14 =	vadd.f32 v14, v30  }
0x331: {  	[tilespmem:s30+$0x2420] =	vst v48;
	v32 =	vperm.xlane v12, v1;
	v34 =	vperm.xlane v17, v25;
	v19 =	vadd.f32 v19, v31  }
0x332: {  	[tilespmem:s30+$0x2430] =	vst v47;
	v16 =	vadd.f32 v16, v61;
	v18 =	vadd.f32 v18, v33;
	v36 =	vperm.xlane v14, v1  }
0x333: {  	[tilespmem:s30+$0x2440] =	vst v50;
	v12 =	vadd.f32 v12, v32;
	v17 =	vadd.f32 v17, v34;
	v38 =	vperm.xlane v19, v1  }
0x334: {  	[tilespmem:s30+$0x2460] =	vst v51;
	v28 =	vperm.xlane v16, v2;
	v39 =	vperm.xlane v18, v1;
	v14 =	vadd.f32 v14, v36  }
0x335: {  	[tilespmem:s30+$0x2470] =	vst v11;
	v24 =	vperm.xlane v12, v2;
	v42 =	vperm.xlane v17, v1;
	v41 =	vadd.f32 v19, v38  }
0x336: {  	[tilespmem:s31+$0x2400] =	vst v53;
	v16 =	vadd.f32 v16, v28;
	v18 =	vadd.f32 v18, v39;
	v43 =	vperm.xlane v14, v2  }
0x337: {  	[tilespmem:s31+$0x2410] =	vst v27;
	v12 =	vadd.f32 v12, v24;
	v17 =	vadd.f32 v17, v42;
	v45 =	vperm.xlane v41, v2  }
0x338: {  	[tilespmem:s31+$0x2420] =	vst v4;
	v37 =	vperm.xlane v16, v3;
	v46 =	vperm.xlane v18, v2;
	v14 =	vadd.f32 v14, v43  }
0x339: {  	[tilespmem:s31+$0x2430] =	vst v5;
	v4 =	vperm.xlane v12, v3;
	v48 =	vperm.xlane v17, v2;
	v47 =	vadd.f32 v41, v45  }
0x33a: {  	[tilespmem:s31+$0x2440] =	vst v15;
	v40 =	vadd.f32 v16, v37;
	v50 =	vadd.f32 v18, v46;
	v51 =	vperm.xlane v14, v3  }
0x33b: {  	[tilespmem:s31+$0x2450] =	vst v13;
	v4 =	vadd.f32 v12, v4;
	v52 =	vadd.f32 v17, v48;
	v53 =	vperm.xlane v47, v3  }
0x33c: {  	[tilespmem:s31+$0x2460] =	vst v7;
	v55 =	vld [tilespmem:s4+$0xA470];
	v5 =	vmul.f32 v40, v8;
	v56 =	vperm.xlane v50, v3;
	v54 =	vadd.f32 v14, v51  }
0x33d: {  	[tilespmem:s4+$0x2400] =	vst v10;
	v4 =	vmul.f32 v4, v8;
	v58 =	vperm.xlane v52, v3;
	v11 =	vadd.f32 v47, v53  }
0x33e: {  	[tilespmem:s31+$0x2470] =	vst v6;
	v5 =	vmul.f32 v5, v44;
	v59 =	vadd.f32 v50, v56;
	v7 =	vmul.f32 v54, v8  }
0x33f: {  	[tilespmem:s4+$0x2410] =	vst v0;
	v4 =	vmul.f32 v4, v57;
	v0 =	vadd.f32 v52, v58;
	v61 =	vmul.f32 v11, v8  }
0x340: {  	p2 =	por p1, p1;
	v62 =	vunpack.i.u.bf16.f32 v49;
	[tilespmem:s4+$0x2420] =	vst v5;
	v6 =	vmul.f32 v59, v8;
	v5 =	vmul.f32 v7, v60  }
.Ltmp2:
0x341: {  	v63 =	vunpack.i.l.bf16.f32 v55;
	[tilespmem:s4+$0x2430] =	vst v4;
	v0 =	vmul.f32 v0, v8;
	v4 =	vmul.f32 v61, v62;
	(pc) =	sbr.rel @p2 .LBB2_8-.Ltmp2, $4  }
0x342: {  	v6 =	vmul.f32 v6, v63;
	[tilespmem:s4+$0x2440] =	vst v5;
	v5 =	vunpack.i.u.bf16.f32 v55  }
0x343: {  	[tilespmem:s4+$0x2450] =	vst v4;
	v0 =	vmul.f32 v0, v5  }
0x344: {  	[tilespmem:s4+$0x2460] =	vst v6  }
0x345: {  	p1 =	por $0x0, $0x0;
	[tilespmem:s4+$0x2470] =	vst v0;
	s4 =	simm.s32 $0x8  }
0x346: {  	s18 =	sadd.s32 $0x1, s18  }
0x347: {  	p1 =	sne.s32 s18, $0x4  }
.Ltmp3:
0x348: {  	_ = 	snop;
	(pc) =	sbr.rel @p1 .LBB2_7-.Ltmp3, $1  }
0x349: {  	_ =	sdelay $0x3  }
0x34a: {  	[spmem:s3] =	stream.indirect.scatter.add.f32 [tilespmem:s21], [sflag:$0x8], $0x80, s20, s23, $0xb8;
	[tilespmem:$0x1FC80] =	vst v63  }
0x34b: {  	s16 =	sadd.s32 $0x1, s16  }
0x34c: {  	_ =	swait.ge [sflag:s14], $0x2000;
	p1 =	sne.s32 s16, s8  }
.Ltmp4:
0x34d: {  	[sflag:s14] =	ssyncset.done $0x0;
	(pc) =	sbr.rel @p1 .LBB2_2-.Ltmp4, $4  }
0x34e: {  	[sflag:s14] =	ssyncadd.s32 $0xFFFFE000  }
0x34f: {  	_ =	swait.ge [sflag:s15], $0x2000  }
0x350: {  	[sflag:s15] =	ssyncset.done $0x0  }
0x351: {  	[sflag:s15] =	ssyncadd.s32 $0xFFFFE000  }
0x352: {  	[bflag:$0x0] =	sbarrier.arrive $0xFFFF  }
0x353: {  	s17 =	rddreg [dreg:$0x7]  }
0x354: {  	s1 =	rddreg [dreg:$0xa]  }
0x355: {  	s24 =	simm.s32 $0x9;
	s18 =	rddreg [dreg:$0xc]  }
0x356: {  	[hbm:s1], [sflag:s17] =	dma.local [spmem:s18], $0x2700  }
0x357: {  	_ =	swait.ge [sflag:s24], $0x2700  }
0x358: {  	[sflag:s24] =	ssyncset.done $0x0;
	s1 =	rddreg [dreg:$0x9]  }
0x359: {  	s11 =	rddreg [dreg:$0xd];
	[sflag:s24] =	ssyncadd.s32 $0xFFFFD900  }
0x35a: {  	[hbm:s1], [sflag:s17] =	dma.local @!p0 [spmem:s11], $0x100  }
0x35b: {  	s1 =	simm.s32 @!p0 $0x9  }
0x35c: {  	_ =	swait.ge @!p0 [sflag:s1], $0x100  }
0x35d: {  	s16 =	rddreg [dreg:$0x5]  }
0x35e: {  	s4 =	rddreg [dreg:$0xb];
	s16 =	sadd.s32 $0x1, s16  }
0x35f: {  	p1 =	sne.s32 s16, s4  }
.Ltmp5:
0x360: {  	_ = 	snop;
	(pc) =	sbr.rel @p1 .LBB2_1-.Ltmp5, $3  }
0x361: {  	_ =	sdelay $0x1  }
0x362: {  	[sflag:s1] =	ssyncset.done @!p0 $0x0  }
0x363: {  	[sflag:s1] =	ssyncadd.s32 @!p0 $0xFFFFFF00  }
0x364: {  	_ =	sfence.sel $0x180000  }
0x365: {  	[bflag:$0x0] =	sbarrier.arrive $0xFFFF  }
0x366: {  	_ =	strace $0x90000047  }
0x367: {  	[bflag:$0x2] =	sbarrier.arrive $0xFFFF  }
0x368: {  	s0 =	rddreg [dreg:$0x4]  }
0x369: {  	s0 =	sadd.s32 @!p0 $0x100000, s0  }
0x36a: {  	[sflag:s0] =	ssyncadd.tile.s32 @!p0 $0x1;
	_ =	shalt  }
.Lfunc_end2:
_tile_overlayer_lowered:
.L_overlay_start_2:
0x36b: {  	(tag) =	ssettag $0x2  }
0x36c: {  	s0 =	rddreg [dreg:$0x0];
	s2 =	stileid.u32  }
0x36d: {  	s1 =	rddreg [dreg:$0x1];
	p0 =	sne.s32 s2, $0x0  }
0x36e: {  	s3 =	rddreg [dreg:$0x2];
	[bflag:$0x3] =	sbarrier.arrive $0xFFFF;
	s2 =	simm.s32 @!p0 $0x1C09  }
0x36f: {  	[timem:s3], [sflag:s2] =	dma.local @!p0 [hbm:s0], s1  }
0x370: {  	s0 =	simm.s32 @!p0 $0x9  }
0x371: {  	_ =	swait.ge @!p0 [sflag:s0], s1  }
0x372: {  	s1 =	ssub.s32 @!p0 $0x0, s1;
	[sflag:s0] =	ssyncset.done @!p0 $0x0  }
0x373: {  	[sflag:s0] =	ssyncadd.s32 @!p0 s1  }
0x374: {  	[bflag:$0x3] =	sbarrier.arrive $0xFFFF  }
0x375: {  	_ =	shalt  }

</sc_bundles>
